<compile_context>
chip_gen: v7x
topology: tpu7x:2x2x1
jax: 0.10.2.dev20260603
libtpu: 0.0.44.dev20260713+nightly
codegen_flags: <defaults>
</compile_context>

<pallas_src>
import functools

import jax
import jax.numpy as jnp
from jax import lax
from jax.experimental import pallas as pl
from jax.experimental.pallas import tpu as pltpu
from jax.experimental.pallas import tpu_sc as plsc

N = 10000
G = 64
F_IN = 256
H = 256
OUT3 = 32

NC = 2
NS = 16
GROUP = 64
NBUF = 4
DNBUF = 4
E_PAD = 163840
NGRP = E_PAD // GROUP
GPT = NGRP // NS
GPW = NGRP // (NC * NS)
HGRP = GPT // 4
NROWS = 10112
RPT = NROWS // NS

BN = 400
NBLK = N // BN


def _deg_body(dst_hbm, ones_hbm, zeros_hbm, out_hbm, dstv, onesv,
              acc, s0, s1, s2, s3):
    c = lax.axis_index("c")
    s = lax.axis_index("s")
    w = c * NS + s
    sems = [s0, s1, s2, s3]
    r0 = pl.multiple_of(s * RPT, 8)
    pltpu.sync_copy(dst_hbm.at[pl.ds(w * GPW, GPW)], dstv)
    pltpu.sync_copy(ones_hbm, onesv)
    pltpu.sync_copy(zeros_hbm, acc.at[pl.ds(r0, RPT)])
    plsc.subcore_barrier()

    def step(j, carry):
        for b in range(DNBUF):
            g = j * DNBUF + b

            @pl.when(j > 0)
            def _():
                pltpu.make_async_copy(
                    onesv, acc.at[dstv.at[g - DNBUF]], sems[b]).wait()

            pltpu.async_copy(onesv, acc.at[dstv.at[g]], sems[b], add=True)
        return carry

    lax.fori_loop(0, GPW // DNBUF, step, 0)
    for b in range(DNBUF):
        g = GPW - DNBUF + b
        pltpu.make_async_copy(onesv, acc.at[dstv.at[g]], sems[b]).wait()
    plsc.subcore_barrier()
    pltpu.sync_copy(acc.at[pl.ds(r0, RPT)], out_hbm.at[c, pl.ds(r0, RPT)])


@functools.cache
def _deg_call():
    return pl.kernel(
        _deg_body,
        out_type=jax.ShapeDtypeStruct((NC, NROWS, 128), jnp.float32),
        mesh=plsc.VectorSubcoreMesh(core_axis_name="c", subcore_axis_name="s"),
        scratch_types=[
            pltpu.VMEM((GPW, GROUP), jnp.int32),
            pltpu.VMEM((GROUP, 128), jnp.float32),
            pltpu.VMEM_SHARED((NROWS, 128), jnp.float32),
        ] + [pltpu.SemaphoreType.DMA] * DNBUF,
    )


def _make_agg_body(d, edge_split=False):
    gpt = GPW if edge_split else GPT
    nh = gpt // HGRP

    def body(y_hbm, idx_hbm, zeros_hbm, out_hbm, ibv, *bufs):
        rbs_ = list(bufs[:NBUF])
        acc = bufs[NBUF]
        gsems_ = list(bufs[NBUF + 1:NBUF + 1 + NBUF])
        ssems_ = list(bufs[NBUF + 1 + NBUF:])
        c = lax.axis_index("c")
        s = lax.axis_index("s")
        rbs = rbs_[:NBUF]
        gsems = gsems_[:NBUF]
        ssems = ssems_[:NBUF]
        r0 = pl.multiple_of(s * RPT, 8)
        if edge_split:
            wbase = (c * NS + s) * gpt
        else:
            wbase = c * NGRP + s * gpt
        pltpu.sync_copy(zeros_hbm, acc.at[pl.ds(r0, RPT)])
        plsc.subcore_barrier()

        for h in range(nh):
            hb = wbase + h * HGRP
            pltpu.sync_copy(idx_hbm.at[pl.ds(hb, HGRP)], ibv)

            def step(j, carry):
                for b in range(NBUF):
                    g = j * NBUF + b

                    @pl.when(j > 0)
                    def _():
                        pltpu.make_async_copy(
                            rbs[b], acc.at[ibv.at[g - NBUF, 1]],
                            ssems[b]).wait()

                    pltpu.async_copy(y_hbm.at[ibv.at[g, 0]], rbs[b],
                                     gsems[b])
                for b in range(NBUF):
                    g = j * NBUF + b
                    pltpu.make_async_copy(
                        y_hbm.at[ibv.at[g, 0]], rbs[b], gsems[b]).wait()
                    pltpu.async_copy(rbs[b], acc.at[ibv.at[g, 1]], ssems[b],
                                     add=True)
                return carry

            lax.fori_loop(0, HGRP // NBUF, step, 0)
            for b in range(NBUF):
                g = HGRP - NBUF + b
                pltpu.make_async_copy(
                    rbs[b], acc.at[ibv.at[g, 1]], ssems[b]).wait()
        plsc.subcore_barrier()
        pltpu.sync_copy(acc.at[pl.ds(r0, RPT)], out_hbm.at[c, pl.ds(r0, RPT)])

    return body


@functools.cache
def _make_agg_call(d, edge_split=False):
    return pl.kernel(
        _make_agg_body(d, edge_split),
        out_type=jax.ShapeDtypeStruct((NC, NROWS, d), jnp.float32),
        mesh=plsc.VectorSubcoreMesh(core_axis_name="c", subcore_axis_name="s"),
        scratch_types=[
            pltpu.VMEM((HGRP, 2, GROUP), jnp.int32),
        ] + [pltpu.VMEM((GROUP, d), jnp.float32)] * NBUF + [
            pltpu.VMEM_SHARED((NROWS, d), jnp.float32),
        ] + [pltpu.SemaphoreType.DMA] * (2 * NBUF),
    )


def _agg256_call():
    return _make_agg_call(128)


def _agg_es_call():
    return _make_agg_call(128, True)



def _dinv_of(deg_blk):
    deg = deg_blk[0, :, 0:1] + deg_blk[1, :, 0:1] + 1.0
    return lax.rsqrt(deg)


def _tc1_body(x_ref, deg_ref, w_ref, y_ref):
    dinv = _dinv_of(deg_ref[...])
    xw = jnp.dot(x_ref[...], w_ref[...], preferred_element_type=jnp.float32)
    y_ref[...] = xw * dinv


def _tc_mid_body(a_ref, y_ref, deg_ref, b_ref, w_ref, o_ref):
    dinv = _dinv_of(deg_ref[...])
    a_full = jnp.concatenate([a_ref[0], a_ref[1]], axis=1) + y_ref[...]
    h = jnp.maximum(a_full * dinv + b_ref[...], 0.0)
    o_ref[...] = jnp.dot(h, w_ref[...],
                         preferred_element_type=jnp.float32) * dinv


def _tc4_body(a_ref, y_ref, deg_ref, b3_ref, batch_ref,
              wf1_ref, bf1_ref, wf2_ref, bf2_ref, o_ref, s_acc, c_acc):
    j = pl.program_id(0)
    dinv = _dinv_of(deg_ref[...])
    z = (a_ref[0] + a_ref[1] + y_ref[...]) * dinv
    h = jnp.maximum(z[:, :OUT3] + b3_ref[...], 0.0)
    bvec = batch_ref[0]
    seg = lax.broadcasted_iota(jnp.int32, (G, BN), 0)
    mask = (seg == bvec).astype(jnp.float32)
    ps = jnp.dot(mask, h, preferred_element_type=jnp.float32)
    pc = jnp.broadcast_to(jnp.sum(mask, axis=1, keepdims=True), (G, 128))

    @pl.when(j == 0)
    def _():
        s_acc[...] = ps
        c_acc[...] = pc

    @pl.when(j > 0)
    def _():
        s_acc[...] += ps
        c_acc[...] += pc

    @pl.when(j == NBLK - 1)
    def _():
        pooled = s_acc[...] / jnp.maximum(c_acc[...][:, 0:1], 1.0)
        z = jnp.dot(pooled, wf1_ref[...],
                    preferred_element_type=jnp.float32) + bf1_ref[...]
        z = jnp.maximum(z, 0.0)
        z = jnp.dot(z, wf2_ref[...],
                    preferred_element_type=jnp.float32) + bf2_ref[...]
        o_ref[...] = 1.0 / (1.0 + jnp.exp(-z))


def _tc1_call(x, deg2, w1):
    return pl.pallas_call(
        _tc1_body,
        grid=(NBLK,),
        in_specs=[
            pl.BlockSpec((BN, F_IN), lambda j: (j, 0)),
            pl.BlockSpec((NC, BN, 128), lambda j: (0, j, 0)),
            pl.BlockSpec((F_IN, H), lambda j: (0, 0)),
        ],
        out_specs=pl.BlockSpec((BN, H), lambda j: (j, 0)),
        out_shape=jax.ShapeDtypeStruct((N, H), jnp.float32),
    )(x, deg2, w1)


def _tc_mid_call(agg, y, deg2, b, w):
    dout = w.shape[1]
    return pl.pallas_call(
        _tc_mid_body,
        grid=(NBLK,),
        in_specs=[
            pl.BlockSpec((NC, BN, 128), lambda j: (0, j, 0)),
            pl.BlockSpec((BN, H), lambda j: (j, 0)),
            pl.BlockSpec((NC, BN, 128), lambda j: (0, j, 0)),
            pl.BlockSpec((1, H), lambda j: (0, 0)),
            pl.BlockSpec((H, dout), lambda j: (0, 0)),
        ],
        out_specs=pl.BlockSpec((BN, dout), lambda j: (j, 0)),
        out_shape=jax.ShapeDtypeStruct((N, dout), jnp.float32),
    )(agg, y, deg2, b, w)


def _tc4_call(agg3, y3, deg2, b3, batch3, wf1, bf1, wf2, bf2):
    return pl.pallas_call(
        _tc4_body,
        grid=(NBLK,),
        in_specs=[
            pl.BlockSpec((NC, BN, 128), lambda j: (0, j, 0)),
            pl.BlockSpec((BN, 128), lambda j: (j, 0)),
            pl.BlockSpec((NC, BN, 128), lambda j: (0, j, 0)),
            pl.BlockSpec((1, OUT3), lambda j: (0, 0)),
            pl.BlockSpec((1, 1, BN), lambda j: (j, 0, 0)),
            pl.BlockSpec((OUT3, 16), lambda j: (0, 0)),
            pl.BlockSpec((1, 16), lambda j: (0, 0)),
            pl.BlockSpec((16, 1), lambda j: (0, 0)),
            pl.BlockSpec((1, 1), lambda j: (0, 0)),
        ],
        out_specs=pl.BlockSpec((G, 1), lambda j: (0, 0)),
        out_shape=jax.ShapeDtypeStruct((G, 1), jnp.float32),
        scratch_shapes=[
            pltpu.VMEM((G, OUT3), jnp.float32),
            pltpu.VMEM((G, 128), jnp.float32),
        ],
    )(agg3, y3, deg2, b3, batch3, wf1, bf1, wf2, bf2)



def kernel(x, edge_index, batch, W1, b1, W2, b2, W3, b3, Wf1, bf1, Wf2, bf2):
    src = edge_index[0]
    dst = edge_index[1]
    e = src.shape[0]
    pad = E_PAD - e
    src_p = jnp.concatenate([src, jnp.zeros((pad,), jnp.int32)])
    dst_p = jnp.concatenate([dst, jnp.full((pad,), N, jnp.int32)])
    src_g = src_p.reshape(NGRP, GROUP)
    dst_g = dst_p.reshape(NGRP, GROUP)
    idx_es = jnp.stack([src_g, dst_g], axis=1)
    idx256 = jnp.concatenate(
        [jnp.stack([src_g * 2, dst_g], axis=1),
         jnp.stack([src_g * 2 + 1, dst_g], axis=1)], axis=0)
    ones_col = (lax.broadcasted_iota(jnp.int32, (GROUP, 128), 1) == 0
                ).astype(jnp.float32)
    zeros128 = jnp.zeros((RPT, 128), jnp.float32)
    batch3 = batch.reshape(NBLK, 1, BN)

    deg2 = _deg_call()(dst_g, ones_col, zeros128)
    y1 = _tc1_call(x, deg2, W1)
    agg1 = _agg256_call()(y1.reshape(2 * N, 128), idx256, zeros128)
    y2 = _tc_mid_call(agg1, y1, deg2, b1.reshape(1, H), W2)
    agg2 = _agg256_call()(y2.reshape(2 * N, 128), idx256, zeros128)
    w3p = jnp.pad(W3, ((0, 0), (0, 128 - OUT3)))
    y3 = _tc_mid_call(agg2, y2, deg2, b2.reshape(1, H), w3p)
    agg3 = _agg_es_call()(y3, idx_es, zeros128)
    return _tc4_call(agg3, y3, deg2, b3.reshape(1, OUT3), batch3,
                     Wf1, bf1.reshape(1, 16), Wf2, bf2.reshape(1, 1))

# --- scband reference (transcript-rebuilt; emitter-appended) ---
"""Pipeline reference for scband-shot-graph-net-17136919511346 (READ-ONLY COPY).

The authoritative reference and input builder live on the scoring server;
editing this copy changes nothing except your own understanding.
"""

import jax, jax.numpy as jnp
import numpy as np

N = 10000
E = 160000
F_IN = 256
H = 256
OUT3 = 32
G = 64


def setup_inputs(seed: int = 0) -> dict:
    key = jax.random.key(seed)
    ks = jax.random.split(key, 14)
    x = jax.random.normal(ks[0], (N, F_IN), dtype=jnp.float32)
    edge_index = jax.random.randint(ks[1], (2, E), 0, N, dtype=jnp.int32)
    batch = jnp.sort(jax.random.randint(ks[2], (N,), 0, G, dtype=jnp.int32))
    def glorot(k, fan_in, fan_out):
        s = np.sqrt(6.0 / (fan_in + fan_out))
        return jax.random.uniform(k, (fan_in, fan_out), dtype=jnp.float32, minval=-s, maxval=s)
    W1 = glorot(ks[3], F_IN, H)
    b1 = jnp.zeros((H,), dtype=jnp.float32)
    W2 = glorot(ks[4], H, H)
    b2 = jnp.zeros((H,), dtype=jnp.float32)
    W3 = glorot(ks[5], H, OUT3)
    b3 = jnp.zeros((OUT3,), dtype=jnp.float32)
    Wf1 = glorot(ks[6], OUT3, 16)
    bf1 = jnp.zeros((16,), dtype=jnp.float32)
    Wf2 = glorot(ks[7], 16, 1)
    bf2 = jnp.zeros((1,), dtype=jnp.float32)
    return {"x": x, "edge_index": edge_index, "batch": batch,
            "W1": W1, "b1": b1, "W2": W2, "b2": b2, "W3": W3, "b3": b3,
            "Wf1": Wf1, "bf1": bf1, "Wf2": Wf2, "bf2": bf2}


def _gcn_conv(x, W, b, src, dst, n):
    # GCNConv with symmetric normalization and self-loops (already appended to src/dst)
    xw = x @ W
    deg = jnp.zeros((n,), dtype=x.dtype).at[dst].add(1.0)
    dinv = jax.lax.rsqrt(deg)  # deg >= 1 because of self-loops
    norm = dinv[src] * dinv[dst]
    msg = xw[src] * norm[:, None]
    out = jnp.zeros((n, W.shape[1]), dtype=x.dtype).at[dst].add(msg)
    return out + b


def reference(x, edge_index, batch, W1, b1, W2, b2, W3, b3, Wf1, bf1, Wf2, bf2):
    n = x.shape[0]
    loop = jnp.arange(n, dtype=edge_index.dtype)
    src = jnp.concatenate([edge_index[0], loop])
    dst = jnp.concatenate([edge_index[1], loop])
    h = jax.nn.relu(_gcn_conv(x, W1, b1, src, dst, n))
    # dropout is identity in eval mode
    h = jax.nn.relu(_gcn_conv(h, W2, b2, src, dst, n))
    h = jax.nn.relu(_gcn_conv(h, W3, b3, src, dst, n))
    # global_mean_pool over graph assignment `batch`
    sums = jax.ops.segment_sum(h, batch, num_segments=G)
    counts = jax.ops.segment_sum(jnp.ones((n, 1), dtype=h.dtype), batch, num_segments=G)
    pooled = sums / jnp.maximum(counts, 1.0)
    z = jax.nn.relu(pooled @ Wf1 + bf1)
    z = z @ Wf2 + bf2
    return jax.nn.sigmoid(z)

if __name__ == "__main__":
    import jax
    _d = setup_inputs()
    print(jax.jit(kernel)(*tuple(_d.values())))

</pallas_src>

<mosaic_0001>
#map = affine_map<(d0, d1) -> (0, 0)>
#map1 = affine_map<(d0, d1) -> (0, 0, 0)>
module attributes {stable_mosaic.version = 14 : i64} {
  func.func @body(%arg0: i32, %arg1: i32, %arg2: memref<20000x128xf32, #tpu.memory_space<hbm>>, %arg3: memref<5120x2x64xi32, #tpu.memory_space<hbm>>, %arg4: memref<632x128xf32, #tpu.memory_space<hbm>>, %arg5: memref<2x10112x128xf32, #tpu.memory_space<hbm>>, %arg6: memref<40x2x64xi32, #tpu.memory_space<vmem>>, %arg7: memref<64x128xf32, #tpu.memory_space<vmem>>, %arg8: memref<64x128xf32, #tpu.memory_space<vmem>>, %arg9: memref<64x128xf32, #tpu.memory_space<vmem>>, %arg10: memref<64x128xf32, #tpu.memory_space<vmem>>, %arg11: memref<10112x128xf32, #tpu.memory_space<vmem_shared>>, %arg12: memref<!tpu.dma_semaphore, #tpu.memory_space<semaphore_mem>>, %arg13: memref<!tpu.dma_semaphore, #tpu.memory_space<semaphore_mem>>, %arg14: memref<!tpu.dma_semaphore, #tpu.memory_space<semaphore_mem>>, %arg15: memref<!tpu.dma_semaphore, #tpu.memory_space<semaphore_mem>>, %arg16: memref<!tpu.dma_semaphore, #tpu.memory_space<semaphore_mem>>, %arg17: memref<!tpu.dma_semaphore, #tpu.memory_space<semaphore_mem>>, %arg18: memref<!tpu.dma_semaphore, #tpu.memory_space<semaphore_mem>>, %arg19: memref<!tpu.dma_semaphore, #tpu.memory_space<semaphore_mem>>) attributes {dimension_semantics = [#tpu.dimension_semantics<core_parallel>, #tpu.dimension_semantics<subcore_parallel>], iteration_bounds = array<i64: 2, 16>, scalar_prefetch = 0 : i64, scratch_operands = 14 : i64, tpu.core_type = #tpu.core_type<sc_vector_subcore>, window_params = [{transform_indices = #map}, {transform_indices = #map1}, {transform_indices = #map}, {transform_indices = #map1}]} {
    %mul3A = arith.constant 632 : i32
    %mul3A_0 = arith.muli %arg1, %mul3A : i32
    %multiple_of3A = tpu.assume_multiple %mul3A_0, 8 : i32
    %mul3A_1 = arith.constant 2560 : i32
    %mul3A_2 = arith.muli %arg0, %mul3A_1 : i32
    %mul3A_3 = arith.constant 160 : i32
    %mul3A_4 = arith.muli %arg1, %mul3A_3 : i32
    %add3A = arith.addi %mul3A_2, %mul3A_4 : i32
    "tpu.region"() ({
      %run_scoped3A = tpu.sem_alloc : memref<!tpu.dma_semaphore, #tpu.memory_space<semaphore_mem>>
      %dma_start3A = arith.constant 0 : i32
      %dma_start3A_164 = tpu.memref_slice %arg11[%multiple_of3A, %dma_start3A] : memref<10112x128xf32, #tpu.memory_space<vmem_shared>> -> memref<632x128xf32, #tpu.memory_space<vmem_shared>>
      tpu.enqueue_dma source(%arg4 : memref<632x128xf32, #tpu.memory_space<hbm>>) target(%dma_start3A_164 : memref<632x128xf32, #tpu.memory_space<vmem_shared>>) target_semaphore(%run_scoped3A : memref<!tpu.dma_semaphore, #tpu.memory_space<semaphore_mem>>)
      %dma_wait3A_165 = arith.constant 0 : i32
      %dma_wait3A_166 = tpu.memref_slice %arg11[%multiple_of3A, %dma_wait3A_165] : memref<10112x128xf32, #tpu.memory_space<vmem_shared>> -> memref<632x128xf32, #tpu.memory_space<vmem_shared>>
      tpu.wait_dma2 semaphore(%run_scoped3A : memref<!tpu.dma_semaphore, #tpu.memory_space<semaphore_mem>>) src(%arg4 : memref<632x128xf32, #tpu.memory_space<hbm>>) dst(%dma_wait3A_166 : memref<632x128xf32, #tpu.memory_space<vmem_shared>>)
      tpu.yield
    }) : () -> ()
    %barrier3A = arith.constant 0 : index
    tpu.barrier barrier_id(%barrier3A)
    %add3A_5 = arith.constant 0 : i32
    %add3A_6 = arith.addi %add3A, %add3A_5 : i32
    "tpu.region"() ({
      %run_scoped3A = tpu.sem_alloc : memref<!tpu.dma_semaphore, #tpu.memory_space<semaphore_mem>>
      %dma_start3A = arith.constant 0 : i32
      %dma_start3A_164 = arith.constant 0 : i32
      %dma_start3A_165 = tpu.memref_slice %arg3[%add3A_6, %dma_start3A, %dma_start3A_164] : memref<5120x2x64xi32, #tpu.memory_space<hbm>> -> memref<40x2x64xi32, #tpu.memory_space<hbm>>
      %dma_start3A_166 = arith.constant 0 : i32
      %dma_start3A_167 = arith.constant 0 : i32
      %dma_start3A_168 = tpu.memref_slice %arg3[%add3A_6, %dma_start3A_166, %dma_start3A_167] : memref<5120x2x64xi32, #tpu.memory_space<hbm>> -> memref<40x2x64xi32, #tpu.memory_space<hbm>>
      tpu.enqueue_dma source(%dma_start3A_168 : memref<40x2x64xi32, #tpu.memory_space<hbm>>) target(%arg6 : memref<40x2x64xi32, #tpu.memory_space<vmem>>) target_semaphore(%run_scoped3A : memref<!tpu.dma_semaphore, #tpu.memory_space<semaphore_mem>>)
      %dma_wait3A_169 = arith.constant 0 : i32
      %dma_wait3A_170 = arith.constant 0 : i32
      %dma_wait3A_171 = tpu.memref_slice %arg3[%add3A_6, %dma_wait3A_169, %dma_wait3A_170] : memref<5120x2x64xi32, #tpu.memory_space<hbm>> -> memref<40x2x64xi32, #tpu.memory_space<hbm>>
      %dma_wait3A_172 = arith.constant 0 : i32
      %dma_wait3A_173 = arith.constant 0 : i32
      %dma_wait3A_174 = tpu.memref_slice %arg3[%add3A_6, %dma_wait3A_172, %dma_wait3A_173] : memref<5120x2x64xi32, #tpu.memory_space<hbm>> -> memref<40x2x64xi32, #tpu.memory_space<hbm>>
      tpu.wait_dma2 semaphore(%run_scoped3A : memref<!tpu.dma_semaphore, #tpu.memory_space<semaphore_mem>>) src(%dma_wait3A_174 : memref<40x2x64xi32, #tpu.memory_space<hbm>>) dst(%arg6 : memref<40x2x64xi32, #tpu.memory_space<vmem>>)
      tpu.yield
    }) : () -> ()
    %scan3A = arith.constant 0 : i32
    %scan3A_7 = arith.constant 0 : i32
    %scan3A_8 = arith.constant 10 : i32
    %scan3A_9 = arith.addi %scan3A_7, %scan3A_8 : i32
    %scan3A_10 = arith.constant 1 : i32
    scf.for %scan3A_164 = %scan3A_7 to %scan3A_9 step %scan3A_10  : i32 {
      %mul3A_165 = arith.constant 4 : i32
      %mul3A_166 = arith.muli %scan3A_164, %mul3A_165 : i32
      %add3A_167 = arith.constant 0 : i32
      %add3A_168 = arith.addi %mul3A_166, %add3A_167 : i32
      %gt3A = arith.constant 0 : i32
      %gt3A_169 = arith.cmpi sgt, %scan3A_164, %gt3A : i32
      %convert_element_type3A = arith.extui %gt3A_169 : i1 to i32
      %cond3A = arith.constant 0 : i32
      %cond3A_170 = arith.cmpi ne, %convert_element_type3A, %cond3A : i32
      scf.if %cond3A_170 {
        %sub3A = arith.constant 4 : i32
        %sub3A_297 = arith.subi %add3A_168, %sub3A : i32
        %dma_wait3A_298 = arith.constant 1 : i32
        %dma_wait3A_299 = arith.constant 0 : i32
        %dma_wait3A_300 = tpu.memref_slice %arg6[%sub3A_297, %dma_wait3A_298, %dma_wait3A_299] : memref<40x2x64xi32, #tpu.memory_space<vmem>> -> memref<1x1x64xi32, #tpu.memory_space<vmem>>
        %dma_wait3A_301 = tpu.memref_squeeze %dma_wait3A_300 : memref<1x1x64xi32, #tpu.memory_space<vmem>> -> memref<64xi32, #tpu.memory_space<vmem>>
        %dma_wait3A_302 = arith.constant 0 : i32
        %dma_wait3A_303 = arith.constant 0 : i32
        %dma_wait3A_304 = tpu.memref_slice %arg11[%dma_wait3A_302, %dma_wait3A_303] : memref<10112x128xf32, #tpu.memory_space<vmem_shared>> -> memref<10112x128xf32, #tpu.memory_space<vmem_shared>>
        tpu.wait_indirect_dma semaphore(%arg16 : memref<!tpu.dma_semaphore, #tpu.memory_space<semaphore_mem>>) src(%arg7 : memref<64x128xf32, #tpu.memory_space<vmem>>) dst(%dma_wait3A_304 : memref<10112x128xf32, #tpu.memory_space<vmem_shared>>)
      } else {
      }
      %dma_start3A = arith.constant 0 : i32
      %dma_start3A_171 = arith.constant 0 : i32
      %dma_start3A_172 = tpu.memref_slice %arg6[%add3A_168, %dma_start3A, %dma_start3A_171] : memref<40x2x64xi32, #tpu.memory_space<vmem>> -> memref<1x1x64xi32, #tpu.memory_space<vmem>>
      %dma_start3A_173 = tpu.memref_squeeze %dma_start3A_172 : memref<1x1x64xi32, #tpu.memory_space<vmem>> -> memref<64xi32, #tpu.memory_space<vmem>>
      %dma_start3A_174 = arith.constant 0 : i32
      %dma_start3A_175 = arith.constant 0 : i32
      %dma_start3A_176 = tpu.memref_slice %arg2[%dma_start3A_174, %dma_start3A_175] : memref<20000x128xf32, #tpu.memory_space<hbm>> -> memref<20000x128xf32, #tpu.memory_space<hbm>>
      tpu.enqueue_indirect_dma source(%dma_start3A_176 : memref<20000x128xf32, #tpu.memory_space<hbm>>) target(%arg7 : memref<64x128xf32, #tpu.memory_space<vmem>>) offsets(%dma_start3A_173 : memref<64xi32, #tpu.memory_space<vmem>>) semaphore(%arg12 : memref<!tpu.dma_semaphore, #tpu.memory_space<semaphore_mem>>)
      %mul3A_177 = arith.constant 4 : i32
      %mul3A_178 = arith.muli %scan3A_164, %mul3A_177 : i32
      %add3A_179 = arith.constant 1 : i32
      %add3A_180 = arith.addi %mul3A_178, %add3A_179 : i32
      %gt3A_181 = arith.constant 0 : i32
      %gt3A_182 = arith.cmpi sgt, %scan3A_164, %gt3A_181 : i32
      %convert_element_type3A_183 = arith.extui %gt3A_182 : i1 to i32
      %cond3A_184 = arith.constant 0 : i32
      %cond3A_185 = arith.cmpi ne, %convert_element_type3A_183, %cond3A_184 : i32
      scf.if %cond3A_185 {
        %sub3A = arith.constant 4 : i32
        %sub3A_297 = arith.subi %add3A_180, %sub3A : i32
        %dma_wait3A_298 = arith.constant 1 : i32
        %dma_wait3A_299 = arith.constant 0 : i32
        %dma_wait3A_300 = tpu.memref_slice %arg6[%sub3A_297, %dma_wait3A_298, %dma_wait3A_299] : memref<40x2x64xi32, #tpu.memory_space<vmem>> -> memref<1x1x64xi32, #tpu.memory_space<vmem>>
        %dma_wait3A_301 = tpu.memref_squeeze %dma_wait3A_300 : memref<1x1x64xi32, #tpu.memory_space<vmem>> -> memref<64xi32, #tpu.memory_space<vmem>>
        %dma_wait3A_302 = arith.constant 0 : i32
        %dma_wait3A_303 = arith.constant 0 : i32
        %dma_wait3A_304 = tpu.memref_slice %arg11[%dma_wait3A_302, %dma_wait3A_303] : memref<10112x128xf32, #tpu.memory_space<vmem_shared>> -> memref<10112x128xf32, #tpu.memory_space<vmem_shared>>
        tpu.wait_indirect_dma semaphore(%arg17 : memref<!tpu.dma_semaphore, #tpu.memory_space<semaphore_mem>>) src(%arg8 : memref<64x128xf32, #tpu.memory_space<vmem>>) dst(%dma_wait3A_304 : memref<10112x128xf32, #tpu.memory_space<vmem_shared>>)
      } else {
      }
      %dma_start3A_186 = arith.constant 0 : i32
      %dma_start3A_187 = arith.constant 0 : i32
      %dma_start3A_188 = tpu.memref_slice %arg6[%add3A_180, %dma_start3A_186, %dma_start3A_187] : memref<40x2x64xi32, #tpu.memory_space<vmem>> -> memref<1x1x64xi32, #tpu.memory_space<vmem>>
      %dma_start3A_189 = tpu.memref_squeeze %dma_start3A_188 : memref<1x1x64xi32, #tpu.memory_space<vmem>> -> memref<64xi32, #tpu.memory_space<vmem>>
      %dma_start3A_190 = arith.constant 0 : i32
      %dma_start3A_191 = arith.constant 0 : i32
      %dma_start3A_192 = tpu.memref_slice %arg2[%dma_start3A_190, %dma_start3A_191] : memref<20000x128xf32, #tpu.memory_space<hbm>> -> memref<20000x128xf32, #tpu.memory_space<hbm>>
      tpu.enqueue_indirect_dma source(%dma_start3A_192 : memref<20000x128xf32, #tpu.memory_space<hbm>>) target(%arg8 : memref<64x128xf32, #tpu.memory_space<vmem>>) offsets(%dma_start3A_189 : memref<64xi32, #tpu.memory_space<vmem>>) semaphore(%arg13 : memref<!tpu.dma_semaphore, #tpu.memory_space<semaphore_mem>>)
      %mul3A_193 = arith.constant 4 : i32
      %mul3A_194 = arith.muli %scan3A_164, %mul3A_193 : i32
      %add3A_195 = arith.constant 2 : i32
      %add3A_196 = arith.addi %mul3A_194, %add3A_195 : i32
      %gt3A_197 = arith.constant 0 : i32
      %gt3A_198 = arith.cmpi sgt, %scan3A_164, %gt3A_197 : i32
      %convert_element_type3A_199 = arith.extui %gt3A_198 : i1 to i32
      %cond3A_200 = arith.constant 0 : i32
      %cond3A_201 = arith.cmpi ne, %convert_element_type3A_199, %cond3A_200 : i32
      scf.if %cond3A_201 {
        %sub3A = arith.constant 4 : i32
        %sub3A_297 = arith.subi %add3A_196, %sub3A : i32
        %dma_wait3A_298 = arith.constant 1 : i32
        %dma_wait3A_299 = arith.constant 0 : i32
        %dma_wait3A_300 = tpu.memref_slice %arg6[%sub3A_297, %dma_wait3A_298, %dma_wait3A_299] : memref<40x2x64xi32, #tpu.memory_space<vmem>> -> memref<1x1x64xi32, #tpu.memory_space<vmem>>
        %dma_wait3A_301 = tpu.memref_squeeze %dma_wait3A_300 : memref<1x1x64xi32, #tpu.memory_space<vmem>> -> memref<64xi32, #tpu.memory_space<vmem>>
        %dma_wait3A_302 = arith.constant 0 : i32
        %dma_wait3A_303 = arith.constant 0 : i32
        %dma_wait3A_304 = tpu.memref_slice %arg11[%dma_wait3A_302, %dma_wait3A_303] : memref<10112x128xf32, #tpu.memory_space<vmem_shared>> -> memref<10112x128xf32, #tpu.memory_space<vmem_shared>>
        tpu.wait_indirect_dma semaphore(%arg18 : memref<!tpu.dma_semaphore, #tpu.memory_space<semaphore_mem>>) src(%arg9 : memref<64x128xf32, #tpu.memory_space<vmem>>) dst(%dma_wait3A_304 : memref<10112x128xf32, #tpu.memory_space<vmem_shared>>)
      } else {
      }
      %dma_start3A_202 = arith.constant 0 : i32
      %dma_start3A_203 = arith.constant 0 : i32
      %dma_start3A_204 = tpu.memref_slice %arg6[%add3A_196, %dma_start3A_202, %dma_start3A_203] : memref<40x2x64xi32, #tpu.memory_space<vmem>> -> memref<1x1x64xi32, #tpu.memory_space<vmem>>
      %dma_start3A_205 = tpu.memref_squeeze %dma_start3A_204 : memref<1x1x64xi32, #tpu.memory_space<vmem>> -> memref<64xi32, #tpu.memory_space<vmem>>
      %dma_start3A_206 = arith.constant 0 : i32
      %dma_start3A_207 = arith.constant 0 : i32
      %dma_start3A_208 = tpu.memref_slice %arg2[%dma_start3A_206, %dma_start3A_207] : memref<20000x128xf32, #tpu.memory_space<hbm>> -> memref<20000x128xf32, #tpu.memory_space<hbm>>
      tpu.enqueue_indirect_dma source(%dma_start3A_208 : memref<20000x128xf32, #tpu.memory_space<hbm>>) target(%arg9 : memref<64x128xf32, #tpu.memory_space<vmem>>) offsets(%dma_start3A_205 : memref<64xi32, #tpu.memory_space<vmem>>) semaphore(%arg14 : memref<!tpu.dma_semaphore, #tpu.memory_space<semaphore_mem>>)
      %mul3A_209 = arith.constant 4 : i32
      %mul3A_210 = arith.muli %scan3A_164, %mul3A_209 : i32
      %add3A_211 = arith.constant 3 : i32
      %add3A_212 = arith.addi %mul3A_210, %add3A_211 : i32
      %gt3A_213 = arith.constant 0 : i32
      %gt3A_214 = arith.cmpi sgt, %scan3A_164, %gt3A_213 : i32
      %convert_element_type3A_215 = arith.extui %gt3A_214 : i1 to i32
      %cond3A_216 = arith.constant 0 : i32
      %cond3A_217 = arith.cmpi ne, %convert_element_type3A_215, %cond3A_216 : i32
      scf.if %cond3A_217 {
        %sub3A = arith.constant 4 : i32
        %sub3A_297 = arith.subi %add3A_212, %sub3A : i32
        %dma_wait3A_298 = arith.constant 1 : i32
        %dma_wait3A_299 = arith.constant 0 : i32
        %dma_wait3A_300 = tpu.memref_slice %arg6[%sub3A_297, %dma_wait3A_298, %dma_wait3A_299] : memref<40x2x64xi32, #tpu.memory_space<vmem>> -> memref<1x1x64xi32, #tpu.memory_space<vmem>>
        %dma_wait3A_301 = tpu.memref_squeeze %dma_wait3A_300 : memref<1x1x64xi32, #tpu.memory_space<vmem>> -> memref<64xi32, #tpu.memory_space<vmem>>
        %dma_wait3A_302 = arith.constant 0 : i32
        %dma_wait3A_303 = arith.constant 0 : i32
        %dma_wait3A_304 = tpu.memref_slice %arg11[%dma_wait3A_302, %dma_wait3A_303] : memref<10112x128xf32, #tpu.memory_space<vmem_shared>> -> memref<10112x128xf32, #tpu.memory_space<vmem_shared>>
        tpu.wait_indirect_dma semaphore(%arg19 : memref<!tpu.dma_semaphore, #tpu.memory_space<semaphore_mem>>) src(%arg10 : memref<64x128xf32, #tpu.memory_space<vmem>>) dst(%dma_wait3A_304 : memref<10112x128xf32, #tpu.memory_space<vmem_shared>>)
      } else {
      }
      %dma_start3A_218 = arith.constant 0 : i32
      %dma_start3A_219 = arith.constant 0 : i32
      %dma_start3A_220 = tpu.memref_slice %arg6[%add3A_212, %dma_start3A_218, %dma_start3A_219] : memref<40x2x64xi32, #tpu.memory_space<vmem>> -> memref<1x1x64xi32, #tpu.memory_space<vmem>>
      %dma_start3A_221 = tpu.memref_squeeze %dma_start3A_220 : memref<1x1x64xi32, #tpu.memory_space<vmem>> -> memref<64xi32, #tpu.memory_space<vmem>>
      %dma_start3A_222 = arith.constant 0 : i32
      %dma_start3A_223 = arith.constant 0 : i32
      %dma_start3A_224 = tpu.memref_slice %arg2[%dma_start3A_222, %dma_start3A_223] : memref<20000x128xf32, #tpu.memory_space<hbm>> -> memref<20000x128xf32, #tpu.memory_space<hbm>>
      tpu.enqueue_indirect_dma source(%dma_start3A_224 : memref<20000x128xf32, #tpu.memory_space<hbm>>) target(%arg10 : memref<64x128xf32, #tpu.memory_space<vmem>>) offsets(%dma_start3A_221 : memref<64xi32, #tpu.memory_space<vmem>>) semaphore(%arg15 : memref<!tpu.dma_semaphore, #tpu.memory_space<semaphore_mem>>)
      %mul3A_225 = arith.constant 4 : i32
      %mul3A_226 = arith.muli %scan3A_164, %mul3A_225 : i32
      %add3A_227 = arith.constant 0 : i32
      %add3A_228 = arith.addi %mul3A_226, %add3A_227 : i32
      %dma_wait3A_229 = arith.constant 0 : i32
      %dma_wait3A_230 = arith.constant 0 : i32
      %dma_wait3A_231 = tpu.memref_slice %arg6[%add3A_228, %dma_wait3A_229, %dma_wait3A_230] : memref<40x2x64xi32, #tpu.memory_space<vmem>> -> memref<1x1x64xi32, #tpu.memory_space<vmem>>
      %dma_wait3A_232 = tpu.memref_squeeze %dma_wait3A_231 : memref<1x1x64xi32, #tpu.memory_space<vmem>> -> memref<64xi32, #tpu.memory_space<vmem>>
      %dma_wait3A_233 = arith.constant 0 : i32
      %dma_wait3A_234 = arith.constant 0 : i32
      %dma_wait3A_235 = tpu.memref_slice %arg2[%dma_wait3A_233, %dma_wait3A_234] : memref<20000x128xf32, #tpu.memory_space<hbm>> -> memref<20000x128xf32, #tpu.memory_space<hbm>>
      tpu.wait_indirect_dma semaphore(%arg12 : memref<!tpu.dma_semaphore, #tpu.memory_space<semaphore_mem>>) src(%dma_wait3A_235 : memref<20000x128xf32, #tpu.memory_space<hbm>>) dst(%arg7 : memref<64x128xf32, #tpu.memory_space<vmem>>)
      %dma_start3A_236 = arith.constant 1 : i32
      %dma_start3A_237 = arith.constant 0 : i32
      %dma_start3A_238 = tpu.memref_slice %arg6[%add3A_228, %dma_start3A_236, %dma_start3A_237] : memref<40x2x64xi32, #tpu.memory_space<vmem>> -> memref<1x1x64xi32, #tpu.memory_space<vmem>>
      %dma_start3A_239 = tpu.memref_squeeze %dma_start3A_238 : memref<1x1x64xi32, #tpu.memory_space<vmem>> -> memref<64xi32, #tpu.memory_space<vmem>>
      %dma_start3A_240 = arith.constant 0 : i32
      %dma_start3A_241 = arith.constant 0 : i32
      %dma_start3A_242 = tpu.memref_slice %arg11[%dma_start3A_240, %dma_start3A_241] : memref<10112x128xf32, #tpu.memory_space<vmem_shared>> -> memref<10112x128xf32, #tpu.memory_space<vmem_shared>>
      tpu.enqueue_indirect_dma source(%arg7 : memref<64x128xf32, #tpu.memory_space<vmem>>) target(%dma_start3A_242 : memref<10112x128xf32, #tpu.memory_space<vmem_shared>>) offsets(%dma_start3A_239 : memref<64xi32, #tpu.memory_space<vmem>>) semaphore(%arg16 : memref<!tpu.dma_semaphore, #tpu.memory_space<semaphore_mem>>) {add = true}
      %mul3A_243 = arith.constant 4 : i32
      %mul3A_244 = arith.muli %scan3A_164, %mul3A_243 : i32
      %add3A_245 = arith.constant 1 : i32
      %add3A_246 = arith.addi %mul3A_244, %add3A_245 : i32
      %dma_wait3A_247 = arith.constant 0 : i32
      %dma_wait3A_248 = arith.constant 0 : i32
      %dma_wait3A_249 = tpu.memref_slice %arg6[%add3A_246, %dma_wait3A_247, %dma_wait3A_248] : memref<40x2x64xi32, #tpu.memory_space<vmem>> -> memref<1x1x64xi32, #tpu.memory_space<vmem>>
      %dma_wait3A_250 = tpu.memref_squeeze %dma_wait3A_249 : memref<1x1x64xi32, #tpu.memory_space<vmem>> -> memref<64xi32, #tpu.memory_space<vmem>>
      %dma_wait3A_251 = arith.constant 0 : i32
      %dma_wait3A_252 = arith.constant 0 : i32
      %dma_wait3A_253 = tpu.memref_slice %arg2[%dma_wait3A_251, %dma_wait3A_252] : memref<20000x128xf32, #tpu.memory_space<hbm>> -> memref<20000x128xf32, #tpu.memory_space<hbm>>
      tpu.wait_indirect_dma semaphore(%arg13 : memref<!tpu.dma_semaphore, #tpu.memory_space<semaphore_mem>>) src(%dma_wait3A_253 : memref<20000x128xf32, #tpu.memory_space<hbm>>) dst(%arg8 : memref<64x128xf32, #tpu.memory_space<vmem>>)
      %dma_start3A_254 = arith.constant 1 : i32
      %dma_start3A_255 = arith.constant 0 : i32
      %dma_start3A_256 = tpu.memref_slice %arg6[%add3A_246, %dma_start3A_254, %dma_start3A_255] : memref<40x2x64xi32, #tpu.memory_space<vmem>> -> memref<1x1x64xi32, #tpu.memory_space<vmem>>
      %dma_start3A_257 = tpu.memref_squeeze %dma_start3A_256 : memref<1x1x64xi32, #tpu.memory_space<vmem>> -> memref<64xi32, #tpu.memory_space<vmem>>
      %dma_start3A_258 = arith.constant 0 : i32
      %dma_start3A_259 = arith.constant 0 : i32
      %dma_start3A_260 = tpu.memref_slice %arg11[%dma_start3A_258, %dma_start3A_259] : memref<10112x128xf32, #tpu.memory_space<vmem_shared>> -> memref<10112x128xf32, #tpu.memory_space<vmem_shared>>
      tpu.enqueue_indirect_dma source(%arg8 : memref<64x128xf32, #tpu.memory_space<vmem>>) target(%dma_start3A_260 : memref<10112x128xf32, #tpu.memory_space<vmem_shared>>) offsets(%dma_start3A_257 : memref<64xi32, #tpu.memory_space<vmem>>) semaphore(%arg17 : memref<!tpu.dma_semaphore, #tpu.memory_space<semaphore_mem>>) {add = true}
      %mul3A_261 = arith.constant 4 : i32
      %mul3A_262 = arith.muli %scan3A_164, %mul3A_261 : i32
      %add3A_263 = arith.constant 2 : i32
      %add3A_264 = arith.addi %mul3A_262, %add3A_263 : i32
      %dma_wait3A_265 = arith.constant 0 : i32
      %dma_wait3A_266 = arith.constant 0 : i32
      %dma_wait3A_267 = tpu.memref_slice %arg6[%add3A_264, %dma_wait3A_265, %dma_wait3A_266] : memref<40x2x64xi32, #tpu.memory_space<vmem>> -> memref<1x1x64xi32, #tpu.memory_space<vmem>>
      %dma_wait3A_268 = tpu.memref_squeeze %dma_wait3A_267 : memref<1x1x64xi32, #tpu.memory_space<vmem>> -> memref<64xi32, #tpu.memory_space<vmem>>
      %dma_wait3A_269 = arith.constant 0 : i32
      %dma_wait3A_270 = arith.constant 0 : i32
      %dma_wait3A_271 = tpu.memref_slice %arg2[%dma_wait3A_269, %dma_wait3A_270] : memref<20000x128xf32, #tpu.memory_space<hbm>> -> memref<20000x128xf32, #tpu.memory_space<hbm>>
      tpu.wait_indirect_dma semaphore(%arg14 : memref<!tpu.dma_semaphore, #tpu.memory_space<semaphore_mem>>) src(%dma_wait3A_271 : memref<20000x128xf32, #tpu.memory_space<hbm>>) dst(%arg9 : memref<64x128xf32, #tpu.memory_space<vmem>>)
      %dma_start3A_272 = arith.constant 1 : i32
      %dma_start3A_273 = arith.constant 0 : i32
      %dma_start3A_274 = tpu.memref_slice %arg6[%add3A_264, %dma_start3A_272, %dma_start3A_273] : memref<40x2x64xi32, #tpu.memory_space<vmem>> -> memref<1x1x64xi32, #tpu.memory_space<vmem>>
      %dma_start3A_275 = tpu.memref_squeeze %dma_start3A_274 : memref<1x1x64xi32, #tpu.memory_space<vmem>> -> memref<64xi32, #tpu.memory_space<vmem>>
      %dma_start3A_276 = arith.constant 0 : i32
      %dma_start3A_277 = arith.constant 0 : i32
      %dma_start3A_278 = tpu.memref_slice %arg11[%dma_start3A_276, %dma_start3A_277] : memref<10112x128xf32, #tpu.memory_space<vmem_shared>> -> memref<10112x128xf32, #tpu.memory_space<vmem_shared>>
      tpu.enqueue_indirect_dma source(%arg9 : memref<64x128xf32, #tpu.memory_space<vmem>>) target(%dma_start3A_278 : memref<10112x128xf32, #tpu.memory_space<vmem_shared>>) offsets(%dma_start3A_275 : memref<64xi32, #tpu.memory_space<vmem>>) semaphore(%arg18 : memref<!tpu.dma_semaphore, #tpu.memory_space<semaphore_mem>>) {add = true}
      %mul3A_279 = arith.constant 4 : i32
      %mul3A_280 = arith.muli %scan3A_164, %mul3A_279 : i32
      %add3A_281 = arith.constant 3 : i32
      %add3A_282 = arith.addi %mul3A_280, %add3A_281 : i32
      %dma_wait3A_283 = arith.constant 0 : i32
      %dma_wait3A_284 = arith.constant 0 : i32
      %dma_wait3A_285 = tpu.memref_slice %arg6[%add3A_282, %dma_wait3A_283, %dma_wait3A_284] : memref<40x2x64xi32, #tpu.memory_space<vmem>> -> memref<1x1x64xi32, #tpu.memory_space<vmem>>
      %dma_wait3A_286 = tpu.memref_squeeze %dma_wait3A_285 : memref<1x1x64xi32, #tpu.memory_space<vmem>> -> memref<64xi32, #tpu.memory_space<vmem>>
      %dma_wait3A_287 = arith.constant 0 : i32
      %dma_wait3A_288 = arith.constant 0 : i32
      %dma_wait3A_289 = tpu.memref_slice %arg2[%dma_wait3A_287, %dma_wait3A_288] : memref<20000x128xf32, #tpu.memory_space<hbm>> -> memref<20000x128xf32, #tpu.memory_space<hbm>>
      tpu.wait_indirect_dma semaphore(%arg15 : memref<!tpu.dma_semaphore, #tpu.memory_space<semaphore_mem>>) src(%dma_wait3A_289 : memref<20000x128xf32, #tpu.memory_space<hbm>>) dst(%arg10 : memref<64x128xf32, #tpu.memory_space<vmem>>)
      %dma_start3A_290 = arith.constant 1 : i32
      %dma_start3A_291 = arith.constant 0 : i32
      %dma_start3A_292 = tpu.memref_slice %arg6[%add3A_282, %dma_start3A_290, %dma_start3A_291] : memref<40x2x64xi32, #tpu.memory_space<vmem>> -> memref<1x1x64xi32, #tpu.memory_space<vmem>>
      %dma_start3A_293 = tpu.memref_squeeze %dma_start3A_292 : memref<1x1x64xi32, #tpu.memory_space<vmem>> -> memref<64xi32, #tpu.memory_space<vmem>>
      %dma_start3A_294 = arith.constant 0 : i32
      %dma_start3A_295 = arith.constant 0 : i32
      %dma_start3A_296 = tpu.memref_slice %arg11[%dma_start3A_294, %dma_start3A_295] : memref<10112x128xf32, #tpu.memory_space<vmem_shared>> -> memref<10112x128xf32, #tpu.memory_space<vmem_shared>>
      tpu.enqueue_indirect_dma source(%arg10 : memref<64x128xf32, #tpu.memory_space<vmem>>) target(%dma_start3A_296 : memref<10112x128xf32, #tpu.memory_space<vmem_shared>>) offsets(%dma_start3A_293 : memref<64xi32, #tpu.memory_space<vmem>>) semaphore(%arg19 : memref<!tpu.dma_semaphore, #tpu.memory_space<semaphore_mem>>) {add = true}
    }
    %scan3A_11 = arith.constant 10 : i32
    %dma_wait3A = arith.constant 36 : i32
    %dma_wait3A_12 = arith.constant 1 : i32
    %dma_wait3A_13 = arith.constant 0 : i32
    %dma_wait3A_14 = tpu.memref_slice %arg6[%dma_wait3A, %dma_wait3A_12, %dma_wait3A_13] : memref<40x2x64xi32, #tpu.memory_space<vmem>> -> memref<1x1x64xi32, #tpu.memory_space<vmem>>
    %dma_wait3A_15 = tpu.memref_squeeze %dma_wait3A_14 : memref<1x1x64xi32, #tpu.memory_space<vmem>> -> memref<64xi32, #tpu.memory_space<vmem>>
    %dma_wait3A_16 = arith.constant 0 : i32
    %dma_wait3A_17 = arith.constant 0 : i32
    %dma_wait3A_18 = tpu.memref_slice %arg11[%dma_wait3A_16, %dma_wait3A_17] : memref<10112x128xf32, #tpu.memory_space<vmem_shared>> -> memref<10112x128xf32, #tpu.memory_space<vmem_shared>>
    tpu.wait_indirect_dma semaphore(%arg16 : memref<!tpu.dma_semaphore, #tpu.memory_space<semaphore_mem>>) src(%arg7 : memref<64x128xf32, #tpu.memory_space<vmem>>) dst(%dma_wait3A_18 : memref<10112x128xf32, #tpu.memory_space<vmem_shared>>)
    %dma_wait3A_19 = arith.constant 37 : i32
    %dma_wait3A_20 = arith.constant 1 : i32
    %dma_wait3A_21 = arith.constant 0 : i32
    %dma_wait3A_22 = tpu.memref_slice %arg6[%dma_wait3A_19, %dma_wait3A_20, %dma_wait3A_21] : memref<40x2x64xi32, #tpu.memory_space<vmem>> -> memref<1x1x64xi32, #tpu.memory_space<vmem>>
    %dma_wait3A_23 = tpu.memref_squeeze %dma_wait3A_22 : memref<1x1x64xi32, #tpu.memory_space<vmem>> -> memref<64xi32, #tpu.memory_space<vmem>>
    %dma_wait3A_24 = arith.constant 0 : i32
    %dma_wait3A_25 = arith.constant 0 : i32
    %dma_wait3A_26 = tpu.memref_slice %arg11[%dma_wait3A_24, %dma_wait3A_25] : memref<10112x128xf32, #tpu.memory_space<vmem_shared>> -> memref<10112x128xf32, #tpu.memory_space<vmem_shared>>
    tpu.wait_indirect_dma semaphore(%arg17 : memref<!tpu.dma_semaphore, #tpu.memory_space<semaphore_mem>>) src(%arg8 : memref<64x128xf32, #tpu.memory_space<vmem>>) dst(%dma_wait3A_26 : memref<10112x128xf32, #tpu.memory_space<vmem_shared>>)
    %dma_wait3A_27 = arith.constant 38 : i32
    %dma_wait3A_28 = arith.constant 1 : i32
    %dma_wait3A_29 = arith.constant 0 : i32
    %dma_wait3A_30 = tpu.memref_slice %arg6[%dma_wait3A_27, %dma_wait3A_28, %dma_wait3A_29] : memref<40x2x64xi32, #tpu.memory_space<vmem>> -> memref<1x1x64xi32, #tpu.memory_space<vmem>>
    %dma_wait3A_31 = tpu.memref_squeeze %dma_wait3A_30 : memref<1x1x64xi32, #tpu.memory_space<vmem>> -> memref<64xi32, #tpu.memory_space<vmem>>
    %dma_wait3A_32 = arith.constant 0 : i32
    %dma_wait3A_33 = arith.constant 0 : i32
    %dma_wait3A_34 = tpu.memref_slice %arg11[%dma_wait3A_32, %dma_wait3A_33] : memref<10112x128xf32, #tpu.memory_space<vmem_shared>> -> memref<10112x128xf32, #tpu.memory_space<vmem_shared>>
    tpu.wait_indirect_dma semaphore(%arg18 : memref<!tpu.dma_semaphore, #tpu.memory_space<semaphore_mem>>) src(%arg9 : memref<64x128xf32, #tpu.memory_space<vmem>>) dst(%dma_wait3A_34 : memref<10112x128xf32, #tpu.memory_space<vmem_shared>>)
    %dma_wait3A_35 = arith.constant 39 : i32
    %dma_wait3A_36 = arith.constant 1 : i32
    %dma_wait3A_37 = arith.constant 0 : i32
    %dma_wait3A_38 = tpu.memref_slice %arg6[%dma_wait3A_35, %dma_wait3A_36, %dma_wait3A_37] : memref<40x2x64xi32, #tpu.memory_space<vmem>> -> memref<1x1x64xi32, #tpu.memory_space<vmem>>
    %dma_wait3A_39 = tpu.memref_squeeze %dma_wait3A_38 : memref<1x1x64xi32, #tpu.memory_space<vmem>> -> memref<64xi32, #tpu.memory_space<vmem>>
    %dma_wait3A_40 = arith.constant 0 : i32
    %dma_wait3A_41 = arith.constant 0 : i32
    %dma_wait3A_42 = tpu.memref_slice %arg11[%dma_wait3A_40, %dma_wait3A_41] : memref<10112x128xf32, #tpu.memory_space<vmem_shared>> -> memref<10112x128xf32, #tpu.memory_space<vmem_shared>>
    tpu.wait_indirect_dma semaphore(%arg19 : memref<!tpu.dma_semaphore, #tpu.memory_space<semaphore_mem>>) src(%arg10 : memref<64x128xf32, #tpu.memory_space<vmem>>) dst(%dma_wait3A_42 : memref<10112x128xf32, #tpu.memory_space<vmem_shared>>)
    %add3A_43 = arith.constant 40 : i32
    %add3A_44 = arith.addi %add3A, %add3A_43 : i32
    "tpu.region"() ({
      %run_scoped3A = tpu.sem_alloc : memref<!tpu.dma_semaphore, #tpu.memory_space<semaphore_mem>>
      %dma_start3A = arith.constant 0 : i32
      %dma_start3A_164 = arith.constant 0 : i32
      %dma_start3A_165 = tpu.memref_slice %arg3[%add3A_44, %dma_start3A, %dma_start3A_164] : memref<5120x2x64xi32, #tpu.memory_space<hbm>> -> memref<40x2x64xi32, #tpu.memory_space<hbm>>
      %dma_start3A_166 = arith.constant 0 : i32
      %dma_start3A_167 = arith.constant 0 : i32
      %dma_start3A_168 = tpu.memref_slice %arg3[%add3A_44, %dma_start3A_166, %dma_start3A_167] : memref<5120x2x64xi32, #tpu.memory_space<hbm>> -> memref<40x2x64xi32, #tpu.memory_space<hbm>>
      tpu.enqueue_dma source(%dma_start3A_168 : memref<40x2x64xi32, #tpu.memory_space<hbm>>) target(%arg6 : memref<40x2x64xi32, #tpu.memory_space<vmem>>) target_semaphore(%run_scoped3A : memref<!tpu.dma_semaphore, #tpu.memory_space<semaphore_mem>>)
      %dma_wait3A_169 = arith.constant 0 : i32
      %dma_wait3A_170 = arith.constant 0 : i32
      %dma_wait3A_171 = tpu.memref_slice %arg3[%add3A_44, %dma_wait3A_169, %dma_wait3A_170] : memref<5120x2x64xi32, #tpu.memory_space<hbm>> -> memref<40x2x64xi32, #tpu.memory_space<hbm>>
      %dma_wait3A_172 = arith.constant 0 : i32
      %dma_wait3A_173 = arith.constant 0 : i32
      %dma_wait3A_174 = tpu.memref_slice %arg3[%add3A_44, %dma_wait3A_172, %dma_wait3A_173] : memref<5120x2x64xi32, #tpu.memory_space<hbm>> -> memref<40x2x64xi32, #tpu.memory_space<hbm>>
      tpu.wait_dma2 semaphore(%run_scoped3A : memref<!tpu.dma_semaphore, #tpu.memory_space<semaphore_mem>>) src(%dma_wait3A_174 : memref<40x2x64xi32, #tpu.memory_space<hbm>>) dst(%arg6 : memref<40x2x64xi32, #tpu.memory_space<vmem>>)
      tpu.yield
    }) : () -> ()
    %scan3A_45 = arith.constant 0 : i32
    %scan3A_46 = arith.constant 0 : i32
    %scan3A_47 = arith.constant 10 : i32
    %scan3A_48 = arith.addi %scan3A_46, %scan3A_47 : i32
    %scan3A_49 = arith.constant 1 : i32
    scf.for %scan3A_164 = %scan3A_46 to %scan3A_48 step %scan3A_49  : i32 {
      %mul3A_165 = arith.constant 4 : i32
      %mul3A_166 = arith.muli %scan3A_164, %mul3A_165 : i32
      %add3A_167 = arith.constant 0 : i32
      %add3A_168 = arith.addi %mul3A_166, %add3A_167 : i32
      %gt3A = arith.constant 0 : i32
      %gt3A_169 = arith.cmpi sgt, %scan3A_164, %gt3A : i32
      %convert_element_type3A = arith.extui %gt3A_169 : i1 to i32
      %cond3A = arith.constant 0 : i32
      %cond3A_170 = arith.cmpi ne, %convert_element_type3A, %cond3A : i32
      scf.if %cond3A_170 {
        %sub3A = arith.constant 4 : i32
        %sub3A_297 = arith.subi %add3A_168, %sub3A : i32
        %dma_wait3A_298 = arith.constant 1 : i32
        %dma_wait3A_299 = arith.constant 0 : i32
        %dma_wait3A_300 = tpu.memref_slice %arg6[%sub3A_297, %dma_wait3A_298, %dma_wait3A_299] : memref<40x2x64xi32, #tpu.memory_space<vmem>> -> memref<1x1x64xi32, #tpu.memory_space<vmem>>
        %dma_wait3A_301 = tpu.memref_squeeze %dma_wait3A_300 : memref<1x1x64xi32, #tpu.memory_space<vmem>> -> memref<64xi32, #tpu.memory_space<vmem>>
        %dma_wait3A_302 = arith.constant 0 : i32
        %dma_wait3A_303 = arith.constant 0 : i32
        %dma_wait3A_304 = tpu.memref_slice %arg11[%dma_wait3A_302, %dma_wait3A_303] : memref<10112x128xf32, #tpu.memory_space<vmem_shared>> -> memref<10112x128xf32, #tpu.memory_space<vmem_shared>>
        tpu.wait_indirect_dma semaphore(%arg16 : memref<!tpu.dma_semaphore, #tpu.memory_space<semaphore_mem>>) src(%arg7 : memref<64x128xf32, #tpu.memory_space<vmem>>) dst(%dma_wait3A_304 : memref<10112x128xf32, #tpu.memory_space<vmem_shared>>)
      } else {
      }
      %dma_start3A = arith.constant 0 : i32
      %dma_start3A_171 = arith.constant 0 : i32
      %dma_start3A_172 = tpu.memref_slice %arg6[%add3A_168, %dma_start3A, %dma_start3A_171] : memref<40x2x64xi32, #tpu.memory_space<vmem>> -> memref<1x1x64xi32, #tpu.memory_space<vmem>>
      %dma_start3A_173 = tpu.memref_squeeze %dma_start3A_172 : memref<1x1x64xi32, #tpu.memory_space<vmem>> -> memref<64xi32, #tpu.memory_space<vmem>>
      %dma_start3A_174 = arith.constant 0 : i32
      %dma_start3A_175 = arith.constant 0 : i32
      %dma_start3A_176 = tpu.memref_slice %arg2[%dma_start3A_174, %dma_start3A_175] : memref<20000x128xf32, #tpu.memory_space<hbm>> -> memref<20000x128xf32, #tpu.memory_space<hbm>>
      tpu.enqueue_indirect_dma source(%dma_start3A_176 : memref<20000x128xf32, #tpu.memory_space<hbm>>) target(%arg7 : memref<64x128xf32, #tpu.memory_space<vmem>>) offsets(%dma_start3A_173 : memref<64xi32, #tpu.memory_space<vmem>>) semaphore(%arg12 : memref<!tpu.dma_semaphore, #tpu.memory_space<semaphore_mem>>)
      %mul3A_177 = arith.constant 4 : i32
      %mul3A_178 = arith.muli %scan3A_164, %mul3A_177 : i32
      %add3A_179 = arith.constant 1 : i32
      %add3A_180 = arith.addi %mul3A_178, %add3A_179 : i32
      %gt3A_181 = arith.constant 0 : i32
      %gt3A_182 = arith.cmpi sgt, %scan3A_164, %gt3A_181 : i32
      %convert_element_type3A_183 = arith.extui %gt3A_182 : i1 to i32
      %cond3A_184 = arith.constant 0 : i32
      %cond3A_185 = arith.cmpi ne, %convert_element_type3A_183, %cond3A_184 : i32
      scf.if %cond3A_185 {
        %sub3A = arith.constant 4 : i32
        %sub3A_297 = arith.subi %add3A_180, %sub3A : i32
        %dma_wait3A_298 = arith.constant 1 : i32
        %dma_wait3A_299 = arith.constant 0 : i32
        %dma_wait3A_300 = tpu.memref_slice %arg6[%sub3A_297, %dma_wait3A_298, %dma_wait3A_299] : memref<40x2x64xi32, #tpu.memory_space<vmem>> -> memref<1x1x64xi32, #tpu.memory_space<vmem>>
        %dma_wait3A_301 = tpu.memref_squeeze %dma_wait3A_300 : memref<1x1x64xi32, #tpu.memory_space<vmem>> -> memref<64xi32, #tpu.memory_space<vmem>>
        %dma_wait3A_302 = arith.constant 0 : i32
        %dma_wait3A_303 = arith.constant 0 : i32
        %dma_wait3A_304 = tpu.memref_slice %arg11[%dma_wait3A_302, %dma_wait3A_303] : memref<10112x128xf32, #tpu.memory_space<vmem_shared>> -> memref<10112x128xf32, #tpu.memory_space<vmem_shared>>
        tpu.wait_indirect_dma semaphore(%arg17 : memref<!tpu.dma_semaphore, #tpu.memory_space<semaphore_mem>>) src(%arg8 : memref<64x128xf32, #tpu.memory_space<vmem>>) dst(%dma_wait3A_304 : memref<10112x128xf32, #tpu.memory_space<vmem_shared>>)
      } else {
      }
      %dma_start3A_186 = arith.constant 0 : i32
      %dma_start3A_187 = arith.constant 0 : i32
      %dma_start3A_188 = tpu.memref_slice %arg6[%add3A_180, %dma_start3A_186, %dma_start3A_187] : memref<40x2x64xi32, #tpu.memory_space<vmem>> -> memref<1x1x64xi32, #tpu.memory_space<vmem>>
      %dma_start3A_189 = tpu.memref_squeeze %dma_start3A_188 : memref<1x1x64xi32, #tpu.memory_space<vmem>> -> memref<64xi32, #tpu.memory_space<vmem>>
      %dma_start3A_190 = arith.constant 0 : i32
      %dma_start3A_191 = arith.constant 0 : i32
      %dma_start3A_192 = tpu.memref_slice %arg2[%dma_start3A_190, %dma_start3A_191] : memref<20000x128xf32, #tpu.memory_space<hbm>> -> memref<20000x128xf32, #tpu.memory_space<hbm>>
      tpu.enqueue_indirect_dma source(%dma_start3A_192 : memref<20000x128xf32, #tpu.memory_space<hbm>>) target(%arg8 : memref<64x128xf32, #tpu.memory_space<vmem>>) offsets(%dma_start3A_189 : memref<64xi32, #tpu.memory_space<vmem>>) semaphore(%arg13 : memref<!tpu.dma_semaphore, #tpu.memory_space<semaphore_mem>>)
      %mul3A_193 = arith.constant 4 : i32
      %mul3A_194 = arith.muli %scan3A_164, %mul3A_193 : i32
      %add3A_195 = arith.constant 2 : i32
      %add3A_196 = arith.addi %mul3A_194, %add3A_195 : i32
      %gt3A_197 = arith.constant 0 : i32
      %gt3A_198 = arith.cmpi sgt, %scan3A_164, %gt3A_197 : i32
      %convert_element_type3A_199 = arith.extui %gt3A_198 : i1 to i32
      %cond3A_200 = arith.constant 0 : i32
      %cond3A_201 = arith.cmpi ne, %convert_element_type3A_199, %cond3A_200 : i32
      scf.if %cond3A_201 {
        %sub3A = arith.constant 4 : i32
        %sub3A_297 = arith.subi %add3A_196, %sub3A : i32
        %dma_wait3A_298 = arith.constant 1 : i32
        %dma_wait3A_299 = arith.constant 0 : i32
        %dma_wait3A_300 = tpu.memref_slice %arg6[%sub3A_297, %dma_wait3A_298, %dma_wait3A_299] : memref<40x2x64xi32, #tpu.memory_space<vmem>> -> memref<1x1x64xi32, #tpu.memory_space<vmem>>
        %dma_wait3A_301 = tpu.memref_squeeze %dma_wait3A_300 : memref<1x1x64xi32, #tpu.memory_space<vmem>> -> memref<64xi32, #tpu.memory_space<vmem>>
        %dma_wait3A_302 = arith.constant 0 : i32
        %dma_wait3A_303 = arith.constant 0 : i32
        %dma_wait3A_304 = tpu.memref_slice %arg11[%dma_wait3A_302, %dma_wait3A_303] : memref<10112x128xf32, #tpu.memory_space<vmem_shared>> -> memref<10112x128xf32, #tpu.memory_space<vmem_shared>>
        tpu.wait_indirect_dma semaphore(%arg18 : memref<!tpu.dma_semaphore, #tpu.memory_space<semaphore_mem>>) src(%arg9 : memref<64x128xf32, #tpu.memory_space<vmem>>) dst(%dma_wait3A_304 : memref<10112x128xf32, #tpu.memory_space<vmem_shared>>)
      } else {
      }
      %dma_start3A_202 = arith.constant 0 : i32
      %dma_start3A_203 = arith.constant 0 : i32
      %dma_start3A_204 = tpu.memref_slice %arg6[%add3A_196, %dma_start3A_202, %dma_start3A_203] : memref<40x2x64xi32, #tpu.memory_space<vmem>> -> memref<1x1x64xi32, #tpu.memory_space<vmem>>
      %dma_start3A_205 = tpu.memref_squeeze %dma_start3A_204 : memref<1x1x64xi32, #tpu.memory_space<vmem>> -> memref<64xi32, #tpu.memory_space<vmem>>
      %dma_start3A_206 = arith.constant 0 : i32
      %dma_start3A_207 = arith.constant 0 : i32
      %dma_start3A_208 = tpu.memref_slice %arg2[%dma_start3A_206, %dma_start3A_207] : memref<20000x128xf32, #tpu.memory_space<hbm>> -> memref<20000x128xf32, #tpu.memory_space<hbm>>
      tpu.enqueue_indirect_dma source(%dma_start3A_208 : memref<20000x128xf32, #tpu.memory_space<hbm>>) target(%arg9 : memref<64x128xf32, #tpu.memory_space<vmem>>) offsets(%dma_start3A_205 : memref<64xi32, #tpu.memory_space<vmem>>) semaphore(%arg14 : memref<!tpu.dma_semaphore, #tpu.memory_space<semaphore_mem>>)
      %mul3A_209 = arith.constant 4 : i32
      %mul3A_210 = arith.muli %scan3A_164, %mul3A_209 : i32
      %add3A_211 = arith.constant 3 : i32
      %add3A_212 = arith.addi %mul3A_210, %add3A_211 : i32
      %gt3A_213 = arith.constant 0 : i32
      %gt3A_214 = arith.cmpi sgt, %scan3A_164, %gt3A_213 : i32
      %convert_element_type3A_215 = arith.extui %gt3A_214 : i1 to i32
      %cond3A_216 = arith.constant 0 : i32
      %cond3A_217 = arith.cmpi ne, %convert_element_type3A_215, %cond3A_216 : i32
      scf.if %cond3A_217 {
        %sub3A = arith.constant 4 : i32
        %sub3A_297 = arith.subi %add3A_212, %sub3A : i32
        %dma_wait3A_298 = arith.constant 1 : i32
        %dma_wait3A_299 = arith.constant 0 : i32
        %dma_wait3A_300 = tpu.memref_slice %arg6[%sub3A_297, %dma_wait3A_298, %dma_wait3A_299] : memref<40x2x64xi32, #tpu.memory_space<vmem>> -> memref<1x1x64xi32, #tpu.memory_space<vmem>>
        %dma_wait3A_301 = tpu.memref_squeeze %dma_wait3A_300 : memref<1x1x64xi32, #tpu.memory_space<vmem>> -> memref<64xi32, #tpu.memory_space<vmem>>
        %dma_wait3A_302 = arith.constant 0 : i32
        %dma_wait3A_303 = arith.constant 0 : i32
        %dma_wait3A_304 = tpu.memref_slice %arg11[%dma_wait3A_302, %dma_wait3A_303] : memref<10112x128xf32, #tpu.memory_space<vmem_shared>> -> memref<10112x128xf32, #tpu.memory_space<vmem_shared>>
        tpu.wait_indirect_dma semaphore(%arg19 : memref<!tpu.dma_semaphore, #tpu.memory_space<semaphore_mem>>) src(%arg10 : memref<64x128xf32, #tpu.memory_space<vmem>>) dst(%dma_wait3A_304 : memref<10112x128xf32, #tpu.memory_space<vmem_shared>>)
      } else {
      }
      %dma_start3A_218 = arith.constant 0 : i32
      %dma_start3A_219 = arith.constant 0 : i32
      %dma_start3A_220 = tpu.memref_slice %arg6[%add3A_212, %dma_start3A_218, %dma_start3A_219] : memref<40x2x64xi32, #tpu.memory_space<vmem>> -> memref<1x1x64xi32, #tpu.memory_space<vmem>>
      %dma_start3A_221 = tpu.memref_squeeze %dma_start3A_220 : memref<1x1x64xi32, #tpu.memory_space<vmem>> -> memref<64xi32, #tpu.memory_space<vmem>>
      %dma_start3A_222 = arith.constant 0 : i32
      %dma_start3A_223 = arith.constant 0 : i32
      %dma_start3A_224 = tpu.memref_slice %arg2[%dma_start3A_222, %dma_start3A_223] : memref<20000x128xf32, #tpu.memory_space<hbm>> -> memref<20000x128xf32, #tpu.memory_space<hbm>>
      tpu.enqueue_indirect_dma source(%dma_start3A_224 : memref<20000x128xf32, #tpu.memory_space<hbm>>) target(%arg10 : memref<64x128xf32, #tpu.memory_space<vmem>>) offsets(%dma_start3A_221 : memref<64xi32, #tpu.memory_space<vmem>>) semaphore(%arg15 : memref<!tpu.dma_semaphore, #tpu.memory_space<semaphore_mem>>)
      %mul3A_225 = arith.constant 4 : i32
      %mul3A_226 = arith.muli %scan3A_164, %mul3A_225 : i32
      %add3A_227 = arith.constant 0 : i32
      %add3A_228 = arith.addi %mul3A_226, %add3A_227 : i32
      %dma_wait3A_229 = arith.constant 0 : i32
      %dma_wait3A_230 = arith.constant 0 : i32
      %dma_wait3A_231 = tpu.memref_slice %arg6[%add3A_228, %dma_wait3A_229, %dma_wait3A_230] : memref<40x2x64xi32, #tpu.memory_space<vmem>> -> memref<1x1x64xi32, #tpu.memory_space<vmem>>
      %dma_wait3A_232 = tpu.memref_squeeze %dma_wait3A_231 : memref<1x1x64xi32, #tpu.memory_space<vmem>> -> memref<64xi32, #tpu.memory_space<vmem>>
      %dma_wait3A_233 = arith.constant 0 : i32
      %dma_wait3A_234 = arith.constant 0 : i32
      %dma_wait3A_235 = tpu.memref_slice %arg2[%dma_wait3A_233, %dma_wait3A_234] : memref<20000x128xf32, #tpu.memory_space<hbm>> -> memref<20000x128xf32, #tpu.memory_space<hbm>>
      tpu.wait_indirect_dma semaphore(%arg12 : memref<!tpu.dma_semaphore, #tpu.memory_space<semaphore_mem>>) src(%dma_wait3A_235 : memref<20000x128xf32, #tpu.memory_space<hbm>>) dst(%arg7 : memref<64x128xf32, #tpu.memory_space<vmem>>)
      %dma_start3A_236 = arith.constant 1 : i32
      %dma_start3A_237 = arith.constant 0 : i32
      %dma_start3A_238 = tpu.memref_slice %arg6[%add3A_228, %dma_start3A_236, %dma_start3A_237] : memref<40x2x64xi32, #tpu.memory_space<vmem>> -> memref<1x1x64xi32, #tpu.memory_space<vmem>>
      %dma_start3A_239 = tpu.memref_squeeze %dma_start3A_238 : memref<1x1x64xi32, #tpu.memory_space<vmem>> -> memref<64xi32, #tpu.memory_space<vmem>>
      %dma_start3A_240 = arith.constant 0 : i32
      %dma_start3A_241 = arith.constant 0 : i32
      %dma_start3A_242 = tpu.memref_slice %arg11[%dma_start3A_240, %dma_start3A_241] : memref<10112x128xf32, #tpu.memory_space<vmem_shared>> -> memref<10112x128xf32, #tpu.memory_space<vmem_shared>>
      tpu.enqueue_indirect_dma source(%arg7 : memref<64x128xf32, #tpu.memory_space<vmem>>) target(%dma_start3A_242 : memref<10112x128xf32, #tpu.memory_space<vmem_shared>>) offsets(%dma_start3A_239 : memref<64xi32, #tpu.memory_space<vmem>>) semaphore(%arg16 : memref<!tpu.dma_semaphore, #tpu.memory_space<semaphore_mem>>) {add = true}
      %mul3A_243 = arith.constant 4 : i32
      %mul3A_244 = arith.muli %scan3A_164, %mul3A_243 : i32
      %add3A_245 = arith.constant 1 : i32
      %add3A_246 = arith.addi %mul3A_244, %add3A_245 : i32
      %dma_wait3A_247 = arith.constant 0 : i32
      %dma_wait3A_248 = arith.constant 0 : i32
      %dma_wait3A_249 = tpu.memref_slice %arg6[%add3A_246, %dma_wait3A_247, %dma_wait3A_248] : memref<40x2x64xi32, #tpu.memory_space<vmem>> -> memref<1x1x64xi32, #tpu.memory_space<vmem>>
      %dma_wait3A_250 = tpu.memref_squeeze %dma_wait3A_249 : memref<1x1x64xi32, #tpu.memory_space<vmem>> -> memref<64xi32, #tpu.memory_space<vmem>>
      %dma_wait3A_251 = arith.constant 0 : i32
      %dma_wait3A_252 = arith.constant 0 : i32
      %dma_wait3A_253 = tpu.memref_slice %arg2[%dma_wait3A_251, %dma_wait3A_252] : memref<20000x128xf32, #tpu.memory_space<hbm>> -> memref<20000x128xf32, #tpu.memory_space<hbm>>
      tpu.wait_indirect_dma semaphore(%arg13 : memref<!tpu.dma_semaphore, #tpu.memory_space<semaphore_mem>>) src(%dma_wait3A_253 : memref<20000x128xf32, #tpu.memory_space<hbm>>) dst(%arg8 : memref<64x128xf32, #tpu.memory_space<vmem>>)
      %dma_start3A_254 = arith.constant 1 : i32
      %dma_start3A_255 = arith.constant 0 : i32
      %dma_start3A_256 = tpu.memref_slice %arg6[%add3A_246, %dma_start3A_254, %dma_start3A_255] : memref<40x2x64xi32, #tpu.memory_space<vmem>> -> memref<1x1x64xi32, #tpu.memory_space<vmem>>
      %dma_start3A_257 = tpu.memref_squeeze %dma_start3A_256 : memref<1x1x64xi32, #tpu.memory_space<vmem>> -> memref<64xi32, #tpu.memory_space<vmem>>
      %dma_start3A_258 = arith.constant 0 : i32
      %dma_start3A_259 = arith.constant 0 : i32
      %dma_start3A_260 = tpu.memref_slice %arg11[%dma_start3A_258, %dma_start3A_259] : memref<10112x128xf32, #tpu.memory_space<vmem_shared>> -> memref<10112x128xf32, #tpu.memory_space<vmem_shared>>
      tpu.enqueue_indirect_dma source(%arg8 : memref<64x128xf32, #tpu.memory_space<vmem>>) target(%dma_start3A_260 : memref<10112x128xf32, #tpu.memory_space<vmem_shared>>) offsets(%dma_start3A_257 : memref<64xi32, #tpu.memory_space<vmem>>) semaphore(%arg17 : memref<!tpu.dma_semaphore, #tpu.memory_space<semaphore_mem>>) {add = true}
      %mul3A_261 = arith.constant 4 : i32
      %mul3A_262 = arith.muli %scan3A_164, %mul3A_261 : i32
      %add3A_263 = arith.constant 2 : i32
      %add3A_264 = arith.addi %mul3A_262, %add3A_263 : i32
      %dma_wait3A_265 = arith.constant 0 : i32
      %dma_wait3A_266 = arith.constant 0 : i32
      %dma_wait3A_267 = tpu.memref_slice %arg6[%add3A_264, %dma_wait3A_265, %dma_wait3A_266] : memref<40x2x64xi32, #tpu.memory_space<vmem>> -> memref<1x1x64xi32, #tpu.memory_space<vmem>>
      %dma_wait3A_268 = tpu.memref_squeeze %dma_wait3A_267 : memref<1x1x64xi32, #tpu.memory_space<vmem>> -> memref<64xi32, #tpu.memory_space<vmem>>
      %dma_wait3A_269 = arith.constant 0 : i32
      %dma_wait3A_270 = arith.constant 0 : i32
      %dma_wait3A_271 = tpu.memref_slice %arg2[%dma_wait3A_269, %dma_wait3A_270] : memref<20000x128xf32, #tpu.memory_space<hbm>> -> memref<20000x128xf32, #tpu.memory_space<hbm>>
      tpu.wait_indirect_dma semaphore(%arg14 : memref<!tpu.dma_semaphore, #tpu.memory_space<semaphore_mem>>) src(%dma_wait3A_271 : memref<20000x128xf32, #tpu.memory_space<hbm>>) dst(%arg9 : memref<64x128xf32, #tpu.memory_space<vmem>>)
      %dma_start3A_272 = arith.constant 1 : i32
      %dma_start3A_273 = arith.constant 0 : i32
      %dma_start3A_274 = tpu.memref_slice %arg6[%add3A_264, %dma_start3A_272, %dma_start3A_273] : memref<40x2x64xi32, #tpu.memory_space<vmem>> -> memref<1x1x64xi32, #tpu.memory_space<vmem>>
      %dma_start3A_275 = tpu.memref_squeeze %dma_start3A_274 : memref<1x1x64xi32, #tpu.memory_space<vmem>> -> memref<64xi32, #tpu.memory_space<vmem>>
      %dma_start3A_276 = arith.constant 0 : i32
      %dma_start3A_277 = arith.constant 0 : i32
      %dma_start3A_278 = tpu.memref_slice %arg11[%dma_start3A_276, %dma_start3A_277] : memref<10112x128xf32, #tpu.memory_space<vmem_shared>> -> memref<10112x128xf32, #tpu.memory_space<vmem_shared>>
      tpu.enqueue_indirect_dma source(%arg9 : memref<64x128xf32, #tpu.memory_space<vmem>>) target(%dma_start3A_278 : memref<10112x128xf32, #tpu.memory_space<vmem_shared>>) offsets(%dma_start3A_275 : memref<64xi32, #tpu.memory_space<vmem>>) semaphore(%arg18 : memref<!tpu.dma_semaphore, #tpu.memory_space<semaphore_mem>>) {add = true}
      %mul3A_279 = arith.constant 4 : i32
      %mul3A_280 = arith.muli %scan3A_164, %mul3A_279 : i32
      %add3A_281 = arith.constant 3 : i32
      %add3A_282 = arith.addi %mul3A_280, %add3A_281 : i32
      %dma_wait3A_283 = arith.constant 0 : i32
      %dma_wait3A_284 = arith.constant 0 : i32
      %dma_wait3A_285 = tpu.memref_slice %arg6[%add3A_282, %dma_wait3A_283, %dma_wait3A_284] : memref<40x2x64xi32, #tpu.memory_space<vmem>> -> memref<1x1x64xi32, #tpu.memory_space<vmem>>
      %dma_wait3A_286 = tpu.memref_squeeze %dma_wait3A_285 : memref<1x1x64xi32, #tpu.memory_space<vmem>> -> memref<64xi32, #tpu.memory_space<vmem>>
      %dma_wait3A_287 = arith.constant 0 : i32
      %dma_wait3A_288 = arith.constant 0 : i32
      %dma_wait3A_289 = tpu.memref_slice %arg2[%dma_wait3A_287, %dma_wait3A_288] : memref<20000x128xf32, #tpu.memory_space<hbm>> -> memref<20000x128xf32, #tpu.memory_space<hbm>>
      tpu.wait_indirect_dma semaphore(%arg15 : memref<!tpu.dma_semaphore, #tpu.memory_space<semaphore_mem>>) src(%dma_wait3A_289 : memref<20000x128xf32, #tpu.memory_space<hbm>>) dst(%arg10 : memref<64x128xf32, #tpu.memory_space<vmem>>)
      %dma_start3A_290 = arith.constant 1 : i32
      %dma_start3A_291 = arith.constant 0 : i32
      %dma_start3A_292 = tpu.memref_slice %arg6[%add3A_282, %dma_start3A_290, %dma_start3A_291] : memref<40x2x64xi32, #tpu.memory_space<vmem>> -> memref<1x1x64xi32, #tpu.memory_space<vmem>>
      %dma_start3A_293 = tpu.memref_squeeze %dma_start3A_292 : memref<1x1x64xi32, #tpu.memory_space<vmem>> -> memref<64xi32, #tpu.memory_space<vmem>>
      %dma_start3A_294 = arith.constant 0 : i32
      %dma_start3A_295 = arith.constant 0 : i32
      %dma_start3A_296 = tpu.memref_slice %arg11[%dma_start3A_294, %dma_start3A_295] : memref<10112x128xf32, #tpu.memory_space<vmem_shared>> -> memref<10112x128xf32, #tpu.memory_space<vmem_shared>>
      tpu.enqueue_indirect_dma source(%arg10 : memref<64x128xf32, #tpu.memory_space<vmem>>) target(%dma_start3A_296 : memref<10112x128xf32, #tpu.memory_space<vmem_shared>>) offsets(%dma_start3A_293 : memref<64xi32, #tpu.memory_space<vmem>>) semaphore(%arg19 : memref<!tpu.dma_semaphore, #tpu.memory_space<semaphore_mem>>) {add = true}
    }
    %scan3A_50 = arith.constant 10 : i32
    %dma_wait3A_51 = arith.constant 36 : i32
    %dma_wait3A_52 = arith.constant 1 : i32
    %dma_wait3A_53 = arith.constant 0 : i32
    %dma_wait3A_54 = tpu.memref_slice %arg6[%dma_wait3A_51, %dma_wait3A_52, %dma_wait3A_53] : memref<40x2x64xi32, #tpu.memory_space<vmem>> -> memref<1x1x64xi32, #tpu.memory_space<vmem>>
    %dma_wait3A_55 = tpu.memref_squeeze %dma_wait3A_54 : memref<1x1x64xi32, #tpu.memory_space<vmem>> -> memref<64xi32, #tpu.memory_space<vmem>>
    %dma_wait3A_56 = arith.constant 0 : i32
    %dma_wait3A_57 = arith.constant 0 : i32
    %dma_wait3A_58 = tpu.memref_slice %arg11[%dma_wait3A_56, %dma_wait3A_57] : memref<10112x128xf32, #tpu.memory_space<vmem_shared>> -> memref<10112x128xf32, #tpu.memory_space<vmem_shared>>
    tpu.wait_indirect_dma semaphore(%arg16 : memref<!tpu.dma_semaphore, #tpu.memory_space<semaphore_mem>>) src(%arg7 : memref<64x128xf32, #tpu.memory_space<vmem>>) dst(%dma_wait3A_58 : memref<10112x128xf32, #tpu.memory_space<vmem_shared>>)
    %dma_wait3A_59 = arith.constant 37 : i32
    %dma_wait3A_60 = arith.constant 1 : i32
    %dma_wait3A_61 = arith.constant 0 : i32
    %dma_wait3A_62 = tpu.memref_slice %arg6[%dma_wait3A_59, %dma_wait3A_60, %dma_wait3A_61] : memref<40x2x64xi32, #tpu.memory_space<vmem>> -> memref<1x1x64xi32, #tpu.memory_space<vmem>>
    %dma_wait3A_63 = tpu.memref_squeeze %dma_wait3A_62 : memref<1x1x64xi32, #tpu.memory_space<vmem>> -> memref<64xi32, #tpu.memory_space<vmem>>
    %dma_wait3A_64 = arith.constant 0 : i32
    %dma_wait3A_65 = arith.constant 0 : i32
    %dma_wait3A_66 = tpu.memref_slice %arg11[%dma_wait3A_64, %dma_wait3A_65] : memref<10112x128xf32, #tpu.memory_space<vmem_shared>> -> memref<10112x128xf32, #tpu.memory_space<vmem_shared>>
    tpu.wait_indirect_dma semaphore(%arg17 : memref<!tpu.dma_semaphore, #tpu.memory_space<semaphore_mem>>) src(%arg8 : memref<64x128xf32, #tpu.memory_space<vmem>>) dst(%dma_wait3A_66 : memref<10112x128xf32, #tpu.memory_space<vmem_shared>>)
    %dma_wait3A_67 = arith.constant 38 : i32
    %dma_wait3A_68 = arith.constant 1 : i32
    %dma_wait3A_69 = arith.constant 0 : i32
    %dma_wait3A_70 = tpu.memref_slice %arg6[%dma_wait3A_67, %dma_wait3A_68, %dma_wait3A_69] : memref<40x2x64xi32, #tpu.memory_space<vmem>> -> memref<1x1x64xi32, #tpu.memory_space<vmem>>
    %dma_wait3A_71 = tpu.memref_squeeze %dma_wait3A_70 : memref<1x1x64xi32, #tpu.memory_space<vmem>> -> memref<64xi32, #tpu.memory_space<vmem>>
    %dma_wait3A_72 = arith.constant 0 : i32
    %dma_wait3A_73 = arith.constant 0 : i32
    %dma_wait3A_74 = tpu.memref_slice %arg11[%dma_wait3A_72, %dma_wait3A_73] : memref<10112x128xf32, #tpu.memory_space<vmem_shared>> -> memref<10112x128xf32, #tpu.memory_space<vmem_shared>>
    tpu.wait_indirect_dma semaphore(%arg18 : memref<!tpu.dma_semaphore, #tpu.memory_space<semaphore_mem>>) src(%arg9 : memref<64x128xf32, #tpu.memory_space<vmem>>) dst(%dma_wait3A_74 : memref<10112x128xf32, #tpu.memory_space<vmem_shared>>)
    %dma_wait3A_75 = arith.constant 39 : i32
    %dma_wait3A_76 = arith.constant 1 : i32
    %dma_wait3A_77 = arith.constant 0 : i32
    %dma_wait3A_78 = tpu.memref_slice %arg6[%dma_wait3A_75, %dma_wait3A_76, %dma_wait3A_77] : memref<40x2x64xi32, #tpu.memory_space<vmem>> -> memref<1x1x64xi32, #tpu.memory_space<vmem>>
    %dma_wait3A_79 = tpu.memref_squeeze %dma_wait3A_78 : memref<1x1x64xi32, #tpu.memory_space<vmem>> -> memref<64xi32, #tpu.memory_space<vmem>>
    %dma_wait3A_80 = arith.constant 0 : i32
    %dma_wait3A_81 = arith.constant 0 : i32
    %dma_wait3A_82 = tpu.memref_slice %arg11[%dma_wait3A_80, %dma_wait3A_81] : memref<10112x128xf32, #tpu.memory_space<vmem_shared>> -> memref<10112x128xf32, #tpu.memory_space<vmem_shared>>
    tpu.wait_indirect_dma semaphore(%arg19 : memref<!tpu.dma_semaphore, #tpu.memory_space<semaphore_mem>>) src(%arg10 : memref<64x128xf32, #tpu.memory_space<vmem>>) dst(%dma_wait3A_82 : memref<10112x128xf32, #tpu.memory_space<vmem_shared>>)
    %add3A_83 = arith.constant 80 : i32
    %add3A_84 = arith.addi %add3A, %add3A_83 : i32
    "tpu.region"() ({
      %run_scoped3A = tpu.sem_alloc : memref<!tpu.dma_semaphore, #tpu.memory_space<semaphore_mem>>
      %dma_start3A = arith.constant 0 : i32
      %dma_start3A_164 = arith.constant 0 : i32
      %dma_start3A_165 = tpu.memref_slice %arg3[%add3A_84, %dma_start3A, %dma_start3A_164] : memref<5120x2x64xi32, #tpu.memory_space<hbm>> -> memref<40x2x64xi32, #tpu.memory_space<hbm>>
      %dma_start3A_166 = arith.constant 0 : i32
      %dma_start3A_167 = arith.constant 0 : i32
      %dma_start3A_168 = tpu.memref_slice %arg3[%add3A_84, %dma_start3A_166, %dma_start3A_167] : memref<5120x2x64xi32, #tpu.memory_space<hbm>> -> memref<40x2x64xi32, #tpu.memory_space<hbm>>
      tpu.enqueue_dma source(%dma_start3A_168 : memref<40x2x64xi32, #tpu.memory_space<hbm>>) target(%arg6 : memref<40x2x64xi32, #tpu.memory_space<vmem>>) target_semaphore(%run_scoped3A : memref<!tpu.dma_semaphore, #tpu.memory_space<semaphore_mem>>)
      %dma_wait3A_169 = arith.constant 0 : i32
      %dma_wait3A_170 = arith.constant 0 : i32
      %dma_wait3A_171 = tpu.memref_slice %arg3[%add3A_84, %dma_wait3A_169, %dma_wait3A_170] : memref<5120x2x64xi32, #tpu.memory_space<hbm>> -> memref<40x2x64xi32, #tpu.memory_space<hbm>>
      %dma_wait3A_172 = arith.constant 0 : i32
      %dma_wait3A_173 = arith.constant 0 : i32
      %dma_wait3A_174 = tpu.memref_slice %arg3[%add3A_84, %dma_wait3A_172, %dma_wait3A_173] : memref<5120x2x64xi32, #tpu.memory_space<hbm>> -> memref<40x2x64xi32, #tpu.memory_space<hbm>>
      tpu.wait_dma2 semaphore(%run_scoped3A : memref<!tpu.dma_semaphore, #tpu.memory_space<semaphore_mem>>) src(%dma_wait3A_174 : memref<40x2x64xi32, #tpu.memory_space<hbm>>) dst(%arg6 : memref<40x2x64xi32, #tpu.memory_space<vmem>>)
      tpu.yield
    }) : () -> ()
    %scan3A_85 = arith.constant 0 : i32
    %scan3A_86 = arith.constant 0 : i32
    %scan3A_87 = arith.constant 10 : i32
    %scan3A_88 = arith.addi %scan3A_86, %scan3A_87 : i32
    %scan3A_89 = arith.constant 1 : i32
    scf.for %scan3A_164 = %scan3A_86 to %scan3A_88 step %scan3A_89  : i32 {
      %mul3A_165 = arith.constant 4 : i32
      %mul3A_166 = arith.muli %scan3A_164, %mul3A_165 : i32
      %add3A_167 = arith.constant 0 : i32
      %add3A_168 = arith.addi %mul3A_166, %add3A_167 : i32
      %gt3A = arith.constant 0 : i32
      %gt3A_169 = arith.cmpi sgt, %scan3A_164, %gt3A : i32
      %convert_element_type3A = arith.extui %gt3A_169 : i1 to i32
      %cond3A = arith.constant 0 : i32
      %cond3A_170 = arith.cmpi ne, %convert_element_type3A, %cond3A : i32
      scf.if %cond3A_170 {
        %sub3A = arith.constant 4 : i32
        %sub3A_297 = arith.subi %add3A_168, %sub3A : i32
        %dma_wait3A_298 = arith.constant 1 : i32
        %dma_wait3A_299 = arith.constant 0 : i32
        %dma_wait3A_300 = tpu.memref_slice %arg6[%sub3A_297, %dma_wait3A_298, %dma_wait3A_299] : memref<40x2x64xi32, #tpu.memory_space<vmem>> -> memref<1x1x64xi32, #tpu.memory_space<vmem>>
        %dma_wait3A_301 = tpu.memref_squeeze %dma_wait3A_300 : memref<1x1x64xi32, #tpu.memory_space<vmem>> -> memref<64xi32, #tpu.memory_space<vmem>>
        %dma_wait3A_302 = arith.constant 0 : i32
        %dma_wait3A_303 = arith.constant 0 : i32
        %dma_wait3A_304 = tpu.memref_slice %arg11[%dma_wait3A_302, %dma_wait3A_303] : memref<10112x128xf32, #tpu.memory_space<vmem_shared>> -> memref<10112x128xf32, #tpu.memory_space<vmem_shared>>
        tpu.wait_indirect_dma semaphore(%arg16 : memref<!tpu.dma_semaphore, #tpu.memory_space<semaphore_mem>>) src(%arg7 : memref<64x128xf32, #tpu.memory_space<vmem>>) dst(%dma_wait3A_304 : memref<10112x128xf32, #tpu.memory_space<vmem_shared>>)
      } else {
      }
      %dma_start3A = arith.constant 0 : i32
      %dma_start3A_171 = arith.constant 0 : i32
      %dma_start3A_172 = tpu.memref_slice %arg6[%add3A_168, %dma_start3A, %dma_start3A_171] : memref<40x2x64xi32, #tpu.memory_space<vmem>> -> memref<1x1x64xi32, #tpu.memory_space<vmem>>
      %dma_start3A_173 = tpu.memref_squeeze %dma_start3A_172 : memref<1x1x64xi32, #tpu.memory_space<vmem>> -> memref<64xi32, #tpu.memory_space<vmem>>
      %dma_start3A_174 = arith.constant 0 : i32
      %dma_start3A_175 = arith.constant 0 : i32
      %dma_start3A_176 = tpu.memref_slice %arg2[%dma_start3A_174, %dma_start3A_175] : memref<20000x128xf32, #tpu.memory_space<hbm>> -> memref<20000x128xf32, #tpu.memory_space<hbm>>
      tpu.enqueue_indirect_dma source(%dma_start3A_176 : memref<20000x128xf32, #tpu.memory_space<hbm>>) target(%arg7 : memref<64x128xf32, #tpu.memory_space<vmem>>) offsets(%dma_start3A_173 : memref<64xi32, #tpu.memory_space<vmem>>) semaphore(%arg12 : memref<!tpu.dma_semaphore, #tpu.memory_space<semaphore_mem>>)
      %mul3A_177 = arith.constant 4 : i32
      %mul3A_178 = arith.muli %scan3A_164, %mul3A_177 : i32
      %add3A_179 = arith.constant 1 : i32
      %add3A_180 = arith.addi %mul3A_178, %add3A_179 : i32
      %gt3A_181 = arith.constant 0 : i32
      %gt3A_182 = arith.cmpi sgt, %scan3A_164, %gt3A_181 : i32
      %convert_element_type3A_183 = arith.extui %gt3A_182 : i1 to i32
      %cond3A_184 = arith.constant 0 : i32
      %cond3A_185 = arith.cmpi ne, %convert_element_type3A_183, %cond3A_184 : i32
      scf.if %cond3A_185 {
        %sub3A = arith.constant 4 : i32
        %sub3A_297 = arith.subi %add3A_180, %sub3A : i32
        %dma_wait3A_298 = arith.constant 1 : i32
        %dma_wait3A_299 = arith.constant 0 : i32
        %dma_wait3A_300 = tpu.memref_slice %arg6[%sub3A_297, %dma_wait3A_298, %dma_wait3A_299] : memref<40x2x64xi32, #tpu.memory_space<vmem>> -> memref<1x1x64xi32, #tpu.memory_space<vmem>>
        %dma_wait3A_301 = tpu.memref_squeeze %dma_wait3A_300 : memref<1x1x64xi32, #tpu.memory_space<vmem>> -> memref<64xi32, #tpu.memory_space<vmem>>
        %dma_wait3A_302 = arith.constant 0 : i32
        %dma_wait3A_303 = arith.constant 0 : i32
        %dma_wait3A_304 = tpu.memref_slice %arg11[%dma_wait3A_302, %dma_wait3A_303] : memref<10112x128xf32, #tpu.memory_space<vmem_shared>> -> memref<10112x128xf32, #tpu.memory_space<vmem_shared>>
        tpu.wait_indirect_dma semaphore(%arg17 : memref<!tpu.dma_semaphore, #tpu.memory_space<semaphore_mem>>) src(%arg8 : memref<64x128xf32, #tpu.memory_space<vmem>>) dst(%dma_wait3A_304 : memref<10112x128xf32, #tpu.memory_space<vmem_shared>>)
      } else {
      }
      %dma_start3A_186 = arith.constant 0 : i32
      %dma_start3A_187 = arith.constant 0 : i32
      %dma_start3A_188 = tpu.memref_slice %arg6[%add3A_180, %dma_start3A_186, %dma_start3A_187] : memref<40x2x64xi32, #tpu.memory_space<vmem>> -> memref<1x1x64xi32, #tpu.memory_space<vmem>>
      %dma_start3A_189 = tpu.memref_squeeze %dma_start3A_188 : memref<1x1x64xi32, #tpu.memory_space<vmem>> -> memref<64xi32, #tpu.memory_space<vmem>>
      %dma_start3A_190 = arith.constant 0 : i32
      %dma_start3A_191 = arith.constant 0 : i32
      %dma_start3A_192 = tpu.memref_slice %arg2[%dma_start3A_190, %dma_start3A_191] : memref<20000x128xf32, #tpu.memory_space<hbm>> -> memref<20000x128xf32, #tpu.memory_space<hbm>>
      tpu.enqueue_indirect_dma source(%dma_start3A_192 : memref<20000x128xf32, #tpu.memory_space<hbm>>) target(%arg8 : memref<64x128xf32, #tpu.memory_space<vmem>>) offsets(%dma_start3A_189 : memref<64xi32, #tpu.memory_space<vmem>>) semaphore(%arg13 : memref<!tpu.dma_semaphore, #tpu.memory_space<semaphore_mem>>)
      %mul3A_193 = arith.constant 4 : i32
      %mul3A_194 = arith.muli %scan3A_164, %mul3A_193 : i32
      %add3A_195 = arith.constant 2 : i32
      %add3A_196 = arith.addi %mul3A_194, %add3A_195 : i32
      %gt3A_197 = arith.constant 0 : i32
      %gt3A_198 = arith.cmpi sgt, %scan3A_164, %gt3A_197 : i32
      %convert_element_type3A_199 = arith.extui %gt3A_198 : i1 to i32
      %cond3A_200 = arith.constant 0 : i32
      %cond3A_201 = arith.cmpi ne, %convert_element_type3A_199, %cond3A_200 : i32
      scf.if %cond3A_201 {
        %sub3A = arith.constant 4 : i32
        %sub3A_297 = arith.subi %add3A_196, %sub3A : i32
        %dma_wait3A_298 = arith.constant 1 : i32
        %dma_wait3A_299 = arith.constant 0 : i32
        %dma_wait3A_300 = tpu.memref_slice %arg6[%sub3A_297, %dma_wait3A_298, %dma_wait3A_299] : memref<40x2x64xi32, #tpu.memory_space<vmem>> -> memref<1x1x64xi32, #tpu.memory_space<vmem>>
        %dma_wait3A_301 = tpu.memref_squeeze %dma_wait3A_300 : memref<1x1x64xi32, #tpu.memory_space<vmem>> -> memref<64xi32, #tpu.memory_space<vmem>>
        %dma_wait3A_302 = arith.constant 0 : i32
        %dma_wait3A_303 = arith.constant 0 : i32
        %dma_wait3A_304 = tpu.memref_slice %arg11[%dma_wait3A_302, %dma_wait3A_303] : memref<10112x128xf32, #tpu.memory_space<vmem_shared>> -> memref<10112x128xf32, #tpu.memory_space<vmem_shared>>
        tpu.wait_indirect_dma semaphore(%arg18 : memref<!tpu.dma_semaphore, #tpu.memory_space<semaphore_mem>>) src(%arg9 : memref<64x128xf32, #tpu.memory_space<vmem>>) dst(%dma_wait3A_304 : memref<10112x128xf32, #tpu.memory_space<vmem_shared>>)
      } else {
      }
      %dma_start3A_202 = arith.constant 0 : i32
      %dma_start3A_203 = arith.constant 0 : i32
      %dma_start3A_204 = tpu.memref_slice %arg6[%add3A_196, %dma_start3A_202, %dma_start3A_203] : memref<40x2x64xi32, #tpu.memory_space<vmem>> -> memref<1x1x64xi32, #tpu.memory_space<vmem>>
      %dma_start3A_205 = tpu.memref_squeeze %dma_start3A_204 : memref<1x1x64xi32, #tpu.memory_space<vmem>> -> memref<64xi32, #tpu.memory_space<vmem>>
      %dma_start3A_206 = arith.constant 0 : i32
      %dma_start3A_207 = arith.constant 0 : i32
      %dma_start3A_208 = tpu.memref_slice %arg2[%dma_start3A_206, %dma_start3A_207] : memref<20000x128xf32, #tpu.memory_space<hbm>> -> memref<20000x128xf32, #tpu.memory_space<hbm>>
      tpu.enqueue_indirect_dma source(%dma_start3A_208 : memref<20000x128xf32, #tpu.memory_space<hbm>>) target(%arg9 : memref<64x128xf32, #tpu.memory_space<vmem>>) offsets(%dma_start3A_205 : memref<64xi32, #tpu.memory_space<vmem>>) semaphore(%arg14 : memref<!tpu.dma_semaphore, #tpu.memory_space<semaphore_mem>>)
      %mul3A_209 = arith.constant 4 : i32
      %mul3A_210 = arith.muli %scan3A_164, %mul3A_209 : i32
      %add3A_211 = arith.constant 3 : i32
      %add3A_212 = arith.addi %mul3A_210, %add3A_211 : i32
      %gt3A_213 = arith.constant 0 : i32
      %gt3A_214 = arith.cmpi sgt, %scan3A_164, %gt3A_213 : i32
      %convert_element_type3A_215 = arith.extui %gt3A_214 : i1 to i32
      %cond3A_216 = arith.constant 0 : i32
      %cond3A_217 = arith.cmpi ne, %convert_element_type3A_215, %cond3A_216 : i32
      scf.if %cond3A_217 {
        %sub3A = arith.constant 4 : i32
        %sub3A_297 = arith.subi %add3A_212, %sub3A : i32
        %dma_wait3A_298 = arith.constant 1 : i32
        %dma_wait3A_299 = arith.constant 0 : i32
        %dma_wait3A_300 = tpu.memref_slice %arg6[%sub3A_297, %dma_wait3A_298, %dma_wait3A_299] : memref<40x2x64xi32, #tpu.memory_space<vmem>> -> memref<1x1x64xi32, #tpu.memory_space<vmem>>
        %dma_wait3A_301 = tpu.memref_squeeze %dma_wait3A_300 : memref<1x1x64xi32, #tpu.memory_space<vmem>> -> memref<64xi32, #tpu.memory_space<vmem>>
        %dma_wait3A_302 = arith.constant 0 : i32
        %dma_wait3A_303 = arith.constant 0 : i32
        %dma_wait3A_304 = tpu.memref_slice %arg11[%dma_wait3A_302, %dma_wait3A_303] : memref<10112x128xf32, #tpu.memory_space<vmem_shared>> -> memref<10112x128xf32, #tpu.memory_space<vmem_shared>>
        tpu.wait_indirect_dma semaphore(%arg19 : memref<!tpu.dma_semaphore, #tpu.memory_space<semaphore_mem>>) src(%arg10 : memref<64x128xf32, #tpu.memory_space<vmem>>) dst(%dma_wait3A_304 : memref<10112x128xf32, #tpu.memory_space<vmem_shared>>)
      } else {
      }
      %dma_start3A_218 = arith.constant 0 : i32
      %dma_start3A_219 = arith.constant 0 : i32
      %dma_start3A_220 = tpu.memref_slice %arg6[%add3A_212, %dma_start3A_218, %dma_start3A_219] : memref<40x2x64xi32, #tpu.memory_space<vmem>> -> memref<1x1x64xi32, #tpu.memory_space<vmem>>
      %dma_start3A_221 = tpu.memref_squeeze %dma_start3A_220 : memref<1x1x64xi32, #tpu.memory_space<vmem>> -> memref<64xi32, #tpu.memory_space<vmem>>
      %dma_start3A_222 = arith.constant 0 : i32
      %dma_start3A_223 = arith.constant 0 : i32
      %dma_start3A_224 = tpu.memref_slice %arg2[%dma_start3A_222, %dma_start3A_223] : memref<20000x128xf32, #tpu.memory_space<hbm>> -> memref<20000x128xf32, #tpu.memory_space<hbm>>
      tpu.enqueue_indirect_dma source(%dma_start3A_224 : memref<20000x128xf32, #tpu.memory_space<hbm>>) target(%arg10 : memref<64x128xf32, #tpu.memory_space<vmem>>) offsets(%dma_start3A_221 : memref<64xi32, #tpu.memory_space<vmem>>) semaphore(%arg15 : memref<!tpu.dma_semaphore, #tpu.memory_space<semaphore_mem>>)
      %mul3A_225 = arith.constant 4 : i32
      %mul3A_226 = arith.muli %scan3A_164, %mul3A_225 : i32
      %add3A_227 = arith.constant 0 : i32
      %add3A_228 = arith.addi %mul3A_226, %add3A_227 : i32
      %dma_wait3A_229 = arith.constant 0 : i32
      %dma_wait3A_230 = arith.constant 0 : i32
      %dma_wait3A_231 = tpu.memref_slice %arg6[%add3A_228, %dma_wait3A_229, %dma_wait3A_230] : memref<40x2x64xi32, #tpu.memory_space<vmem>> -> memref<1x1x64xi32, #tpu.memory_space<vmem>>
      %dma_wait3A_232 = tpu.memref_squeeze %dma_wait3A_231 : memref<1x1x64xi32, #tpu.memory_space<vmem>> -> memref<64xi32, #tpu.memory_space<vmem>>
      %dma_wait3A_233 = arith.constant 0 : i32
      %dma_wait3A_234 = arith.constant 0 : i32
      %dma_wait3A_235 = tpu.memref_slice %arg2[%dma_wait3A_233, %dma_wait3A_234] : memref<20000x128xf32, #tpu.memory_space<hbm>> -> memref<20000x128xf32, #tpu.memory_space<hbm>>
      tpu.wait_indirect_dma semaphore(%arg12 : memref<!tpu.dma_semaphore, #tpu.memory_space<semaphore_mem>>) src(%dma_wait3A_235 : memref<20000x128xf32, #tpu.memory_space<hbm>>) dst(%arg7 : memref<64x128xf32, #tpu.memory_space<vmem>>)
      %dma_start3A_236 = arith.constant 1 : i32
      %dma_start3A_237 = arith.constant 0 : i32
      %dma_start3A_238 = tpu.memref_slice %arg6[%add3A_228, %dma_start3A_236, %dma_start3A_237] : memref<40x2x64xi32, #tpu.memory_space<vmem>> -> memref<1x1x64xi32, #tpu.memory_space<vmem>>
      %dma_start3A_239 = tpu.memref_squeeze %dma_start3A_238 : memref<1x1x64xi32, #tpu.memory_space<vmem>> -> memref<64xi32, #tpu.memory_space<vmem>>
      %dma_start3A_240 = arith.constant 0 : i32
      %dma_start3A_241 = arith.constant 0 : i32
      %dma_start3A_242 = tpu.memref_slice %arg11[%dma_start3A_240, %dma_start3A_241] : memref<10112x128xf32, #tpu.memory_space<vmem_shared>> -> memref<10112x128xf32, #tpu.memory_space<vmem_shared>>
      tpu.enqueue_indirect_dma source(%arg7 : memref<64x128xf32, #tpu.memory_space<vmem>>) target(%dma_start3A_242 : memref<10112x128xf32, #tpu.memory_space<vmem_shared>>) offsets(%dma_start3A_239 : memref<64xi32, #tpu.memory_space<vmem>>) semaphore(%arg16 : memref<!tpu.dma_semaphore, #tpu.memory_space<semaphore_mem>>) {add = true}
      %mul3A_243 = arith.constant 4 : i32
      %mul3A_244 = arith.muli %scan3A_164, %mul3A_243 : i32
      %add3A_245 = arith.constant 1 : i32
      %add3A_246 = arith.addi %mul3A_244, %add3A_245 : i32
      %dma_wait3A_247 = arith.constant 0 : i32
      %dma_wait3A_248 = arith.constant 0 : i32
      %dma_wait3A_249 = tpu.memref_slice %arg6[%add3A_246, %dma_wait3A_247, %dma_wait3A_248] : memref<40x2x64xi32, #tpu.memory_space<vmem>> -> memref<1x1x64xi32, #tpu.memory_space<vmem>>
      %dma_wait3A_250 = tpu.memref_squeeze %dma_wait3A_249 : memref<1x1x64xi32, #tpu.memory_space<vmem>> -> memref<64xi32, #tpu.memory_space<vmem>>
      %dma_wait3A_251 = arith.constant 0 : i32
      %dma_wait3A_252 = arith.constant 0 : i32
      %dma_wait3A_253 = tpu.memref_slice %arg2[%dma_wait3A_251, %dma_wait3A_252] : memref<20000x128xf32, #tpu.memory_space<hbm>> -> memref<20000x128xf32, #tpu.memory_space<hbm>>
      tpu.wait_indirect_dma semaphore(%arg13 : memref<!tpu.dma_semaphore, #tpu.memory_space<semaphore_mem>>) src(%dma_wait3A_253 : memref<20000x128xf32, #tpu.memory_space<hbm>>) dst(%arg8 : memref<64x128xf32, #tpu.memory_space<vmem>>)
      %dma_start3A_254 = arith.constant 1 : i32
      %dma_start3A_255 = arith.constant 0 : i32
      %dma_start3A_256 = tpu.memref_slice %arg6[%add3A_246, %dma_start3A_254, %dma_start3A_255] : memref<40x2x64xi32, #tpu.memory_space<vmem>> -> memref<1x1x64xi32, #tpu.memory_space<vmem>>
      %dma_start3A_257 = tpu.memref_squeeze %dma_start3A_256 : memref<1x1x64xi32, #tpu.memory_space<vmem>> -> memref<64xi32, #tpu.memory_space<vmem>>
      %dma_start3A_258 = arith.constant 0 : i32
      %dma_start3A_259 = arith.constant 0 : i32
      %dma_start3A_260 = tpu.memref_slice %arg11[%dma_start3A_258, %dma_start3A_259] : memref<10112x128xf32, #tpu.memory_space<vmem_shared>> -> memref<10112x128xf32, #tpu.memory_space<vmem_shared>>
      tpu.enqueue_indirect_dma source(%arg8 : memref<64x128xf32, #tpu.memory_space<vmem>>) target(%dma_start3A_260 : memref<10112x128xf32, #tpu.memory_space<vmem_shared>>) offsets(%dma_start3A_257 : memref<64xi32, #tpu.memory_space<vmem>>) semaphore(%arg17 : memref<!tpu.dma_semaphore, #tpu.memory_space<semaphore_mem>>) {add = true}
      %mul3A_261 = arith.constant 4 : i32
      %mul3A_262 = arith.muli %scan3A_164, %mul3A_261 : i32
      %add3A_263 = arith.constant 2 : i32
      %add3A_264 = arith.addi %mul3A_262, %add3A_263 : i32
      %dma_wait3A_265 = arith.constant 0 : i32
      %dma_wait3A_266 = arith.constant 0 : i32
      %dma_wait3A_267 = tpu.memref_slice %arg6[%add3A_264, %dma_wait3A_265, %dma_wait3A_266] : memref<40x2x64xi32, #tpu.memory_space<vmem>> -> memref<1x1x64xi32, #tpu.memory_space<vmem>>
      %dma_wait3A_268 = tpu.memref_squeeze %dma_wait3A_267 : memref<1x1x64xi32, #tpu.memory_space<vmem>> -> memref<64xi32, #tpu.memory_space<vmem>>
      %dma_wait3A_269 = arith.constant 0 : i32
      %dma_wait3A_270 = arith.constant 0 : i32
      %dma_wait3A_271 = tpu.memref_slice %arg2[%dma_wait3A_269, %dma_wait3A_270] : memref<20000x128xf32, #tpu.memory_space<hbm>> -> memref<20000x128xf32, #tpu.memory_space<hbm>>
      tpu.wait_indirect_dma semaphore(%arg14 : memref<!tpu.dma_semaphore, #tpu.memory_space<semaphore_mem>>) src(%dma_wait3A_271 : memref<20000x128xf32, #tpu.memory_space<hbm>>) dst(%arg9 : memref<64x128xf32, #tpu.memory_space<vmem>>)
      %dma_start3A_272 = arith.constant 1 : i32
      %dma_start3A_273 = arith.constant 0 : i32
      %dma_start3A_274 = tpu.memref_slice %arg6[%add3A_264, %dma_start3A_272, %dma_start3A_273] : memref<40x2x64xi32, #tpu.memory_space<vmem>> -> memref<1x1x64xi32, #tpu.memory_space<vmem>>
      %dma_start3A_275 = tpu.memref_squeeze %dma_start3A_274 : memref<1x1x64xi32, #tpu.memory_space<vmem>> -> memref<64xi32, #tpu.memory_space<vmem>>
      %dma_start3A_276 = arith.constant 0 : i32
      %dma_start3A_277 = arith.constant 0 : i32
      %dma_start3A_278 = tpu.memref_slice %arg11[%dma_start3A_276, %dma_start3A_277] : memref<10112x128xf32, #tpu.memory_space<vmem_shared>> -> memref<10112x128xf32, #tpu.memory_space<vmem_shared>>
      tpu.enqueue_indirect_dma source(%arg9 : memref<64x128xf32, #tpu.memory_space<vmem>>) target(%dma_start3A_278 : memref<10112x128xf32, #tpu.memory_space<vmem_shared>>) offsets(%dma_start3A_275 : memref<64xi32, #tpu.memory_space<vmem>>) semaphore(%arg18 : memref<!tpu.dma_semaphore, #tpu.memory_space<semaphore_mem>>) {add = true}
      %mul3A_279 = arith.constant 4 : i32
      %mul3A_280 = arith.muli %scan3A_164, %mul3A_279 : i32
      %add3A_281 = arith.constant 3 : i32
      %add3A_282 = arith.addi %mul3A_280, %add3A_281 : i32
      %dma_wait3A_283 = arith.constant 0 : i32
      %dma_wait3A_284 = arith.constant 0 : i32
      %dma_wait3A_285 = tpu.memref_slice %arg6[%add3A_282, %dma_wait3A_283, %dma_wait3A_284] : memref<40x2x64xi32, #tpu.memory_space<vmem>> -> memref<1x1x64xi32, #tpu.memory_space<vmem>>
      %dma_wait3A_286 = tpu.memref_squeeze %dma_wait3A_285 : memref<1x1x64xi32, #tpu.memory_space<vmem>> -> memref<64xi32, #tpu.memory_space<vmem>>
      %dma_wait3A_287 = arith.constant 0 : i32
      %dma_wait3A_288 = arith.constant 0 : i32
      %dma_wait3A_289 = tpu.memref_slice %arg2[%dma_wait3A_287, %dma_wait3A_288] : memref<20000x128xf32, #tpu.memory_space<hbm>> -> memref<20000x128xf32, #tpu.memory_space<hbm>>
      tpu.wait_indirect_dma semaphore(%arg15 : memref<!tpu.dma_semaphore, #tpu.memory_space<semaphore_mem>>) src(%dma_wait3A_289 : memref<20000x128xf32, #tpu.memory_space<hbm>>) dst(%arg10 : memref<64x128xf32, #tpu.memory_space<vmem>>)
      %dma_start3A_290 = arith.constant 1 : i32
      %dma_start3A_291 = arith.constant 0 : i32
      %dma_start3A_292 = tpu.memref_slice %arg6[%add3A_282, %dma_start3A_290, %dma_start3A_291] : memref<40x2x64xi32, #tpu.memory_space<vmem>> -> memref<1x1x64xi32, #tpu.memory_space<vmem>>
      %dma_start3A_293 = tpu.memref_squeeze %dma_start3A_292 : memref<1x1x64xi32, #tpu.memory_space<vmem>> -> memref<64xi32, #tpu.memory_space<vmem>>
      %dma_start3A_294 = arith.constant 0 : i32
      %dma_start3A_295 = arith.constant 0 : i32
      %dma_start3A_296 = tpu.memref_slice %arg11[%dma_start3A_294, %dma_start3A_295] : memref<10112x128xf32, #tpu.memory_space<vmem_shared>> -> memref<10112x128xf32, #tpu.memory_space<vmem_shared>>
      tpu.enqueue_indirect_dma source(%arg10 : memref<64x128xf32, #tpu.memory_space<vmem>>) target(%dma_start3A_296 : memref<10112x128xf32, #tpu.memory_space<vmem_shared>>) offsets(%dma_start3A_293 : memref<64xi32, #tpu.memory_space<vmem>>) semaphore(%arg19 : memref<!tpu.dma_semaphore, #tpu.memory_space<semaphore_mem>>) {add = true}
    }
    %scan3A_90 = arith.constant 10 : i32
    %dma_wait3A_91 = arith.constant 36 : i32
    %dma_wait3A_92 = arith.constant 1 : i32
    %dma_wait3A_93 = arith.constant 0 : i32
    %dma_wait3A_94 = tpu.memref_slice %arg6[%dma_wait3A_91, %dma_wait3A_92, %dma_wait3A_93] : memref<40x2x64xi32, #tpu.memory_space<vmem>> -> memref<1x1x64xi32, #tpu.memory_space<vmem>>
    %dma_wait3A_95 = tpu.memref_squeeze %dma_wait3A_94 : memref<1x1x64xi32, #tpu.memory_space<vmem>> -> memref<64xi32, #tpu.memory_space<vmem>>
    %dma_wait3A_96 = arith.constant 0 : i32
    %dma_wait3A_97 = arith.constant 0 : i32
    %dma_wait3A_98 = tpu.memref_slice %arg11[%dma_wait3A_96, %dma_wait3A_97] : memref<10112x128xf32, #tpu.memory_space<vmem_shared>> -> memref<10112x128xf32, #tpu.memory_space<vmem_shared>>
    tpu.wait_indirect_dma semaphore(%arg16 : memref<!tpu.dma_semaphore, #tpu.memory_space<semaphore_mem>>) src(%arg7 : memref<64x128xf32, #tpu.memory_space<vmem>>) dst(%dma_wait3A_98 : memref<10112x128xf32, #tpu.memory_space<vmem_shared>>)
    %dma_wait3A_99 = arith.constant 37 : i32
    %dma_wait3A_100 = arith.constant 1 : i32
    %dma_wait3A_101 = arith.constant 0 : i32
    %dma_wait3A_102 = tpu.memref_slice %arg6[%dma_wait3A_99, %dma_wait3A_100, %dma_wait3A_101] : memref<40x2x64xi32, #tpu.memory_space<vmem>> -> memref<1x1x64xi32, #tpu.memory_space<vmem>>
    %dma_wait3A_103 = tpu.memref_squeeze %dma_wait3A_102 : memref<1x1x64xi32, #tpu.memory_space<vmem>> -> memref<64xi32, #tpu.memory_space<vmem>>
    %dma_wait3A_104 = arith.constant 0 : i32
    %dma_wait3A_105 = arith.constant 0 : i32
    %dma_wait3A_106 = tpu.memref_slice %arg11[%dma_wait3A_104, %dma_wait3A_105] : memref<10112x128xf32, #tpu.memory_space<vmem_shared>> -> memref<10112x128xf32, #tpu.memory_space<vmem_shared>>
    tpu.wait_indirect_dma semaphore(%arg17 : memref<!tpu.dma_semaphore, #tpu.memory_space<semaphore_mem>>) src(%arg8 : memref<64x128xf32, #tpu.memory_space<vmem>>) dst(%dma_wait3A_106 : memref<10112x128xf32, #tpu.memory_space<vmem_shared>>)
    %dma_wait3A_107 = arith.constant 38 : i32
    %dma_wait3A_108 = arith.constant 1 : i32
    %dma_wait3A_109 = arith.constant 0 : i32
    %dma_wait3A_110 = tpu.memref_slice %arg6[%dma_wait3A_107, %dma_wait3A_108, %dma_wait3A_109] : memref<40x2x64xi32, #tpu.memory_space<vmem>> -> memref<1x1x64xi32, #tpu.memory_space<vmem>>
    %dma_wait3A_111 = tpu.memref_squeeze %dma_wait3A_110 : memref<1x1x64xi32, #tpu.memory_space<vmem>> -> memref<64xi32, #tpu.memory_space<vmem>>
    %dma_wait3A_112 = arith.constant 0 : i32
    %dma_wait3A_113 = arith.constant 0 : i32
    %dma_wait3A_114 = tpu.memref_slice %arg11[%dma_wait3A_112, %dma_wait3A_113] : memref<10112x128xf32, #tpu.memory_space<vmem_shared>> -> memref<10112x128xf32, #tpu.memory_space<vmem_shared>>
    tpu.wait_indirect_dma semaphore(%arg18 : memref<!tpu.dma_semaphore, #tpu.memory_space<semaphore_mem>>) src(%arg9 : memref<64x128xf32, #tpu.memory_space<vmem>>) dst(%dma_wait3A_114 : memref<10112x128xf32, #tpu.memory_space<vmem_shared>>)
    %dma_wait3A_115 = arith.constant 39 : i32
    %dma_wait3A_116 = arith.constant 1 : i32
    %dma_wait3A_117 = arith.constant 0 : i32
    %dma_wait3A_118 = tpu.memref_slice %arg6[%dma_wait3A_115, %dma_wait3A_116, %dma_wait3A_117] : memref<40x2x64xi32, #tpu.memory_space<vmem>> -> memref<1x1x64xi32, #tpu.memory_space<vmem>>
    %dma_wait3A_119 = tpu.memref_squeeze %dma_wait3A_118 : memref<1x1x64xi32, #tpu.memory_space<vmem>> -> memref<64xi32, #tpu.memory_space<vmem>>
    %dma_wait3A_120 = arith.constant 0 : i32
    %dma_wait3A_121 = arith.constant 0 : i32
    %dma_wait3A_122 = tpu.memref_slice %arg11[%dma_wait3A_120, %dma_wait3A_121] : memref<10112x128xf32, #tpu.memory_space<vmem_shared>> -> memref<10112x128xf32, #tpu.memory_space<vmem_shared>>
    tpu.wait_indirect_dma semaphore(%arg19 : memref<!tpu.dma_semaphore, #tpu.memory_space<semaphore_mem>>) src(%arg10 : memref<64x128xf32, #tpu.memory_space<vmem>>) dst(%dma_wait3A_122 : memref<10112x128xf32, #tpu.memory_space<vmem_shared>>)
    %add3A_123 = arith.constant 120 : i32
    %add3A_124 = arith.addi %add3A, %add3A_123 : i32
    "tpu.region"() ({
      %run_scoped3A = tpu.sem_alloc : memref<!tpu.dma_semaphore, #tpu.memory_space<semaphore_mem>>
      %dma_start3A = arith.constant 0 : i32
      %dma_start3A_164 = arith.constant 0 : i32
      %dma_start3A_165 = tpu.memref_slice %arg3[%add3A_124, %dma_start3A, %dma_start3A_164] : memref<5120x2x64xi32, #tpu.memory_space<hbm>> -> memref<40x2x64xi32, #tpu.memory_space<hbm>>
      %dma_start3A_166 = arith.constant 0 : i32
      %dma_start3A_167 = arith.constant 0 : i32
      %dma_start3A_168 = tpu.memref_slice %arg3[%add3A_124, %dma_start3A_166, %dma_start3A_167] : memref<5120x2x64xi32, #tpu.memory_space<hbm>> -> memref<40x2x64xi32, #tpu.memory_space<hbm>>
      tpu.enqueue_dma source(%dma_start3A_168 : memref<40x2x64xi32, #tpu.memory_space<hbm>>) target(%arg6 : memref<40x2x64xi32, #tpu.memory_space<vmem>>) target_semaphore(%run_scoped3A : memref<!tpu.dma_semaphore, #tpu.memory_space<semaphore_mem>>)
      %dma_wait3A_169 = arith.constant 0 : i32
      %dma_wait3A_170 = arith.constant 0 : i32
      %dma_wait3A_171 = tpu.memref_slice %arg3[%add3A_124, %dma_wait3A_169, %dma_wait3A_170] : memref<5120x2x64xi32, #tpu.memory_space<hbm>> -> memref<40x2x64xi32, #tpu.memory_space<hbm>>
      %dma_wait3A_172 = arith.constant 0 : i32
      %dma_wait3A_173 = arith.constant 0 : i32
      %dma_wait3A_174 = tpu.memref_slice %arg3[%add3A_124, %dma_wait3A_172, %dma_wait3A_173] : memref<5120x2x64xi32, #tpu.memory_space<hbm>> -> memref<40x2x64xi32, #tpu.memory_space<hbm>>
      tpu.wait_dma2 semaphore(%run_scoped3A : memref<!tpu.dma_semaphore, #tpu.memory_space<semaphore_mem>>) src(%dma_wait3A_174 : memref<40x2x64xi32, #tpu.memory_space<hbm>>) dst(%arg6 : memref<40x2x64xi32, #tpu.memory_space<vmem>>)
      tpu.yield
    }) : () -> ()
    %scan3A_125 = arith.constant 0 : i32
    %scan3A_126 = arith.constant 0 : i32
    %scan3A_127 = arith.constant 10 : i32
    %scan3A_128 = arith.addi %scan3A_126, %scan3A_127 : i32
    %scan3A_129 = arith.constant 1 : i32
    scf.for %scan3A_164 = %scan3A_126 to %scan3A_128 step %scan3A_129  : i32 {
      %mul3A_165 = arith.constant 4 : i32
      %mul3A_166 = arith.muli %scan3A_164, %mul3A_165 : i32
      %add3A_167 = arith.constant 0 : i32
      %add3A_168 = arith.addi %mul3A_166, %add3A_167 : i32
      %gt3A = arith.constant 0 : i32
      %gt3A_169 = arith.cmpi sgt, %scan3A_164, %gt3A : i32
      %convert_element_type3A = arith.extui %gt3A_169 : i1 to i32
      %cond3A = arith.constant 0 : i32
      %cond3A_170 = arith.cmpi ne, %convert_element_type3A, %cond3A : i32
      scf.if %cond3A_170 {
        %sub3A = arith.constant 4 : i32
        %sub3A_297 = arith.subi %add3A_168, %sub3A : i32
        %dma_wait3A_298 = arith.constant 1 : i32
        %dma_wait3A_299 = arith.constant 0 : i32
        %dma_wait3A_300 = tpu.memref_slice %arg6[%sub3A_297, %dma_wait3A_298, %dma_wait3A_299] : memref<40x2x64xi32, #tpu.memory_space<vmem>> -> memref<1x1x64xi32, #tpu.memory_space<vmem>>
        %dma_wait3A_301 = tpu.memref_squeeze %dma_wait3A_300 : memref<1x1x64xi32, #tpu.memory_space<vmem>> -> memref<64xi32, #tpu.memory_space<vmem>>
        %dma_wait3A_302 = arith.constant 0 : i32
        %dma_wait3A_303 = arith.constant 0 : i32
        %dma_wait3A_304 = tpu.memref_slice %arg11[%dma_wait3A_302, %dma_wait3A_303] : memref<10112x128xf32, #tpu.memory_space<vmem_shared>> -> memref<10112x128xf32, #tpu.memory_space<vmem_shared>>
        tpu.wait_indirect_dma semaphore(%arg16 : memref<!tpu.dma_semaphore, #tpu.memory_space<semaphore_mem>>) src(%arg7 : memref<64x128xf32, #tpu.memory_space<vmem>>) dst(%dma_wait3A_304 : memref<10112x128xf32, #tpu.memory_space<vmem_shared>>)
      } else {
      }
      %dma_start3A = arith.constant 0 : i32
      %dma_start3A_171 = arith.constant 0 : i32
      %dma_start3A_172 = tpu.memref_slice %arg6[%add3A_168, %dma_start3A, %dma_start3A_171] : memref<40x2x64xi32, #tpu.memory_space<vmem>> -> memref<1x1x64xi32, #tpu.memory_space<vmem>>
      %dma_start3A_173 = tpu.memref_squeeze %dma_start3A_172 : memref<1x1x64xi32, #tpu.memory_space<vmem>> -> memref<64xi32, #tpu.memory_space<vmem>>
      %dma_start3A_174 = arith.constant 0 : i32
      %dma_start3A_175 = arith.constant 0 : i32
      %dma_start3A_176 = tpu.memref_slice %arg2[%dma_start3A_174, %dma_start3A_175] : memref<20000x128xf32, #tpu.memory_space<hbm>> -> memref<20000x128xf32, #tpu.memory_space<hbm>>
      tpu.enqueue_indirect_dma source(%dma_start3A_176 : memref<20000x128xf32, #tpu.memory_space<hbm>>) target(%arg7 : memref<64x128xf32, #tpu.memory_space<vmem>>) offsets(%dma_start3A_173 : memref<64xi32, #tpu.memory_space<vmem>>) semaphore(%arg12 : memref<!tpu.dma_semaphore, #tpu.memory_space<semaphore_mem>>)
      %mul3A_177 = arith.constant 4 : i32
      %mul3A_178 = arith.muli %scan3A_164, %mul3A_177 : i32
      %add3A_179 = arith.constant 1 : i32
      %add3A_180 = arith.addi %mul3A_178, %add3A_179 : i32
      %gt3A_181 = arith.constant 0 : i32
      %gt3A_182 = arith.cmpi sgt, %scan3A_164, %gt3A_181 : i32
      %convert_element_type3A_183 = arith.extui %gt3A_182 : i1 to i32
      %cond3A_184 = arith.constant 0 : i32
      %cond3A_185 = arith.cmpi ne, %convert_element_type3A_183, %cond3A_184 : i32
      scf.if %cond3A_185 {
        %sub3A = arith.constant 4 : i32
        %sub3A_297 = arith.subi %add3A_180, %sub3A : i32
        %dma_wait3A_298 = arith.constant 1 : i32
        %dma_wait3A_299 = arith.constant 0 : i32
        %dma_wait3A_300 = tpu.memref_slice %arg6[%sub3A_297, %dma_wait3A_298, %dma_wait3A_299] : memref<40x2x64xi32, #tpu.memory_space<vmem>> -> memref<1x1x64xi32, #tpu.memory_space<vmem>>
        %dma_wait3A_301 = tpu.memref_squeeze %dma_wait3A_300 : memref<1x1x64xi32, #tpu.memory_space<vmem>> -> memref<64xi32, #tpu.memory_space<vmem>>
        %dma_wait3A_302 = arith.constant 0 : i32
        %dma_wait3A_303 = arith.constant 0 : i32
        %dma_wait3A_304 = tpu.memref_slice %arg11[%dma_wait3A_302, %dma_wait3A_303] : memref<10112x128xf32, #tpu.memory_space<vmem_shared>> -> memref<10112x128xf32, #tpu.memory_space<vmem_shared>>
        tpu.wait_indirect_dma semaphore(%arg17 : memref<!tpu.dma_semaphore, #tpu.memory_space<semaphore_mem>>) src(%arg8 : memref<64x128xf32, #tpu.memory_space<vmem>>) dst(%dma_wait3A_304 : memref<10112x128xf32, #tpu.memory_space<vmem_shared>>)
      } else {
      }
      %dma_start3A_186 = arith.constant 0 : i32
      %dma_start3A_187 = arith.constant 0 : i32
      %dma_start3A_188 = tpu.memref_slice %arg6[%add3A_180, %dma_start3A_186, %dma_start3A_187] : memref<40x2x64xi32, #tpu.memory_space<vmem>> -> memref<1x1x64xi32, #tpu.memory_space<vmem>>
      %dma_start3A_189 = tpu.memref_squeeze %dma_start3A_188 : memref<1x1x64xi32, #tpu.memory_space<vmem>> -> memref<64xi32, #tpu.memory_space<vmem>>
      %dma_start3A_190 = arith.constant 0 : i32
      %dma_start3A_191 = arith.constant 0 : i32
      %dma_start3A_192 = tpu.memref_slice %arg2[%dma_start3A_190, %dma_start3A_191] : memref<20000x128xf32, #tpu.memory_space<hbm>> -> memref<20000x128xf32, #tpu.memory_space<hbm>>
      tpu.enqueue_indirect_dma source(%dma_start3A_192 : memref<20000x128xf32, #tpu.memory_space<hbm>>) target(%arg8 : memref<64x128xf32, #tpu.memory_space<vmem>>) offsets(%dma_start3A_189 : memref<64xi32, #tpu.memory_space<vmem>>) semaphore(%arg13 : memref<!tpu.dma_semaphore, #tpu.memory_space<semaphore_mem>>)
      %mul3A_193 = arith.constant 4 : i32
      %mul3A_194 = arith.muli %scan3A_164, %mul3A_193 : i32
      %add3A_195 = arith.constant 2 : i32
      %add3A_196 = arith.addi %mul3A_194, %add3A_195 : i32
      %gt3A_197 = arith.constant 0 : i32
      %gt3A_198 = arith.cmpi sgt, %scan3A_164, %gt3A_197 : i32
      %convert_element_type3A_199 = arith.extui %gt3A_198 : i1 to i32
      %cond3A_200 = arith.constant 0 : i32
      %cond3A_201 = arith.cmpi ne, %convert_element_type3A_199, %cond3A_200 : i32
      scf.if %cond3A_201 {
        %sub3A = arith.constant 4 : i32
        %sub3A_297 = arith.subi %add3A_196, %sub3A : i32
        %dma_wait3A_298 = arith.constant 1 : i32
        %dma_wait3A_299 = arith.constant 0 : i32
        %dma_wait3A_300 = tpu.memref_slice %arg6[%sub3A_297, %dma_wait3A_298, %dma_wait3A_299] : memref<40x2x64xi32, #tpu.memory_space<vmem>> -> memref<1x1x64xi32, #tpu.memory_space<vmem>>
        %dma_wait3A_301 = tpu.memref_squeeze %dma_wait3A_300 : memref<1x1x64xi32, #tpu.memory_space<vmem>> -> memref<64xi32, #tpu.memory_space<vmem>>
        %dma_wait3A_302 = arith.constant 0 : i32
        %dma_wait3A_303 = arith.constant 0 : i32
        %dma_wait3A_304 = tpu.memref_slice %arg11[%dma_wait3A_302, %dma_wait3A_303] : memref<10112x128xf32, #tpu.memory_space<vmem_shared>> -> memref<10112x128xf32, #tpu.memory_space<vmem_shared>>
        tpu.wait_indirect_dma semaphore(%arg18 : memref<!tpu.dma_semaphore, #tpu.memory_space<semaphore_mem>>) src(%arg9 : memref<64x128xf32, #tpu.memory_space<vmem>>) dst(%dma_wait3A_304 : memref<10112x128xf32, #tpu.memory_space<vmem_shared>>)
      } else {
      }
      %dma_start3A_202 = arith.constant 0 : i32
      %dma_start3A_203 = arith.constant 0 : i32
      %dma_start3A_204 = tpu.memref_slice %arg6[%add3A_196, %dma_start3A_202, %dma_start3A_203] : memref<40x2x64xi32, #tpu.memory_space<vmem>> -> memref<1x1x64xi32, #tpu.memory_space<vmem>>
      %dma_start3A_205 = tpu.memref_squeeze %dma_start3A_204 : memref<1x1x64xi32, #tpu.memory_space<vmem>> -> memref<64xi32, #tpu.memory_space<vmem>>
      %dma_start3A_206 = arith.constant 0 : i32
      %dma_start3A_207 = arith.constant 0 : i32
      %dma_start3A_208 = tpu.memref_slice %arg2[%dma_start3A_206, %dma_start3A_207] : memref<20000x128xf32, #tpu.memory_space<hbm>> -> memref<20000x128xf32, #tpu.memory_space<hbm>>
      tpu.enqueue_indirect_dma source(%dma_start3A_208 : memref<20000x128xf32, #tpu.memory_space<hbm>>) target(%arg9 : memref<64x128xf32, #tpu.memory_space<vmem>>) offsets(%dma_start3A_205 : memref<64xi32, #tpu.memory_space<vmem>>) semaphore(%arg14 : memref<!tpu.dma_semaphore, #tpu.memory_space<semaphore_mem>>)
      %mul3A_209 = arith.constant 4 : i32
      %mul3A_210 = arith.muli %scan3A_164, %mul3A_209 : i32
      %add3A_211 = arith.constant 3 : i32
      %add3A_212 = arith.addi %mul3A_210, %add3A_211 : i32
      %gt3A_213 = arith.constant 0 : i32
      %gt3A_214 = arith.cmpi sgt, %scan3A_164, %gt3A_213 : i32
      %convert_element_type3A_215 = arith.extui %gt3A_214 : i1 to i32
      %cond3A_216 = arith.constant 0 : i32
      %cond3A_217 = arith.cmpi ne, %convert_element_type3A_215, %cond3A_216 : i32
      scf.if %cond3A_217 {
        %sub3A = arith.constant 4 : i32
        %sub3A_297 = arith.subi %add3A_212, %sub3A : i32
        %dma_wait3A_298 = arith.constant 1 : i32
        %dma_wait3A_299 = arith.constant 0 : i32
        %dma_wait3A_300 = tpu.memref_slice %arg6[%sub3A_297, %dma_wait3A_298, %dma_wait3A_299] : memref<40x2x64xi32, #tpu.memory_space<vmem>> -> memref<1x1x64xi32, #tpu.memory_space<vmem>>
        %dma_wait3A_301 = tpu.memref_squeeze %dma_wait3A_300 : memref<1x1x64xi32, #tpu.memory_space<vmem>> -> memref<64xi32, #tpu.memory_space<vmem>>
        %dma_wait3A_302 = arith.constant 0 : i32
        %dma_wait3A_303 = arith.constant 0 : i32
        %dma_wait3A_304 = tpu.memref_slice %arg11[%dma_wait3A_302, %dma_wait3A_303] : memref<10112x128xf32, #tpu.memory_space<vmem_shared>> -> memref<10112x128xf32, #tpu.memory_space<vmem_shared>>
        tpu.wait_indirect_dma semaphore(%arg19 : memref<!tpu.dma_semaphore, #tpu.memory_space<semaphore_mem>>) src(%arg10 : memref<64x128xf32, #tpu.memory_space<vmem>>) dst(%dma_wait3A_304 : memref<10112x128xf32, #tpu.memory_space<vmem_shared>>)
      } else {
      }
      %dma_start3A_218 = arith.constant 0 : i32
      %dma_start3A_219 = arith.constant 0 : i32
      %dma_start3A_220 = tpu.memref_slice %arg6[%add3A_212, %dma_start3A_218, %dma_start3A_219] : memref<40x2x64xi32, #tpu.memory_space<vmem>> -> memref<1x1x64xi32, #tpu.memory_space<vmem>>
      %dma_start3A_221 = tpu.memref_squeeze %dma_start3A_220 : memref<1x1x64xi32, #tpu.memory_space<vmem>> -> memref<64xi32, #tpu.memory_space<vmem>>
      %dma_start3A_222 = arith.constant 0 : i32
      %dma_start3A_223 = arith.constant 0 : i32
      %dma_start3A_224 = tpu.memref_slice %arg2[%dma_start3A_222, %dma_start3A_223] : memref<20000x128xf32, #tpu.memory_space<hbm>> -> memref<20000x128xf32, #tpu.memory_space<hbm>>
      tpu.enqueue_indirect_dma source(%dma_start3A_224 : memref<20000x128xf32, #tpu.memory_space<hbm>>) target(%arg10 : memref<64x128xf32, #tpu.memory_space<vmem>>) offsets(%dma_start3A_221 : memref<64xi32, #tpu.memory_space<vmem>>) semaphore(%arg15 : memref<!tpu.dma_semaphore, #tpu.memory_space<semaphore_mem>>)
      %mul3A_225 = arith.constant 4 : i32
      %mul3A_226 = arith.muli %scan3A_164, %mul3A_225 : i32
      %add3A_227 = arith.constant 0 : i32
      %add3A_228 = arith.addi %mul3A_226, %add3A_227 : i32
      %dma_wait3A_229 = arith.constant 0 : i32
      %dma_wait3A_230 = arith.constant 0 : i32
      %dma_wait3A_231 = tpu.memref_slice %arg6[%add3A_228, %dma_wait3A_229, %dma_wait3A_230] : memref<40x2x64xi32, #tpu.memory_space<vmem>> -> memref<1x1x64xi32, #tpu.memory_space<vmem>>
      %dma_wait3A_232 = tpu.memref_squeeze %dma_wait3A_231 : memref<1x1x64xi32, #tpu.memory_space<vmem>> -> memref<64xi32, #tpu.memory_space<vmem>>
      %dma_wait3A_233 = arith.constant 0 : i32
      %dma_wait3A_234 = arith.constant 0 : i32
      %dma_wait3A_235 = tpu.memref_slice %arg2[%dma_wait3A_233, %dma_wait3A_234] : memref<20000x128xf32, #tpu.memory_space<hbm>> -> memref<20000x128xf32, #tpu.memory_space<hbm>>
      tpu.wait_indirect_dma semaphore(%arg12 : memref<!tpu.dma_semaphore, #tpu.memory_space<semaphore_mem>>) src(%dma_wait3A_235 : memref<20000x128xf32, #tpu.memory_space<hbm>>) dst(%arg7 : memref<64x128xf32, #tpu.memory_space<vmem>>)
      %dma_start3A_236 = arith.constant 1 : i32
      %dma_start3A_237 = arith.constant 0 : i32
      %dma_start3A_238 = tpu.memref_slice %arg6[%add3A_228, %dma_start3A_236, %dma_start3A_237] : memref<40x2x64xi32, #tpu.memory_space<vmem>> -> memref<1x1x64xi32, #tpu.memory_space<vmem>>
      %dma_start3A_239 = tpu.memref_squeeze %dma_start3A_238 : memref<1x1x64xi32, #tpu.memory_space<vmem>> -> memref<64xi32, #tpu.memory_space<vmem>>
      %dma_start3A_240 = arith.constant 0 : i32
      %dma_start3A_241 = arith.constant 0 : i32
      %dma_start3A_242 = tpu.memref_slice %arg11[%dma_start3A_240, %dma_start3A_241] : memref<10112x128xf32, #tpu.memory_space<vmem_shared>> -> memref<10112x128xf32, #tpu.memory_space<vmem_shared>>
      tpu.enqueue_indirect_dma source(%arg7 : memref<64x128xf32, #tpu.memory_space<vmem>>) target(%dma_start3A_242 : memref<10112x128xf32, #tpu.memory_space<vmem_shared>>) offsets(%dma_start3A_239 : memref<64xi32, #tpu.memory_space<vmem>>) semaphore(%arg16 : memref<!tpu.dma_semaphore, #tpu.memory_space<semaphore_mem>>) {add = true}
      %mul3A_243 = arith.constant 4 : i32
      %mul3A_244 = arith.muli %scan3A_164, %mul3A_243 : i32
      %add3A_245 = arith.constant 1 : i32
      %add3A_246 = arith.addi %mul3A_244, %add3A_245 : i32
      %dma_wait3A_247 = arith.constant 0 : i32
      %dma_wait3A_248 = arith.constant 0 : i32
      %dma_wait3A_249 = tpu.memref_slice %arg6[%add3A_246, %dma_wait3A_247, %dma_wait3A_248] : memref<40x2x64xi32, #tpu.memory_space<vmem>> -> memref<1x1x64xi32, #tpu.memory_space<vmem>>
      %dma_wait3A_250 = tpu.memref_squeeze %dma_wait3A_249 : memref<1x1x64xi32, #tpu.memory_space<vmem>> -> memref<64xi32, #tpu.memory_space<vmem>>
      %dma_wait3A_251 = arith.constant 0 : i32
      %dma_wait3A_252 = arith.constant 0 : i32
      %dma_wait3A_253 = tpu.memref_slice %arg2[%dma_wait3A_251, %dma_wait3A_252] : memref<20000x128xf32, #tpu.memory_space<hbm>> -> memref<20000x128xf32, #tpu.memory_space<hbm>>
      tpu.wait_indirect_dma semaphore(%arg13 : memref<!tpu.dma_semaphore, #tpu.memory_space<semaphore_mem>>) src(%dma_wait3A_253 : memref<20000x128xf32, #tpu.memory_space<hbm>>) dst(%arg8 : memref<64x128xf32, #tpu.memory_space<vmem>>)
      %dma_start3A_254 = arith.constant 1 : i32
      %dma_start3A_255 = arith.constant 0 : i32
      %dma_start3A_256 = tpu.memref_slice %arg6[%add3A_246, %dma_start3A_254, %dma_start3A_255] : memref<40x2x64xi32, #tpu.memory_space<vmem>> -> memref<1x1x64xi32, #tpu.memory_space<vmem>>
      %dma_start3A_257 = tpu.memref_squeeze %dma_start3A_256 : memref<1x1x64xi32, #tpu.memory_space<vmem>> -> memref<64xi32, #tpu.memory_space<vmem>>
      %dma_start3A_258 = arith.constant 0 : i32
      %dma_start3A_259 = arith.constant 0 : i32
      %dma_start3A_260 = tpu.memref_slice %arg11[%dma_start3A_258, %dma_start3A_259] : memref<10112x128xf32, #tpu.memory_space<vmem_shared>> -> memref<10112x128xf32, #tpu.memory_space<vmem_shared>>
      tpu.enqueue_indirect_dma source(%arg8 : memref<64x128xf32, #tpu.memory_space<vmem>>) target(%dma_start3A_260 : memref<10112x128xf32, #tpu.memory_space<vmem_shared>>) offsets(%dma_start3A_257 : memref<64xi32, #tpu.memory_space<vmem>>) semaphore(%arg17 : memref<!tpu.dma_semaphore, #tpu.memory_space<semaphore_mem>>) {add = true}
      %mul3A_261 = arith.constant 4 : i32
      %mul3A_262 = arith.muli %scan3A_164, %mul3A_261 : i32
      %add3A_263 = arith.constant 2 : i32
      %add3A_264 = arith.addi %mul3A_262, %add3A_263 : i32
      %dma_wait3A_265 = arith.constant 0 : i32
      %dma_wait3A_266 = arith.constant 0 : i32
      %dma_wait3A_267 = tpu.memref_slice %arg6[%add3A_264, %dma_wait3A_265, %dma_wait3A_266] : memref<40x2x64xi32, #tpu.memory_space<vmem>> -> memref<1x1x64xi32, #tpu.memory_space<vmem>>
      %dma_wait3A_268 = tpu.memref_squeeze %dma_wait3A_267 : memref<1x1x64xi32, #tpu.memory_space<vmem>> -> memref<64xi32, #tpu.memory_space<vmem>>
      %dma_wait3A_269 = arith.constant 0 : i32
      %dma_wait3A_270 = arith.constant 0 : i32
      %dma_wait3A_271 = tpu.memref_slice %arg2[%dma_wait3A_269, %dma_wait3A_270] : memref<20000x128xf32, #tpu.memory_space<hbm>> -> memref<20000x128xf32, #tpu.memory_space<hbm>>
      tpu.wait_indirect_dma semaphore(%arg14 : memref<!tpu.dma_semaphore, #tpu.memory_space<semaphore_mem>>) src(%dma_wait3A_271 : memref<20000x128xf32, #tpu.memory_space<hbm>>) dst(%arg9 : memref<64x128xf32, #tpu.memory_space<vmem>>)
      %dma_start3A_272 = arith.constant 1 : i32
      %dma_start3A_273 = arith.constant 0 : i32
      %dma_start3A_274 = tpu.memref_slice %arg6[%add3A_264, %dma_start3A_272, %dma_start3A_273] : memref<40x2x64xi32, #tpu.memory_space<vmem>> -> memref<1x1x64xi32, #tpu.memory_space<vmem>>
      %dma_start3A_275 = tpu.memref_squeeze %dma_start3A_274 : memref<1x1x64xi32, #tpu.memory_space<vmem>> -> memref<64xi32, #tpu.memory_space<vmem>>
      %dma_start3A_276 = arith.constant 0 : i32
      %dma_start3A_277 = arith.constant 0 : i32
      %dma_start3A_278 = tpu.memref_slice %arg11[%dma_start3A_276, %dma_start3A_277] : memref<10112x128xf32, #tpu.memory_space<vmem_shared>> -> memref<10112x128xf32, #tpu.memory_space<vmem_shared>>
      tpu.enqueue_indirect_dma source(%arg9 : memref<64x128xf32, #tpu.memory_space<vmem>>) target(%dma_start3A_278 : memref<10112x128xf32, #tpu.memory_space<vmem_shared>>) offsets(%dma_start3A_275 : memref<64xi32, #tpu.memory_space<vmem>>) semaphore(%arg18 : memref<!tpu.dma_semaphore, #tpu.memory_space<semaphore_mem>>) {add = true}
      %mul3A_279 = arith.constant 4 : i32
      %mul3A_280 = arith.muli %scan3A_164, %mul3A_279 : i32
      %add3A_281 = arith.constant 3 : i32
      %add3A_282 = arith.addi %mul3A_280, %add3A_281 : i32
      %dma_wait3A_283 = arith.constant 0 : i32
      %dma_wait3A_284 = arith.constant 0 : i32
      %dma_wait3A_285 = tpu.memref_slice %arg6[%add3A_282, %dma_wait3A_283, %dma_wait3A_284] : memref<40x2x64xi32, #tpu.memory_space<vmem>> -> memref<1x1x64xi32, #tpu.memory_space<vmem>>
      %dma_wait3A_286 = tpu.memref_squeeze %dma_wait3A_285 : memref<1x1x64xi32, #tpu.memory_space<vmem>> -> memref<64xi32, #tpu.memory_space<vmem>>
      %dma_wait3A_287 = arith.constant 0 : i32
      %dma_wait3A_288 = arith.constant 0 : i32
      %dma_wait3A_289 = tpu.memref_slice %arg2[%dma_wait3A_287, %dma_wait3A_288] : memref<20000x128xf32, #tpu.memory_space<hbm>> -> memref<20000x128xf32, #tpu.memory_space<hbm>>
      tpu.wait_indirect_dma semaphore(%arg15 : memref<!tpu.dma_semaphore, #tpu.memory_space<semaphore_mem>>) src(%dma_wait3A_289 : memref<20000x128xf32, #tpu.memory_space<hbm>>) dst(%arg10 : memref<64x128xf32, #tpu.memory_space<vmem>>)
      %dma_start3A_290 = arith.constant 1 : i32
      %dma_start3A_291 = arith.constant 0 : i32
      %dma_start3A_292 = tpu.memref_slice %arg6[%add3A_282, %dma_start3A_290, %dma_start3A_291] : memref<40x2x64xi32, #tpu.memory_space<vmem>> -> memref<1x1x64xi32, #tpu.memory_space<vmem>>
      %dma_start3A_293 = tpu.memref_squeeze %dma_start3A_292 : memref<1x1x64xi32, #tpu.memory_space<vmem>> -> memref<64xi32, #tpu.memory_space<vmem>>
      %dma_start3A_294 = arith.constant 0 : i32
      %dma_start3A_295 = arith.constant 0 : i32
      %dma_start3A_296 = tpu.memref_slice %arg11[%dma_start3A_294, %dma_start3A_295] : memref<10112x128xf32, #tpu.memory_space<vmem_shared>> -> memref<10112x128xf32, #tpu.memory_space<vmem_shared>>
      tpu.enqueue_indirect_dma source(%arg10 : memref<64x128xf32, #tpu.memory_space<vmem>>) target(%dma_start3A_296 : memref<10112x128xf32, #tpu.memory_space<vmem_shared>>) offsets(%dma_start3A_293 : memref<64xi32, #tpu.memory_space<vmem>>) semaphore(%arg19 : memref<!tpu.dma_semaphore, #tpu.memory_space<semaphore_mem>>) {add = true}
    }
    %scan3A_130 = arith.constant 10 : i32
    %dma_wait3A_131 = arith.constant 36 : i32
    %dma_wait3A_132 = arith.constant 1 : i32
    %dma_wait3A_133 = arith.constant 0 : i32
    %dma_wait3A_134 = tpu.memref_slice %arg6[%dma_wait3A_131, %dma_wait3A_132, %dma_wait3A_133] : memref<40x2x64xi32, #tpu.memory_space<vmem>> -> memref<1x1x64xi32, #tpu.memory_space<vmem>>
    %dma_wait3A_135 = tpu.memref_squeeze %dma_wait3A_134 : memref<1x1x64xi32, #tpu.memory_space<vmem>> -> memref<64xi32, #tpu.memory_space<vmem>>
    %dma_wait3A_136 = arith.constant 0 : i32
    %dma_wait3A_137 = arith.constant 0 : i32
    %dma_wait3A_138 = tpu.memref_slice %arg11[%dma_wait3A_136, %dma_wait3A_137] : memref<10112x128xf32, #tpu.memory_space<vmem_shared>> -> memref<10112x128xf32, #tpu.memory_space<vmem_shared>>
    tpu.wait_indirect_dma semaphore(%arg16 : memref<!tpu.dma_semaphore, #tpu.memory_space<semaphore_mem>>) src(%arg7 : memref<64x128xf32, #tpu.memory_space<vmem>>) dst(%dma_wait3A_138 : memref<10112x128xf32, #tpu.memory_space<vmem_shared>>)
    %dma_wait3A_139 = arith.constant 37 : i32
    %dma_wait3A_140 = arith.constant 1 : i32
    %dma_wait3A_141 = arith.constant 0 : i32
    %dma_wait3A_142 = tpu.memref_slice %arg6[%dma_wait3A_139, %dma_wait3A_140, %dma_wait3A_141] : memref<40x2x64xi32, #tpu.memory_space<vmem>> -> memref<1x1x64xi32, #tpu.memory_space<vmem>>
    %dma_wait3A_143 = tpu.memref_squeeze %dma_wait3A_142 : memref<1x1x64xi32, #tpu.memory_space<vmem>> -> memref<64xi32, #tpu.memory_space<vmem>>
    %dma_wait3A_144 = arith.constant 0 : i32
    %dma_wait3A_145 = arith.constant 0 : i32
    %dma_wait3A_146 = tpu.memref_slice %arg11[%dma_wait3A_144, %dma_wait3A_145] : memref<10112x128xf32, #tpu.memory_space<vmem_shared>> -> memref<10112x128xf32, #tpu.memory_space<vmem_shared>>
    tpu.wait_indirect_dma semaphore(%arg17 : memref<!tpu.dma_semaphore, #tpu.memory_space<semaphore_mem>>) src(%arg8 : memref<64x128xf32, #tpu.memory_space<vmem>>) dst(%dma_wait3A_146 : memref<10112x128xf32, #tpu.memory_space<vmem_shared>>)
    %dma_wait3A_147 = arith.constant 38 : i32
    %dma_wait3A_148 = arith.constant 1 : i32
    %dma_wait3A_149 = arith.constant 0 : i32
    %dma_wait3A_150 = tpu.memref_slice %arg6[%dma_wait3A_147, %dma_wait3A_148, %dma_wait3A_149] : memref<40x2x64xi32, #tpu.memory_space<vmem>> -> memref<1x1x64xi32, #tpu.memory_space<vmem>>
    %dma_wait3A_151 = tpu.memref_squeeze %dma_wait3A_150 : memref<1x1x64xi32, #tpu.memory_space<vmem>> -> memref<64xi32, #tpu.memory_space<vmem>>
    %dma_wait3A_152 = arith.constant 0 : i32
    %dma_wait3A_153 = arith.constant 0 : i32
    %dma_wait3A_154 = tpu.memref_slice %arg11[%dma_wait3A_152, %dma_wait3A_153] : memref<10112x128xf32, #tpu.memory_space<vmem_shared>> -> memref<10112x128xf32, #tpu.memory_space<vmem_shared>>
    tpu.wait_indirect_dma semaphore(%arg18 : memref<!tpu.dma_semaphore, #tpu.memory_space<semaphore_mem>>) src(%arg9 : memref<64x128xf32, #tpu.memory_space<vmem>>) dst(%dma_wait3A_154 : memref<10112x128xf32, #tpu.memory_space<vmem_shared>>)
    %dma_wait3A_155 = arith.constant 39 : i32
    %dma_wait3A_156 = arith.constant 1 : i32
    %dma_wait3A_157 = arith.constant 0 : i32
    %dma_wait3A_158 = tpu.memref_slice %arg6[%dma_wait3A_155, %dma_wait3A_156, %dma_wait3A_157] : memref<40x2x64xi32, #tpu.memory_space<vmem>> -> memref<1x1x64xi32, #tpu.memory_space<vmem>>
    %dma_wait3A_159 = tpu.memref_squeeze %dma_wait3A_158 : memref<1x1x64xi32, #tpu.memory_space<vmem>> -> memref<64xi32, #tpu.memory_space<vmem>>
    %dma_wait3A_160 = arith.constant 0 : i32
    %dma_wait3A_161 = arith.constant 0 : i32
    %dma_wait3A_162 = tpu.memref_slice %arg11[%dma_wait3A_160, %dma_wait3A_161] : memref<10112x128xf32, #tpu.memory_space<vmem_shared>> -> memref<10112x128xf32, #tpu.memory_space<vmem_shared>>
    tpu.wait_indirect_dma semaphore(%arg19 : memref<!tpu.dma_semaphore, #tpu.memory_space<semaphore_mem>>) src(%arg10 : memref<64x128xf32, #tpu.memory_space<vmem>>) dst(%dma_wait3A_162 : memref<10112x128xf32, #tpu.memory_space<vmem_shared>>)
    %barrier3A_163 = arith.constant 0 : index
    tpu.barrier barrier_id(%barrier3A_163)
    "tpu.region"() ({
      %run_scoped3A = tpu.sem_alloc : memref<!tpu.dma_semaphore, #tpu.memory_space<semaphore_mem>>
      %dma_start3A = arith.constant 0 : i32
      %dma_start3A_164 = tpu.memref_slice %arg5[%arg0, %multiple_of3A, %dma_start3A] : memref<2x10112x128xf32, #tpu.memory_space<hbm>> -> memref<1x632x128xf32, #tpu.memory_space<hbm>>
      %dma_start3A_165 = tpu.memref_squeeze %dma_start3A_164 : memref<1x632x128xf32, #tpu.memory_space<hbm>> -> memref<632x128xf32, #tpu.memory_space<hbm>>
      %dma_start3A_166 = arith.constant 0 : i32
      %dma_start3A_167 = tpu.memref_slice %arg11[%multiple_of3A, %dma_start3A_166] : memref<10112x128xf32, #tpu.memory_space<vmem_shared>> -> memref<632x128xf32, #tpu.memory_space<vmem_shared>>
      tpu.enqueue_dma source(%dma_start3A_167 : memref<632x128xf32, #tpu.memory_space<vmem_shared>>) target(%dma_start3A_165 : memref<632x128xf32, #tpu.memory_space<hbm>>) target_semaphore(%run_scoped3A : memref<!tpu.dma_semaphore, #tpu.memory_space<semaphore_mem>>)
      %dma_wait3A_168 = arith.constant 0 : i32
      %dma_wait3A_169 = tpu.memref_slice %arg5[%arg0, %multiple_of3A, %dma_wait3A_168] : memref<2x10112x128xf32, #tpu.memory_space<hbm>> -> memref<1x632x128xf32, #tpu.memory_space<hbm>>
      %dma_wait3A_170 = tpu.memref_squeeze %dma_wait3A_169 : memref<1x632x128xf32, #tpu.memory_space<hbm>> -> memref<632x128xf32, #tpu.memory_space<hbm>>
      %dma_wait3A_171 = arith.constant 0 : i32
      %dma_wait3A_172 = tpu.memref_slice %arg11[%multiple_of3A, %dma_wait3A_171] : memref<10112x128xf32, #tpu.memory_space<vmem_shared>> -> memref<632x128xf32, #tpu.memory_space<vmem_shared>>
      tpu.wait_dma2 semaphore(%run_scoped3A : memref<!tpu.dma_semaphore, #tpu.memory_space<semaphore_mem>>) src(%dma_wait3A_172 : memref<632x128xf32, #tpu.memory_space<vmem_shared>>) dst(%dma_wait3A_170 : memref<632x128xf32, #tpu.memory_space<hbm>>)
      tpu.yield
    }) : () -> ()
    return
  }
}

#map = affine_map<(d0, d1) -> (0, 0)>
#map1 = affine_map<(d0, d1) -> (0, 0, 0)>
module attributes {stable_mosaic.version = 14 : i64} {
  func.func @body(%arg0: i32, %arg1: i32, %arg2: memref<10000x128xf32, #tpu.memory_space<hbm>>, %arg3: memref<2560x2x64xi32, #tpu.memory_space<hbm>>, %arg4: memref<632x128xf32, #tpu.memory_space<hbm>>, %arg5: memref<2x10112x128xf32, #tpu.memory_space<hbm>>, %arg6: memref<40x2x64xi32, #tpu.memory_space<vmem>>, %arg7: memref<64x128xf32, #tpu.memory_space<vmem>>, %arg8: memref<64x128xf32, #tpu.memory_space<vmem>>, %arg9: memref<64x128xf32, #tpu.memory_space<vmem>>, %arg10: memref<64x128xf32, #tpu.memory_space<vmem>>, %arg11: memref<10112x128xf32, #tpu.memory_space<vmem_shared>>, %arg12: memref<!tpu.dma_semaphore, #tpu.memory_space<semaphore_mem>>, %arg13: memref<!tpu.dma_semaphore, #tpu.memory_space<semaphore_mem>>, %arg14: memref<!tpu.dma_semaphore, #tpu.memory_space<semaphore_mem>>, %arg15: memref<!tpu.dma_semaphore, #tpu.memory_space<semaphore_mem>>, %arg16: memref<!tpu.dma_semaphore, #tpu.memory_space<semaphore_mem>>, %arg17: memref<!tpu.dma_semaphore, #tpu.memory_space<semaphore_mem>>, %arg18: memref<!tpu.dma_semaphore, #tpu.memory_space<semaphore_mem>>, %arg19: memref<!tpu.dma_semaphore, #tpu.memory_space<semaphore_mem>>) attributes {dimension_semantics = [#tpu.dimension_semantics<core_parallel>, #tpu.dimension_semantics<subcore_parallel>], iteration_bounds = array<i64: 2, 16>, scalar_prefetch = 0 : i64, scratch_operands = 14 : i64, tpu.core_type = #tpu.core_type<sc_vector_subcore>, window_params = [{transform_indices = #map}, {transform_indices = #map1}, {transform_indices = #map}, {transform_indices = #map1}]} {
    %mul3A = arith.constant 632 : i32
    %mul3A_0 = arith.muli %arg1, %mul3A : i32
    %multiple_of3A = tpu.assume_multiple %mul3A_0, 8 : i32
    %mul3A_1 = arith.constant 16 : i32
    %mul3A_2 = arith.muli %arg0, %mul3A_1 : i32
    %add3A = arith.addi %mul3A_2, %arg1 : i32
    %mul3A_3 = arith.constant 80 : i32
    %mul3A_4 = arith.muli %add3A, %mul3A_3 : i32
    "tpu.region"() ({
      %run_scoped3A = tpu.sem_alloc : memref<!tpu.dma_semaphore, #tpu.memory_space<semaphore_mem>>
      %dma_start3A = arith.constant 0 : i32
      %dma_start3A_84 = tpu.memref_slice %arg11[%multiple_of3A, %dma_start3A] : memref<10112x128xf32, #tpu.memory_space<vmem_shared>> -> memref<632x128xf32, #tpu.memory_space<vmem_shared>>
      tpu.enqueue_dma source(%arg4 : memref<632x128xf32, #tpu.memory_space<hbm>>) target(%dma_start3A_84 : memref<632x128xf32, #tpu.memory_space<vmem_shared>>) target_semaphore(%run_scoped3A : memref<!tpu.dma_semaphore, #tpu.memory_space<semaphore_mem>>)
      %dma_wait3A_85 = arith.constant 0 : i32
      %dma_wait3A_86 = tpu.memref_slice %arg11[%multiple_of3A, %dma_wait3A_85] : memref<10112x128xf32, #tpu.memory_space<vmem_shared>> -> memref<632x128xf32, #tpu.memory_space<vmem_shared>>
      tpu.wait_dma2 semaphore(%run_scoped3A : memref<!tpu.dma_semaphore, #tpu.memory_space<semaphore_mem>>) src(%arg4 : memref<632x128xf32, #tpu.memory_space<hbm>>) dst(%dma_wait3A_86 : memref<632x128xf32, #tpu.memory_space<vmem_shared>>)
      tpu.yield
    }) : () -> ()
    %barrier3A = arith.constant 0 : index
    tpu.barrier barrier_id(%barrier3A)
    %add3A_5 = arith.constant 0 : i32
    %add3A_6 = arith.addi %mul3A_4, %add3A_5 : i32
    "tpu.region"() ({
      %run_scoped3A = tpu.sem_alloc : memref<!tpu.dma_semaphore, #tpu.memory_space<semaphore_mem>>
      %dma_start3A = arith.constant 0 : i32
      %dma_start3A_84 = arith.constant 0 : i32
      %dma_start3A_85 = tpu.memref_slice %arg3[%add3A_6, %dma_start3A, %dma_start3A_84] : memref<2560x2x64xi32, #tpu.memory_space<hbm>> -> memref<40x2x64xi32, #tpu.memory_space<hbm>>
      %dma_start3A_86 = arith.constant 0 : i32
      %dma_start3A_87 = arith.constant 0 : i32
      %dma_start3A_88 = tpu.memref_slice %arg3[%add3A_6, %dma_start3A_86, %dma_start3A_87] : memref<2560x2x64xi32, #tpu.memory_space<hbm>> -> memref<40x2x64xi32, #tpu.memory_space<hbm>>
      tpu.enqueue_dma source(%dma_start3A_88 : memref<40x2x64xi32, #tpu.memory_space<hbm>>) target(%arg6 : memref<40x2x64xi32, #tpu.memory_space<vmem>>) target_semaphore(%run_scoped3A : memref<!tpu.dma_semaphore, #tpu.memory_space<semaphore_mem>>)
      %dma_wait3A_89 = arith.constant 0 : i32
      %dma_wait3A_90 = arith.constant 0 : i32
      %dma_wait3A_91 = tpu.memref_slice %arg3[%add3A_6, %dma_wait3A_89, %dma_wait3A_90] : memref<2560x2x64xi32, #tpu.memory_space<hbm>> -> memref<40x2x64xi32, #tpu.memory_space<hbm>>
      %dma_wait3A_92 = arith.constant 0 : i32
      %dma_wait3A_93 = arith.constant 0 : i32
      %dma_wait3A_94 = tpu.memref_slice %arg3[%add3A_6, %dma_wait3A_92, %dma_wait3A_93] : memref<2560x2x64xi32, #tpu.memory_space<hbm>> -> memref<40x2x64xi32, #tpu.memory_space<hbm>>
      tpu.wait_dma2 semaphore(%run_scoped3A : memref<!tpu.dma_semaphore, #tpu.memory_space<semaphore_mem>>) src(%dma_wait3A_94 : memref<40x2x64xi32, #tpu.memory_space<hbm>>) dst(%arg6 : memref<40x2x64xi32, #tpu.memory_space<vmem>>)
      tpu.yield
    }) : () -> ()
    %scan3A = arith.constant 0 : i32
    %scan3A_7 = arith.constant 0 : i32
    %scan3A_8 = arith.constant 10 : i32
    %scan3A_9 = arith.addi %scan3A_7, %scan3A_8 : i32
    %scan3A_10 = arith.constant 1 : i32
    scf.for %scan3A_84 = %scan3A_7 to %scan3A_9 step %scan3A_10  : i32 {
      %mul3A_85 = arith.constant 4 : i32
      %mul3A_86 = arith.muli %scan3A_84, %mul3A_85 : i32
      %add3A_87 = arith.constant 0 : i32
      %add3A_88 = arith.addi %mul3A_86, %add3A_87 : i32
      %gt3A = arith.constant 0 : i32
      %gt3A_89 = arith.cmpi sgt, %scan3A_84, %gt3A : i32
      %convert_element_type3A = arith.extui %gt3A_89 : i1 to i32
      %cond3A = arith.constant 0 : i32
      %cond3A_90 = arith.cmpi ne, %convert_element_type3A, %cond3A : i32
      scf.if %cond3A_90 {
        %sub3A = arith.constant 4 : i32
        %sub3A_217 = arith.subi %add3A_88, %sub3A : i32
        %dma_wait3A_218 = arith.constant 1 : i32
        %dma_wait3A_219 = arith.constant 0 : i32
        %dma_wait3A_220 = tpu.memref_slice %arg6[%sub3A_217, %dma_wait3A_218, %dma_wait3A_219] : memref<40x2x64xi32, #tpu.memory_space<vmem>> -> memref<1x1x64xi32, #tpu.memory_space<vmem>>
        %dma_wait3A_221 = tpu.memref_squeeze %dma_wait3A_220 : memref<1x1x64xi32, #tpu.memory_space<vmem>> -> memref<64xi32, #tpu.memory_space<vmem>>
        %dma_wait3A_222 = arith.constant 0 : i32
        %dma_wait3A_223 = arith.constant 0 : i32
        %dma_wait3A_224 = tpu.memref_slice %arg11[%dma_wait3A_222, %dma_wait3A_223] : memref<10112x128xf32, #tpu.memory_space<vmem_shared>> -> memref<10112x128xf32, #tpu.memory_space<vmem_shared>>
        tpu.wait_indirect_dma semaphore(%arg16 : memref<!tpu.dma_semaphore, #tpu.memory_space<semaphore_mem>>) src(%arg7 : memref<64x128xf32, #tpu.memory_space<vmem>>) dst(%dma_wait3A_224 : memref<10112x128xf32, #tpu.memory_space<vmem_shared>>)
      } else {
      }
      %dma_start3A = arith.constant 0 : i32
      %dma_start3A_91 = arith.constant 0 : i32
      %dma_start3A_92 = tpu.memref_slice %arg6[%add3A_88, %dma_start3A, %dma_start3A_91] : memref<40x2x64xi32, #tpu.memory_space<vmem>> -> memref<1x1x64xi32, #tpu.memory_space<vmem>>
      %dma_start3A_93 = tpu.memref_squeeze %dma_start3A_92 : memref<1x1x64xi32, #tpu.memory_space<vmem>> -> memref<64xi32, #tpu.memory_space<vmem>>
      %dma_start3A_94 = arith.constant 0 : i32
      %dma_start3A_95 = arith.constant 0 : i32
      %dma_start3A_96 = tpu.memref_slice %arg2[%dma_start3A_94, %dma_start3A_95] : memref<10000x128xf32, #tpu.memory_space<hbm>> -> memref<10000x128xf32, #tpu.memory_space<hbm>>
      tpu.enqueue_indirect_dma source(%dma_start3A_96 : memref<10000x128xf32, #tpu.memory_space<hbm>>) target(%arg7 : memref<64x128xf32, #tpu.memory_space<vmem>>) offsets(%dma_start3A_93 : memref<64xi32, #tpu.memory_space<vmem>>) semaphore(%arg12 : memref<!tpu.dma_semaphore, #tpu.memory_space<semaphore_mem>>)
      %mul3A_97 = arith.constant 4 : i32
      %mul3A_98 = arith.muli %scan3A_84, %mul3A_97 : i32
      %add3A_99 = arith.constant 1 : i32
      %add3A_100 = arith.addi %mul3A_98, %add3A_99 : i32
      %gt3A_101 = arith.constant 0 : i32
      %gt3A_102 = arith.cmpi sgt, %scan3A_84, %gt3A_101 : i32
      %convert_element_type3A_103 = arith.extui %gt3A_102 : i1 to i32
      %cond3A_104 = arith.constant 0 : i32
      %cond3A_105 = arith.cmpi ne, %convert_element_type3A_103, %cond3A_104 : i32
      scf.if %cond3A_105 {
        %sub3A = arith.constant 4 : i32
        %sub3A_217 = arith.subi %add3A_100, %sub3A : i32
        %dma_wait3A_218 = arith.constant 1 : i32
        %dma_wait3A_219 = arith.constant 0 : i32
        %dma_wait3A_220 = tpu.memref_slice %arg6[%sub3A_217, %dma_wait3A_218, %dma_wait3A_219] : memref<40x2x64xi32, #tpu.memory_space<vmem>> -> memref<1x1x64xi32, #tpu.memory_space<vmem>>
        %dma_wait3A_221 = tpu.memref_squeeze %dma_wait3A_220 : memref<1x1x64xi32, #tpu.memory_space<vmem>> -> memref<64xi32, #tpu.memory_space<vmem>>
        %dma_wait3A_222 = arith.constant 0 : i32
        %dma_wait3A_223 = arith.constant 0 : i32
        %dma_wait3A_224 = tpu.memref_slice %arg11[%dma_wait3A_222, %dma_wait3A_223] : memref<10112x128xf32, #tpu.memory_space<vmem_shared>> -> memref<10112x128xf32, #tpu.memory_space<vmem_shared>>
        tpu.wait_indirect_dma semaphore(%arg17 : memref<!tpu.dma_semaphore, #tpu.memory_space<semaphore_mem>>) src(%arg8 : memref<64x128xf32, #tpu.memory_space<vmem>>) dst(%dma_wait3A_224 : memref<10112x128xf32, #tpu.memory_space<vmem_shared>>)
      } else {
      }
      %dma_start3A_106 = arith.constant 0 : i32
      %dma_start3A_107 = arith.constant 0 : i32
      %dma_start3A_108 = tpu.memref_slice %arg6[%add3A_100, %dma_start3A_106, %dma_start3A_107] : memref<40x2x64xi32, #tpu.memory_space<vmem>> -> memref<1x1x64xi32, #tpu.memory_space<vmem>>
      %dma_start3A_109 = tpu.memref_squeeze %dma_start3A_108 : memref<1x1x64xi32, #tpu.memory_space<vmem>> -> memref<64xi32, #tpu.memory_space<vmem>>
      %dma_start3A_110 = arith.constant 0 : i32
      %dma_start3A_111 = arith.constant 0 : i32
      %dma_start3A_112 = tpu.memref_slice %arg2[%dma_start3A_110, %dma_start3A_111] : memref<10000x128xf32, #tpu.memory_space<hbm>> -> memref<10000x128xf32, #tpu.memory_space<hbm>>
      tpu.enqueue_indirect_dma source(%dma_start3A_112 : memref<10000x128xf32, #tpu.memory_space<hbm>>) target(%arg8 : memref<64x128xf32, #tpu.memory_space<vmem>>) offsets(%dma_start3A_109 : memref<64xi32, #tpu.memory_space<vmem>>) semaphore(%arg13 : memref<!tpu.dma_semaphore, #tpu.memory_space<semaphore_mem>>)
      %mul3A_113 = arith.constant 4 : i32
      %mul3A_114 = arith.muli %scan3A_84, %mul3A_113 : i32
      %add3A_115 = arith.constant 2 : i32
      %add3A_116 = arith.addi %mul3A_114, %add3A_115 : i32
      %gt3A_117 = arith.constant 0 : i32
      %gt3A_118 = arith.cmpi sgt, %scan3A_84, %gt3A_117 : i32
      %convert_element_type3A_119 = arith.extui %gt3A_118 : i1 to i32
      %cond3A_120 = arith.constant 0 : i32
      %cond3A_121 = arith.cmpi ne, %convert_element_type3A_119, %cond3A_120 : i32
      scf.if %cond3A_121 {
        %sub3A = arith.constant 4 : i32
        %sub3A_217 = arith.subi %add3A_116, %sub3A : i32
        %dma_wait3A_218 = arith.constant 1 : i32
        %dma_wait3A_219 = arith.constant 0 : i32
        %dma_wait3A_220 = tpu.memref_slice %arg6[%sub3A_217, %dma_wait3A_218, %dma_wait3A_219] : memref<40x2x64xi32, #tpu.memory_space<vmem>> -> memref<1x1x64xi32, #tpu.memory_space<vmem>>
        %dma_wait3A_221 = tpu.memref_squeeze %dma_wait3A_220 : memref<1x1x64xi32, #tpu.memory_space<vmem>> -> memref<64xi32, #tpu.memory_space<vmem>>
        %dma_wait3A_222 = arith.constant 0 : i32
        %dma_wait3A_223 = arith.constant 0 : i32
        %dma_wait3A_224 = tpu.memref_slice %arg11[%dma_wait3A_222, %dma_wait3A_223] : memref<10112x128xf32, #tpu.memory_space<vmem_shared>> -> memref<10112x128xf32, #tpu.memory_space<vmem_shared>>
        tpu.wait_indirect_dma semaphore(%arg18 : memref<!tpu.dma_semaphore, #tpu.memory_space<semaphore_mem>>) src(%arg9 : memref<64x128xf32, #tpu.memory_space<vmem>>) dst(%dma_wait3A_224 : memref<10112x128xf32, #tpu.memory_space<vmem_shared>>)
      } else {
      }
      %dma_start3A_122 = arith.constant 0 : i32
      %dma_start3A_123 = arith.constant 0 : i32
      %dma_start3A_124 = tpu.memref_slice %arg6[%add3A_116, %dma_start3A_122, %dma_start3A_123] : memref<40x2x64xi32, #tpu.memory_space<vmem>> -> memref<1x1x64xi32, #tpu.memory_space<vmem>>
      %dma_start3A_125 = tpu.memref_squeeze %dma_start3A_124 : memref<1x1x64xi32, #tpu.memory_space<vmem>> -> memref<64xi32, #tpu.memory_space<vmem>>
      %dma_start3A_126 = arith.constant 0 : i32
      %dma_start3A_127 = arith.constant 0 : i32
      %dma_start3A_128 = tpu.memref_slice %arg2[%dma_start3A_126, %dma_start3A_127] : memref<10000x128xf32, #tpu.memory_space<hbm>> -> memref<10000x128xf32, #tpu.memory_space<hbm>>
      tpu.enqueue_indirect_dma source(%dma_start3A_128 : memref<10000x128xf32, #tpu.memory_space<hbm>>) target(%arg9 : memref<64x128xf32, #tpu.memory_space<vmem>>) offsets(%dma_start3A_125 : memref<64xi32, #tpu.memory_space<vmem>>) semaphore(%arg14 : memref<!tpu.dma_semaphore, #tpu.memory_space<semaphore_mem>>)
      %mul3A_129 = arith.constant 4 : i32
      %mul3A_130 = arith.muli %scan3A_84, %mul3A_129 : i32
      %add3A_131 = arith.constant 3 : i32
      %add3A_132 = arith.addi %mul3A_130, %add3A_131 : i32
      %gt3A_133 = arith.constant 0 : i32
      %gt3A_134 = arith.cmpi sgt, %scan3A_84, %gt3A_133 : i32
      %convert_element_type3A_135 = arith.extui %gt3A_134 : i1 to i32
      %cond3A_136 = arith.constant 0 : i32
      %cond3A_137 = arith.cmpi ne, %convert_element_type3A_135, %cond3A_136 : i32
      scf.if %cond3A_137 {
        %sub3A = arith.constant 4 : i32
        %sub3A_217 = arith.subi %add3A_132, %sub3A : i32
        %dma_wait3A_218 = arith.constant 1 : i32
        %dma_wait3A_219 = arith.constant 0 : i32
        %dma_wait3A_220 = tpu.memref_slice %arg6[%sub3A_217, %dma_wait3A_218, %dma_wait3A_219] : memref<40x2x64xi32, #tpu.memory_space<vmem>> -> memref<1x1x64xi32, #tpu.memory_space<vmem>>
        %dma_wait3A_221 = tpu.memref_squeeze %dma_wait3A_220 : memref<1x1x64xi32, #tpu.memory_space<vmem>> -> memref<64xi32, #tpu.memory_space<vmem>>
        %dma_wait3A_222 = arith.constant 0 : i32
        %dma_wait3A_223 = arith.constant 0 : i32
        %dma_wait3A_224 = tpu.memref_slice %arg11[%dma_wait3A_222, %dma_wait3A_223] : memref<10112x128xf32, #tpu.memory_space<vmem_shared>> -> memref<10112x128xf32, #tpu.memory_space<vmem_shared>>
        tpu.wait_indirect_dma semaphore(%arg19 : memref<!tpu.dma_semaphore, #tpu.memory_space<semaphore_mem>>) src(%arg10 : memref<64x128xf32, #tpu.memory_space<vmem>>) dst(%dma_wait3A_224 : memref<10112x128xf32, #tpu.memory_space<vmem_shared>>)
      } else {
      }
      %dma_start3A_138 = arith.constant 0 : i32
      %dma_start3A_139 = arith.constant 0 : i32
      %dma_start3A_140 = tpu.memref_slice %arg6[%add3A_132, %dma_start3A_138, %dma_start3A_139] : memref<40x2x64xi32, #tpu.memory_space<vmem>> -> memref<1x1x64xi32, #tpu.memory_space<vmem>>
      %dma_start3A_141 = tpu.memref_squeeze %dma_start3A_140 : memref<1x1x64xi32, #tpu.memory_space<vmem>> -> memref<64xi32, #tpu.memory_space<vmem>>
      %dma_start3A_142 = arith.constant 0 : i32
      %dma_start3A_143 = arith.constant 0 : i32
      %dma_start3A_144 = tpu.memref_slice %arg2[%dma_start3A_142, %dma_start3A_143] : memref<10000x128xf32, #tpu.memory_space<hbm>> -> memref<10000x128xf32, #tpu.memory_space<hbm>>
      tpu.enqueue_indirect_dma source(%dma_start3A_144 : memref<10000x128xf32, #tpu.memory_space<hbm>>) target(%arg10 : memref<64x128xf32, #tpu.memory_space<vmem>>) offsets(%dma_start3A_141 : memref<64xi32, #tpu.memory_space<vmem>>) semaphore(%arg15 : memref<!tpu.dma_semaphore, #tpu.memory_space<semaphore_mem>>)
      %mul3A_145 = arith.constant 4 : i32
      %mul3A_146 = arith.muli %scan3A_84, %mul3A_145 : i32
      %add3A_147 = arith.constant 0 : i32
      %add3A_148 = arith.addi %mul3A_146, %add3A_147 : i32
      %dma_wait3A_149 = arith.constant 0 : i32
      %dma_wait3A_150 = arith.constant 0 : i32
      %dma_wait3A_151 = tpu.memref_slice %arg6[%add3A_148, %dma_wait3A_149, %dma_wait3A_150] : memref<40x2x64xi32, #tpu.memory_space<vmem>> -> memref<1x1x64xi32, #tpu.memory_space<vmem>>
      %dma_wait3A_152 = tpu.memref_squeeze %dma_wait3A_151 : memref<1x1x64xi32, #tpu.memory_space<vmem>> -> memref<64xi32, #tpu.memory_space<vmem>>
      %dma_wait3A_153 = arith.constant 0 : i32
      %dma_wait3A_154 = arith.constant 0 : i32
      %dma_wait3A_155 = tpu.memref_slice %arg2[%dma_wait3A_153, %dma_wait3A_154] : memref<10000x128xf32, #tpu.memory_space<hbm>> -> memref<10000x128xf32, #tpu.memory_space<hbm>>
      tpu.wait_indirect_dma semaphore(%arg12 : memref<!tpu.dma_semaphore, #tpu.memory_space<semaphore_mem>>) src(%dma_wait3A_155 : memref<10000x128xf32, #tpu.memory_space<hbm>>) dst(%arg7 : memref<64x128xf32, #tpu.memory_space<vmem>>)
      %dma_start3A_156 = arith.constant 1 : i32
      %dma_start3A_157 = arith.constant 0 : i32
      %dma_start3A_158 = tpu.memref_slice %arg6[%add3A_148, %dma_start3A_156, %dma_start3A_157] : memref<40x2x64xi32, #tpu.memory_space<vmem>> -> memref<1x1x64xi32, #tpu.memory_space<vmem>>
      %dma_start3A_159 = tpu.memref_squeeze %dma_start3A_158 : memref<1x1x64xi32, #tpu.memory_space<vmem>> -> memref<64xi32, #tpu.memory_space<vmem>>
      %dma_start3A_160 = arith.constant 0 : i32
      %dma_start3A_161 = arith.constant 0 : i32
      %dma_start3A_162 = tpu.memref_slice %arg11[%dma_start3A_160, %dma_start3A_161] : memref<10112x128xf32, #tpu.memory_space<vmem_shared>> -> memref<10112x128xf32, #tpu.memory_space<vmem_shared>>
      tpu.enqueue_indirect_dma source(%arg7 : memref<64x128xf32, #tpu.memory_space<vmem>>) target(%dma_start3A_162 : memref<10112x128xf32, #tpu.memory_space<vmem_shared>>) offsets(%dma_start3A_159 : memref<64xi32, #tpu.memory_space<vmem>>) semaphore(%arg16 : memref<!tpu.dma_semaphore, #tpu.memory_space<semaphore_mem>>) {add = true}
      %mul3A_163 = arith.constant 4 : i32
      %mul3A_164 = arith.muli %scan3A_84, %mul3A_163 : i32
      %add3A_165 = arith.constant 1 : i32
      %add3A_166 = arith.addi %mul3A_164, %add3A_165 : i32
      %dma_wait3A_167 = arith.constant 0 : i32
      %dma_wait3A_168 = arith.constant 0 : i32
      %dma_wait3A_169 = tpu.memref_slice %arg6[%add3A_166, %dma_wait3A_167, %dma_wait3A_168] : memref<40x2x64xi32, #tpu.memory_space<vmem>> -> memref<1x1x64xi32, #tpu.memory_space<vmem>>
      %dma_wait3A_170 = tpu.memref_squeeze %dma_wait3A_169 : memref<1x1x64xi32, #tpu.memory_space<vmem>> -> memref<64xi32, #tpu.memory_space<vmem>>
      %dma_wait3A_171 = arith.constant 0 : i32
      %dma_wait3A_172 = arith.constant 0 : i32
      %dma_wait3A_173 = tpu.memref_slice %arg2[%dma_wait3A_171, %dma_wait3A_172] : memref<10000x128xf32, #tpu.memory_space<hbm>> -> memref<10000x128xf32, #tpu.memory_space<hbm>>
      tpu.wait_indirect_dma semaphore(%arg13 : memref<!tpu.dma_semaphore, #tpu.memory_space<semaphore_mem>>) src(%dma_wait3A_173 : memref<10000x128xf32, #tpu.memory_space<hbm>>) dst(%arg8 : memref<64x128xf32, #tpu.memory_space<vmem>>)
      %dma_start3A_174 = arith.constant 1 : i32
      %dma_start3A_175 = arith.constant 0 : i32
      %dma_start3A_176 = tpu.memref_slice %arg6[%add3A_166, %dma_start3A_174, %dma_start3A_175] : memref<40x2x64xi32, #tpu.memory_space<vmem>> -> memref<1x1x64xi32, #tpu.memory_space<vmem>>
      %dma_start3A_177 = tpu.memref_squeeze %dma_start3A_176 : memref<1x1x64xi32, #tpu.memory_space<vmem>> -> memref<64xi32, #tpu.memory_space<vmem>>
      %dma_start3A_178 = arith.constant 0 : i32
      %dma_start3A_179 = arith.constant 0 : i32
      %dma_start3A_180 = tpu.memref_slice %arg11[%dma_start3A_178, %dma_start3A_179] : memref<10112x128xf32, #tpu.memory_space<vmem_shared>> -> memref<10112x128xf32, #tpu.memory_space<vmem_shared>>
      tpu.enqueue_indirect_dma source(%arg8 : memref<64x128xf32, #tpu.memory_space<vmem>>) target(%dma_start3A_180 : memref<10112x128xf32, #tpu.memory_space<vmem_shared>>) offsets(%dma_start3A_177 : memref<64xi32, #tpu.memory_space<vmem>>) semaphore(%arg17 : memref<!tpu.dma_semaphore, #tpu.memory_space<semaphore_mem>>) {add = true}
      %mul3A_181 = arith.constant 4 : i32
      %mul3A_182 = arith.muli %scan3A_84, %mul3A_181 : i32
      %add3A_183 = arith.constant 2 : i32
      %add3A_184 = arith.addi %mul3A_182, %add3A_183 : i32
      %dma_wait3A_185 = arith.constant 0 : i32
      %dma_wait3A_186 = arith.constant 0 : i32
      %dma_wait3A_187 = tpu.memref_slice %arg6[%add3A_184, %dma_wait3A_185, %dma_wait3A_186] : memref<40x2x64xi32, #tpu.memory_space<vmem>> -> memref<1x1x64xi32, #tpu.memory_space<vmem>>
      %dma_wait3A_188 = tpu.memref_squeeze %dma_wait3A_187 : memref<1x1x64xi32, #tpu.memory_space<vmem>> -> memref<64xi32, #tpu.memory_space<vmem>>
      %dma_wait3A_189 = arith.constant 0 : i32
      %dma_wait3A_190 = arith.constant 0 : i32
      %dma_wait3A_191 = tpu.memref_slice %arg2[%dma_wait3A_189, %dma_wait3A_190] : memref<10000x128xf32, #tpu.memory_space<hbm>> -> memref<10000x128xf32, #tpu.memory_space<hbm>>
      tpu.wait_indirect_dma semaphore(%arg14 : memref<!tpu.dma_semaphore, #tpu.memory_space<semaphore_mem>>) src(%dma_wait3A_191 : memref<10000x128xf32, #tpu.memory_space<hbm>>) dst(%arg9 : memref<64x128xf32, #tpu.memory_space<vmem>>)
      %dma_start3A_192 = arith.constant 1 : i32
      %dma_start3A_193 = arith.constant 0 : i32
      %dma_start3A_194 = tpu.memref_slice %arg6[%add3A_184, %dma_start3A_192, %dma_start3A_193] : memref<40x2x64xi32, #tpu.memory_space<vmem>> -> memref<1x1x64xi32, #tpu.memory_space<vmem>>
      %dma_start3A_195 = tpu.memref_squeeze %dma_start3A_194 : memref<1x1x64xi32, #tpu.memory_space<vmem>> -> memref<64xi32, #tpu.memory_space<vmem>>
      %dma_start3A_196 = arith.constant 0 : i32
      %dma_start3A_197 = arith.constant 0 : i32
      %dma_start3A_198 = tpu.memref_slice %arg11[%dma_start3A_196, %dma_start3A_197] : memref<10112x128xf32, #tpu.memory_space<vmem_shared>> -> memref<10112x128xf32, #tpu.memory_space<vmem_shared>>
      tpu.enqueue_indirect_dma source(%arg9 : memref<64x128xf32, #tpu.memory_space<vmem>>) target(%dma_start3A_198 : memref<10112x128xf32, #tpu.memory_space<vmem_shared>>) offsets(%dma_start3A_195 : memref<64xi32, #tpu.memory_space<vmem>>) semaphore(%arg18 : memref<!tpu.dma_semaphore, #tpu.memory_space<semaphore_mem>>) {add = true}
      %mul3A_199 = arith.constant 4 : i32
      %mul3A_200 = arith.muli %scan3A_84, %mul3A_199 : i32
      %add3A_201 = arith.constant 3 : i32
      %add3A_202 = arith.addi %mul3A_200, %add3A_201 : i32
      %dma_wait3A_203 = arith.constant 0 : i32
      %dma_wait3A_204 = arith.constant 0 : i32
      %dma_wait3A_205 = tpu.memref_slice %arg6[%add3A_202, %dma_wait3A_203, %dma_wait3A_204] : memref<40x2x64xi32, #tpu.memory_space<vmem>> -> memref<1x1x64xi32, #tpu.memory_space<vmem>>
      %dma_wait3A_206 = tpu.memref_squeeze %dma_wait3A_205 : memref<1x1x64xi32, #tpu.memory_space<vmem>> -> memref<64xi32, #tpu.memory_space<vmem>>
      %dma_wait3A_207 = arith.constant 0 : i32
      %dma_wait3A_208 = arith.constant 0 : i32
      %dma_wait3A_209 = tpu.memref_slice %arg2[%dma_wait3A_207, %dma_wait3A_208] : memref<10000x128xf32, #tpu.memory_space<hbm>> -> memref<10000x128xf32, #tpu.memory_space<hbm>>
      tpu.wait_indirect_dma semaphore(%arg15 : memref<!tpu.dma_semaphore, #tpu.memory_space<semaphore_mem>>) src(%dma_wait3A_209 : memref<10000x128xf32, #tpu.memory_space<hbm>>) dst(%arg10 : memref<64x128xf32, #tpu.memory_space<vmem>>)
      %dma_start3A_210 = arith.constant 1 : i32
      %dma_start3A_211 = arith.constant 0 : i32
      %dma_start3A_212 = tpu.memref_slice %arg6[%add3A_202, %dma_start3A_210, %dma_start3A_211] : memref<40x2x64xi32, #tpu.memory_space<vmem>> -> memref<1x1x64xi32, #tpu.memory_space<vmem>>
      %dma_start3A_213 = tpu.memref_squeeze %dma_start3A_212 : memref<1x1x64xi32, #tpu.memory_space<vmem>> -> memref<64xi32, #tpu.memory_space<vmem>>
      %dma_start3A_214 = arith.constant 0 : i32
      %dma_start3A_215 = arith.constant 0 : i32
      %dma_start3A_216 = tpu.memref_slice %arg11[%dma_start3A_214, %dma_start3A_215] : memref<10112x128xf32, #tpu.memory_space<vmem_shared>> -> memref<10112x128xf32, #tpu.memory_space<vmem_shared>>
      tpu.enqueue_indirect_dma source(%arg10 : memref<64x128xf32, #tpu.memory_space<vmem>>) target(%dma_start3A_216 : memref<10112x128xf32, #tpu.memory_space<vmem_shared>>) offsets(%dma_start3A_213 : memref<64xi32, #tpu.memory_space<vmem>>) semaphore(%arg19 : memref<!tpu.dma_semaphore, #tpu.memory_space<semaphore_mem>>) {add = true}
    }
    %scan3A_11 = arith.constant 10 : i32
    %dma_wait3A = arith.constant 36 : i32
    %dma_wait3A_12 = arith.constant 1 : i32
    %dma_wait3A_13 = arith.constant 0 : i32
    %dma_wait3A_14 = tpu.memref_slice %arg6[%dma_wait3A, %dma_wait3A_12, %dma_wait3A_13] : memref<40x2x64xi32, #tpu.memory_space<vmem>> -> memref<1x1x64xi32, #tpu.memory_space<vmem>>
    %dma_wait3A_15 = tpu.memref_squeeze %dma_wait3A_14 : memref<1x1x64xi32, #tpu.memory_space<vmem>> -> memref<64xi32, #tpu.memory_space<vmem>>
    %dma_wait3A_16 = arith.constant 0 : i32
    %dma_wait3A_17 = arith.constant 0 : i32
    %dma_wait3A_18 = tpu.memref_slice %arg11[%dma_wait3A_16, %dma_wait3A_17] : memref<10112x128xf32, #tpu.memory_space<vmem_shared>> -> memref<10112x128xf32, #tpu.memory_space<vmem_shared>>
    tpu.wait_indirect_dma semaphore(%arg16 : memref<!tpu.dma_semaphore, #tpu.memory_space<semaphore_mem>>) src(%arg7 : memref<64x128xf32, #tpu.memory_space<vmem>>) dst(%dma_wait3A_18 : memref<10112x128xf32, #tpu.memory_space<vmem_shared>>)
    %dma_wait3A_19 = arith.constant 37 : i32
    %dma_wait3A_20 = arith.constant 1 : i32
    %dma_wait3A_21 = arith.constant 0 : i32
    %dma_wait3A_22 = tpu.memref_slice %arg6[%dma_wait3A_19, %dma_wait3A_20, %dma_wait3A_21] : memref<40x2x64xi32, #tpu.memory_space<vmem>> -> memref<1x1x64xi32, #tpu.memory_space<vmem>>
    %dma_wait3A_23 = tpu.memref_squeeze %dma_wait3A_22 : memref<1x1x64xi32, #tpu.memory_space<vmem>> -> memref<64xi32, #tpu.memory_space<vmem>>
    %dma_wait3A_24 = arith.constant 0 : i32
    %dma_wait3A_25 = arith.constant 0 : i32
    %dma_wait3A_26 = tpu.memref_slice %arg11[%dma_wait3A_24, %dma_wait3A_25] : memref<10112x128xf32, #tpu.memory_space<vmem_shared>> -> memref<10112x128xf32, #tpu.memory_space<vmem_shared>>
    tpu.wait_indirect_dma semaphore(%arg17 : memref<!tpu.dma_semaphore, #tpu.memory_space<semaphore_mem>>) src(%arg8 : memref<64x128xf32, #tpu.memory_space<vmem>>) dst(%dma_wait3A_26 : memref<10112x128xf32, #tpu.memory_space<vmem_shared>>)
    %dma_wait3A_27 = arith.constant 38 : i32
    %dma_wait3A_28 = arith.constant 1 : i32
    %dma_wait3A_29 = arith.constant 0 : i32
    %dma_wait3A_30 = tpu.memref_slice %arg6[%dma_wait3A_27, %dma_wait3A_28, %dma_wait3A_29] : memref<40x2x64xi32, #tpu.memory_space<vmem>> -> memref<1x1x64xi32, #tpu.memory_space<vmem>>
    %dma_wait3A_31 = tpu.memref_squeeze %dma_wait3A_30 : memref<1x1x64xi32, #tpu.memory_space<vmem>> -> memref<64xi32, #tpu.memory_space<vmem>>
    %dma_wait3A_32 = arith.constant 0 : i32
    %dma_wait3A_33 = arith.constant 0 : i32
    %dma_wait3A_34 = tpu.memref_slice %arg11[%dma_wait3A_32, %dma_wait3A_33] : memref<10112x128xf32, #tpu.memory_space<vmem_shared>> -> memref<10112x128xf32, #tpu.memory_space<vmem_shared>>
    tpu.wait_indirect_dma semaphore(%arg18 : memref<!tpu.dma_semaphore, #tpu.memory_space<semaphore_mem>>) src(%arg9 : memref<64x128xf32, #tpu.memory_space<vmem>>) dst(%dma_wait3A_34 : memref<10112x128xf32, #tpu.memory_space<vmem_shared>>)
    %dma_wait3A_35 = arith.constant 39 : i32
    %dma_wait3A_36 = arith.constant 1 : i32
    %dma_wait3A_37 = arith.constant 0 : i32
    %dma_wait3A_38 = tpu.memref_slice %arg6[%dma_wait3A_35, %dma_wait3A_36, %dma_wait3A_37] : memref<40x2x64xi32, #tpu.memory_space<vmem>> -> memref<1x1x64xi32, #tpu.memory_space<vmem>>
    %dma_wait3A_39 = tpu.memref_squeeze %dma_wait3A_38 : memref<1x1x64xi32, #tpu.memory_space<vmem>> -> memref<64xi32, #tpu.memory_space<vmem>>
    %dma_wait3A_40 = arith.constant 0 : i32
    %dma_wait3A_41 = arith.constant 0 : i32
    %dma_wait3A_42 = tpu.memref_slice %arg11[%dma_wait3A_40, %dma_wait3A_41] : memref<10112x128xf32, #tpu.memory_space<vmem_shared>> -> memref<10112x128xf32, #tpu.memory_space<vmem_shared>>
    tpu.wait_indirect_dma semaphore(%arg19 : memref<!tpu.dma_semaphore, #tpu.memory_space<semaphore_mem>>) src(%arg10 : memref<64x128xf32, #tpu.memory_space<vmem>>) dst(%dma_wait3A_42 : memref<10112x128xf32, #tpu.memory_space<vmem_shared>>)
    %add3A_43 = arith.constant 40 : i32
    %add3A_44 = arith.addi %mul3A_4, %add3A_43 : i32
    "tpu.region"() ({
      %run_scoped3A = tpu.sem_alloc : memref<!tpu.dma_semaphore, #tpu.memory_space<semaphore_mem>>
      %dma_start3A = arith.constant 0 : i32
      %dma_start3A_84 = arith.constant 0 : i32
      %dma_start3A_85 = tpu.memref_slice %arg3[%add3A_44, %dma_start3A, %dma_start3A_84] : memref<2560x2x64xi32, #tpu.memory_space<hbm>> -> memref<40x2x64xi32, #tpu.memory_space<hbm>>
      %dma_start3A_86 = arith.constant 0 : i32
      %dma_start3A_87 = arith.constant 0 : i32
      %dma_start3A_88 = tpu.memref_slice %arg3[%add3A_44, %dma_start3A_86, %dma_start3A_87] : memref<2560x2x64xi32, #tpu.memory_space<hbm>> -> memref<40x2x64xi32, #tpu.memory_space<hbm>>
      tpu.enqueue_dma source(%dma_start3A_88 : memref<40x2x64xi32, #tpu.memory_space<hbm>>) target(%arg6 : memref<40x2x64xi32, #tpu.memory_space<vmem>>) target_semaphore(%run_scoped3A : memref<!tpu.dma_semaphore, #tpu.memory_space<semaphore_mem>>)
      %dma_wait3A_89 = arith.constant 0 : i32
      %dma_wait3A_90 = arith.constant 0 : i32
      %dma_wait3A_91 = tpu.memref_slice %arg3[%add3A_44, %dma_wait3A_89, %dma_wait3A_90] : memref<2560x2x64xi32, #tpu.memory_space<hbm>> -> memref<40x2x64xi32, #tpu.memory_space<hbm>>
      %dma_wait3A_92 = arith.constant 0 : i32
      %dma_wait3A_93 = arith.constant 0 : i32
      %dma_wait3A_94 = tpu.memref_slice %arg3[%add3A_44, %dma_wait3A_92, %dma_wait3A_93] : memref<2560x2x64xi32, #tpu.memory_space<hbm>> -> memref<40x2x64xi32, #tpu.memory_space<hbm>>
      tpu.wait_dma2 semaphore(%run_scoped3A : memref<!tpu.dma_semaphore, #tpu.memory_space<semaphore_mem>>) src(%dma_wait3A_94 : memref<40x2x64xi32, #tpu.memory_space<hbm>>) dst(%arg6 : memref<40x2x64xi32, #tpu.memory_space<vmem>>)
      tpu.yield
    }) : () -> ()
    %scan3A_45 = arith.constant 0 : i32
    %scan3A_46 = arith.constant 0 : i32
    %scan3A_47 = arith.constant 10 : i32
    %scan3A_48 = arith.addi %scan3A_46, %scan3A_47 : i32
    %scan3A_49 = arith.constant 1 : i32
    scf.for %scan3A_84 = %scan3A_46 to %scan3A_48 step %scan3A_49  : i32 {
      %mul3A_85 = arith.constant 4 : i32
      %mul3A_86 = arith.muli %scan3A_84, %mul3A_85 : i32
      %add3A_87 = arith.constant 0 : i32
      %add3A_88 = arith.addi %mul3A_86, %add3A_87 : i32
      %gt3A = arith.constant 0 : i32
      %gt3A_89 = arith.cmpi sgt, %scan3A_84, %gt3A : i32
      %convert_element_type3A = arith.extui %gt3A_89 : i1 to i32
      %cond3A = arith.constant 0 : i32
      %cond3A_90 = arith.cmpi ne, %convert_element_type3A, %cond3A : i32
      scf.if %cond3A_90 {
        %sub3A = arith.constant 4 : i32
        %sub3A_217 = arith.subi %add3A_88, %sub3A : i32
        %dma_wait3A_218 = arith.constant 1 : i32
        %dma_wait3A_219 = arith.constant 0 : i32
        %dma_wait3A_220 = tpu.memref_slice %arg6[%sub3A_217, %dma_wait3A_218, %dma_wait3A_219] : memref<40x2x64xi32, #tpu.memory_space<vmem>> -> memref<1x1x64xi32, #tpu.memory_space<vmem>>
        %dma_wait3A_221 = tpu.memref_squeeze %dma_wait3A_220 : memref<1x1x64xi32, #tpu.memory_space<vmem>> -> memref<64xi32, #tpu.memory_space<vmem>>
        %dma_wait3A_222 = arith.constant 0 : i32
        %dma_wait3A_223 = arith.constant 0 : i32
        %dma_wait3A_224 = tpu.memref_slice %arg11[%dma_wait3A_222, %dma_wait3A_223] : memref<10112x128xf32, #tpu.memory_space<vmem_shared>> -> memref<10112x128xf32, #tpu.memory_space<vmem_shared>>
        tpu.wait_indirect_dma semaphore(%arg16 : memref<!tpu.dma_semaphore, #tpu.memory_space<semaphore_mem>>) src(%arg7 : memref<64x128xf32, #tpu.memory_space<vmem>>) dst(%dma_wait3A_224 : memref<10112x128xf32, #tpu.memory_space<vmem_shared>>)
      } else {
      }
      %dma_start3A = arith.constant 0 : i32
      %dma_start3A_91 = arith.constant 0 : i32
      %dma_start3A_92 = tpu.memref_slice %arg6[%add3A_88, %dma_start3A, %dma_start3A_91] : memref<40x2x64xi32, #tpu.memory_space<vmem>> -> memref<1x1x64xi32, #tpu.memory_space<vmem>>
      %dma_start3A_93 = tpu.memref_squeeze %dma_start3A_92 : memref<1x1x64xi32, #tpu.memory_space<vmem>> -> memref<64xi32, #tpu.memory_space<vmem>>
      %dma_start3A_94 = arith.constant 0 : i32
      %dma_start3A_95 = arith.constant 0 : i32
      %dma_start3A_96 = tpu.memref_slice %arg2[%dma_start3A_94, %dma_start3A_95] : memref<10000x128xf32, #tpu.memory_space<hbm>> -> memref<10000x128xf32, #tpu.memory_space<hbm>>
      tpu.enqueue_indirect_dma source(%dma_start3A_96 : memref<10000x128xf32, #tpu.memory_space<hbm>>) target(%arg7 : memref<64x128xf32, #tpu.memory_space<vmem>>) offsets(%dma_start3A_93 : memref<64xi32, #tpu.memory_space<vmem>>) semaphore(%arg12 : memref<!tpu.dma_semaphore, #tpu.memory_space<semaphore_mem>>)
      %mul3A_97 = arith.constant 4 : i32
      %mul3A_98 = arith.muli %scan3A_84, %mul3A_97 : i32
      %add3A_99 = arith.constant 1 : i32
      %add3A_100 = arith.addi %mul3A_98, %add3A_99 : i32
      %gt3A_101 = arith.constant 0 : i32
      %gt3A_102 = arith.cmpi sgt, %scan3A_84, %gt3A_101 : i32
      %convert_element_type3A_103 = arith.extui %gt3A_102 : i1 to i32
      %cond3A_104 = arith.constant 0 : i32
      %cond3A_105 = arith.cmpi ne, %convert_element_type3A_103, %cond3A_104 : i32
      scf.if %cond3A_105 {
        %sub3A = arith.constant 4 : i32
        %sub3A_217 = arith.subi %add3A_100, %sub3A : i32
        %dma_wait3A_218 = arith.constant 1 : i32
        %dma_wait3A_219 = arith.constant 0 : i32
        %dma_wait3A_220 = tpu.memref_slice %arg6[%sub3A_217, %dma_wait3A_218, %dma_wait3A_219] : memref<40x2x64xi32, #tpu.memory_space<vmem>> -> memref<1x1x64xi32, #tpu.memory_space<vmem>>
        %dma_wait3A_221 = tpu.memref_squeeze %dma_wait3A_220 : memref<1x1x64xi32, #tpu.memory_space<vmem>> -> memref<64xi32, #tpu.memory_space<vmem>>
        %dma_wait3A_222 = arith.constant 0 : i32
        %dma_wait3A_223 = arith.constant 0 : i32
        %dma_wait3A_224 = tpu.memref_slice %arg11[%dma_wait3A_222, %dma_wait3A_223] : memref<10112x128xf32, #tpu.memory_space<vmem_shared>> -> memref<10112x128xf32, #tpu.memory_space<vmem_shared>>
        tpu.wait_indirect_dma semaphore(%arg17 : memref<!tpu.dma_semaphore, #tpu.memory_space<semaphore_mem>>) src(%arg8 : memref<64x128xf32, #tpu.memory_space<vmem>>) dst(%dma_wait3A_224 : memref<10112x128xf32, #tpu.memory_space<vmem_shared>>)
      } else {
      }
      %dma_start3A_106 = arith.constant 0 : i32
      %dma_start3A_107 = arith.constant 0 : i32
      %dma_start3A_108 = tpu.memref_slice %arg6[%add3A_100, %dma_start3A_106, %dma_start3A_107] : memref<40x2x64xi32, #tpu.memory_space<vmem>> -> memref<1x1x64xi32, #tpu.memory_space<vmem>>
      %dma_start3A_109 = tpu.memref_squeeze %dma_start3A_108 : memref<1x1x64xi32, #tpu.memory_space<vmem>> -> memref<64xi32, #tpu.memory_space<vmem>>
      %dma_start3A_110 = arith.constant 0 : i32
      %dma_start3A_111 = arith.constant 0 : i32
      %dma_start3A_112 = tpu.memref_slice %arg2[%dma_start3A_110, %dma_start3A_111] : memref<10000x128xf32, #tpu.memory_space<hbm>> -> memref<10000x128xf32, #tpu.memory_space<hbm>>
      tpu.enqueue_indirect_dma source(%dma_start3A_112 : memref<10000x128xf32, #tpu.memory_space<hbm>>) target(%arg8 : memref<64x128xf32, #tpu.memory_space<vmem>>) offsets(%dma_start3A_109 : memref<64xi32, #tpu.memory_space<vmem>>) semaphore(%arg13 : memref<!tpu.dma_semaphore, #tpu.memory_space<semaphore_mem>>)
      %mul3A_113 = arith.constant 4 : i32
      %mul3A_114 = arith.muli %scan3A_84, %mul3A_113 : i32
      %add3A_115 = arith.constant 2 : i32
      %add3A_116 = arith.addi %mul3A_114, %add3A_115 : i32
      %gt3A_117 = arith.constant 0 : i32
      %gt3A_118 = arith.cmpi sgt, %scan3A_84, %gt3A_117 : i32
      %convert_element_type3A_119 = arith.extui %gt3A_118 : i1 to i32
      %cond3A_120 = arith.constant 0 : i32
      %cond3A_121 = arith.cmpi ne, %convert_element_type3A_119, %cond3A_120 : i32
      scf.if %cond3A_121 {
        %sub3A = arith.constant 4 : i32
        %sub3A_217 = arith.subi %add3A_116, %sub3A : i32
        %dma_wait3A_218 = arith.constant 1 : i32
        %dma_wait3A_219 = arith.constant 0 : i32
        %dma_wait3A_220 = tpu.memref_slice %arg6[%sub3A_217, %dma_wait3A_218, %dma_wait3A_219] : memref<40x2x64xi32, #tpu.memory_space<vmem>> -> memref<1x1x64xi32, #tpu.memory_space<vmem>>
        %dma_wait3A_221 = tpu.memref_squeeze %dma_wait3A_220 : memref<1x1x64xi32, #tpu.memory_space<vmem>> -> memref<64xi32, #tpu.memory_space<vmem>>
        %dma_wait3A_222 = arith.constant 0 : i32
        %dma_wait3A_223 = arith.constant 0 : i32
        %dma_wait3A_224 = tpu.memref_slice %arg11[%dma_wait3A_222, %dma_wait3A_223] : memref<10112x128xf32, #tpu.memory_space<vmem_shared>> -> memref<10112x128xf32, #tpu.memory_space<vmem_shared>>
        tpu.wait_indirect_dma semaphore(%arg18 : memref<!tpu.dma_semaphore, #tpu.memory_space<semaphore_mem>>) src(%arg9 : memref<64x128xf32, #tpu.memory_space<vmem>>) dst(%dma_wait3A_224 : memref<10112x128xf32, #tpu.memory_space<vmem_shared>>)
      } else {
      }
      %dma_start3A_122 = arith.constant 0 : i32
      %dma_start3A_123 = arith.constant 0 : i32
      %dma_start3A_124 = tpu.memref_slice %arg6[%add3A_116, %dma_start3A_122, %dma_start3A_123] : memref<40x2x64xi32, #tpu.memory_space<vmem>> -> memref<1x1x64xi32, #tpu.memory_space<vmem>>
      %dma_start3A_125 = tpu.memref_squeeze %dma_start3A_124 : memref<1x1x64xi32, #tpu.memory_space<vmem>> -> memref<64xi32, #tpu.memory_space<vmem>>
      %dma_start3A_126 = arith.constant 0 : i32
      %dma_start3A_127 = arith.constant 0 : i32
      %dma_start3A_128 = tpu.memref_slice %arg2[%dma_start3A_126, %dma_start3A_127] : memref<10000x128xf32, #tpu.memory_space<hbm>> -> memref<10000x128xf32, #tpu.memory_space<hbm>>
      tpu.enqueue_indirect_dma source(%dma_start3A_128 : memref<10000x128xf32, #tpu.memory_space<hbm>>) target(%arg9 : memref<64x128xf32, #tpu.memory_space<vmem>>) offsets(%dma_start3A_125 : memref<64xi32, #tpu.memory_space<vmem>>) semaphore(%arg14 : memref<!tpu.dma_semaphore, #tpu.memory_space<semaphore_mem>>)
      %mul3A_129 = arith.constant 4 : i32
      %mul3A_130 = arith.muli %scan3A_84, %mul3A_129 : i32
      %add3A_131 = arith.constant 3 : i32
      %add3A_132 = arith.addi %mul3A_130, %add3A_131 : i32
      %gt3A_133 = arith.constant 0 : i32
      %gt3A_134 = arith.cmpi sgt, %scan3A_84, %gt3A_133 : i32
      %convert_element_type3A_135 = arith.extui %gt3A_134 : i1 to i32
      %cond3A_136 = arith.constant 0 : i32
      %cond3A_137 = arith.cmpi ne, %convert_element_type3A_135, %cond3A_136 : i32
      scf.if %cond3A_137 {
        %sub3A = arith.constant 4 : i32
        %sub3A_217 = arith.subi %add3A_132, %sub3A : i32
        %dma_wait3A_218 = arith.constant 1 : i32
        %dma_wait3A_219 = arith.constant 0 : i32
        %dma_wait3A_220 = tpu.memref_slice %arg6[%sub3A_217, %dma_wait3A_218, %dma_wait3A_219] : memref<40x2x64xi32, #tpu.memory_space<vmem>> -> memref<1x1x64xi32, #tpu.memory_space<vmem>>
        %dma_wait3A_221 = tpu.memref_squeeze %dma_wait3A_220 : memref<1x1x64xi32, #tpu.memory_space<vmem>> -> memref<64xi32, #tpu.memory_space<vmem>>
        %dma_wait3A_222 = arith.constant 0 : i32
        %dma_wait3A_223 = arith.constant 0 : i32
        %dma_wait3A_224 = tpu.memref_slice %arg11[%dma_wait3A_222, %dma_wait3A_223] : memref<10112x128xf32, #tpu.memory_space<vmem_shared>> -> memref<10112x128xf32, #tpu.memory_space<vmem_shared>>
        tpu.wait_indirect_dma semaphore(%arg19 : memref<!tpu.dma_semaphore, #tpu.memory_space<semaphore_mem>>) src(%arg10 : memref<64x128xf32, #tpu.memory_space<vmem>>) dst(%dma_wait3A_224 : memref<10112x128xf32, #tpu.memory_space<vmem_shared>>)
      } else {
      }
      %dma_start3A_138 = arith.constant 0 : i32
      %dma_start3A_139 = arith.constant 0 : i32
      %dma_start3A_140 = tpu.memref_slice %arg6[%add3A_132, %dma_start3A_138, %dma_start3A_139] : memref<40x2x64xi32, #tpu.memory_space<vmem>> -> memref<1x1x64xi32, #tpu.memory_space<vmem>>
      %dma_start3A_141 = tpu.memref_squeeze %dma_start3A_140 : memref<1x1x64xi32, #tpu.memory_space<vmem>> -> memref<64xi32, #tpu.memory_space<vmem>>
      %dma_start3A_142 = arith.constant 0 : i32
      %dma_start3A_143 = arith.constant 0 : i32
      %dma_start3A_144 = tpu.memref_slice %arg2[%dma_start3A_142, %dma_start3A_143] : memref<10000x128xf32, #tpu.memory_space<hbm>> -> memref<10000x128xf32, #tpu.memory_space<hbm>>
      tpu.enqueue_indirect_dma source(%dma_start3A_144 : memref<10000x128xf32, #tpu.memory_space<hbm>>) target(%arg10 : memref<64x128xf32, #tpu.memory_space<vmem>>) offsets(%dma_start3A_141 : memref<64xi32, #tpu.memory_space<vmem>>) semaphore(%arg15 : memref<!tpu.dma_semaphore, #tpu.memory_space<semaphore_mem>>)
      %mul3A_145 = arith.constant 4 : i32
      %mul3A_146 = arith.muli %scan3A_84, %mul3A_145 : i32
      %add3A_147 = arith.constant 0 : i32
      %add3A_148 = arith.addi %mul3A_146, %add3A_147 : i32
      %dma_wait3A_149 = arith.constant 0 : i32
      %dma_wait3A_150 = arith.constant 0 : i32
      %dma_wait3A_151 = tpu.memref_slice %arg6[%add3A_148, %dma_wait3A_149, %dma_wait3A_150] : memref<40x2x64xi32, #tpu.memory_space<vmem>> -> memref<1x1x64xi32, #tpu.memory_space<vmem>>
      %dma_wait3A_152 = tpu.memref_squeeze %dma_wait3A_151 : memref<1x1x64xi32, #tpu.memory_space<vmem>> -> memref<64xi32, #tpu.memory_space<vmem>>
      %dma_wait3A_153 = arith.constant 0 : i32
      %dma_wait3A_154 = arith.constant 0 : i32
      %dma_wait3A_155 = tpu.memref_slice %arg2[%dma_wait3A_153, %dma_wait3A_154] : memref<10000x128xf32, #tpu.memory_space<hbm>> -> memref<10000x128xf32, #tpu.memory_space<hbm>>
      tpu.wait_indirect_dma semaphore(%arg12 : memref<!tpu.dma_semaphore, #tpu.memory_space<semaphore_mem>>) src(%dma_wait3A_155 : memref<10000x128xf32, #tpu.memory_space<hbm>>) dst(%arg7 : memref<64x128xf32, #tpu.memory_space<vmem>>)
      %dma_start3A_156 = arith.constant 1 : i32
      %dma_start3A_157 = arith.constant 0 : i32
      %dma_start3A_158 = tpu.memref_slice %arg6[%add3A_148, %dma_start3A_156, %dma_start3A_157] : memref<40x2x64xi32, #tpu.memory_space<vmem>> -> memref<1x1x64xi32, #tpu.memory_space<vmem>>
      %dma_start3A_159 = tpu.memref_squeeze %dma_start3A_158 : memref<1x1x64xi32, #tpu.memory_space<vmem>> -> memref<64xi32, #tpu.memory_space<vmem>>
      %dma_start3A_160 = arith.constant 0 : i32
      %dma_start3A_161 = arith.constant 0 : i32
      %dma_start3A_162 = tpu.memref_slice %arg11[%dma_start3A_160, %dma_start3A_161] : memref<10112x128xf32, #tpu.memory_space<vmem_shared>> -> memref<10112x128xf32, #tpu.memory_space<vmem_shared>>
      tpu.enqueue_indirect_dma source(%arg7 : memref<64x128xf32, #tpu.memory_space<vmem>>) target(%dma_start3A_162 : memref<10112x128xf32, #tpu.memory_space<vmem_shared>>) offsets(%dma_start3A_159 : memref<64xi32, #tpu.memory_space<vmem>>) semaphore(%arg16 : memref<!tpu.dma_semaphore, #tpu.memory_space<semaphore_mem>>) {add = true}
      %mul3A_163 = arith.constant 4 : i32
      %mul3A_164 = arith.muli %scan3A_84, %mul3A_163 : i32
      %add3A_165 = arith.constant 1 : i32
      %add3A_166 = arith.addi %mul3A_164, %add3A_165 : i32
      %dma_wait3A_167 = arith.constant 0 : i32
      %dma_wait3A_168 = arith.constant 0 : i32
      %dma_wait3A_169 = tpu.memref_slice %arg6[%add3A_166, %dma_wait3A_167, %dma_wait3A_168] : memref<40x2x64xi32, #tpu.memory_space<vmem>> -> memref<1x1x64xi32, #tpu.memory_space<vmem>>
      %dma_wait3A_170 = tpu.memref_squeeze %dma_wait3A_169 : memref<1x1x64xi32, #tpu.memory_space<vmem>> -> memref<64xi32, #tpu.memory_space<vmem>>
      %dma_wait3A_171 = arith.constant 0 : i32
      %dma_wait3A_172 = arith.constant 0 : i32
      %dma_wait3A_173 = tpu.memref_slice %arg2[%dma_wait3A_171, %dma_wait3A_172] : memref<10000x128xf32, #tpu.memory_space<hbm>> -> memref<10000x128xf32, #tpu.memory_space<hbm>>
      tpu.wait_indirect_dma semaphore(%arg13 : memref<!tpu.dma_semaphore, #tpu.memory_space<semaphore_mem>>) src(%dma_wait3A_173 : memref<10000x128xf32, #tpu.memory_space<hbm>>) dst(%arg8 : memref<64x128xf32, #tpu.memory_space<vmem>>)
      %dma_start3A_174 = arith.constant 1 : i32
      %dma_start3A_175 = arith.constant 0 : i32
      %dma_start3A_176 = tpu.memref_slice %arg6[%add3A_166, %dma_start3A_174, %dma_start3A_175] : memref<40x2x64xi32, #tpu.memory_space<vmem>> -> memref<1x1x64xi32, #tpu.memory_space<vmem>>
      %dma_start3A_177 = tpu.memref_squeeze %dma_start3A_176 : memref<1x1x64xi32, #tpu.memory_space<vmem>> -> memref<64xi32, #tpu.memory_space<vmem>>
      %dma_start3A_178 = arith.constant 0 : i32
      %dma_start3A_179 = arith.constant 0 : i32
      %dma_start3A_180 = tpu.memref_slice %arg11[%dma_start3A_178, %dma_start3A_179] : memref<10112x128xf32, #tpu.memory_space<vmem_shared>> -> memref<10112x128xf32, #tpu.memory_space<vmem_shared>>
      tpu.enqueue_indirect_dma source(%arg8 : memref<64x128xf32, #tpu.memory_space<vmem>>) target(%dma_start3A_180 : memref<10112x128xf32, #tpu.memory_space<vmem_shared>>) offsets(%dma_start3A_177 : memref<64xi32, #tpu.memory_space<vmem>>) semaphore(%arg17 : memref<!tpu.dma_semaphore, #tpu.memory_space<semaphore_mem>>) {add = true}
      %mul3A_181 = arith.constant 4 : i32
      %mul3A_182 = arith.muli %scan3A_84, %mul3A_181 : i32
      %add3A_183 = arith.constant 2 : i32
      %add3A_184 = arith.addi %mul3A_182, %add3A_183 : i32
      %dma_wait3A_185 = arith.constant 0 : i32
      %dma_wait3A_186 = arith.constant 0 : i32
      %dma_wait3A_187 = tpu.memref_slice %arg6[%add3A_184, %dma_wait3A_185, %dma_wait3A_186] : memref<40x2x64xi32, #tpu.memory_space<vmem>> -> memref<1x1x64xi32, #tpu.memory_space<vmem>>
      %dma_wait3A_188 = tpu.memref_squeeze %dma_wait3A_187 : memref<1x1x64xi32, #tpu.memory_space<vmem>> -> memref<64xi32, #tpu.memory_space<vmem>>
      %dma_wait3A_189 = arith.constant 0 : i32
      %dma_wait3A_190 = arith.constant 0 : i32
      %dma_wait3A_191 = tpu.memref_slice %arg2[%dma_wait3A_189, %dma_wait3A_190] : memref<10000x128xf32, #tpu.memory_space<hbm>> -> memref<10000x128xf32, #tpu.memory_space<hbm>>
      tpu.wait_indirect_dma semaphore(%arg14 : memref<!tpu.dma_semaphore, #tpu.memory_space<semaphore_mem>>) src(%dma_wait3A_191 : memref<10000x128xf32, #tpu.memory_space<hbm>>) dst(%arg9 : memref<64x128xf32, #tpu.memory_space<vmem>>)
      %dma_start3A_192 = arith.constant 1 : i32
      %dma_start3A_193 = arith.constant 0 : i32
      %dma_start3A_194 = tpu.memref_slice %arg6[%add3A_184, %dma_start3A_192, %dma_start3A_193] : memref<40x2x64xi32, #tpu.memory_space<vmem>> -> memref<1x1x64xi32, #tpu.memory_space<vmem>>
      %dma_start3A_195 = tpu.memref_squeeze %dma_start3A_194 : memref<1x1x64xi32, #tpu.memory_space<vmem>> -> memref<64xi32, #tpu.memory_space<vmem>>
      %dma_start3A_196 = arith.constant 0 : i32
      %dma_start3A_197 = arith.constant 0 : i32
      %dma_start3A_198 = tpu.memref_slice %arg11[%dma_start3A_196, %dma_start3A_197] : memref<10112x128xf32, #tpu.memory_space<vmem_shared>> -> memref<10112x128xf32, #tpu.memory_space<vmem_shared>>
      tpu.enqueue_indirect_dma source(%arg9 : memref<64x128xf32, #tpu.memory_space<vmem>>) target(%dma_start3A_198 : memref<10112x128xf32, #tpu.memory_space<vmem_shared>>) offsets(%dma_start3A_195 : memref<64xi32, #tpu.memory_space<vmem>>) semaphore(%arg18 : memref<!tpu.dma_semaphore, #tpu.memory_space<semaphore_mem>>) {add = true}
      %mul3A_199 = arith.constant 4 : i32
      %mul3A_200 = arith.muli %scan3A_84, %mul3A_199 : i32
      %add3A_201 = arith.constant 3 : i32
      %add3A_202 = arith.addi %mul3A_200, %add3A_201 : i32
      %dma_wait3A_203 = arith.constant 0 : i32
      %dma_wait3A_204 = arith.constant 0 : i32
      %dma_wait3A_205 = tpu.memref_slice %arg6[%add3A_202, %dma_wait3A_203, %dma_wait3A_204] : memref<40x2x64xi32, #tpu.memory_space<vmem>> -> memref<1x1x64xi32, #tpu.memory_space<vmem>>
      %dma_wait3A_206 = tpu.memref_squeeze %dma_wait3A_205 : memref<1x1x64xi32, #tpu.memory_space<vmem>> -> memref<64xi32, #tpu.memory_space<vmem>>
      %dma_wait3A_207 = arith.constant 0 : i32
      %dma_wait3A_208 = arith.constant 0 : i32
      %dma_wait3A_209 = tpu.memref_slice %arg2[%dma_wait3A_207, %dma_wait3A_208] : memref<10000x128xf32, #tpu.memory_space<hbm>> -> memref<10000x128xf32, #tpu.memory_space<hbm>>
      tpu.wait_indirect_dma semaphore(%arg15 : memref<!tpu.dma_semaphore, #tpu.memory_space<semaphore_mem>>) src(%dma_wait3A_209 : memref<10000x128xf32, #tpu.memory_space<hbm>>) dst(%arg10 : memref<64x128xf32, #tpu.memory_space<vmem>>)
      %dma_start3A_210 = arith.constant 1 : i32
      %dma_start3A_211 = arith.constant 0 : i32
      %dma_start3A_212 = tpu.memref_slice %arg6[%add3A_202, %dma_start3A_210, %dma_start3A_211] : memref<40x2x64xi32, #tpu.memory_space<vmem>> -> memref<1x1x64xi32, #tpu.memory_space<vmem>>
      %dma_start3A_213 = tpu.memref_squeeze %dma_start3A_212 : memref<1x1x64xi32, #tpu.memory_space<vmem>> -> memref<64xi32, #tpu.memory_space<vmem>>
      %dma_start3A_214 = arith.constant 0 : i32
      %dma_start3A_215 = arith.constant 0 : i32
      %dma_start3A_216 = tpu.memref_slice %arg11[%dma_start3A_214, %dma_start3A_215] : memref<10112x128xf32, #tpu.memory_space<vmem_shared>> -> memref<10112x128xf32, #tpu.memory_space<vmem_shared>>
      tpu.enqueue_indirect_dma source(%arg10 : memref<64x128xf32, #tpu.memory_space<vmem>>) target(%dma_start3A_216 : memref<10112x128xf32, #tpu.memory_space<vmem_shared>>) offsets(%dma_start3A_213 : memref<64xi32, #tpu.memory_space<vmem>>) semaphore(%arg19 : memref<!tpu.dma_semaphore, #tpu.memory_space<semaphore_mem>>) {add = true}
    }
    %scan3A_50 = arith.constant 10 : i32
    %dma_wait3A_51 = arith.constant 36 : i32
    %dma_wait3A_52 = arith.constant 1 : i32
    %dma_wait3A_53 = arith.constant 0 : i32
    %dma_wait3A_54 = tpu.memref_slice %arg6[%dma_wait3A_51, %dma_wait3A_52, %dma_wait3A_53] : memref<40x2x64xi32, #tpu.memory_space<vmem>> -> memref<1x1x64xi32, #tpu.memory_space<vmem>>
    %dma_wait3A_55 = tpu.memref_squeeze %dma_wait3A_54 : memref<1x1x64xi32, #tpu.memory_space<vmem>> -> memref<64xi32, #tpu.memory_space<vmem>>
    %dma_wait3A_56 = arith.constant 0 : i32
    %dma_wait3A_57 = arith.constant 0 : i32
    %dma_wait3A_58 = tpu.memref_slice %arg11[%dma_wait3A_56, %dma_wait3A_57] : memref<10112x128xf32, #tpu.memory_space<vmem_shared>> -> memref<10112x128xf32, #tpu.memory_space<vmem_shared>>
    tpu.wait_indirect_dma semaphore(%arg16 : memref<!tpu.dma_semaphore, #tpu.memory_space<semaphore_mem>>) src(%arg7 : memref<64x128xf32, #tpu.memory_space<vmem>>) dst(%dma_wait3A_58 : memref<10112x128xf32, #tpu.memory_space<vmem_shared>>)
    %dma_wait3A_59 = arith.constant 37 : i32
    %dma_wait3A_60 = arith.constant 1 : i32
    %dma_wait3A_61 = arith.constant 0 : i32
    %dma_wait3A_62 = tpu.memref_slice %arg6[%dma_wait3A_59, %dma_wait3A_60, %dma_wait3A_61] : memref<40x2x64xi32, #tpu.memory_space<vmem>> -> memref<1x1x64xi32, #tpu.memory_space<vmem>>
    %dma_wait3A_63 = tpu.memref_squeeze %dma_wait3A_62 : memref<1x1x64xi32, #tpu.memory_space<vmem>> -> memref<64xi32, #tpu.memory_space<vmem>>
    %dma_wait3A_64 = arith.constant 0 : i32
    %dma_wait3A_65 = arith.constant 0 : i32
    %dma_wait3A_66 = tpu.memref_slice %arg11[%dma_wait3A_64, %dma_wait3A_65] : memref<10112x128xf32, #tpu.memory_space<vmem_shared>> -> memref<10112x128xf32, #tpu.memory_space<vmem_shared>>
    tpu.wait_indirect_dma semaphore(%arg17 : memref<!tpu.dma_semaphore, #tpu.memory_space<semaphore_mem>>) src(%arg8 : memref<64x128xf32, #tpu.memory_space<vmem>>) dst(%dma_wait3A_66 : memref<10112x128xf32, #tpu.memory_space<vmem_shared>>)
    %dma_wait3A_67 = arith.constant 38 : i32
    %dma_wait3A_68 = arith.constant 1 : i32
    %dma_wait3A_69 = arith.constant 0 : i32
    %dma_wait3A_70 = tpu.memref_slice %arg6[%dma_wait3A_67, %dma_wait3A_68, %dma_wait3A_69] : memref<40x2x64xi32, #tpu.memory_space<vmem>> -> memref<1x1x64xi32, #tpu.memory_space<vmem>>
    %dma_wait3A_71 = tpu.memref_squeeze %dma_wait3A_70 : memref<1x1x64xi32, #tpu.memory_space<vmem>> -> memref<64xi32, #tpu.memory_space<vmem>>
    %dma_wait3A_72 = arith.constant 0 : i32
    %dma_wait3A_73 = arith.constant 0 : i32
    %dma_wait3A_74 = tpu.memref_slice %arg11[%dma_wait3A_72, %dma_wait3A_73] : memref<10112x128xf32, #tpu.memory_space<vmem_shared>> -> memref<10112x128xf32, #tpu.memory_space<vmem_shared>>
    tpu.wait_indirect_dma semaphore(%arg18 : memref<!tpu.dma_semaphore, #tpu.memory_space<semaphore_mem>>) src(%arg9 : memref<64x128xf32, #tpu.memory_space<vmem>>) dst(%dma_wait3A_74 : memref<10112x128xf32, #tpu.memory_space<vmem_shared>>)
    %dma_wait3A_75 = arith.constant 39 : i32
    %dma_wait3A_76 = arith.constant 1 : i32
    %dma_wait3A_77 = arith.constant 0 : i32
    %dma_wait3A_78 = tpu.memref_slice %arg6[%dma_wait3A_75, %dma_wait3A_76, %dma_wait3A_77] : memref<40x2x64xi32, #tpu.memory_space<vmem>> -> memref<1x1x64xi32, #tpu.memory_space<vmem>>
    %dma_wait3A_79 = tpu.memref_squeeze %dma_wait3A_78 : memref<1x1x64xi32, #tpu.memory_space<vmem>> -> memref<64xi32, #tpu.memory_space<vmem>>
    %dma_wait3A_80 = arith.constant 0 : i32
    %dma_wait3A_81 = arith.constant 0 : i32
    %dma_wait3A_82 = tpu.memref_slice %arg11[%dma_wait3A_80, %dma_wait3A_81] : memref<10112x128xf32, #tpu.memory_space<vmem_shared>> -> memref<10112x128xf32, #tpu.memory_space<vmem_shared>>
    tpu.wait_indirect_dma semaphore(%arg19 : memref<!tpu.dma_semaphore, #tpu.memory_space<semaphore_mem>>) src(%arg10 : memref<64x128xf32, #tpu.memory_space<vmem>>) dst(%dma_wait3A_82 : memref<10112x128xf32, #tpu.memory_space<vmem_shared>>)
    %barrier3A_83 = arith.constant 0 : index
    tpu.barrier barrier_id(%barrier3A_83)
    "tpu.region"() ({
      %run_scoped3A = tpu.sem_alloc : memref<!tpu.dma_semaphore, #tpu.memory_space<semaphore_mem>>
      %dma_start3A = arith.constant 0 : i32
      %dma_start3A_84 = tpu.memref_slice %arg5[%arg0, %multiple_of3A, %dma_start3A] : memref<2x10112x128xf32, #tpu.memory_space<hbm>> -> memref<1x632x128xf32, #tpu.memory_space<hbm>>
      %dma_start3A_85 = tpu.memref_squeeze %dma_start3A_84 : memref<1x632x128xf32, #tpu.memory_space<hbm>> -> memref<632x128xf32, #tpu.memory_space<hbm>>
      %dma_start3A_86 = arith.constant 0 : i32
      %dma_start3A_87 = tpu.memref_slice %arg11[%multiple_of3A, %dma_start3A_86] : memref<10112x128xf32, #tpu.memory_space<vmem_shared>> -> memref<632x128xf32, #tpu.memory_space<vmem_shared>>
      tpu.enqueue_dma source(%dma_start3A_87 : memref<632x128xf32, #tpu.memory_space<vmem_shared>>) target(%dma_start3A_85 : memref<632x128xf32, #tpu.memory_space<hbm>>) target_semaphore(%run_scoped3A : memref<!tpu.dma_semaphore, #tpu.memory_space<semaphore_mem>>)
      %dma_wait3A_88 = arith.constant 0 : i32
      %dma_wait3A_89 = tpu.memref_slice %arg5[%arg0, %multiple_of3A, %dma_wait3A_88] : memref<2x10112x128xf32, #tpu.memory_space<hbm>> -> memref<1x632x128xf32, #tpu.memory_space<hbm>>
      %dma_wait3A_90 = tpu.memref_squeeze %dma_wait3A_89 : memref<1x632x128xf32, #tpu.memory_space<hbm>> -> memref<632x128xf32, #tpu.memory_space<hbm>>
      %dma_wait3A_91 = arith.constant 0 : i32
      %dma_wait3A_92 = tpu.memref_slice %arg11[%multiple_of3A, %dma_wait3A_91] : memref<10112x128xf32, #tpu.memory_space<vmem_shared>> -> memref<632x128xf32, #tpu.memory_space<vmem_shared>>
      tpu.wait_dma2 semaphore(%run_scoped3A : memref<!tpu.dma_semaphore, #tpu.memory_space<semaphore_mem>>) src(%dma_wait3A_92 : memref<632x128xf32, #tpu.memory_space<vmem_shared>>) dst(%dma_wait3A_90 : memref<632x128xf32, #tpu.memory_space<hbm>>)
      tpu.yield
    }) : () -> ()
    return
  }
}

#map = affine_map<(d0, d1) -> (0, 0)>
#map1 = affine_map<(d0, d1) -> (0, 0, 0)>
module attributes {stable_mosaic.version = 14 : i64} {
  func.func @_deg_body(%arg0: i32, %arg1: i32, %arg2: memref<2560x64xi32, #tpu.memory_space<hbm>>, %arg3: memref<64x128xf32, #tpu.memory_space<hbm>>, %arg4: memref<632x128xf32, #tpu.memory_space<hbm>>, %arg5: memref<2x10112x128xf32, #tpu.memory_space<hbm>>, %arg6: memref<80x64xi32, #tpu.memory_space<vmem>>, %arg7: memref<64x128xf32, #tpu.memory_space<vmem>>, %arg8: memref<10112x128xf32, #tpu.memory_space<vmem_shared>>, %arg9: memref<!tpu.dma_semaphore, #tpu.memory_space<semaphore_mem>>, %arg10: memref<!tpu.dma_semaphore, #tpu.memory_space<semaphore_mem>>, %arg11: memref<!tpu.dma_semaphore, #tpu.memory_space<semaphore_mem>>, %arg12: memref<!tpu.dma_semaphore, #tpu.memory_space<semaphore_mem>>) attributes {dimension_semantics = [#tpu.dimension_semantics<core_parallel>, #tpu.dimension_semantics<subcore_parallel>], iteration_bounds = array<i64: 2, 16>, scalar_prefetch = 0 : i64, scratch_operands = 7 : i64, tpu.core_type = #tpu.core_type<sc_vector_subcore>, window_params = [{transform_indices = #map}, {transform_indices = #map}, {transform_indices = #map}, {transform_indices = #map1}]} {
    %mul3A = arith.constant 16 : i32
    %mul3A_0 = arith.muli %arg0, %mul3A : i32
    %add3A = arith.addi %mul3A_0, %arg1 : i32
    %mul3A_1 = arith.constant 632 : i32
    %mul3A_2 = arith.muli %arg1, %mul3A_1 : i32
    %multiple_of3A = tpu.assume_multiple %mul3A_2, 8 : i32
    %mul3A_3 = arith.constant 80 : i32
    %mul3A_4 = arith.muli %add3A, %mul3A_3 : i32
    "tpu.region"() ({
      %run_scoped3A = tpu.sem_alloc : memref<!tpu.dma_semaphore, #tpu.memory_space<semaphore_mem>>
      %dma_start3A = arith.constant 0 : i32
      %dma_start3A_38 = tpu.memref_slice %arg2[%mul3A_4, %dma_start3A] : memref<2560x64xi32, #tpu.memory_space<hbm>> -> memref<80x64xi32, #tpu.memory_space<hbm>>
      %dma_start3A_39 = arith.constant 0 : i32
      %dma_start3A_40 = tpu.memref_slice %arg2[%mul3A_4, %dma_start3A_39] : memref<2560x64xi32, #tpu.memory_space<hbm>> -> memref<80x64xi32, #tpu.memory_space<hbm>>
      tpu.enqueue_dma source(%dma_start3A_40 : memref<80x64xi32, #tpu.memory_space<hbm>>) target(%arg6 : memref<80x64xi32, #tpu.memory_space<vmem>>) target_semaphore(%run_scoped3A : memref<!tpu.dma_semaphore, #tpu.memory_space<semaphore_mem>>)
      %dma_wait3A_41 = arith.constant 0 : i32
      %dma_wait3A_42 = tpu.memref_slice %arg2[%mul3A_4, %dma_wait3A_41] : memref<2560x64xi32, #tpu.memory_space<hbm>> -> memref<80x64xi32, #tpu.memory_space<hbm>>
      %dma_wait3A_43 = arith.constant 0 : i32
      %dma_wait3A_44 = tpu.memref_slice %arg2[%mul3A_4, %dma_wait3A_43] : memref<2560x64xi32, #tpu.memory_space<hbm>> -> memref<80x64xi32, #tpu.memory_space<hbm>>
      tpu.wait_dma2 semaphore(%run_scoped3A : memref<!tpu.dma_semaphore, #tpu.memory_space<semaphore_mem>>) src(%dma_wait3A_44 : memref<80x64xi32, #tpu.memory_space<hbm>>) dst(%arg6 : memref<80x64xi32, #tpu.memory_space<vmem>>)
      tpu.yield
    }) : () -> ()
    "tpu.region"() ({
      %run_scoped3A = tpu.sem_alloc : memref<!tpu.dma_semaphore, #tpu.memory_space<semaphore_mem>>
      tpu.enqueue_dma source(%arg3 : memref<64x128xf32, #tpu.memory_space<hbm>>) target(%arg7 : memref<64x128xf32, #tpu.memory_space<vmem>>) target_semaphore(%run_scoped3A : memref<!tpu.dma_semaphore, #tpu.memory_space<semaphore_mem>>)
      tpu.wait_dma2 semaphore(%run_scoped3A : memref<!tpu.dma_semaphore, #tpu.memory_space<semaphore_mem>>) src(%arg3 : memref<64x128xf32, #tpu.memory_space<hbm>>) dst(%arg7 : memref<64x128xf32, #tpu.memory_space<vmem>>)
      tpu.yield
    }) : () -> ()
    "tpu.region"() ({
      %run_scoped3A = tpu.sem_alloc : memref<!tpu.dma_semaphore, #tpu.memory_space<semaphore_mem>>
      %dma_start3A = arith.constant 0 : i32
      %dma_start3A_38 = tpu.memref_slice %arg8[%multiple_of3A, %dma_start3A] : memref<10112x128xf32, #tpu.memory_space<vmem_shared>> -> memref<632x128xf32, #tpu.memory_space<vmem_shared>>
      tpu.enqueue_dma source(%arg4 : memref<632x128xf32, #tpu.memory_space<hbm>>) target(%dma_start3A_38 : memref<632x128xf32, #tpu.memory_space<vmem_shared>>) target_semaphore(%run_scoped3A : memref<!tpu.dma_semaphore, #tpu.memory_space<semaphore_mem>>)
      %dma_wait3A_39 = arith.constant 0 : i32
      %dma_wait3A_40 = tpu.memref_slice %arg8[%multiple_of3A, %dma_wait3A_39] : memref<10112x128xf32, #tpu.memory_space<vmem_shared>> -> memref<632x128xf32, #tpu.memory_space<vmem_shared>>
      tpu.wait_dma2 semaphore(%run_scoped3A : memref<!tpu.dma_semaphore, #tpu.memory_space<semaphore_mem>>) src(%arg4 : memref<632x128xf32, #tpu.memory_space<hbm>>) dst(%dma_wait3A_40 : memref<632x128xf32, #tpu.memory_space<vmem_shared>>)
      tpu.yield
    }) : () -> ()
    %barrier3A = arith.constant 0 : index
    tpu.barrier barrier_id(%barrier3A)
    %scan3A = arith.constant 0 : i32
    %scan3A_5 = arith.constant 0 : i32
    %scan3A_6 = arith.constant 20 : i32
    %scan3A_7 = arith.addi %scan3A_5, %scan3A_6 : i32
    %scan3A_8 = arith.constant 1 : i32
    scf.for %scan3A_38 = %scan3A_5 to %scan3A_7 step %scan3A_8  : i32 {
      %mul3A_39 = arith.constant 4 : i32
      %mul3A_40 = arith.muli %scan3A_38, %mul3A_39 : i32
      %add3A_41 = arith.constant 0 : i32
      %add3A_42 = arith.addi %mul3A_40, %add3A_41 : i32
      %gt3A = arith.constant 0 : i32
      %gt3A_43 = arith.cmpi sgt, %scan3A_38, %gt3A : i32
      %convert_element_type3A = arith.extui %gt3A_43 : i1 to i32
      %cond3A = arith.constant 0 : i32
      %cond3A_44 = arith.cmpi ne, %convert_element_type3A, %cond3A : i32
      scf.if %cond3A_44 {
        %sub3A = arith.constant 4 : i32
        %sub3A_95 = arith.subi %add3A_42, %sub3A : i32
        %dma_wait3A_96 = arith.constant 0 : i32
        %dma_wait3A_97 = tpu.memref_slice %arg6[%sub3A_95, %dma_wait3A_96] : memref<80x64xi32, #tpu.memory_space<vmem>> -> memref<1x64xi32, #tpu.memory_space<vmem>>
        %dma_wait3A_98 = tpu.memref_squeeze %dma_wait3A_97 : memref<1x64xi32, #tpu.memory_space<vmem>> -> memref<64xi32, #tpu.memory_space<vmem>>
        %dma_wait3A_99 = arith.constant 0 : i32
        %dma_wait3A_100 = arith.constant 0 : i32
        %dma_wait3A_101 = tpu.memref_slice %arg8[%dma_wait3A_99, %dma_wait3A_100] : memref<10112x128xf32, #tpu.memory_space<vmem_shared>> -> memref<10112x128xf32, #tpu.memory_space<vmem_shared>>
        tpu.wait_indirect_dma semaphore(%arg9 : memref<!tpu.dma_semaphore, #tpu.memory_space<semaphore_mem>>) src(%arg7 : memref<64x128xf32, #tpu.memory_space<vmem>>) dst(%dma_wait3A_101 : memref<10112x128xf32, #tpu.memory_space<vmem_shared>>)
      } else {
      }
      %dma_start3A = arith.constant 0 : i32
      %dma_start3A_45 = tpu.memref_slice %arg6[%add3A_42, %dma_start3A] : memref<80x64xi32, #tpu.memory_space<vmem>> -> memref<1x64xi32, #tpu.memory_space<vmem>>
      %dma_start3A_46 = tpu.memref_squeeze %dma_start3A_45 : memref<1x64xi32, #tpu.memory_space<vmem>> -> memref<64xi32, #tpu.memory_space<vmem>>
      %dma_start3A_47 = arith.constant 0 : i32
      %dma_start3A_48 = arith.constant 0 : i32
      %dma_start3A_49 = tpu.memref_slice %arg8[%dma_start3A_47, %dma_start3A_48] : memref<10112x128xf32, #tpu.memory_space<vmem_shared>> -> memref<10112x128xf32, #tpu.memory_space<vmem_shared>>
      tpu.enqueue_indirect_dma source(%arg7 : memref<64x128xf32, #tpu.memory_space<vmem>>) target(%dma_start3A_49 : memref<10112x128xf32, #tpu.memory_space<vmem_shared>>) offsets(%dma_start3A_46 : memref<64xi32, #tpu.memory_space<vmem>>) semaphore(%arg9 : memref<!tpu.dma_semaphore, #tpu.memory_space<semaphore_mem>>) {add = true}
      %mul3A_50 = arith.constant 4 : i32
      %mul3A_51 = arith.muli %scan3A_38, %mul3A_50 : i32
      %add3A_52 = arith.constant 1 : i32
      %add3A_53 = arith.addi %mul3A_51, %add3A_52 : i32
      %gt3A_54 = arith.constant 0 : i32
      %gt3A_55 = arith.cmpi sgt, %scan3A_38, %gt3A_54 : i32
      %convert_element_type3A_56 = arith.extui %gt3A_55 : i1 to i32
      %cond3A_57 = arith.constant 0 : i32
      %cond3A_58 = arith.cmpi ne, %convert_element_type3A_56, %cond3A_57 : i32
      scf.if %cond3A_58 {
        %sub3A = arith.constant 4 : i32
        %sub3A_95 = arith.subi %add3A_53, %sub3A : i32
        %dma_wait3A_96 = arith.constant 0 : i32
        %dma_wait3A_97 = tpu.memref_slice %arg6[%sub3A_95, %dma_wait3A_96] : memref<80x64xi32, #tpu.memory_space<vmem>> -> memref<1x64xi32, #tpu.memory_space<vmem>>
        %dma_wait3A_98 = tpu.memref_squeeze %dma_wait3A_97 : memref<1x64xi32, #tpu.memory_space<vmem>> -> memref<64xi32, #tpu.memory_space<vmem>>
        %dma_wait3A_99 = arith.constant 0 : i32
        %dma_wait3A_100 = arith.constant 0 : i32
        %dma_wait3A_101 = tpu.memref_slice %arg8[%dma_wait3A_99, %dma_wait3A_100] : memref<10112x128xf32, #tpu.memory_space<vmem_shared>> -> memref<10112x128xf32, #tpu.memory_space<vmem_shared>>
        tpu.wait_indirect_dma semaphore(%arg10 : memref<!tpu.dma_semaphore, #tpu.memory_space<semaphore_mem>>) src(%arg7 : memref<64x128xf32, #tpu.memory_space<vmem>>) dst(%dma_wait3A_101 : memref<10112x128xf32, #tpu.memory_space<vmem_shared>>)
      } else {
      }
      %dma_start3A_59 = arith.constant 0 : i32
      %dma_start3A_60 = tpu.memref_slice %arg6[%add3A_53, %dma_start3A_59] : memref<80x64xi32, #tpu.memory_space<vmem>> -> memref<1x64xi32, #tpu.memory_space<vmem>>
      %dma_start3A_61 = tpu.memref_squeeze %dma_start3A_60 : memref<1x64xi32, #tpu.memory_space<vmem>> -> memref<64xi32, #tpu.memory_space<vmem>>
      %dma_start3A_62 = arith.constant 0 : i32
      %dma_start3A_63 = arith.constant 0 : i32
      %dma_start3A_64 = tpu.memref_slice %arg8[%dma_start3A_62, %dma_start3A_63] : memref<10112x128xf32, #tpu.memory_space<vmem_shared>> -> memref<10112x128xf32, #tpu.memory_space<vmem_shared>>
      tpu.enqueue_indirect_dma source(%arg7 : memref<64x128xf32, #tpu.memory_space<vmem>>) target(%dma_start3A_64 : memref<10112x128xf32, #tpu.memory_space<vmem_shared>>) offsets(%dma_start3A_61 : memref<64xi32, #tpu.memory_space<vmem>>) semaphore(%arg10 : memref<!tpu.dma_semaphore, #tpu.memory_space<semaphore_mem>>) {add = true}
      %mul3A_65 = arith.constant 4 : i32
      %mul3A_66 = arith.muli %scan3A_38, %mul3A_65 : i32
      %add3A_67 = arith.constant 2 : i32
      %add3A_68 = arith.addi %mul3A_66, %add3A_67 : i32
      %gt3A_69 = arith.constant 0 : i32
      %gt3A_70 = arith.cmpi sgt, %scan3A_38, %gt3A_69 : i32
      %convert_element_type3A_71 = arith.extui %gt3A_70 : i1 to i32
      %cond3A_72 = arith.constant 0 : i32
      %cond3A_73 = arith.cmpi ne, %convert_element_type3A_71, %cond3A_72 : i32
      scf.if %cond3A_73 {
        %sub3A = arith.constant 4 : i32
        %sub3A_95 = arith.subi %add3A_68, %sub3A : i32
        %dma_wait3A_96 = arith.constant 0 : i32
        %dma_wait3A_97 = tpu.memref_slice %arg6[%sub3A_95, %dma_wait3A_96] : memref<80x64xi32, #tpu.memory_space<vmem>> -> memref<1x64xi32, #tpu.memory_space<vmem>>
        %dma_wait3A_98 = tpu.memref_squeeze %dma_wait3A_97 : memref<1x64xi32, #tpu.memory_space<vmem>> -> memref<64xi32, #tpu.memory_space<vmem>>
        %dma_wait3A_99 = arith.constant 0 : i32
        %dma_wait3A_100 = arith.constant 0 : i32
        %dma_wait3A_101 = tpu.memref_slice %arg8[%dma_wait3A_99, %dma_wait3A_100] : memref<10112x128xf32, #tpu.memory_space<vmem_shared>> -> memref<10112x128xf32, #tpu.memory_space<vmem_shared>>
        tpu.wait_indirect_dma semaphore(%arg11 : memref<!tpu.dma_semaphore, #tpu.memory_space<semaphore_mem>>) src(%arg7 : memref<64x128xf32, #tpu.memory_space<vmem>>) dst(%dma_wait3A_101 : memref<10112x128xf32, #tpu.memory_space<vmem_shared>>)
      } else {
      }
      %dma_start3A_74 = arith.constant 0 : i32
      %dma_start3A_75 = tpu.memref_slice %arg6[%add3A_68, %dma_start3A_74] : memref<80x64xi32, #tpu.memory_space<vmem>> -> memref<1x64xi32, #tpu.memory_space<vmem>>
      %dma_start3A_76 = tpu.memref_squeeze %dma_start3A_75 : memref<1x64xi32, #tpu.memory_space<vmem>> -> memref<64xi32, #tpu.memory_space<vmem>>
      %dma_start3A_77 = arith.constant 0 : i32
      %dma_start3A_78 = arith.constant 0 : i32
      %dma_start3A_79 = tpu.memref_slice %arg8[%dma_start3A_77, %dma_start3A_78] : memref<10112x128xf32, #tpu.memory_space<vmem_shared>> -> memref<10112x128xf32, #tpu.memory_space<vmem_shared>>
      tpu.enqueue_indirect_dma source(%arg7 : memref<64x128xf32, #tpu.memory_space<vmem>>) target(%dma_start3A_79 : memref<10112x128xf32, #tpu.memory_space<vmem_shared>>) offsets(%dma_start3A_76 : memref<64xi32, #tpu.memory_space<vmem>>) semaphore(%arg11 : memref<!tpu.dma_semaphore, #tpu.memory_space<semaphore_mem>>) {add = true}
      %mul3A_80 = arith.constant 4 : i32
      %mul3A_81 = arith.muli %scan3A_38, %mul3A_80 : i32
      %add3A_82 = arith.constant 3 : i32
      %add3A_83 = arith.addi %mul3A_81, %add3A_82 : i32
      %gt3A_84 = arith.constant 0 : i32
      %gt3A_85 = arith.cmpi sgt, %scan3A_38, %gt3A_84 : i32
      %convert_element_type3A_86 = arith.extui %gt3A_85 : i1 to i32
      %cond3A_87 = arith.constant 0 : i32
      %cond3A_88 = arith.cmpi ne, %convert_element_type3A_86, %cond3A_87 : i32
      scf.if %cond3A_88 {
        %sub3A = arith.constant 4 : i32
        %sub3A_95 = arith.subi %add3A_83, %sub3A : i32
        %dma_wait3A_96 = arith.constant 0 : i32
        %dma_wait3A_97 = tpu.memref_slice %arg6[%sub3A_95, %dma_wait3A_96] : memref<80x64xi32, #tpu.memory_space<vmem>> -> memref<1x64xi32, #tpu.memory_space<vmem>>
        %dma_wait3A_98 = tpu.memref_squeeze %dma_wait3A_97 : memref<1x64xi32, #tpu.memory_space<vmem>> -> memref<64xi32, #tpu.memory_space<vmem>>
        %dma_wait3A_99 = arith.constant 0 : i32
        %dma_wait3A_100 = arith.constant 0 : i32
        %dma_wait3A_101 = tpu.memref_slice %arg8[%dma_wait3A_99, %dma_wait3A_100] : memref<10112x128xf32, #tpu.memory_space<vmem_shared>> -> memref<10112x128xf32, #tpu.memory_space<vmem_shared>>
        tpu.wait_indirect_dma semaphore(%arg12 : memref<!tpu.dma_semaphore, #tpu.memory_space<semaphore_mem>>) src(%arg7 : memref<64x128xf32, #tpu.memory_space<vmem>>) dst(%dma_wait3A_101 : memref<10112x128xf32, #tpu.memory_space<vmem_shared>>)
      } else {
      }
      %dma_start3A_89 = arith.constant 0 : i32
      %dma_start3A_90 = tpu.memref_slice %arg6[%add3A_83, %dma_start3A_89] : memref<80x64xi32, #tpu.memory_space<vmem>> -> memref<1x64xi32, #tpu.memory_space<vmem>>
      %dma_start3A_91 = tpu.memref_squeeze %dma_start3A_90 : memref<1x64xi32, #tpu.memory_space<vmem>> -> memref<64xi32, #tpu.memory_space<vmem>>
      %dma_start3A_92 = arith.constant 0 : i32
      %dma_start3A_93 = arith.constant 0 : i32
      %dma_start3A_94 = tpu.memref_slice %arg8[%dma_start3A_92, %dma_start3A_93] : memref<10112x128xf32, #tpu.memory_space<vmem_shared>> -> memref<10112x128xf32, #tpu.memory_space<vmem_shared>>
      tpu.enqueue_indirect_dma source(%arg7 : memref<64x128xf32, #tpu.memory_space<vmem>>) target(%dma_start3A_94 : memref<10112x128xf32, #tpu.memory_space<vmem_shared>>) offsets(%dma_start3A_91 : memref<64xi32, #tpu.memory_space<vmem>>) semaphore(%arg12 : memref<!tpu.dma_semaphore, #tpu.memory_space<semaphore_mem>>) {add = true}
    }
    %scan3A_9 = arith.constant 20 : i32
    %dma_wait3A = arith.constant 76 : i32
    %dma_wait3A_10 = arith.constant 0 : i32
    %dma_wait3A_11 = tpu.memref_slice %arg6[%dma_wait3A, %dma_wait3A_10] : memref<80x64xi32, #tpu.memory_space<vmem>> -> memref<1x64xi32, #tpu.memory_space<vmem>>
    %dma_wait3A_12 = tpu.memref_squeeze %dma_wait3A_11 : memref<1x64xi32, #tpu.memory_space<vmem>> -> memref<64xi32, #tpu.memory_space<vmem>>
    %dma_wait3A_13 = arith.constant 0 : i32
    %dma_wait3A_14 = arith.constant 0 : i32
    %dma_wait3A_15 = tpu.memref_slice %arg8[%dma_wait3A_13, %dma_wait3A_14] : memref<10112x128xf32, #tpu.memory_space<vmem_shared>> -> memref<10112x128xf32, #tpu.memory_space<vmem_shared>>
    tpu.wait_indirect_dma semaphore(%arg9 : memref<!tpu.dma_semaphore, #tpu.memory_space<semaphore_mem>>) src(%arg7 : memref<64x128xf32, #tpu.memory_space<vmem>>) dst(%dma_wait3A_15 : memref<10112x128xf32, #tpu.memory_space<vmem_shared>>)
    %dma_wait3A_16 = arith.constant 77 : i32
    %dma_wait3A_17 = arith.constant 0 : i32
    %dma_wait3A_18 = tpu.memref_slice %arg6[%dma_wait3A_16, %dma_wait3A_17] : memref<80x64xi32, #tpu.memory_space<vmem>> -> memref<1x64xi32, #tpu.memory_space<vmem>>
    %dma_wait3A_19 = tpu.memref_squeeze %dma_wait3A_18 : memref<1x64xi32, #tpu.memory_space<vmem>> -> memref<64xi32, #tpu.memory_space<vmem>>
    %dma_wait3A_20 = arith.constant 0 : i32
    %dma_wait3A_21 = arith.constant 0 : i32
    %dma_wait3A_22 = tpu.memref_slice %arg8[%dma_wait3A_20, %dma_wait3A_21] : memref<10112x128xf32, #tpu.memory_space<vmem_shared>> -> memref<10112x128xf32, #tpu.memory_space<vmem_shared>>
    tpu.wait_indirect_dma semaphore(%arg10 : memref<!tpu.dma_semaphore, #tpu.memory_space<semaphore_mem>>) src(%arg7 : memref<64x128xf32, #tpu.memory_space<vmem>>) dst(%dma_wait3A_22 : memref<10112x128xf32, #tpu.memory_space<vmem_shared>>)
    %dma_wait3A_23 = arith.constant 78 : i32
    %dma_wait3A_24 = arith.constant 0 : i32
    %dma_wait3A_25 = tpu.memref_slice %arg6[%dma_wait3A_23, %dma_wait3A_24] : memref<80x64xi32, #tpu.memory_space<vmem>> -> memref<1x64xi32, #tpu.memory_space<vmem>>
    %dma_wait3A_26 = tpu.memref_squeeze %dma_wait3A_25 : memref<1x64xi32, #tpu.memory_space<vmem>> -> memref<64xi32, #tpu.memory_space<vmem>>
    %dma_wait3A_27 = arith.constant 0 : i32
    %dma_wait3A_28 = arith.constant 0 : i32
    %dma_wait3A_29 = tpu.memref_slice %arg8[%dma_wait3A_27, %dma_wait3A_28] : memref<10112x128xf32, #tpu.memory_space<vmem_shared>> -> memref<10112x128xf32, #tpu.memory_space<vmem_shared>>
    tpu.wait_indirect_dma semaphore(%arg11 : memref<!tpu.dma_semaphore, #tpu.memory_space<semaphore_mem>>) src(%arg7 : memref<64x128xf32, #tpu.memory_space<vmem>>) dst(%dma_wait3A_29 : memref<10112x128xf32, #tpu.memory_space<vmem_shared>>)
    %dma_wait3A_30 = arith.constant 79 : i32
    %dma_wait3A_31 = arith.constant 0 : i32
    %dma_wait3A_32 = tpu.memref_slice %arg6[%dma_wait3A_30, %dma_wait3A_31] : memref<80x64xi32, #tpu.memory_space<vmem>> -> memref<1x64xi32, #tpu.memory_space<vmem>>
    %dma_wait3A_33 = tpu.memref_squeeze %dma_wait3A_32 : memref<1x64xi32, #tpu.memory_space<vmem>> -> memref<64xi32, #tpu.memory_space<vmem>>
    %dma_wait3A_34 = arith.constant 0 : i32
    %dma_wait3A_35 = arith.constant 0 : i32
    %dma_wait3A_36 = tpu.memref_slice %arg8[%dma_wait3A_34, %dma_wait3A_35] : memref<10112x128xf32, #tpu.memory_space<vmem_shared>> -> memref<10112x128xf32, #tpu.memory_space<vmem_shared>>
    tpu.wait_indirect_dma semaphore(%arg12 : memref<!tpu.dma_semaphore, #tpu.memory_space<semaphore_mem>>) src(%arg7 : memref<64x128xf32, #tpu.memory_space<vmem>>) dst(%dma_wait3A_36 : memref<10112x128xf32, #tpu.memory_space<vmem_shared>>)
    %barrier3A_37 = arith.constant 0 : index
    tpu.barrier barrier_id(%barrier3A_37)
    "tpu.region"() ({
      %run_scoped3A = tpu.sem_alloc : memref<!tpu.dma_semaphore, #tpu.memory_space<semaphore_mem>>
      %dma_start3A = arith.constant 0 : i32
      %dma_start3A_38 = tpu.memref_slice %arg5[%arg0, %multiple_of3A, %dma_start3A] : memref<2x10112x128xf32, #tpu.memory_space<hbm>> -> memref<1x632x128xf32, #tpu.memory_space<hbm>>
      %dma_start3A_39 = tpu.memref_squeeze %dma_start3A_38 : memref<1x632x128xf32, #tpu.memory_space<hbm>> -> memref<632x128xf32, #tpu.memory_space<hbm>>
      %dma_start3A_40 = arith.constant 0 : i32
      %dma_start3A_41 = tpu.memref_slice %arg8[%multiple_of3A, %dma_start3A_40] : memref<10112x128xf32, #tpu.memory_space<vmem_shared>> -> memref<632x128xf32, #tpu.memory_space<vmem_shared>>
      tpu.enqueue_dma source(%dma_start3A_41 : memref<632x128xf32, #tpu.memory_space<vmem_shared>>) target(%dma_start3A_39 : memref<632x128xf32, #tpu.memory_space<hbm>>) target_semaphore(%run_scoped3A : memref<!tpu.dma_semaphore, #tpu.memory_space<semaphore_mem>>)
      %dma_wait3A_42 = arith.constant 0 : i32
      %dma_wait3A_43 = tpu.memref_slice %arg5[%arg0, %multiple_of3A, %dma_wait3A_42] : memref<2x10112x128xf32, #tpu.memory_space<hbm>> -> memref<1x632x128xf32, #tpu.memory_space<hbm>>
      %dma_wait3A_44 = tpu.memref_squeeze %dma_wait3A_43 : memref<1x632x128xf32, #tpu.memory_space<hbm>> -> memref<632x128xf32, #tpu.memory_space<hbm>>
      %dma_wait3A_45 = arith.constant 0 : i32
      %dma_wait3A_46 = tpu.memref_slice %arg8[%multiple_of3A, %dma_wait3A_45] : memref<10112x128xf32, #tpu.memory_space<vmem_shared>> -> memref<632x128xf32, #tpu.memory_space<vmem_shared>>
      tpu.wait_dma2 semaphore(%run_scoped3A : memref<!tpu.dma_semaphore, #tpu.memory_space<semaphore_mem>>) src(%dma_wait3A_46 : memref<632x128xf32, #tpu.memory_space<vmem_shared>>) dst(%dma_wait3A_44 : memref<632x128xf32, #tpu.memory_space<hbm>>)
      tpu.yield
    }) : () -> ()
    return
  }
}

#map = affine_map<(d0, d1) -> (0, 0)>
#map1 = affine_map<(d0, d1) -> (0, 0, 0)>
module attributes {stable_mosaic.version = 14 : i64} {
  func.func @body(%arg0: i32, %arg1: i32, %arg2: memref<20000x128xf32, #tpu.memory_space<hbm>>, %arg3: memref<5120x2x64xi32, #tpu.memory_space<hbm>>, %arg4: memref<632x128xf32, #tpu.memory_space<hbm>>, %arg5: memref<2x10112x128xf32, #tpu.memory_space<hbm>>, %arg6: memref<40x2x64xi32, #tpu.memory_space<vmem>>, %arg7: memref<64x128xf32, #tpu.memory_space<vmem>>, %arg8: memref<64x128xf32, #tpu.memory_space<vmem>>, %arg9: memref<64x128xf32, #tpu.memory_space<vmem>>, %arg10: memref<64x128xf32, #tpu.memory_space<vmem>>, %arg11: memref<10112x128xf32, #tpu.memory_space<vmem_shared>>, %arg12: memref<!tpu.dma_semaphore, #tpu.memory_space<semaphore_mem>>, %arg13: memref<!tpu.dma_semaphore, #tpu.memory_space<semaphore_mem>>, %arg14: memref<!tpu.dma_semaphore, #tpu.memory_space<semaphore_mem>>, %arg15: memref<!tpu.dma_semaphore, #tpu.memory_space<semaphore_mem>>, %arg16: memref<!tpu.dma_semaphore, #tpu.memory_space<semaphore_mem>>, %arg17: memref<!tpu.dma_semaphore, #tpu.memory_space<semaphore_mem>>, %arg18: memref<!tpu.dma_semaphore, #tpu.memory_space<semaphore_mem>>, %arg19: memref<!tpu.dma_semaphore, #tpu.memory_space<semaphore_mem>>) attributes {dimension_semantics = [#tpu.dimension_semantics<core_parallel>, #tpu.dimension_semantics<subcore_parallel>], iteration_bounds = array<i64: 2, 16>, scalar_prefetch = 0 : i64, scratch_operands = 14 : i64, tpu.core_type = #tpu.core_type<sc_vector_subcore>, window_params = [{transform_indices = #map}, {transform_indices = #map1}, {transform_indices = #map}, {transform_indices = #map1}]} {
    %mul3A = arith.constant 632 : i32
    %mul3A_0 = arith.muli %arg1, %mul3A : i32
    %multiple_of3A = tpu.assume_multiple %mul3A_0, 8 : i32
    %mul3A_1 = arith.constant 2560 : i32
    %mul3A_2 = arith.muli %arg0, %mul3A_1 : i32
    %mul3A_3 = arith.constant 160 : i32
    %mul3A_4 = arith.muli %arg1, %mul3A_3 : i32
    %add3A = arith.addi %mul3A_2, %mul3A_4 : i32
    "tpu.region"() ({
      %run_scoped3A = tpu.sem_alloc : memref<!tpu.dma_semaphore, #tpu.memory_space<semaphore_mem>>
      %dma_start3A = arith.constant 0 : i32
      %dma_start3A_164 = tpu.memref_slice %arg11[%multiple_of3A, %dma_start3A] : memref<10112x128xf32, #tpu.memory_space<vmem_shared>> -> memref<632x128xf32, #tpu.memory_space<vmem_shared>>
      tpu.enqueue_dma source(%arg4 : memref<632x128xf32, #tpu.memory_space<hbm>>) target(%dma_start3A_164 : memref<632x128xf32, #tpu.memory_space<vmem_shared>>) target_semaphore(%run_scoped3A : memref<!tpu.dma_semaphore, #tpu.memory_space<semaphore_mem>>)
      %dma_wait3A_165 = arith.constant 0 : i32
      %dma_wait3A_166 = tpu.memref_slice %arg11[%multiple_of3A, %dma_wait3A_165] : memref<10112x128xf32, #tpu.memory_space<vmem_shared>> -> memref<632x128xf32, #tpu.memory_space<vmem_shared>>
      tpu.wait_dma2 semaphore(%run_scoped3A : memref<!tpu.dma_semaphore, #tpu.memory_space<semaphore_mem>>) src(%arg4 : memref<632x128xf32, #tpu.memory_space<hbm>>) dst(%dma_wait3A_166 : memref<632x128xf32, #tpu.memory_space<vmem_shared>>)
      tpu.yield
    }) : () -> ()
    %barrier3A = arith.constant 0 : index
    tpu.barrier barrier_id(%barrier3A)
    %add3A_5 = arith.constant 0 : i32
    %add3A_6 = arith.addi %add3A, %add3A_5 : i32
    "tpu.region"() ({
      %run_scoped3A = tpu.sem_alloc : memref<!tpu.dma_semaphore, #tpu.memory_space<semaphore_mem>>
      %dma_start3A = arith.constant 0 : i32
      %dma_start3A_164 = arith.constant 0 : i32
      %dma_start3A_165 = tpu.memref_slice %arg3[%add3A_6, %dma_start3A, %dma_start3A_164] : memref<5120x2x64xi32, #tpu.memory_space<hbm>> -> memref<40x2x64xi32, #tpu.memory_space<hbm>>
      %dma_start3A_166 = arith.constant 0 : i32
      %dma_start3A_167 = arith.constant 0 : i32
      %dma_start3A_168 = tpu.memref_slice %arg3[%add3A_6, %dma_start3A_166, %dma_start3A_167] : memref<5120x2x64xi32, #tpu.memory_space<hbm>> -> memref<40x2x64xi32, #tpu.memory_space<hbm>>
      tpu.enqueue_dma source(%dma_start3A_168 : memref<40x2x64xi32, #tpu.memory_space<hbm>>) target(%arg6 : memref<40x2x64xi32, #tpu.memory_space<vmem>>) target_semaphore(%run_scoped3A : memref<!tpu.dma_semaphore, #tpu.memory_space<semaphore_mem>>)
      %dma_wait3A_169 = arith.constant 0 : i32
      %dma_wait3A_170 = arith.constant 0 : i32
      %dma_wait3A_171 = tpu.memref_slice %arg3[%add3A_6, %dma_wait3A_169, %dma_wait3A_170] : memref<5120x2x64xi32, #tpu.memory_space<hbm>> -> memref<40x2x64xi32, #tpu.memory_space<hbm>>
      %dma_wait3A_172 = arith.constant 0 : i32
      %dma_wait3A_173 = arith.constant 0 : i32
      %dma_wait3A_174 = tpu.memref_slice %arg3[%add3A_6, %dma_wait3A_172, %dma_wait3A_173] : memref<5120x2x64xi32, #tpu.memory_space<hbm>> -> memref<40x2x64xi32, #tpu.memory_space<hbm>>
      tpu.wait_dma2 semaphore(%run_scoped3A : memref<!tpu.dma_semaphore, #tpu.memory_space<semaphore_mem>>) src(%dma_wait3A_174 : memref<40x2x64xi32, #tpu.memory_space<hbm>>) dst(%arg6 : memref<40x2x64xi32, #tpu.memory_space<vmem>>)
      tpu.yield
    }) : () -> ()
    %scan3A = arith.constant 0 : i32
    %scan3A_7 = arith.constant 0 : i32
    %scan3A_8 = arith.constant 10 : i32
    %scan3A_9 = arith.addi %scan3A_7, %scan3A_8 : i32
    %scan3A_10 = arith.constant 1 : i32
    scf.for %scan3A_164 = %scan3A_7 to %scan3A_9 step %scan3A_10  : i32 {
      %mul3A_165 = arith.constant 4 : i32
      %mul3A_166 = arith.muli %scan3A_164, %mul3A_165 : i32
      %add3A_167 = arith.constant 0 : i32
      %add3A_168 = arith.addi %mul3A_166, %add3A_167 : i32
      %gt3A = arith.constant 0 : i32
      %gt3A_169 = arith.cmpi sgt, %scan3A_164, %gt3A : i32
      %convert_element_type3A = arith.extui %gt3A_169 : i1 to i32
      %cond3A = arith.constant 0 : i32
      %cond3A_170 = arith.cmpi ne, %convert_element_type3A, %cond3A : i32
      scf.if %cond3A_170 {
        %sub3A = arith.constant 4 : i32
        %sub3A_297 = arith.subi %add3A_168, %sub3A : i32
        %dma_wait3A_298 = arith.constant 1 : i32
        %dma_wait3A_299 = arith.constant 0 : i32
        %dma_wait3A_300 = tpu.memref_slice %arg6[%sub3A_297, %dma_wait3A_298, %dma_wait3A_299] : memref<40x2x64xi32, #tpu.memory_space<vmem>> -> memref<1x1x64xi32, #tpu.memory_space<vmem>>
        %dma_wait3A_301 = tpu.memref_squeeze %dma_wait3A_300 : memref<1x1x64xi32, #tpu.memory_space<vmem>> -> memref<64xi32, #tpu.memory_space<vmem>>
        %dma_wait3A_302 = arith.constant 0 : i32
        %dma_wait3A_303 = arith.constant 0 : i32
        %dma_wait3A_304 = tpu.memref_slice %arg11[%dma_wait3A_302, %dma_wait3A_303] : memref<10112x128xf32, #tpu.memory_space<vmem_shared>> -> memref<10112x128xf32, #tpu.memory_space<vmem_shared>>
        tpu.wait_indirect_dma semaphore(%arg16 : memref<!tpu.dma_semaphore, #tpu.memory_space<semaphore_mem>>) src(%arg7 : memref<64x128xf32, #tpu.memory_space<vmem>>) dst(%dma_wait3A_304 : memref<10112x128xf32, #tpu.memory_space<vmem_shared>>)
      } else {
      }
      %dma_start3A = arith.constant 0 : i32
      %dma_start3A_171 = arith.constant 0 : i32
      %dma_start3A_172 = tpu.memref_slice %arg6[%add3A_168, %dma_start3A, %dma_start3A_171] : memref<40x2x64xi32, #tpu.memory_space<vmem>> -> memref<1x1x64xi32, #tpu.memory_space<vmem>>
      %dma_start3A_173 = tpu.memref_squeeze %dma_start3A_172 : memref<1x1x64xi32, #tpu.memory_space<vmem>> -> memref<64xi32, #tpu.memory_space<vmem>>
      %dma_start3A_174 = arith.constant 0 : i32
      %dma_start3A_175 = arith.constant 0 : i32
      %dma_start3A_176 = tpu.memref_slice %arg2[%dma_start3A_174, %dma_start3A_175] : memref<20000x128xf32, #tpu.memory_space<hbm>> -> memref<20000x128xf32, #tpu.memory_space<hbm>>
      tpu.enqueue_indirect_dma source(%dma_start3A_176 : memref<20000x128xf32, #tpu.memory_space<hbm>>) target(%arg7 : memref<64x128xf32, #tpu.memory_space<vmem>>) offsets(%dma_start3A_173 : memref<64xi32, #tpu.memory_space<vmem>>) semaphore(%arg12 : memref<!tpu.dma_semaphore, #tpu.memory_space<semaphore_mem>>)
      %mul3A_177 = arith.constant 4 : i32
      %mul3A_178 = arith.muli %scan3A_164, %mul3A_177 : i32
      %add3A_179 = arith.constant 1 : i32
      %add3A_180 = arith.addi %mul3A_178, %add3A_179 : i32
      %gt3A_181 = arith.constant 0 : i32
      %gt3A_182 = arith.cmpi sgt, %scan3A_164, %gt3A_181 : i32
      %convert_element_type3A_183 = arith.extui %gt3A_182 : i1 to i32
      %cond3A_184 = arith.constant 0 : i32
      %cond3A_185 = arith.cmpi ne, %convert_element_type3A_183, %cond3A_184 : i32
      scf.if %cond3A_185 {
        %sub3A = arith.constant 4 : i32
        %sub3A_297 = arith.subi %add3A_180, %sub3A : i32
        %dma_wait3A_298 = arith.constant 1 : i32
        %dma_wait3A_299 = arith.constant 0 : i32
        %dma_wait3A_300 = tpu.memref_slice %arg6[%sub3A_297, %dma_wait3A_298, %dma_wait3A_299] : memref<40x2x64xi32, #tpu.memory_space<vmem>> -> memref<1x1x64xi32, #tpu.memory_space<vmem>>
        %dma_wait3A_301 = tpu.memref_squeeze %dma_wait3A_300 : memref<1x1x64xi32, #tpu.memory_space<vmem>> -> memref<64xi32, #tpu.memory_space<vmem>>
        %dma_wait3A_302 = arith.constant 0 : i32
        %dma_wait3A_303 = arith.constant 0 : i32
        %dma_wait3A_304 = tpu.memref_slice %arg11[%dma_wait3A_302, %dma_wait3A_303] : memref<10112x128xf32, #tpu.memory_space<vmem_shared>> -> memref<10112x128xf32, #tpu.memory_space<vmem_shared>>
        tpu.wait_indirect_dma semaphore(%arg17 : memref<!tpu.dma_semaphore, #tpu.memory_space<semaphore_mem>>) src(%arg8 : memref<64x128xf32, #tpu.memory_space<vmem>>) dst(%dma_wait3A_304 : memref<10112x128xf32, #tpu.memory_space<vmem_shared>>)
      } else {
      }
      %dma_start3A_186 = arith.constant 0 : i32
      %dma_start3A_187 = arith.constant 0 : i32
      %dma_start3A_188 = tpu.memref_slice %arg6[%add3A_180, %dma_start3A_186, %dma_start3A_187] : memref<40x2x64xi32, #tpu.memory_space<vmem>> -> memref<1x1x64xi32, #tpu.memory_space<vmem>>
      %dma_start3A_189 = tpu.memref_squeeze %dma_start3A_188 : memref<1x1x64xi32, #tpu.memory_space<vmem>> -> memref<64xi32, #tpu.memory_space<vmem>>
      %dma_start3A_190 = arith.constant 0 : i32
      %dma_start3A_191 = arith.constant 0 : i32
      %dma_start3A_192 = tpu.memref_slice %arg2[%dma_start3A_190, %dma_start3A_191] : memref<20000x128xf32, #tpu.memory_space<hbm>> -> memref<20000x128xf32, #tpu.memory_space<hbm>>
      tpu.enqueue_indirect_dma source(%dma_start3A_192 : memref<20000x128xf32, #tpu.memory_space<hbm>>) target(%arg8 : memref<64x128xf32, #tpu.memory_space<vmem>>) offsets(%dma_start3A_189 : memref<64xi32, #tpu.memory_space<vmem>>) semaphore(%arg13 : memref<!tpu.dma_semaphore, #tpu.memory_space<semaphore_mem>>)
      %mul3A_193 = arith.constant 4 : i32
      %mul3A_194 = arith.muli %scan3A_164, %mul3A_193 : i32
      %add3A_195 = arith.constant 2 : i32
      %add3A_196 = arith.addi %mul3A_194, %add3A_195 : i32
      %gt3A_197 = arith.constant 0 : i32
      %gt3A_198 = arith.cmpi sgt, %scan3A_164, %gt3A_197 : i32
      %convert_element_type3A_199 = arith.extui %gt3A_198 : i1 to i32
      %cond3A_200 = arith.constant 0 : i32
      %cond3A_201 = arith.cmpi ne, %convert_element_type3A_199, %cond3A_200 : i32
      scf.if %cond3A_201 {
        %sub3A = arith.constant 4 : i32
        %sub3A_297 = arith.subi %add3A_196, %sub3A : i32
        %dma_wait3A_298 = arith.constant 1 : i32
        %dma_wait3A_299 = arith.constant 0 : i32
        %dma_wait3A_300 = tpu.memref_slice %arg6[%sub3A_297, %dma_wait3A_298, %dma_wait3A_299] : memref<40x2x64xi32, #tpu.memory_space<vmem>> -> memref<1x1x64xi32, #tpu.memory_space<vmem>>
        %dma_wait3A_301 = tpu.memref_squeeze %dma_wait3A_300 : memref<1x1x64xi32, #tpu.memory_space<vmem>> -> memref<64xi32, #tpu.memory_space<vmem>>
        %dma_wait3A_302 = arith.constant 0 : i32
        %dma_wait3A_303 = arith.constant 0 : i32
        %dma_wait3A_304 = tpu.memref_slice %arg11[%dma_wait3A_302, %dma_wait3A_303] : memref<10112x128xf32, #tpu.memory_space<vmem_shared>> -> memref<10112x128xf32, #tpu.memory_space<vmem_shared>>
        tpu.wait_indirect_dma semaphore(%arg18 : memref<!tpu.dma_semaphore, #tpu.memory_space<semaphore_mem>>) src(%arg9 : memref<64x128xf32, #tpu.memory_space<vmem>>) dst(%dma_wait3A_304 : memref<10112x128xf32, #tpu.memory_space<vmem_shared>>)
      } else {
      }
      %dma_start3A_202 = arith.constant 0 : i32
      %dma_start3A_203 = arith.constant 0 : i32
      %dma_start3A_204 = tpu.memref_slice %arg6[%add3A_196, %dma_start3A_202, %dma_start3A_203] : memref<40x2x64xi32, #tpu.memory_space<vmem>> -> memref<1x1x64xi32, #tpu.memory_space<vmem>>
      %dma_start3A_205 = tpu.memref_squeeze %dma_start3A_204 : memref<1x1x64xi32, #tpu.memory_space<vmem>> -> memref<64xi32, #tpu.memory_space<vmem>>
      %dma_start3A_206 = arith.constant 0 : i32
      %dma_start3A_207 = arith.constant 0 : i32
      %dma_start3A_208 = tpu.memref_slice %arg2[%dma_start3A_206, %dma_start3A_207] : memref<20000x128xf32, #tpu.memory_space<hbm>> -> memref<20000x128xf32, #tpu.memory_space<hbm>>
      tpu.enqueue_indirect_dma source(%dma_start3A_208 : memref<20000x128xf32, #tpu.memory_space<hbm>>) target(%arg9 : memref<64x128xf32, #tpu.memory_space<vmem>>) offsets(%dma_start3A_205 : memref<64xi32, #tpu.memory_space<vmem>>) semaphore(%arg14 : memref<!tpu.dma_semaphore, #tpu.memory_space<semaphore_mem>>)
      %mul3A_209 = arith.constant 4 : i32
      %mul3A_210 = arith.muli %scan3A_164, %mul3A_209 : i32
      %add3A_211 = arith.constant 3 : i32
      %add3A_212 = arith.addi %mul3A_210, %add3A_211 : i32
      %gt3A_213 = arith.constant 0 : i32
      %gt3A_214 = arith.cmpi sgt, %scan3A_164, %gt3A_213 : i32
      %convert_element_type3A_215 = arith.extui %gt3A_214 : i1 to i32
      %cond3A_216 = arith.constant 0 : i32
      %cond3A_217 = arith.cmpi ne, %convert_element_type3A_215, %cond3A_216 : i32
      scf.if %cond3A_217 {
        %sub3A = arith.constant 4 : i32
        %sub3A_297 = arith.subi %add3A_212, %sub3A : i32
        %dma_wait3A_298 = arith.constant 1 : i32
        %dma_wait3A_299 = arith.constant 0 : i32
        %dma_wait3A_300 = tpu.memref_slice %arg6[%sub3A_297, %dma_wait3A_298, %dma_wait3A_299] : memref<40x2x64xi32, #tpu.memory_space<vmem>> -> memref<1x1x64xi32, #tpu.memory_space<vmem>>
        %dma_wait3A_301 = tpu.memref_squeeze %dma_wait3A_300 : memref<1x1x64xi32, #tpu.memory_space<vmem>> -> memref<64xi32, #tpu.memory_space<vmem>>
        %dma_wait3A_302 = arith.constant 0 : i32
        %dma_wait3A_303 = arith.constant 0 : i32
        %dma_wait3A_304 = tpu.memref_slice %arg11[%dma_wait3A_302, %dma_wait3A_303] : memref<10112x128xf32, #tpu.memory_space<vmem_shared>> -> memref<10112x128xf32, #tpu.memory_space<vmem_shared>>
        tpu.wait_indirect_dma semaphore(%arg19 : memref<!tpu.dma_semaphore, #tpu.memory_space<semaphore_mem>>) src(%arg10 : memref<64x128xf32, #tpu.memory_space<vmem>>) dst(%dma_wait3A_304 : memref<10112x128xf32, #tpu.memory_space<vmem_shared>>)
      } else {
      }
      %dma_start3A_218 = arith.constant 0 : i32
      %dma_start3A_219 = arith.constant 0 : i32
      %dma_start3A_220 = tpu.memref_slice %arg6[%add3A_212, %dma_start3A_218, %dma_start3A_219] : memref<40x2x64xi32, #tpu.memory_space<vmem>> -> memref<1x1x64xi32, #tpu.memory_space<vmem>>
      %dma_start3A_221 = tpu.memref_squeeze %dma_start3A_220 : memref<1x1x64xi32, #tpu.memory_space<vmem>> -> memref<64xi32, #tpu.memory_space<vmem>>
      %dma_start3A_222 = arith.constant 0 : i32
      %dma_start3A_223 = arith.constant 0 : i32
      %dma_start3A_224 = tpu.memref_slice %arg2[%dma_start3A_222, %dma_start3A_223] : memref<20000x128xf32, #tpu.memory_space<hbm>> -> memref<20000x128xf32, #tpu.memory_space<hbm>>
      tpu.enqueue_indirect_dma source(%dma_start3A_224 : memref<20000x128xf32, #tpu.memory_space<hbm>>) target(%arg10 : memref<64x128xf32, #tpu.memory_space<vmem>>) offsets(%dma_start3A_221 : memref<64xi32, #tpu.memory_space<vmem>>) semaphore(%arg15 : memref<!tpu.dma_semaphore, #tpu.memory_space<semaphore_mem>>)
      %mul3A_225 = arith.constant 4 : i32
      %mul3A_226 = arith.muli %scan3A_164, %mul3A_225 : i32
      %add3A_227 = arith.constant 0 : i32
      %add3A_228 = arith.addi %mul3A_226, %add3A_227 : i32
      %dma_wait3A_229 = arith.constant 0 : i32
      %dma_wait3A_230 = arith.constant 0 : i32
      %dma_wait3A_231 = tpu.memref_slice %arg6[%add3A_228, %dma_wait3A_229, %dma_wait3A_230] : memref<40x2x64xi32, #tpu.memory_space<vmem>> -> memref<1x1x64xi32, #tpu.memory_space<vmem>>
      %dma_wait3A_232 = tpu.memref_squeeze %dma_wait3A_231 : memref<1x1x64xi32, #tpu.memory_space<vmem>> -> memref<64xi32, #tpu.memory_space<vmem>>
      %dma_wait3A_233 = arith.constant 0 : i32
      %dma_wait3A_234 = arith.constant 0 : i32
      %dma_wait3A_235 = tpu.memref_slice %arg2[%dma_wait3A_233, %dma_wait3A_234] : memref<20000x128xf32, #tpu.memory_space<hbm>> -> memref<20000x128xf32, #tpu.memory_space<hbm>>
      tpu.wait_indirect_dma semaphore(%arg12 : memref<!tpu.dma_semaphore, #tpu.memory_space<semaphore_mem>>) src(%dma_wait3A_235 : memref<20000x128xf32, #tpu.memory_space<hbm>>) dst(%arg7 : memref<64x128xf32, #tpu.memory_space<vmem>>)
      %dma_start3A_236 = arith.constant 1 : i32
      %dma_start3A_237 = arith.constant 0 : i32
      %dma_start3A_238 = tpu.memref_slice %arg6[%add3A_228, %dma_start3A_236, %dma_start3A_237] : memref<40x2x64xi32, #tpu.memory_space<vmem>> -> memref<1x1x64xi32, #tpu.memory_space<vmem>>
      %dma_start3A_239 = tpu.memref_squeeze %dma_start3A_238 : memref<1x1x64xi32, #tpu.memory_space<vmem>> -> memref<64xi32, #tpu.memory_space<vmem>>
      %dma_start3A_240 = arith.constant 0 : i32
      %dma_start3A_241 = arith.constant 0 : i32
      %dma_start3A_242 = tpu.memref_slice %arg11[%dma_start3A_240, %dma_start3A_241] : memref<10112x128xf32, #tpu.memory_space<vmem_shared>> -> memref<10112x128xf32, #tpu.memory_space<vmem_shared>>
      tpu.enqueue_indirect_dma source(%arg7 : memref<64x128xf32, #tpu.memory_space<vmem>>) target(%dma_start3A_242 : memref<10112x128xf32, #tpu.memory_space<vmem_shared>>) offsets(%dma_start3A_239 : memref<64xi32, #tpu.memory_space<vmem>>) semaphore(%arg16 : memref<!tpu.dma_semaphore, #tpu.memory_space<semaphore_mem>>) {add = true}
      %mul3A_243 = arith.constant 4 : i32
      %mul3A_244 = arith.muli %scan3A_164, %mul3A_243 : i32
      %add3A_245 = arith.constant 1 : i32
      %add3A_246 = arith.addi %mul3A_244, %add3A_245 : i32
      %dma_wait3A_247 = arith.constant 0 : i32
      %dma_wait3A_248 = arith.constant 0 : i32
      %dma_wait3A_249 = tpu.memref_slice %arg6[%add3A_246, %dma_wait3A_247, %dma_wait3A_248] : memref<40x2x64xi32, #tpu.memory_space<vmem>> -> memref<1x1x64xi32, #tpu.memory_space<vmem>>
      %dma_wait3A_250 = tpu.memref_squeeze %dma_wait3A_249 : memref<1x1x64xi32, #tpu.memory_space<vmem>> -> memref<64xi32, #tpu.memory_space<vmem>>
      %dma_wait3A_251 = arith.constant 0 : i32
      %dma_wait3A_252 = arith.constant 0 : i32
      %dma_wait3A_253 = tpu.memref_slice %arg2[%dma_wait3A_251, %dma_wait3A_252] : memref<20000x128xf32, #tpu.memory_space<hbm>> -> memref<20000x128xf32, #tpu.memory_space<hbm>>
      tpu.wait_indirect_dma semaphore(%arg13 : memref<!tpu.dma_semaphore, #tpu.memory_space<semaphore_mem>>) src(%dma_wait3A_253 : memref<20000x128xf32, #tpu.memory_space<hbm>>) dst(%arg8 : memref<64x128xf32, #tpu.memory_space<vmem>>)
      %dma_start3A_254 = arith.constant 1 : i32
      %dma_start3A_255 = arith.constant 0 : i32
      %dma_start3A_256 = tpu.memref_slice %arg6[%add3A_246, %dma_start3A_254, %dma_start3A_255] : memref<40x2x64xi32, #tpu.memory_space<vmem>> -> memref<1x1x64xi32, #tpu.memory_space<vmem>>
      %dma_start3A_257 = tpu.memref_squeeze %dma_start3A_256 : memref<1x1x64xi32, #tpu.memory_space<vmem>> -> memref<64xi32, #tpu.memory_space<vmem>>
      %dma_start3A_258 = arith.constant 0 : i32
      %dma_start3A_259 = arith.constant 0 : i32
      %dma_start3A_260 = tpu.memref_slice %arg11[%dma_start3A_258, %dma_start3A_259] : memref<10112x128xf32, #tpu.memory_space<vmem_shared>> -> memref<10112x128xf32, #tpu.memory_space<vmem_shared>>
      tpu.enqueue_indirect_dma source(%arg8 : memref<64x128xf32, #tpu.memory_space<vmem>>) target(%dma_start3A_260 : memref<10112x128xf32, #tpu.memory_space<vmem_shared>>) offsets(%dma_start3A_257 : memref<64xi32, #tpu.memory_space<vmem>>) semaphore(%arg17 : memref<!tpu.dma_semaphore, #tpu.memory_space<semaphore_mem>>) {add = true}
      %mul3A_261 = arith.constant 4 : i32
      %mul3A_262 = arith.muli %scan3A_164, %mul3A_261 : i32
      %add3A_263 = arith.constant 2 : i32
      %add3A_264 = arith.addi %mul3A_262, %add3A_263 : i32
      %dma_wait3A_265 = arith.constant 0 : i32
      %dma_wait3A_266 = arith.constant 0 : i32
      %dma_wait3A_267 = tpu.memref_slice %arg6[%add3A_264, %dma_wait3A_265, %dma_wait3A_266] : memref<40x2x64xi32, #tpu.memory_space<vmem>> -> memref<1x1x64xi32, #tpu.memory_space<vmem>>
      %dma_wait3A_268 = tpu.memref_squeeze %dma_wait3A_267 : memref<1x1x64xi32, #tpu.memory_space<vmem>> -> memref<64xi32, #tpu.memory_space<vmem>>
      %dma_wait3A_269 = arith.constant 0 : i32
      %dma_wait3A_270 = arith.constant 0 : i32
      %dma_wait3A_271 = tpu.memref_slice %arg2[%dma_wait3A_269, %dma_wait3A_270] : memref<20000x128xf32, #tpu.memory_space<hbm>> -> memref<20000x128xf32, #tpu.memory_space<hbm>>
      tpu.wait_indirect_dma semaphore(%arg14 : memref<!tpu.dma_semaphore, #tpu.memory_space<semaphore_mem>>) src(%dma_wait3A_271 : memref<20000x128xf32, #tpu.memory_space<hbm>>) dst(%arg9 : memref<64x128xf32, #tpu.memory_space<vmem>>)
      %dma_start3A_272 = arith.constant 1 : i32
      %dma_start3A_273 = arith.constant 0 : i32
      %dma_start3A_274 = tpu.memref_slice %arg6[%add3A_264, %dma_start3A_272, %dma_start3A_273] : memref<40x2x64xi32, #tpu.memory_space<vmem>> -> memref<1x1x64xi32, #tpu.memory_space<vmem>>
      %dma_start3A_275 = tpu.memref_squeeze %dma_start3A_274 : memref<1x1x64xi32, #tpu.memory_space<vmem>> -> memref<64xi32, #tpu.memory_space<vmem>>
      %dma_start3A_276 = arith.constant 0 : i32
      %dma_start3A_277 = arith.constant 0 : i32
      %dma_start3A_278 = tpu.memref_slice %arg11[%dma_start3A_276, %dma_start3A_277] : memref<10112x128xf32, #tpu.memory_space<vmem_shared>> -> memref<10112x128xf32, #tpu.memory_space<vmem_shared>>
      tpu.enqueue_indirect_dma source(%arg9 : memref<64x128xf32, #tpu.memory_space<vmem>>) target(%dma_start3A_278 : memref<10112x128xf32, #tpu.memory_space<vmem_shared>>) offsets(%dma_start3A_275 : memref<64xi32, #tpu.memory_space<vmem>>) semaphore(%arg18 : memref<!tpu.dma_semaphore, #tpu.memory_space<semaphore_mem>>) {add = true}
      %mul3A_279 = arith.constant 4 : i32
      %mul3A_280 = arith.muli %scan3A_164, %mul3A_279 : i32
      %add3A_281 = arith.constant 3 : i32
      %add3A_282 = arith.addi %mul3A_280, %add3A_281 : i32
      %dma_wait3A_283 = arith.constant 0 : i32
      %dma_wait3A_284 = arith.constant 0 : i32
      %dma_wait3A_285 = tpu.memref_slice %arg6[%add3A_282, %dma_wait3A_283, %dma_wait3A_284] : memref<40x2x64xi32, #tpu.memory_space<vmem>> -> memref<1x1x64xi32, #tpu.memory_space<vmem>>
      %dma_wait3A_286 = tpu.memref_squeeze %dma_wait3A_285 : memref<1x1x64xi32, #tpu.memory_space<vmem>> -> memref<64xi32, #tpu.memory_space<vmem>>
      %dma_wait3A_287 = arith.constant 0 : i32
      %dma_wait3A_288 = arith.constant 0 : i32
      %dma_wait3A_289 = tpu.memref_slice %arg2[%dma_wait3A_287, %dma_wait3A_288] : memref<20000x128xf32, #tpu.memory_space<hbm>> -> memref<20000x128xf32, #tpu.memory_space<hbm>>
      tpu.wait_indirect_dma semaphore(%arg15 : memref<!tpu.dma_semaphore, #tpu.memory_space<semaphore_mem>>) src(%dma_wait3A_289 : memref<20000x128xf32, #tpu.memory_space<hbm>>) dst(%arg10 : memref<64x128xf32, #tpu.memory_space<vmem>>)
      %dma_start3A_290 = arith.constant 1 : i32
      %dma_start3A_291 = arith.constant 0 : i32
      %dma_start3A_292 = tpu.memref_slice %arg6[%add3A_282, %dma_start3A_290, %dma_start3A_291] : memref<40x2x64xi32, #tpu.memory_space<vmem>> -> memref<1x1x64xi32, #tpu.memory_space<vmem>>
      %dma_start3A_293 = tpu.memref_squeeze %dma_start3A_292 : memref<1x1x64xi32, #tpu.memory_space<vmem>> -> memref<64xi32, #tpu.memory_space<vmem>>
      %dma_start3A_294 = arith.constant 0 : i32
      %dma_start3A_295 = arith.constant 0 : i32
      %dma_start3A_296 = tpu.memref_slice %arg11[%dma_start3A_294, %dma_start3A_295] : memref<10112x128xf32, #tpu.memory_space<vmem_shared>> -> memref<10112x128xf32, #tpu.memory_space<vmem_shared>>
      tpu.enqueue_indirect_dma source(%arg10 : memref<64x128xf32, #tpu.memory_space<vmem>>) target(%dma_start3A_296 : memref<10112x128xf32, #tpu.memory_space<vmem_shared>>) offsets(%dma_start3A_293 : memref<64xi32, #tpu.memory_space<vmem>>) semaphore(%arg19 : memref<!tpu.dma_semaphore, #tpu.memory_space<semaphore_mem>>) {add = true}
    }
    %scan3A_11 = arith.constant 10 : i32
    %dma_wait3A = arith.constant 36 : i32
    %dma_wait3A_12 = arith.constant 1 : i32
    %dma_wait3A_13 = arith.constant 0 : i32
    %dma_wait3A_14 = tpu.memref_slice %arg6[%dma_wait3A, %dma_wait3A_12, %dma_wait3A_13] : memref<40x2x64xi32, #tpu.memory_space<vmem>> -> memref<1x1x64xi32, #tpu.memory_space<vmem>>
    %dma_wait3A_15 = tpu.memref_squeeze %dma_wait3A_14 : memref<1x1x64xi32, #tpu.memory_space<vmem>> -> memref<64xi32, #tpu.memory_space<vmem>>
    %dma_wait3A_16 = arith.constant 0 : i32
    %dma_wait3A_17 = arith.constant 0 : i32
    %dma_wait3A_18 = tpu.memref_slice %arg11[%dma_wait3A_16, %dma_wait3A_17] : memref<10112x128xf32, #tpu.memory_space<vmem_shared>> -> memref<10112x128xf32, #tpu.memory_space<vmem_shared>>
    tpu.wait_indirect_dma semaphore(%arg16 : memref<!tpu.dma_semaphore, #tpu.memory_space<semaphore_mem>>) src(%arg7 : memref<64x128xf32, #tpu.memory_space<vmem>>) dst(%dma_wait3A_18 : memref<10112x128xf32, #tpu.memory_space<vmem_shared>>)
    %dma_wait3A_19 = arith.constant 37 : i32
    %dma_wait3A_20 = arith.constant 1 : i32
    %dma_wait3A_21 = arith.constant 0 : i32
    %dma_wait3A_22 = tpu.memref_slice %arg6[%dma_wait3A_19, %dma_wait3A_20, %dma_wait3A_21] : memref<40x2x64xi32, #tpu.memory_space<vmem>> -> memref<1x1x64xi32, #tpu.memory_space<vmem>>
    %dma_wait3A_23 = tpu.memref_squeeze %dma_wait3A_22 : memref<1x1x64xi32, #tpu.memory_space<vmem>> -> memref<64xi32, #tpu.memory_space<vmem>>
    %dma_wait3A_24 = arith.constant 0 : i32
    %dma_wait3A_25 = arith.constant 0 : i32
    %dma_wait3A_26 = tpu.memref_slice %arg11[%dma_wait3A_24, %dma_wait3A_25] : memref<10112x128xf32, #tpu.memory_space<vmem_shared>> -> memref<10112x128xf32, #tpu.memory_space<vmem_shared>>
    tpu.wait_indirect_dma semaphore(%arg17 : memref<!tpu.dma_semaphore, #tpu.memory_space<semaphore_mem>>) src(%arg8 : memref<64x128xf32, #tpu.memory_space<vmem>>) dst(%dma_wait3A_26 : memref<10112x128xf32, #tpu.memory_space<vmem_shared>>)
    %dma_wait3A_27 = arith.constant 38 : i32
    %dma_wait3A_28 = arith.constant 1 : i32
    %dma_wait3A_29 = arith.constant 0 : i32
    %dma_wait3A_30 = tpu.memref_slice %arg6[%dma_wait3A_27, %dma_wait3A_28, %dma_wait3A_29] : memref<40x2x64xi32, #tpu.memory_space<vmem>> -> memref<1x1x64xi32, #tpu.memory_space<vmem>>
    %dma_wait3A_31 = tpu.memref_squeeze %dma_wait3A_30 : memref<1x1x64xi32, #tpu.memory_space<vmem>> -> memref<64xi32, #tpu.memory_space<vmem>>
    %dma_wait3A_32 = arith.constant 0 : i32
    %dma_wait3A_33 = arith.constant 0 : i32
    %dma_wait3A_34 = tpu.memref_slice %arg11[%dma_wait3A_32, %dma_wait3A_33] : memref<10112x128xf32, #tpu.memory_space<vmem_shared>> -> memref<10112x128xf32, #tpu.memory_space<vmem_shared>>
    tpu.wait_indirect_dma semaphore(%arg18 : memref<!tpu.dma_semaphore, #tpu.memory_space<semaphore_mem>>) src(%arg9 : memref<64x128xf32, #tpu.memory_space<vmem>>) dst(%dma_wait3A_34 : memref<10112x128xf32, #tpu.memory_space<vmem_shared>>)
    %dma_wait3A_35 = arith.constant 39 : i32
    %dma_wait3A_36 = arith.constant 1 : i32
    %dma_wait3A_37 = arith.constant 0 : i32
    %dma_wait3A_38 = tpu.memref_slice %arg6[%dma_wait3A_35, %dma_wait3A_36, %dma_wait3A_37] : memref<40x2x64xi32, #tpu.memory_space<vmem>> -> memref<1x1x64xi32, #tpu.memory_space<vmem>>
    %dma_wait3A_39 = tpu.memref_squeeze %dma_wait3A_38 : memref<1x1x64xi32, #tpu.memory_space<vmem>> -> memref<64xi32, #tpu.memory_space<vmem>>
    %dma_wait3A_40 = arith.constant 0 : i32
    %dma_wait3A_41 = arith.constant 0 : i32
    %dma_wait3A_42 = tpu.memref_slice %arg11[%dma_wait3A_40, %dma_wait3A_41] : memref<10112x128xf32, #tpu.memory_space<vmem_shared>> -> memref<10112x128xf32, #tpu.memory_space<vmem_shared>>
    tpu.wait_indirect_dma semaphore(%arg19 : memref<!tpu.dma_semaphore, #tpu.memory_space<semaphore_mem>>) src(%arg10 : memref<64x128xf32, #tpu.memory_space<vmem>>) dst(%dma_wait3A_42 : memref<10112x128xf32, #tpu.memory_space<vmem_shared>>)
    %add3A_43 = arith.constant 40 : i32
    %add3A_44 = arith.addi %add3A, %add3A_43 : i32
    "tpu.region"() ({
      %run_scoped3A = tpu.sem_alloc : memref<!tpu.dma_semaphore, #tpu.memory_space<semaphore_mem>>
      %dma_start3A = arith.constant 0 : i32
      %dma_start3A_164 = arith.constant 0 : i32
      %dma_start3A_165 = tpu.memref_slice %arg3[%add3A_44, %dma_start3A, %dma_start3A_164] : memref<5120x2x64xi32, #tpu.memory_space<hbm>> -> memref<40x2x64xi32, #tpu.memory_space<hbm>>
      %dma_start3A_166 = arith.constant 0 : i32
      %dma_start3A_167 = arith.constant 0 : i32
      %dma_start3A_168 = tpu.memref_slice %arg3[%add3A_44, %dma_start3A_166, %dma_start3A_167] : memref<5120x2x64xi32, #tpu.memory_space<hbm>> -> memref<40x2x64xi32, #tpu.memory_space<hbm>>
      tpu.enqueue_dma source(%dma_start3A_168 : memref<40x2x64xi32, #tpu.memory_space<hbm>>) target(%arg6 : memref<40x2x64xi32, #tpu.memory_space<vmem>>) target_semaphore(%run_scoped3A : memref<!tpu.dma_semaphore, #tpu.memory_space<semaphore_mem>>)
      %dma_wait3A_169 = arith.constant 0 : i32
      %dma_wait3A_170 = arith.constant 0 : i32
      %dma_wait3A_171 = tpu.memref_slice %arg3[%add3A_44, %dma_wait3A_169, %dma_wait3A_170] : memref<5120x2x64xi32, #tpu.memory_space<hbm>> -> memref<40x2x64xi32, #tpu.memory_space<hbm>>
      %dma_wait3A_172 = arith.constant 0 : i32
      %dma_wait3A_173 = arith.constant 0 : i32
      %dma_wait3A_174 = tpu.memref_slice %arg3[%add3A_44, %dma_wait3A_172, %dma_wait3A_173] : memref<5120x2x64xi32, #tpu.memory_space<hbm>> -> memref<40x2x64xi32, #tpu.memory_space<hbm>>
      tpu.wait_dma2 semaphore(%run_scoped3A : memref<!tpu.dma_semaphore, #tpu.memory_space<semaphore_mem>>) src(%dma_wait3A_174 : memref<40x2x64xi32, #tpu.memory_space<hbm>>) dst(%arg6 : memref<40x2x64xi32, #tpu.memory_space<vmem>>)
      tpu.yield
    }) : () -> ()
    %scan3A_45 = arith.constant 0 : i32
    %scan3A_46 = arith.constant 0 : i32
    %scan3A_47 = arith.constant 10 : i32
    %scan3A_48 = arith.addi %scan3A_46, %scan3A_47 : i32
    %scan3A_49 = arith.constant 1 : i32
    scf.for %scan3A_164 = %scan3A_46 to %scan3A_48 step %scan3A_49  : i32 {
      %mul3A_165 = arith.constant 4 : i32
      %mul3A_166 = arith.muli %scan3A_164, %mul3A_165 : i32
      %add3A_167 = arith.constant 0 : i32
      %add3A_168 = arith.addi %mul3A_166, %add3A_167 : i32
      %gt3A = arith.constant 0 : i32
      %gt3A_169 = arith.cmpi sgt, %scan3A_164, %gt3A : i32
      %convert_element_type3A = arith.extui %gt3A_169 : i1 to i32
      %cond3A = arith.constant 0 : i32
      %cond3A_170 = arith.cmpi ne, %convert_element_type3A, %cond3A : i32
      scf.if %cond3A_170 {
        %sub3A = arith.constant 4 : i32
        %sub3A_297 = arith.subi %add3A_168, %sub3A : i32
        %dma_wait3A_298 = arith.constant 1 : i32
        %dma_wait3A_299 = arith.constant 0 : i32
        %dma_wait3A_300 = tpu.memref_slice %arg6[%sub3A_297, %dma_wait3A_298, %dma_wait3A_299] : memref<40x2x64xi32, #tpu.memory_space<vmem>> -> memref<1x1x64xi32, #tpu.memory_space<vmem>>
        %dma_wait3A_301 = tpu.memref_squeeze %dma_wait3A_300 : memref<1x1x64xi32, #tpu.memory_space<vmem>> -> memref<64xi32, #tpu.memory_space<vmem>>
        %dma_wait3A_302 = arith.constant 0 : i32
        %dma_wait3A_303 = arith.constant 0 : i32
        %dma_wait3A_304 = tpu.memref_slice %arg11[%dma_wait3A_302, %dma_wait3A_303] : memref<10112x128xf32, #tpu.memory_space<vmem_shared>> -> memref<10112x128xf32, #tpu.memory_space<vmem_shared>>
        tpu.wait_indirect_dma semaphore(%arg16 : memref<!tpu.dma_semaphore, #tpu.memory_space<semaphore_mem>>) src(%arg7 : memref<64x128xf32, #tpu.memory_space<vmem>>) dst(%dma_wait3A_304 : memref<10112x128xf32, #tpu.memory_space<vmem_shared>>)
      } else {
      }
      %dma_start3A = arith.constant 0 : i32
      %dma_start3A_171 = arith.constant 0 : i32
      %dma_start3A_172 = tpu.memref_slice %arg6[%add3A_168, %dma_start3A, %dma_start3A_171] : memref<40x2x64xi32, #tpu.memory_space<vmem>> -> memref<1x1x64xi32, #tpu.memory_space<vmem>>
      %dma_start3A_173 = tpu.memref_squeeze %dma_start3A_172 : memref<1x1x64xi32, #tpu.memory_space<vmem>> -> memref<64xi32, #tpu.memory_space<vmem>>
      %dma_start3A_174 = arith.constant 0 : i32
      %dma_start3A_175 = arith.constant 0 : i32
      %dma_start3A_176 = tpu.memref_slice %arg2[%dma_start3A_174, %dma_start3A_175] : memref<20000x128xf32, #tpu.memory_space<hbm>> -> memref<20000x128xf32, #tpu.memory_space<hbm>>
      tpu.enqueue_indirect_dma source(%dma_start3A_176 : memref<20000x128xf32, #tpu.memory_space<hbm>>) target(%arg7 : memref<64x128xf32, #tpu.memory_space<vmem>>) offsets(%dma_start3A_173 : memref<64xi32, #tpu.memory_space<vmem>>) semaphore(%arg12 : memref<!tpu.dma_semaphore, #tpu.memory_space<semaphore_mem>>)
      %mul3A_177 = arith.constant 4 : i32
      %mul3A_178 = arith.muli %scan3A_164, %mul3A_177 : i32
      %add3A_179 = arith.constant 1 : i32
      %add3A_180 = arith.addi %mul3A_178, %add3A_179 : i32
      %gt3A_181 = arith.constant 0 : i32
      %gt3A_182 = arith.cmpi sgt, %scan3A_164, %gt3A_181 : i32
      %convert_element_type3A_183 = arith.extui %gt3A_182 : i1 to i32
      %cond3A_184 = arith.constant 0 : i32
      %cond3A_185 = arith.cmpi ne, %convert_element_type3A_183, %cond3A_184 : i32
      scf.if %cond3A_185 {
        %sub3A = arith.constant 4 : i32
        %sub3A_297 = arith.subi %add3A_180, %sub3A : i32
        %dma_wait3A_298 = arith.constant 1 : i32
        %dma_wait3A_299 = arith.constant 0 : i32
        %dma_wait3A_300 = tpu.memref_slice %arg6[%sub3A_297, %dma_wait3A_298, %dma_wait3A_299] : memref<40x2x64xi32, #tpu.memory_space<vmem>> -> memref<1x1x64xi32, #tpu.memory_space<vmem>>
        %dma_wait3A_301 = tpu.memref_squeeze %dma_wait3A_300 : memref<1x1x64xi32, #tpu.memory_space<vmem>> -> memref<64xi32, #tpu.memory_space<vmem>>
        %dma_wait3A_302 = arith.constant 0 : i32
        %dma_wait3A_303 = arith.constant 0 : i32
        %dma_wait3A_304 = tpu.memref_slice %arg11[%dma_wait3A_302, %dma_wait3A_303] : memref<10112x128xf32, #tpu.memory_space<vmem_shared>> -> memref<10112x128xf32, #tpu.memory_space<vmem_shared>>
        tpu.wait_indirect_dma semaphore(%arg17 : memref<!tpu.dma_semaphore, #tpu.memory_space<semaphore_mem>>) src(%arg8 : memref<64x128xf32, #tpu.memory_space<vmem>>) dst(%dma_wait3A_304 : memref<10112x128xf32, #tpu.memory_space<vmem_shared>>)
      } else {
      }
      %dma_start3A_186 = arith.constant 0 : i32
      %dma_start3A_187 = arith.constant 0 : i32
      %dma_start3A_188 = tpu.memref_slice %arg6[%add3A_180, %dma_start3A_186, %dma_start3A_187] : memref<40x2x64xi32, #tpu.memory_space<vmem>> -> memref<1x1x64xi32, #tpu.memory_space<vmem>>
      %dma_start3A_189 = tpu.memref_squeeze %dma_start3A_188 : memref<1x1x64xi32, #tpu.memory_space<vmem>> -> memref<64xi32, #tpu.memory_space<vmem>>
      %dma_start3A_190 = arith.constant 0 : i32
      %dma_start3A_191 = arith.constant 0 : i32
      %dma_start3A_192 = tpu.memref_slice %arg2[%dma_start3A_190, %dma_start3A_191] : memref<20000x128xf32, #tpu.memory_space<hbm>> -> memref<20000x128xf32, #tpu.memory_space<hbm>>
      tpu.enqueue_indirect_dma source(%dma_start3A_192 : memref<20000x128xf32, #tpu.memory_space<hbm>>) target(%arg8 : memref<64x128xf32, #tpu.memory_space<vmem>>) offsets(%dma_start3A_189 : memref<64xi32, #tpu.memory_space<vmem>>) semaphore(%arg13 : memref<!tpu.dma_semaphore, #tpu.memory_space<semaphore_mem>>)
      %mul3A_193 = arith.constant 4 : i32
      %mul3A_194 = arith.muli %scan3A_164, %mul3A_193 : i32
      %add3A_195 = arith.constant 2 : i32
      %add3A_196 = arith.addi %mul3A_194, %add3A_195 : i32
      %gt3A_197 = arith.constant 0 : i32
      %gt3A_198 = arith.cmpi sgt, %scan3A_164, %gt3A_197 : i32
      %convert_element_type3A_199 = arith.extui %gt3A_198 : i1 to i32
      %cond3A_200 = arith.constant 0 : i32
      %cond3A_201 = arith.cmpi ne, %convert_element_type3A_199, %cond3A_200 : i32
      scf.if %cond3A_201 {
        %sub3A = arith.constant 4 : i32
        %sub3A_297 = arith.subi %add3A_196, %sub3A : i32
        %dma_wait3A_298 = arith.constant 1 : i32
        %dma_wait3A_299 = arith.constant 0 : i32
        %dma_wait3A_300 = tpu.memref_slice %arg6[%sub3A_297, %dma_wait3A_298, %dma_wait3A_299] : memref<40x2x64xi32, #tpu.memory_space<vmem>> -> memref<1x1x64xi32, #tpu.memory_space<vmem>>
        %dma_wait3A_301 = tpu.memref_squeeze %dma_wait3A_300 : memref<1x1x64xi32, #tpu.memory_space<vmem>> -> memref<64xi32, #tpu.memory_space<vmem>>
        %dma_wait3A_302 = arith.constant 0 : i32
        %dma_wait3A_303 = arith.constant 0 : i32
        %dma_wait3A_304 = tpu.memref_slice %arg11[%dma_wait3A_302, %dma_wait3A_303] : memref<10112x128xf32, #tpu.memory_space<vmem_shared>> -> memref<10112x128xf32, #tpu.memory_space<vmem_shared>>
        tpu.wait_indirect_dma semaphore(%arg18 : memref<!tpu.dma_semaphore, #tpu.memory_space<semaphore_mem>>) src(%arg9 : memref<64x128xf32, #tpu.memory_space<vmem>>) dst(%dma_wait3A_304 : memref<10112x128xf32, #tpu.memory_space<vmem_shared>>)
      } else {
      }
      %dma_start3A_202 = arith.constant 0 : i32
      %dma_start3A_203 = arith.constant 0 : i32
      %dma_start3A_204 = tpu.memref_slice %arg6[%add3A_196, %dma_start3A_202, %dma_start3A_203] : memref<40x2x64xi32, #tpu.memory_space<vmem>> -> memref<1x1x64xi32, #tpu.memory_space<vmem>>
      %dma_start3A_205 = tpu.memref_squeeze %dma_start3A_204 : memref<1x1x64xi32, #tpu.memory_space<vmem>> -> memref<64xi32, #tpu.memory_space<vmem>>
      %dma_start3A_206 = arith.constant 0 : i32
      %dma_start3A_207 = arith.constant 0 : i32
      %dma_start3A_208 = tpu.memref_slice %arg2[%dma_start3A_206, %dma_start3A_207] : memref<20000x128xf32, #tpu.memory_space<hbm>> -> memref<20000x128xf32, #tpu.memory_space<hbm>>
      tpu.enqueue_indirect_dma source(%dma_start3A_208 : memref<20000x128xf32, #tpu.memory_space<hbm>>) target(%arg9 : memref<64x128xf32, #tpu.memory_space<vmem>>) offsets(%dma_start3A_205 : memref<64xi32, #tpu.memory_space<vmem>>) semaphore(%arg14 : memref<!tpu.dma_semaphore, #tpu.memory_space<semaphore_mem>>)
      %mul3A_209 = arith.constant 4 : i32
      %mul3A_210 = arith.muli %scan3A_164, %mul3A_209 : i32
      %add3A_211 = arith.constant 3 : i32
      %add3A_212 = arith.addi %mul3A_210, %add3A_211 : i32
      %gt3A_213 = arith.constant 0 : i32
      %gt3A_214 = arith.cmpi sgt, %scan3A_164, %gt3A_213 : i32
      %convert_element_type3A_215 = arith.extui %gt3A_214 : i1 to i32
      %cond3A_216 = arith.constant 0 : i32
      %cond3A_217 = arith.cmpi ne, %convert_element_type3A_215, %cond3A_216 : i32
      scf.if %cond3A_217 {
        %sub3A = arith.constant 4 : i32
        %sub3A_297 = arith.subi %add3A_212, %sub3A : i32
        %dma_wait3A_298 = arith.constant 1 : i32
        %dma_wait3A_299 = arith.constant 0 : i32
        %dma_wait3A_300 = tpu.memref_slice %arg6[%sub3A_297, %dma_wait3A_298, %dma_wait3A_299] : memref<40x2x64xi32, #tpu.memory_space<vmem>> -> memref<1x1x64xi32, #tpu.memory_space<vmem>>
        %dma_wait3A_301 = tpu.memref_squeeze %dma_wait3A_300 : memref<1x1x64xi32, #tpu.memory_space<vmem>> -> memref<64xi32, #tpu.memory_space<vmem>>
        %dma_wait3A_302 = arith.constant 0 : i32
        %dma_wait3A_303 = arith.constant 0 : i32
        %dma_wait3A_304 = tpu.memref_slice %arg11[%dma_wait3A_302, %dma_wait3A_303] : memref<10112x128xf32, #tpu.memory_space<vmem_shared>> -> memref<10112x128xf32, #tpu.memory_space<vmem_shared>>
        tpu.wait_indirect_dma semaphore(%arg19 : memref<!tpu.dma_semaphore, #tpu.memory_space<semaphore_mem>>) src(%arg10 : memref<64x128xf32, #tpu.memory_space<vmem>>) dst(%dma_wait3A_304 : memref<10112x128xf32, #tpu.memory_space<vmem_shared>>)
      } else {
      }
      %dma_start3A_218 = arith.constant 0 : i32
      %dma_start3A_219 = arith.constant 0 : i32
      %dma_start3A_220 = tpu.memref_slice %arg6[%add3A_212, %dma_start3A_218, %dma_start3A_219] : memref<40x2x64xi32, #tpu.memory_space<vmem>> -> memref<1x1x64xi32, #tpu.memory_space<vmem>>
      %dma_start3A_221 = tpu.memref_squeeze %dma_start3A_220 : memref<1x1x64xi32, #tpu.memory_space<vmem>> -> memref<64xi32, #tpu.memory_space<vmem>>
      %dma_start3A_222 = arith.constant 0 : i32
      %dma_start3A_223 = arith.constant 0 : i32
      %dma_start3A_224 = tpu.memref_slice %arg2[%dma_start3A_222, %dma_start3A_223] : memref<20000x128xf32, #tpu.memory_space<hbm>> -> memref<20000x128xf32, #tpu.memory_space<hbm>>
      tpu.enqueue_indirect_dma source(%dma_start3A_224 : memref<20000x128xf32, #tpu.memory_space<hbm>>) target(%arg10 : memref<64x128xf32, #tpu.memory_space<vmem>>) offsets(%dma_start3A_221 : memref<64xi32, #tpu.memory_space<vmem>>) semaphore(%arg15 : memref<!tpu.dma_semaphore, #tpu.memory_space<semaphore_mem>>)
      %mul3A_225 = arith.constant 4 : i32
      %mul3A_226 = arith.muli %scan3A_164, %mul3A_225 : i32
      %add3A_227 = arith.constant 0 : i32
      %add3A_228 = arith.addi %mul3A_226, %add3A_227 : i32
      %dma_wait3A_229 = arith.constant 0 : i32
      %dma_wait3A_230 = arith.constant 0 : i32
      %dma_wait3A_231 = tpu.memref_slice %arg6[%add3A_228, %dma_wait3A_229, %dma_wait3A_230] : memref<40x2x64xi32, #tpu.memory_space<vmem>> -> memref<1x1x64xi32, #tpu.memory_space<vmem>>
      %dma_wait3A_232 = tpu.memref_squeeze %dma_wait3A_231 : memref<1x1x64xi32, #tpu.memory_space<vmem>> -> memref<64xi32, #tpu.memory_space<vmem>>
      %dma_wait3A_233 = arith.constant 0 : i32
      %dma_wait3A_234 = arith.constant 0 : i32
      %dma_wait3A_235 = tpu.memref_slice %arg2[%dma_wait3A_233, %dma_wait3A_234] : memref<20000x128xf32, #tpu.memory_space<hbm>> -> memref<20000x128xf32, #tpu.memory_space<hbm>>
      tpu.wait_indirect_dma semaphore(%arg12 : memref<!tpu.dma_semaphore, #tpu.memory_space<semaphore_mem>>) src(%dma_wait3A_235 : memref<20000x128xf32, #tpu.memory_space<hbm>>) dst(%arg7 : memref<64x128xf32, #tpu.memory_space<vmem>>)
      %dma_start3A_236 = arith.constant 1 : i32
      %dma_start3A_237 = arith.constant 0 : i32
      %dma_start3A_238 = tpu.memref_slice %arg6[%add3A_228, %dma_start3A_236, %dma_start3A_237] : memref<40x2x64xi32, #tpu.memory_space<vmem>> -> memref<1x1x64xi32, #tpu.memory_space<vmem>>
      %dma_start3A_239 = tpu.memref_squeeze %dma_start3A_238 : memref<1x1x64xi32, #tpu.memory_space<vmem>> -> memref<64xi32, #tpu.memory_space<vmem>>
      %dma_start3A_240 = arith.constant 0 : i32
      %dma_start3A_241 = arith.constant 0 : i32
      %dma_start3A_242 = tpu.memref_slice %arg11[%dma_start3A_240, %dma_start3A_241] : memref<10112x128xf32, #tpu.memory_space<vmem_shared>> -> memref<10112x128xf32, #tpu.memory_space<vmem_shared>>
      tpu.enqueue_indirect_dma source(%arg7 : memref<64x128xf32, #tpu.memory_space<vmem>>) target(%dma_start3A_242 : memref<10112x128xf32, #tpu.memory_space<vmem_shared>>) offsets(%dma_start3A_239 : memref<64xi32, #tpu.memory_space<vmem>>) semaphore(%arg16 : memref<!tpu.dma_semaphore, #tpu.memory_space<semaphore_mem>>) {add = true}
      %mul3A_243 = arith.constant 4 : i32
      %mul3A_244 = arith.muli %scan3A_164, %mul3A_243 : i32
      %add3A_245 = arith.constant 1 : i32
      %add3A_246 = arith.addi %mul3A_244, %add3A_245 : i32
      %dma_wait3A_247 = arith.constant 0 : i32
      %dma_wait3A_248 = arith.constant 0 : i32
      %dma_wait3A_249 = tpu.memref_slice %arg6[%add3A_246, %dma_wait3A_247, %dma_wait3A_248] : memref<40x2x64xi32, #tpu.memory_space<vmem>> -> memref<1x1x64xi32, #tpu.memory_space<vmem>>
      %dma_wait3A_250 = tpu.memref_squeeze %dma_wait3A_249 : memref<1x1x64xi32, #tpu.memory_space<vmem>> -> memref<64xi32, #tpu.memory_space<vmem>>
      %dma_wait3A_251 = arith.constant 0 : i32
      %dma_wait3A_252 = arith.constant 0 : i32
      %dma_wait3A_253 = tpu.memref_slice %arg2[%dma_wait3A_251, %dma_wait3A_252] : memref<20000x128xf32, #tpu.memory_space<hbm>> -> memref<20000x128xf32, #tpu.memory_space<hbm>>
      tpu.wait_indirect_dma semaphore(%arg13 : memref<!tpu.dma_semaphore, #tpu.memory_space<semaphore_mem>>) src(%dma_wait3A_253 : memref<20000x128xf32, #tpu.memory_space<hbm>>) dst(%arg8 : memref<64x128xf32, #tpu.memory_space<vmem>>)
      %dma_start3A_254 = arith.constant 1 : i32
      %dma_start3A_255 = arith.constant 0 : i32
      %dma_start3A_256 = tpu.memref_slice %arg6[%add3A_246, %dma_start3A_254, %dma_start3A_255] : memref<40x2x64xi32, #tpu.memory_space<vmem>> -> memref<1x1x64xi32, #tpu.memory_space<vmem>>
      %dma_start3A_257 = tpu.memref_squeeze %dma_start3A_256 : memref<1x1x64xi32, #tpu.memory_space<vmem>> -> memref<64xi32, #tpu.memory_space<vmem>>
      %dma_start3A_258 = arith.constant 0 : i32
      %dma_start3A_259 = arith.constant 0 : i32
      %dma_start3A_260 = tpu.memref_slice %arg11[%dma_start3A_258, %dma_start3A_259] : memref<10112x128xf32, #tpu.memory_space<vmem_shared>> -> memref<10112x128xf32, #tpu.memory_space<vmem_shared>>
      tpu.enqueue_indirect_dma source(%arg8 : memref<64x128xf32, #tpu.memory_space<vmem>>) target(%dma_start3A_260 : memref<10112x128xf32, #tpu.memory_space<vmem_shared>>) offsets(%dma_start3A_257 : memref<64xi32, #tpu.memory_space<vmem>>) semaphore(%arg17 : memref<!tpu.dma_semaphore, #tpu.memory_space<semaphore_mem>>) {add = true}
      %mul3A_261 = arith.constant 4 : i32
      %mul3A_262 = arith.muli %scan3A_164, %mul3A_261 : i32
      %add3A_263 = arith.constant 2 : i32
      %add3A_264 = arith.addi %mul3A_262, %add3A_263 : i32
      %dma_wait3A_265 = arith.constant 0 : i32
      %dma_wait3A_266 = arith.constant 0 : i32
      %dma_wait3A_267 = tpu.memref_slice %arg6[%add3A_264, %dma_wait3A_265, %dma_wait3A_266] : memref<40x2x64xi32, #tpu.memory_space<vmem>> -> memref<1x1x64xi32, #tpu.memory_space<vmem>>
      %dma_wait3A_268 = tpu.memref_squeeze %dma_wait3A_267 : memref<1x1x64xi32, #tpu.memory_space<vmem>> -> memref<64xi32, #tpu.memory_space<vmem>>
      %dma_wait3A_269 = arith.constant 0 : i32
      %dma_wait3A_270 = arith.constant 0 : i32
      %dma_wait3A_271 = tpu.memref_slice %arg2[%dma_wait3A_269, %dma_wait3A_270] : memref<20000x128xf32, #tpu.memory_space<hbm>> -> memref<20000x128xf32, #tpu.memory_space<hbm>>
      tpu.wait_indirect_dma semaphore(%arg14 : memref<!tpu.dma_semaphore, #tpu.memory_space<semaphore_mem>>) src(%dma_wait3A_271 : memref<20000x128xf32, #tpu.memory_space<hbm>>) dst(%arg9 : memref<64x128xf32, #tpu.memory_space<vmem>>)
      %dma_start3A_272 = arith.constant 1 : i32
      %dma_start3A_273 = arith.constant 0 : i32
      %dma_start3A_274 = tpu.memref_slice %arg6[%add3A_264, %dma_start3A_272, %dma_start3A_273] : memref<40x2x64xi32, #tpu.memory_space<vmem>> -> memref<1x1x64xi32, #tpu.memory_space<vmem>>
      %dma_start3A_275 = tpu.memref_squeeze %dma_start3A_274 : memref<1x1x64xi32, #tpu.memory_space<vmem>> -> memref<64xi32, #tpu.memory_space<vmem>>
      %dma_start3A_276 = arith.constant 0 : i32
      %dma_start3A_277 = arith.constant 0 : i32
      %dma_start3A_278 = tpu.memref_slice %arg11[%dma_start3A_276, %dma_start3A_277] : memref<10112x128xf32, #tpu.memory_space<vmem_shared>> -> memref<10112x128xf32, #tpu.memory_space<vmem_shared>>
      tpu.enqueue_indirect_dma source(%arg9 : memref<64x128xf32, #tpu.memory_space<vmem>>) target(%dma_start3A_278 : memref<10112x128xf32, #tpu.memory_space<vmem_shared>>) offsets(%dma_start3A_275 : memref<64xi32, #tpu.memory_space<vmem>>) semaphore(%arg18 : memref<!tpu.dma_semaphore, #tpu.memory_space<semaphore_mem>>) {add = true}
      %mul3A_279 = arith.constant 4 : i32
      %mul3A_280 = arith.muli %scan3A_164, %mul3A_279 : i32
      %add3A_281 = arith.constant 3 : i32
      %add3A_282 = arith.addi %mul3A_280, %add3A_281 : i32
      %dma_wait3A_283 = arith.constant 0 : i32
      %dma_wait3A_284 = arith.constant 0 : i32
      %dma_wait3A_285 = tpu.memref_slice %arg6[%add3A_282, %dma_wait3A_283, %dma_wait3A_284] : memref<40x2x64xi32, #tpu.memory_space<vmem>> -> memref<1x1x64xi32, #tpu.memory_space<vmem>>
      %dma_wait3A_286 = tpu.memref_squeeze %dma_wait3A_285 : memref<1x1x64xi32, #tpu.memory_space<vmem>> -> memref<64xi32, #tpu.memory_space<vmem>>
      %dma_wait3A_287 = arith.constant 0 : i32
      %dma_wait3A_288 = arith.constant 0 : i32
      %dma_wait3A_289 = tpu.memref_slice %arg2[%dma_wait3A_287, %dma_wait3A_288] : memref<20000x128xf32, #tpu.memory_space<hbm>> -> memref<20000x128xf32, #tpu.memory_space<hbm>>
      tpu.wait_indirect_dma semaphore(%arg15 : memref<!tpu.dma_semaphore, #tpu.memory_space<semaphore_mem>>) src(%dma_wait3A_289 : memref<20000x128xf32, #tpu.memory_space<hbm>>) dst(%arg10 : memref<64x128xf32, #tpu.memory_space<vmem>>)
      %dma_start3A_290 = arith.constant 1 : i32
      %dma_start3A_291 = arith.constant 0 : i32
      %dma_start3A_292 = tpu.memref_slice %arg6[%add3A_282, %dma_start3A_290, %dma_start3A_291] : memref<40x2x64xi32, #tpu.memory_space<vmem>> -> memref<1x1x64xi32, #tpu.memory_space<vmem>>
      %dma_start3A_293 = tpu.memref_squeeze %dma_start3A_292 : memref<1x1x64xi32, #tpu.memory_space<vmem>> -> memref<64xi32, #tpu.memory_space<vmem>>
      %dma_start3A_294 = arith.constant 0 : i32
      %dma_start3A_295 = arith.constant 0 : i32
      %dma_start3A_296 = tpu.memref_slice %arg11[%dma_start3A_294, %dma_start3A_295] : memref<10112x128xf32, #tpu.memory_space<vmem_shared>> -> memref<10112x128xf32, #tpu.memory_space<vmem_shared>>
      tpu.enqueue_indirect_dma source(%arg10 : memref<64x128xf32, #tpu.memory_space<vmem>>) target(%dma_start3A_296 : memref<10112x128xf32, #tpu.memory_space<vmem_shared>>) offsets(%dma_start3A_293 : memref<64xi32, #tpu.memory_space<vmem>>) semaphore(%arg19 : memref<!tpu.dma_semaphore, #tpu.memory_space<semaphore_mem>>) {add = true}
    }
    %scan3A_50 = arith.constant 10 : i32
    %dma_wait3A_51 = arith.constant 36 : i32
    %dma_wait3A_52 = arith.constant 1 : i32
    %dma_wait3A_53 = arith.constant 0 : i32
    %dma_wait3A_54 = tpu.memref_slice %arg6[%dma_wait3A_51, %dma_wait3A_52, %dma_wait3A_53] : memref<40x2x64xi32, #tpu.memory_space<vmem>> -> memref<1x1x64xi32, #tpu.memory_space<vmem>>
    %dma_wait3A_55 = tpu.memref_squeeze %dma_wait3A_54 : memref<1x1x64xi32, #tpu.memory_space<vmem>> -> memref<64xi32, #tpu.memory_space<vmem>>
    %dma_wait3A_56 = arith.constant 0 : i32
    %dma_wait3A_57 = arith.constant 0 : i32
    %dma_wait3A_58 = tpu.memref_slice %arg11[%dma_wait3A_56, %dma_wait3A_57] : memref<10112x128xf32, #tpu.memory_space<vmem_shared>> -> memref<10112x128xf32, #tpu.memory_space<vmem_shared>>
    tpu.wait_indirect_dma semaphore(%arg16 : memref<!tpu.dma_semaphore, #tpu.memory_space<semaphore_mem>>) src(%arg7 : memref<64x128xf32, #tpu.memory_space<vmem>>) dst(%dma_wait3A_58 : memref<10112x128xf32, #tpu.memory_space<vmem_shared>>)
    %dma_wait3A_59 = arith.constant 37 : i32
    %dma_wait3A_60 = arith.constant 1 : i32
    %dma_wait3A_61 = arith.constant 0 : i32
    %dma_wait3A_62 = tpu.memref_slice %arg6[%dma_wait3A_59, %dma_wait3A_60, %dma_wait3A_61] : memref<40x2x64xi32, #tpu.memory_space<vmem>> -> memref<1x1x64xi32, #tpu.memory_space<vmem>>
    %dma_wait3A_63 = tpu.memref_squeeze %dma_wait3A_62 : memref<1x1x64xi32, #tpu.memory_space<vmem>> -> memref<64xi32, #tpu.memory_space<vmem>>
    %dma_wait3A_64 = arith.constant 0 : i32
    %dma_wait3A_65 = arith.constant 0 : i32
    %dma_wait3A_66 = tpu.memref_slice %arg11[%dma_wait3A_64, %dma_wait3A_65] : memref<10112x128xf32, #tpu.memory_space<vmem_shared>> -> memref<10112x128xf32, #tpu.memory_space<vmem_shared>>
    tpu.wait_indirect_dma semaphore(%arg17 : memref<!tpu.dma_semaphore, #tpu.memory_space<semaphore_mem>>) src(%arg8 : memref<64x128xf32, #tpu.memory_space<vmem>>) dst(%dma_wait3A_66 : memref<10112x128xf32, #tpu.memory_space<vmem_shared>>)
    %dma_wait3A_67 = arith.constant 38 : i32
    %dma_wait3A_68 = arith.constant 1 : i32
    %dma_wait3A_69 = arith.constant 0 : i32
    %dma_wait3A_70 = tpu.memref_slice %arg6[%dma_wait3A_67, %dma_wait3A_68, %dma_wait3A_69] : memref<40x2x64xi32, #tpu.memory_space<vmem>> -> memref<1x1x64xi32, #tpu.memory_space<vmem>>
    %dma_wait3A_71 = tpu.memref_squeeze %dma_wait3A_70 : memref<1x1x64xi32, #tpu.memory_space<vmem>> -> memref<64xi32, #tpu.memory_space<vmem>>
    %dma_wait3A_72 = arith.constant 0 : i32
    %dma_wait3A_73 = arith.constant 0 : i32
    %dma_wait3A_74 = tpu.memref_slice %arg11[%dma_wait3A_72, %dma_wait3A_73] : memref<10112x128xf32, #tpu.memory_space<vmem_shared>> -> memref<10112x128xf32, #tpu.memory_space<vmem_shared>>
    tpu.wait_indirect_dma semaphore(%arg18 : memref<!tpu.dma_semaphore, #tpu.memory_space<semaphore_mem>>) src(%arg9 : memref<64x128xf32, #tpu.memory_space<vmem>>) dst(%dma_wait3A_74 : memref<10112x128xf32, #tpu.memory_space<vmem_shared>>)
    %dma_wait3A_75 = arith.constant 39 : i32
    %dma_wait3A_76 = arith.constant 1 : i32
    %dma_wait3A_77 = arith.constant 0 : i32
    %dma_wait3A_78 = tpu.memref_slice %arg6[%dma_wait3A_75, %dma_wait3A_76, %dma_wait3A_77] : memref<40x2x64xi32, #tpu.memory_space<vmem>> -> memref<1x1x64xi32, #tpu.memory_space<vmem>>
    %dma_wait3A_79 = tpu.memref_squeeze %dma_wait3A_78 : memref<1x1x64xi32, #tpu.memory_space<vmem>> -> memref<64xi32, #tpu.memory_space<vmem>>
    %dma_wait3A_80 = arith.constant 0 : i32
    %dma_wait3A_81 = arith.constant 0 : i32
    %dma_wait3A_82 = tpu.memref_slice %arg11[%dma_wait3A_80, %dma_wait3A_81] : memref<10112x128xf32, #tpu.memory_space<vmem_shared>> -> memref<10112x128xf32, #tpu.memory_space<vmem_shared>>
    tpu.wait_indirect_dma semaphore(%arg19 : memref<!tpu.dma_semaphore, #tpu.memory_space<semaphore_mem>>) src(%arg10 : memref<64x128xf32, #tpu.memory_space<vmem>>) dst(%dma_wait3A_82 : memref<10112x128xf32, #tpu.memory_space<vmem_shared>>)
    %add3A_83 = arith.constant 80 : i32
    %add3A_84 = arith.addi %add3A, %add3A_83 : i32
    "tpu.region"() ({
      %run_scoped3A = tpu.sem_alloc : memref<!tpu.dma_semaphore, #tpu.memory_space<semaphore_mem>>
      %dma_start3A = arith.constant 0 : i32
      %dma_start3A_164 = arith.constant 0 : i32
      %dma_start3A_165 = tpu.memref_slice %arg3[%add3A_84, %dma_start3A, %dma_start3A_164] : memref<5120x2x64xi32, #tpu.memory_space<hbm>> -> memref<40x2x64xi32, #tpu.memory_space<hbm>>
      %dma_start3A_166 = arith.constant 0 : i32
      %dma_start3A_167 = arith.constant 0 : i32
      %dma_start3A_168 = tpu.memref_slice %arg3[%add3A_84, %dma_start3A_166, %dma_start3A_167] : memref<5120x2x64xi32, #tpu.memory_space<hbm>> -> memref<40x2x64xi32, #tpu.memory_space<hbm>>
      tpu.enqueue_dma source(%dma_start3A_168 : memref<40x2x64xi32, #tpu.memory_space<hbm>>) target(%arg6 : memref<40x2x64xi32, #tpu.memory_space<vmem>>) target_semaphore(%run_scoped3A : memref<!tpu.dma_semaphore, #tpu.memory_space<semaphore_mem>>)
      %dma_wait3A_169 = arith.constant 0 : i32
      %dma_wait3A_170 = arith.constant 0 : i32
      %dma_wait3A_171 = tpu.memref_slice %arg3[%add3A_84, %dma_wait3A_169, %dma_wait3A_170] : memref<5120x2x64xi32, #tpu.memory_space<hbm>> -> memref<40x2x64xi32, #tpu.memory_space<hbm>>
      %dma_wait3A_172 = arith.constant 0 : i32
      %dma_wait3A_173 = arith.constant 0 : i32
      %dma_wait3A_174 = tpu.memref_slice %arg3[%add3A_84, %dma_wait3A_172, %dma_wait3A_173] : memref<5120x2x64xi32, #tpu.memory_space<hbm>> -> memref<40x2x64xi32, #tpu.memory_space<hbm>>
      tpu.wait_dma2 semaphore(%run_scoped3A : memref<!tpu.dma_semaphore, #tpu.memory_space<semaphore_mem>>) src(%dma_wait3A_174 : memref<40x2x64xi32, #tpu.memory_space<hbm>>) dst(%arg6 : memref<40x2x64xi32, #tpu.memory_space<vmem>>)
      tpu.yield
    }) : () -> ()
    %scan3A_85 = arith.constant 0 : i32
    %scan3A_86 = arith.constant 0 : i32
    %scan3A_87 = arith.constant 10 : i32
    %scan3A_88 = arith.addi %scan3A_86, %scan3A_87 : i32
    %scan3A_89 = arith.constant 1 : i32
    scf.for %scan3A_164 = %scan3A_86 to %scan3A_88 step %scan3A_89  : i32 {
      %mul3A_165 = arith.constant 4 : i32
      %mul3A_166 = arith.muli %scan3A_164, %mul3A_165 : i32
      %add3A_167 = arith.constant 0 : i32
      %add3A_168 = arith.addi %mul3A_166, %add3A_167 : i32
      %gt3A = arith.constant 0 : i32
      %gt3A_169 = arith.cmpi sgt, %scan3A_164, %gt3A : i32
      %convert_element_type3A = arith.extui %gt3A_169 : i1 to i32
      %cond3A = arith.constant 0 : i32
      %cond3A_170 = arith.cmpi ne, %convert_element_type3A, %cond3A : i32
      scf.if %cond3A_170 {
        %sub3A = arith.constant 4 : i32
        %sub3A_297 = arith.subi %add3A_168, %sub3A : i32
        %dma_wait3A_298 = arith.constant 1 : i32
        %dma_wait3A_299 = arith.constant 0 : i32
        %dma_wait3A_300 = tpu.memref_slice %arg6[%sub3A_297, %dma_wait3A_298, %dma_wait3A_299] : memref<40x2x64xi32, #tpu.memory_space<vmem>> -> memref<1x1x64xi32, #tpu.memory_space<vmem>>
        %dma_wait3A_301 = tpu.memref_squeeze %dma_wait3A_300 : memref<1x1x64xi32, #tpu.memory_space<vmem>> -> memref<64xi32, #tpu.memory_space<vmem>>
        %dma_wait3A_302 = arith.constant 0 : i32
        %dma_wait3A_303 = arith.constant 0 : i32
        %dma_wait3A_304 = tpu.memref_slice %arg11[%dma_wait3A_302, %dma_wait3A_303] : memref<10112x128xf32, #tpu.memory_space<vmem_shared>> -> memref<10112x128xf32, #tpu.memory_space<vmem_shared>>
        tpu.wait_indirect_dma semaphore(%arg16 : memref<!tpu.dma_semaphore, #tpu.memory_space<semaphore_mem>>) src(%arg7 : memref<64x128xf32, #tpu.memory_space<vmem>>) dst(%dma_wait3A_304 : memref<10112x128xf32, #tpu.memory_space<vmem_shared>>)
      } else {
      }
      %dma_start3A = arith.constant 0 : i32
      %dma_start3A_171 = arith.constant 0 : i32
      %dma_start3A_172 = tpu.memref_slice %arg6[%add3A_168, %dma_start3A, %dma_start3A_171] : memref<40x2x64xi32, #tpu.memory_space<vmem>> -> memref<1x1x64xi32, #tpu.memory_space<vmem>>
      %dma_start3A_173 = tpu.memref_squeeze %dma_start3A_172 : memref<1x1x64xi32, #tpu.memory_space<vmem>> -> memref<64xi32, #tpu.memory_space<vmem>>
      %dma_start3A_174 = arith.constant 0 : i32
      %dma_start3A_175 = arith.constant 0 : i32
      %dma_start3A_176 = tpu.memref_slice %arg2[%dma_start3A_174, %dma_start3A_175] : memref<20000x128xf32, #tpu.memory_space<hbm>> -> memref<20000x128xf32, #tpu.memory_space<hbm>>
      tpu.enqueue_indirect_dma source(%dma_start3A_176 : memref<20000x128xf32, #tpu.memory_space<hbm>>) target(%arg7 : memref<64x128xf32, #tpu.memory_space<vmem>>) offsets(%dma_start3A_173 : memref<64xi32, #tpu.memory_space<vmem>>) semaphore(%arg12 : memref<!tpu.dma_semaphore, #tpu.memory_space<semaphore_mem>>)
      %mul3A_177 = arith.constant 4 : i32
      %mul3A_178 = arith.muli %scan3A_164, %mul3A_177 : i32
      %add3A_179 = arith.constant 1 : i32
      %add3A_180 = arith.addi %mul3A_178, %add3A_179 : i32
      %gt3A_181 = arith.constant 0 : i32
      %gt3A_182 = arith.cmpi sgt, %scan3A_164, %gt3A_181 : i32
      %convert_element_type3A_183 = arith.extui %gt3A_182 : i1 to i32
      %cond3A_184 = arith.constant 0 : i32
      %cond3A_185 = arith.cmpi ne, %convert_element_type3A_183, %cond3A_184 : i32
      scf.if %cond3A_185 {
        %sub3A = arith.constant 4 : i32
        %sub3A_297 = arith.subi %add3A_180, %sub3A : i32
        %dma_wait3A_298 = arith.constant 1 : i32
        %dma_wait3A_299 = arith.constant 0 : i32
        %dma_wait3A_300 = tpu.memref_slice %arg6[%sub3A_297, %dma_wait3A_298, %dma_wait3A_299] : memref<40x2x64xi32, #tpu.memory_space<vmem>> -> memref<1x1x64xi32, #tpu.memory_space<vmem>>
        %dma_wait3A_301 = tpu.memref_squeeze %dma_wait3A_300 : memref<1x1x64xi32, #tpu.memory_space<vmem>> -> memref<64xi32, #tpu.memory_space<vmem>>
        %dma_wait3A_302 = arith.constant 0 : i32
        %dma_wait3A_303 = arith.constant 0 : i32
        %dma_wait3A_304 = tpu.memref_slice %arg11[%dma_wait3A_302, %dma_wait3A_303] : memref<10112x128xf32, #tpu.memory_space<vmem_shared>> -> memref<10112x128xf32, #tpu.memory_space<vmem_shared>>
        tpu.wait_indirect_dma semaphore(%arg17 : memref<!tpu.dma_semaphore, #tpu.memory_space<semaphore_mem>>) src(%arg8 : memref<64x128xf32, #tpu.memory_space<vmem>>) dst(%dma_wait3A_304 : memref<10112x128xf32, #tpu.memory_space<vmem_shared>>)
      } else {
      }
      %dma_start3A_186 = arith.constant 0 : i32
      %dma_start3A_187 = arith.constant 0 : i32
      %dma_start3A_188 = tpu.memref_slice %arg6[%add3A_180, %dma_start3A_186, %dma_start3A_187] : memref<40x2x64xi32, #tpu.memory_space<vmem>> -> memref<1x1x64xi32, #tpu.memory_space<vmem>>
      %dma_start3A_189 = tpu.memref_squeeze %dma_start3A_188 : memref<1x1x64xi32, #tpu.memory_space<vmem>> -> memref<64xi32, #tpu.memory_space<vmem>>
      %dma_start3A_190 = arith.constant 0 : i32
      %dma_start3A_191 = arith.constant 0 : i32
      %dma_start3A_192 = tpu.memref_slice %arg2[%dma_start3A_190, %dma_start3A_191] : memref<20000x128xf32, #tpu.memory_space<hbm>> -> memref<20000x128xf32, #tpu.memory_space<hbm>>
      tpu.enqueue_indirect_dma source(%dma_start3A_192 : memref<20000x128xf32, #tpu.memory_space<hbm>>) target(%arg8 : memref<64x128xf32, #tpu.memory_space<vmem>>) offsets(%dma_start3A_189 : memref<64xi32, #tpu.memory_space<vmem>>) semaphore(%arg13 : memref<!tpu.dma_semaphore, #tpu.memory_space<semaphore_mem>>)
      %mul3A_193 = arith.constant 4 : i32
      %mul3A_194 = arith.muli %scan3A_164, %mul3A_193 : i32
      %add3A_195 = arith.constant 2 : i32
      %add3A_196 = arith.addi %mul3A_194, %add3A_195 : i32
      %gt3A_197 = arith.constant 0 : i32
      %gt3A_198 = arith.cmpi sgt, %scan3A_164, %gt3A_197 : i32
      %convert_element_type3A_199 = arith.extui %gt3A_198 : i1 to i32
      %cond3A_200 = arith.constant 0 : i32
      %cond3A_201 = arith.cmpi ne, %convert_element_type3A_199, %cond3A_200 : i32
      scf.if %cond3A_201 {
        %sub3A = arith.constant 4 : i32
        %sub3A_297 = arith.subi %add3A_196, %sub3A : i32
        %dma_wait3A_298 = arith.constant 1 : i32
        %dma_wait3A_299 = arith.constant 0 : i32
        %dma_wait3A_300 = tpu.memref_slice %arg6[%sub3A_297, %dma_wait3A_298, %dma_wait3A_299] : memref<40x2x64xi32, #tpu.memory_space<vmem>> -> memref<1x1x64xi32, #tpu.memory_space<vmem>>
        %dma_wait3A_301 = tpu.memref_squeeze %dma_wait3A_300 : memref<1x1x64xi32, #tpu.memory_space<vmem>> -> memref<64xi32, #tpu.memory_space<vmem>>
        %dma_wait3A_302 = arith.constant 0 : i32
        %dma_wait3A_303 = arith.constant 0 : i32
        %dma_wait3A_304 = tpu.memref_slice %arg11[%dma_wait3A_302, %dma_wait3A_303] : memref<10112x128xf32, #tpu.memory_space<vmem_shared>> -> memref<10112x128xf32, #tpu.memory_space<vmem_shared>>
        tpu.wait_indirect_dma semaphore(%arg18 : memref<!tpu.dma_semaphore, #tpu.memory_space<semaphore_mem>>) src(%arg9 : memref<64x128xf32, #tpu.memory_space<vmem>>) dst(%dma_wait3A_304 : memref<10112x128xf32, #tpu.memory_space<vmem_shared>>)
      } else {
      }
      %dma_start3A_202 = arith.constant 0 : i32
      %dma_start3A_203 = arith.constant 0 : i32
      %dma_start3A_204 = tpu.memref_slice %arg6[%add3A_196, %dma_start3A_202, %dma_start3A_203] : memref<40x2x64xi32, #tpu.memory_space<vmem>> -> memref<1x1x64xi32, #tpu.memory_space<vmem>>
      %dma_start3A_205 = tpu.memref_squeeze %dma_start3A_204 : memref<1x1x64xi32, #tpu.memory_space<vmem>> -> memref<64xi32, #tpu.memory_space<vmem>>
      %dma_start3A_206 = arith.constant 0 : i32
      %dma_start3A_207 = arith.constant 0 : i32
      %dma_start3A_208 = tpu.memref_slice %arg2[%dma_start3A_206, %dma_start3A_207] : memref<20000x128xf32, #tpu.memory_space<hbm>> -> memref<20000x128xf32, #tpu.memory_space<hbm>>
      tpu.enqueue_indirect_dma source(%dma_start3A_208 : memref<20000x128xf32, #tpu.memory_space<hbm>>) target(%arg9 : memref<64x128xf32, #tpu.memory_space<vmem>>) offsets(%dma_start3A_205 : memref<64xi32, #tpu.memory_space<vmem>>) semaphore(%arg14 : memref<!tpu.dma_semaphore, #tpu.memory_space<semaphore_mem>>)
      %mul3A_209 = arith.constant 4 : i32
      %mul3A_210 = arith.muli %scan3A_164, %mul3A_209 : i32
      %add3A_211 = arith.constant 3 : i32
      %add3A_212 = arith.addi %mul3A_210, %add3A_211 : i32
      %gt3A_213 = arith.constant 0 : i32
      %gt3A_214 = arith.cmpi sgt, %scan3A_164, %gt3A_213 : i32
      %convert_element_type3A_215 = arith.extui %gt3A_214 : i1 to i32
      %cond3A_216 = arith.constant 0 : i32
      %cond3A_217 = arith.cmpi ne, %convert_element_type3A_215, %cond3A_216 : i32
      scf.if %cond3A_217 {
        %sub3A = arith.constant 4 : i32
        %sub3A_297 = arith.subi %add3A_212, %sub3A : i32
        %dma_wait3A_298 = arith.constant 1 : i32
        %dma_wait3A_299 = arith.constant 0 : i32
        %dma_wait3A_300 = tpu.memref_slice %arg6[%sub3A_297, %dma_wait3A_298, %dma_wait3A_299] : memref<40x2x64xi32, #tpu.memory_space<vmem>> -> memref<1x1x64xi32, #tpu.memory_space<vmem>>
        %dma_wait3A_301 = tpu.memref_squeeze %dma_wait3A_300 : memref<1x1x64xi32, #tpu.memory_space<vmem>> -> memref<64xi32, #tpu.memory_space<vmem>>
        %dma_wait3A_302 = arith.constant 0 : i32
        %dma_wait3A_303 = arith.constant 0 : i32
        %dma_wait3A_304 = tpu.memref_slice %arg11[%dma_wait3A_302, %dma_wait3A_303] : memref<10112x128xf32, #tpu.memory_space<vmem_shared>> -> memref<10112x128xf32, #tpu.memory_space<vmem_shared>>
        tpu.wait_indirect_dma semaphore(%arg19 : memref<!tpu.dma_semaphore, #tpu.memory_space<semaphore_mem>>) src(%arg10 : memref<64x128xf32, #tpu.memory_space<vmem>>) dst(%dma_wait3A_304 : memref<10112x128xf32, #tpu.memory_space<vmem_shared>>)
      } else {
      }
      %dma_start3A_218 = arith.constant 0 : i32
      %dma_start3A_219 = arith.constant 0 : i32
      %dma_start3A_220 = tpu.memref_slice %arg6[%add3A_212, %dma_start3A_218, %dma_start3A_219] : memref<40x2x64xi32, #tpu.memory_space<vmem>> -> memref<1x1x64xi32, #tpu.memory_space<vmem>>
      %dma_start3A_221 = tpu.memref_squeeze %dma_start3A_220 : memref<1x1x64xi32, #tpu.memory_space<vmem>> -> memref<64xi32, #tpu.memory_space<vmem>>
      %dma_start3A_222 = arith.constant 0 : i32
      %dma_start3A_223 = arith.constant 0 : i32
      %dma_start3A_224 = tpu.memref_slice %arg2[%dma_start3A_222, %dma_start3A_223] : memref<20000x128xf32, #tpu.memory_space<hbm>> -> memref<20000x128xf32, #tpu.memory_space<hbm>>
      tpu.enqueue_indirect_dma source(%dma_start3A_224 : memref<20000x128xf32, #tpu.memory_space<hbm>>) target(%arg10 : memref<64x128xf32, #tpu.memory_space<vmem>>) offsets(%dma_start3A_221 : memref<64xi32, #tpu.memory_space<vmem>>) semaphore(%arg15 : memref<!tpu.dma_semaphore, #tpu.memory_space<semaphore_mem>>)
      %mul3A_225 = arith.constant 4 : i32
      %mul3A_226 = arith.muli %scan3A_164, %mul3A_225 : i32
      %add3A_227 = arith.constant 0 : i32
      %add3A_228 = arith.addi %mul3A_226, %add3A_227 : i32
      %dma_wait3A_229 = arith.constant 0 : i32
      %dma_wait3A_230 = arith.constant 0 : i32
      %dma_wait3A_231 = tpu.memref_slice %arg6[%add3A_228, %dma_wait3A_229, %dma_wait3A_230] : memref<40x2x64xi32, #tpu.memory_space<vmem>> -> memref<1x1x64xi32, #tpu.memory_space<vmem>>
      %dma_wait3A_232 = tpu.memref_squeeze %dma_wait3A_231 : memref<1x1x64xi32, #tpu.memory_space<vmem>> -> memref<64xi32, #tpu.memory_space<vmem>>
      %dma_wait3A_233 = arith.constant 0 : i32
      %dma_wait3A_234 = arith.constant 0 : i32
      %dma_wait3A_235 = tpu.memref_slice %arg2[%dma_wait3A_233, %dma_wait3A_234] : memref<20000x128xf32, #tpu.memory_space<hbm>> -> memref<20000x128xf32, #tpu.memory_space<hbm>>
      tpu.wait_indirect_dma semaphore(%arg12 : memref<!tpu.dma_semaphore, #tpu.memory_space<semaphore_mem>>) src(%dma_wait3A_235 : memref<20000x128xf32, #tpu.memory_space<hbm>>) dst(%arg7 : memref<64x128xf32, #tpu.memory_space<vmem>>)
      %dma_start3A_236 = arith.constant 1 : i32
      %dma_start3A_237 = arith.constant 0 : i32
      %dma_start3A_238 = tpu.memref_slice %arg6[%add3A_228, %dma_start3A_236, %dma_start3A_237] : memref<40x2x64xi32, #tpu.memory_space<vmem>> -> memref<1x1x64xi32, #tpu.memory_space<vmem>>
      %dma_start3A_239 = tpu.memref_squeeze %dma_start3A_238 : memref<1x1x64xi32, #tpu.memory_space<vmem>> -> memref<64xi32, #tpu.memory_space<vmem>>
      %dma_start3A_240 = arith.constant 0 : i32
      %dma_start3A_241 = arith.constant 0 : i32
      %dma_start3A_242 = tpu.memref_slice %arg11[%dma_start3A_240, %dma_start3A_241] : memref<10112x128xf32, #tpu.memory_space<vmem_shared>> -> memref<10112x128xf32, #tpu.memory_space<vmem_shared>>
      tpu.enqueue_indirect_dma source(%arg7 : memref<64x128xf32, #tpu.memory_space<vmem>>) target(%dma_start3A_242 : memref<10112x128xf32, #tpu.memory_space<vmem_shared>>) offsets(%dma_start3A_239 : memref<64xi32, #tpu.memory_space<vmem>>) semaphore(%arg16 : memref<!tpu.dma_semaphore, #tpu.memory_space<semaphore_mem>>) {add = true}
      %mul3A_243 = arith.constant 4 : i32
      %mul3A_244 = arith.muli %scan3A_164, %mul3A_243 : i32
      %add3A_245 = arith.constant 1 : i32
      %add3A_246 = arith.addi %mul3A_244, %add3A_245 : i32
      %dma_wait3A_247 = arith.constant 0 : i32
      %dma_wait3A_248 = arith.constant 0 : i32
      %dma_wait3A_249 = tpu.memref_slice %arg6[%add3A_246, %dma_wait3A_247, %dma_wait3A_248] : memref<40x2x64xi32, #tpu.memory_space<vmem>> -> memref<1x1x64xi32, #tpu.memory_space<vmem>>
      %dma_wait3A_250 = tpu.memref_squeeze %dma_wait3A_249 : memref<1x1x64xi32, #tpu.memory_space<vmem>> -> memref<64xi32, #tpu.memory_space<vmem>>
      %dma_wait3A_251 = arith.constant 0 : i32
      %dma_wait3A_252 = arith.constant 0 : i32
      %dma_wait3A_253 = tpu.memref_slice %arg2[%dma_wait3A_251, %dma_wait3A_252] : memref<20000x128xf32, #tpu.memory_space<hbm>> -> memref<20000x128xf32, #tpu.memory_space<hbm>>
      tpu.wait_indirect_dma semaphore(%arg13 : memref<!tpu.dma_semaphore, #tpu.memory_space<semaphore_mem>>) src(%dma_wait3A_253 : memref<20000x128xf32, #tpu.memory_space<hbm>>) dst(%arg8 : memref<64x128xf32, #tpu.memory_space<vmem>>)
      %dma_start3A_254 = arith.constant 1 : i32
      %dma_start3A_255 = arith.constant 0 : i32
      %dma_start3A_256 = tpu.memref_slice %arg6[%add3A_246, %dma_start3A_254, %dma_start3A_255] : memref<40x2x64xi32, #tpu.memory_space<vmem>> -> memref<1x1x64xi32, #tpu.memory_space<vmem>>
      %dma_start3A_257 = tpu.memref_squeeze %dma_start3A_256 : memref<1x1x64xi32, #tpu.memory_space<vmem>> -> memref<64xi32, #tpu.memory_space<vmem>>
      %dma_start3A_258 = arith.constant 0 : i32
      %dma_start3A_259 = arith.constant 0 : i32
      %dma_start3A_260 = tpu.memref_slice %arg11[%dma_start3A_258, %dma_start3A_259] : memref<10112x128xf32, #tpu.memory_space<vmem_shared>> -> memref<10112x128xf32, #tpu.memory_space<vmem_shared>>
      tpu.enqueue_indirect_dma source(%arg8 : memref<64x128xf32, #tpu.memory_space<vmem>>) target(%dma_start3A_260 : memref<10112x128xf32, #tpu.memory_space<vmem_shared>>) offsets(%dma_start3A_257 : memref<64xi32, #tpu.memory_space<vmem>>) semaphore(%arg17 : memref<!tpu.dma_semaphore, #tpu.memory_space<semaphore_mem>>) {add = true}
      %mul3A_261 = arith.constant 4 : i32
      %mul3A_262 = arith.muli %scan3A_164, %mul3A_261 : i32
      %add3A_263 = arith.constant 2 : i32
      %add3A_264 = arith.addi %mul3A_262, %add3A_263 : i32
      %dma_wait3A_265 = arith.constant 0 : i32
      %dma_wait3A_266 = arith.constant 0 : i32
      %dma_wait3A_267 = tpu.memref_slice %arg6[%add3A_264, %dma_wait3A_265, %dma_wait3A_266] : memref<40x2x64xi32, #tpu.memory_space<vmem>> -> memref<1x1x64xi32, #tpu.memory_space<vmem>>
      %dma_wait3A_268 = tpu.memref_squeeze %dma_wait3A_267 : memref<1x1x64xi32, #tpu.memory_space<vmem>> -> memref<64xi32, #tpu.memory_space<vmem>>
      %dma_wait3A_269 = arith.constant 0 : i32
      %dma_wait3A_270 = arith.constant 0 : i32
      %dma_wait3A_271 = tpu.memref_slice %arg2[%dma_wait3A_269, %dma_wait3A_270] : memref<20000x128xf32, #tpu.memory_space<hbm>> -> memref<20000x128xf32, #tpu.memory_space<hbm>>
      tpu.wait_indirect_dma semaphore(%arg14 : memref<!tpu.dma_semaphore, #tpu.memory_space<semaphore_mem>>) src(%dma_wait3A_271 : memref<20000x128xf32, #tpu.memory_space<hbm>>) dst(%arg9 : memref<64x128xf32, #tpu.memory_space<vmem>>)
      %dma_start3A_272 = arith.constant 1 : i32
      %dma_start3A_273 = arith.constant 0 : i32
      %dma_start3A_274 = tpu.memref_slice %arg6[%add3A_264, %dma_start3A_272, %dma_start3A_273] : memref<40x2x64xi32, #tpu.memory_space<vmem>> -> memref<1x1x64xi32, #tpu.memory_space<vmem>>
      %dma_start3A_275 = tpu.memref_squeeze %dma_start3A_274 : memref<1x1x64xi32, #tpu.memory_space<vmem>> -> memref<64xi32, #tpu.memory_space<vmem>>
      %dma_start3A_276 = arith.constant 0 : i32
      %dma_start3A_277 = arith.constant 0 : i32
      %dma_start3A_278 = tpu.memref_slice %arg11[%dma_start3A_276, %dma_start3A_277] : memref<10112x128xf32, #tpu.memory_space<vmem_shared>> -> memref<10112x128xf32, #tpu.memory_space<vmem_shared>>
      tpu.enqueue_indirect_dma source(%arg9 : memref<64x128xf32, #tpu.memory_space<vmem>>) target(%dma_start3A_278 : memref<10112x128xf32, #tpu.memory_space<vmem_shared>>) offsets(%dma_start3A_275 : memref<64xi32, #tpu.memory_space<vmem>>) semaphore(%arg18 : memref<!tpu.dma_semaphore, #tpu.memory_space<semaphore_mem>>) {add = true}
      %mul3A_279 = arith.constant 4 : i32
      %mul3A_280 = arith.muli %scan3A_164, %mul3A_279 : i32
      %add3A_281 = arith.constant 3 : i32
      %add3A_282 = arith.addi %mul3A_280, %add3A_281 : i32
      %dma_wait3A_283 = arith.constant 0 : i32
      %dma_wait3A_284 = arith.constant 0 : i32
      %dma_wait3A_285 = tpu.memref_slice %arg6[%add3A_282, %dma_wait3A_283, %dma_wait3A_284] : memref<40x2x64xi32, #tpu.memory_space<vmem>> -> memref<1x1x64xi32, #tpu.memory_space<vmem>>
      %dma_wait3A_286 = tpu.memref_squeeze %dma_wait3A_285 : memref<1x1x64xi32, #tpu.memory_space<vmem>> -> memref<64xi32, #tpu.memory_space<vmem>>
      %dma_wait3A_287 = arith.constant 0 : i32
      %dma_wait3A_288 = arith.constant 0 : i32
      %dma_wait3A_289 = tpu.memref_slice %arg2[%dma_wait3A_287, %dma_wait3A_288] : memref<20000x128xf32, #tpu.memory_space<hbm>> -> memref<20000x128xf32, #tpu.memory_space<hbm>>
      tpu.wait_indirect_dma semaphore(%arg15 : memref<!tpu.dma_semaphore, #tpu.memory_space<semaphore_mem>>) src(%dma_wait3A_289 : memref<20000x128xf32, #tpu.memory_space<hbm>>) dst(%arg10 : memref<64x128xf32, #tpu.memory_space<vmem>>)
      %dma_start3A_290 = arith.constant 1 : i32
      %dma_start3A_291 = arith.constant 0 : i32
      %dma_start3A_292 = tpu.memref_slice %arg6[%add3A_282, %dma_start3A_290, %dma_start3A_291] : memref<40x2x64xi32, #tpu.memory_space<vmem>> -> memref<1x1x64xi32, #tpu.memory_space<vmem>>
      %dma_start3A_293 = tpu.memref_squeeze %dma_start3A_292 : memref<1x1x64xi32, #tpu.memory_space<vmem>> -> memref<64xi32, #tpu.memory_space<vmem>>
      %dma_start3A_294 = arith.constant 0 : i32
      %dma_start3A_295 = arith.constant 0 : i32
      %dma_start3A_296 = tpu.memref_slice %arg11[%dma_start3A_294, %dma_start3A_295] : memref<10112x128xf32, #tpu.memory_space<vmem_shared>> -> memref<10112x128xf32, #tpu.memory_space<vmem_shared>>
      tpu.enqueue_indirect_dma source(%arg10 : memref<64x128xf32, #tpu.memory_space<vmem>>) target(%dma_start3A_296 : memref<10112x128xf32, #tpu.memory_space<vmem_shared>>) offsets(%dma_start3A_293 : memref<64xi32, #tpu.memory_space<vmem>>) semaphore(%arg19 : memref<!tpu.dma_semaphore, #tpu.memory_space<semaphore_mem>>) {add = true}
    }
    %scan3A_90 = arith.constant 10 : i32
    %dma_wait3A_91 = arith.constant 36 : i32
    %dma_wait3A_92 = arith.constant 1 : i32
    %dma_wait3A_93 = arith.constant 0 : i32
    %dma_wait3A_94 = tpu.memref_slice %arg6[%dma_wait3A_91, %dma_wait3A_92, %dma_wait3A_93] : memref<40x2x64xi32, #tpu.memory_space<vmem>> -> memref<1x1x64xi32, #tpu.memory_space<vmem>>
    %dma_wait3A_95 = tpu.memref_squeeze %dma_wait3A_94 : memref<1x1x64xi32, #tpu.memory_space<vmem>> -> memref<64xi32, #tpu.memory_space<vmem>>
    %dma_wait3A_96 = arith.constant 0 : i32
    %dma_wait3A_97 = arith.constant 0 : i32
    %dma_wait3A_98 = tpu.memref_slice %arg11[%dma_wait3A_96, %dma_wait3A_97] : memref<10112x128xf32, #tpu.memory_space<vmem_shared>> -> memref<10112x128xf32, #tpu.memory_space<vmem_shared>>
    tpu.wait_indirect_dma semaphore(%arg16 : memref<!tpu.dma_semaphore, #tpu.memory_space<semaphore_mem>>) src(%arg7 : memref<64x128xf32, #tpu.memory_space<vmem>>) dst(%dma_wait3A_98 : memref<10112x128xf32, #tpu.memory_space<vmem_shared>>)
    %dma_wait3A_99 = arith.constant 37 : i32
    %dma_wait3A_100 = arith.constant 1 : i32
    %dma_wait3A_101 = arith.constant 0 : i32
    %dma_wait3A_102 = tpu.memref_slice %arg6[%dma_wait3A_99, %dma_wait3A_100, %dma_wait3A_101] : memref<40x2x64xi32, #tpu.memory_space<vmem>> -> memref<1x1x64xi32, #tpu.memory_space<vmem>>
    %dma_wait3A_103 = tpu.memref_squeeze %dma_wait3A_102 : memref<1x1x64xi32, #tpu.memory_space<vmem>> -> memref<64xi32, #tpu.memory_space<vmem>>
    %dma_wait3A_104 = arith.constant 0 : i32
    %dma_wait3A_105 = arith.constant 0 : i32
    %dma_wait3A_106 = tpu.memref_slice %arg11[%dma_wait3A_104, %dma_wait3A_105] : memref<10112x128xf32, #tpu.memory_space<vmem_shared>> -> memref<10112x128xf32, #tpu.memory_space<vmem_shared>>
    tpu.wait_indirect_dma semaphore(%arg17 : memref<!tpu.dma_semaphore, #tpu.memory_space<semaphore_mem>>) src(%arg8 : memref<64x128xf32, #tpu.memory_space<vmem>>) dst(%dma_wait3A_106 : memref<10112x128xf32, #tpu.memory_space<vmem_shared>>)
    %dma_wait3A_107 = arith.constant 38 : i32
    %dma_wait3A_108 = arith.constant 1 : i32
    %dma_wait3A_109 = arith.constant 0 : i32
    %dma_wait3A_110 = tpu.memref_slice %arg6[%dma_wait3A_107, %dma_wait3A_108, %dma_wait3A_109] : memref<40x2x64xi32, #tpu.memory_space<vmem>> -> memref<1x1x64xi32, #tpu.memory_space<vmem>>
    %dma_wait3A_111 = tpu.memref_squeeze %dma_wait3A_110 : memref<1x1x64xi32, #tpu.memory_space<vmem>> -> memref<64xi32, #tpu.memory_space<vmem>>
    %dma_wait3A_112 = arith.constant 0 : i32
    %dma_wait3A_113 = arith.constant 0 : i32
    %dma_wait3A_114 = tpu.memref_slice %arg11[%dma_wait3A_112, %dma_wait3A_113] : memref<10112x128xf32, #tpu.memory_space<vmem_shared>> -> memref<10112x128xf32, #tpu.memory_space<vmem_shared>>
    tpu.wait_indirect_dma semaphore(%arg18 : memref<!tpu.dma_semaphore, #tpu.memory_space<semaphore_mem>>) src(%arg9 : memref<64x128xf32, #tpu.memory_space<vmem>>) dst(%dma_wait3A_114 : memref<10112x128xf32, #tpu.memory_space<vmem_shared>>)
    %dma_wait3A_115 = arith.constant 39 : i32
    %dma_wait3A_116 = arith.constant 1 : i32
    %dma_wait3A_117 = arith.constant 0 : i32
    %dma_wait3A_118 = tpu.memref_slice %arg6[%dma_wait3A_115, %dma_wait3A_116, %dma_wait3A_117] : memref<40x2x64xi32, #tpu.memory_space<vmem>> -> memref<1x1x64xi32, #tpu.memory_space<vmem>>
    %dma_wait3A_119 = tpu.memref_squeeze %dma_wait3A_118 : memref<1x1x64xi32, #tpu.memory_space<vmem>> -> memref<64xi32, #tpu.memory_space<vmem>>
    %dma_wait3A_120 = arith.constant 0 : i32
    %dma_wait3A_121 = arith.constant 0 : i32
    %dma_wait3A_122 = tpu.memref_slice %arg11[%dma_wait3A_120, %dma_wait3A_121] : memref<10112x128xf32, #tpu.memory_space<vmem_shared>> -> memref<10112x128xf32, #tpu.memory_space<vmem_shared>>
    tpu.wait_indirect_dma semaphore(%arg19 : memref<!tpu.dma_semaphore, #tpu.memory_space<semaphore_mem>>) src(%arg10 : memref<64x128xf32, #tpu.memory_space<vmem>>) dst(%dma_wait3A_122 : memref<10112x128xf32, #tpu.memory_space<vmem_shared>>)
    %add3A_123 = arith.constant 120 : i32
    %add3A_124 = arith.addi %add3A, %add3A_123 : i32
    "tpu.region"() ({
      %run_scoped3A = tpu.sem_alloc : memref<!tpu.dma_semaphore, #tpu.memory_space<semaphore_mem>>
      %dma_start3A = arith.constant 0 : i32
      %dma_start3A_164 = arith.constant 0 : i32
      %dma_start3A_165 = tpu.memref_slice %arg3[%add3A_124, %dma_start3A, %dma_start3A_164] : memref<5120x2x64xi32, #tpu.memory_space<hbm>> -> memref<40x2x64xi32, #tpu.memory_space<hbm>>
      %dma_start3A_166 = arith.constant 0 : i32
      %dma_start3A_167 = arith.constant 0 : i32
      %dma_start3A_168 = tpu.memref_slice %arg3[%add3A_124, %dma_start3A_166, %dma_start3A_167] : memref<5120x2x64xi32, #tpu.memory_space<hbm>> -> memref<40x2x64xi32, #tpu.memory_space<hbm>>
      tpu.enqueue_dma source(%dma_start3A_168 : memref<40x2x64xi32, #tpu.memory_space<hbm>>) target(%arg6 : memref<40x2x64xi32, #tpu.memory_space<vmem>>) target_semaphore(%run_scoped3A : memref<!tpu.dma_semaphore, #tpu.memory_space<semaphore_mem>>)
      %dma_wait3A_169 = arith.constant 0 : i32
      %dma_wait3A_170 = arith.constant 0 : i32
      %dma_wait3A_171 = tpu.memref_slice %arg3[%add3A_124, %dma_wait3A_169, %dma_wait3A_170] : memref<5120x2x64xi32, #tpu.memory_space<hbm>> -> memref<40x2x64xi32, #tpu.memory_space<hbm>>
      %dma_wait3A_172 = arith.constant 0 : i32
      %dma_wait3A_173 = arith.constant 0 : i32
      %dma_wait3A_174 = tpu.memref_slice %arg3[%add3A_124, %dma_wait3A_172, %dma_wait3A_173] : memref<5120x2x64xi32, #tpu.memory_space<hbm>> -> memref<40x2x64xi32, #tpu.memory_space<hbm>>
      tpu.wait_dma2 semaphore(%run_scoped3A : memref<!tpu.dma_semaphore, #tpu.memory_space<semaphore_mem>>) src(%dma_wait3A_174 : memref<40x2x64xi32, #tpu.memory_space<hbm>>) dst(%arg6 : memref<40x2x64xi32, #tpu.memory_space<vmem>>)
      tpu.yield
    }) : () -> ()
    %scan3A_125 = arith.constant 0 : i32
    %scan3A_126 = arith.constant 0 : i32
    %scan3A_127 = arith.constant 10 : i32
    %scan3A_128 = arith.addi %scan3A_126, %scan3A_127 : i32
    %scan3A_129 = arith.constant 1 : i32
    scf.for %scan3A_164 = %scan3A_126 to %scan3A_128 step %scan3A_129  : i32 {
      %mul3A_165 = arith.constant 4 : i32
      %mul3A_166 = arith.muli %scan3A_164, %mul3A_165 : i32
      %add3A_167 = arith.constant 0 : i32
      %add3A_168 = arith.addi %mul3A_166, %add3A_167 : i32
      %gt3A = arith.constant 0 : i32
      %gt3A_169 = arith.cmpi sgt, %scan3A_164, %gt3A : i32
      %convert_element_type3A = arith.extui %gt3A_169 : i1 to i32
      %cond3A = arith.constant 0 : i32
      %cond3A_170 = arith.cmpi ne, %convert_element_type3A, %cond3A : i32
      scf.if %cond3A_170 {
        %sub3A = arith.constant 4 : i32
        %sub3A_297 = arith.subi %add3A_168, %sub3A : i32
        %dma_wait3A_298 = arith.constant 1 : i32
        %dma_wait3A_299 = arith.constant 0 : i32
        %dma_wait3A_300 = tpu.memref_slice %arg6[%sub3A_297, %dma_wait3A_298, %dma_wait3A_299] : memref<40x2x64xi32, #tpu.memory_space<vmem>> -> memref<1x1x64xi32, #tpu.memory_space<vmem>>
        %dma_wait3A_301 = tpu.memref_squeeze %dma_wait3A_300 : memref<1x1x64xi32, #tpu.memory_space<vmem>> -> memref<64xi32, #tpu.memory_space<vmem>>
        %dma_wait3A_302 = arith.constant 0 : i32
        %dma_wait3A_303 = arith.constant 0 : i32
        %dma_wait3A_304 = tpu.memref_slice %arg11[%dma_wait3A_302, %dma_wait3A_303] : memref<10112x128xf32, #tpu.memory_space<vmem_shared>> -> memref<10112x128xf32, #tpu.memory_space<vmem_shared>>
        tpu.wait_indirect_dma semaphore(%arg16 : memref<!tpu.dma_semaphore, #tpu.memory_space<semaphore_mem>>) src(%arg7 : memref<64x128xf32, #tpu.memory_space<vmem>>) dst(%dma_wait3A_304 : memref<10112x128xf32, #tpu.memory_space<vmem_shared>>)
      } else {
      }
      %dma_start3A = arith.constant 0 : i32
      %dma_start3A_171 = arith.constant 0 : i32
      %dma_start3A_172 = tpu.memref_slice %arg6[%add3A_168, %dma_start3A, %dma_start3A_171] : memref<40x2x64xi32, #tpu.memory_space<vmem>> -> memref<1x1x64xi32, #tpu.memory_space<vmem>>
      %dma_start3A_173 = tpu.memref_squeeze %dma_start3A_172 : memref<1x1x64xi32, #tpu.memory_space<vmem>> -> memref<64xi32, #tpu.memory_space<vmem>>
      %dma_start3A_174 = arith.constant 0 : i32
      %dma_start3A_175 = arith.constant 0 : i32
      %dma_start3A_176 = tpu.memref_slice %arg2[%dma_start3A_174, %dma_start3A_175] : memref<20000x128xf32, #tpu.memory_space<hbm>> -> memref<20000x128xf32, #tpu.memory_space<hbm>>
      tpu.enqueue_indirect_dma source(%dma_start3A_176 : memref<20000x128xf32, #tpu.memory_space<hbm>>) target(%arg7 : memref<64x128xf32, #tpu.memory_space<vmem>>) offsets(%dma_start3A_173 : memref<64xi32, #tpu.memory_space<vmem>>) semaphore(%arg12 : memref<!tpu.dma_semaphore, #tpu.memory_space<semaphore_mem>>)
      %mul3A_177 = arith.constant 4 : i32
      %mul3A_178 = arith.muli %scan3A_164, %mul3A_177 : i32
      %add3A_179 = arith.constant 1 : i32
      %add3A_180 = arith.addi %mul3A_178, %add3A_179 : i32
      %gt3A_181 = arith.constant 0 : i32
      %gt3A_182 = arith.cmpi sgt, %scan3A_164, %gt3A_181 : i32
      %convert_element_type3A_183 = arith.extui %gt3A_182 : i1 to i32
      %cond3A_184 = arith.constant 0 : i32
      %cond3A_185 = arith.cmpi ne, %convert_element_type3A_183, %cond3A_184 : i32
      scf.if %cond3A_185 {
        %sub3A = arith.constant 4 : i32
        %sub3A_297 = arith.subi %add3A_180, %sub3A : i32
        %dma_wait3A_298 = arith.constant 1 : i32
        %dma_wait3A_299 = arith.constant 0 : i32
        %dma_wait3A_300 = tpu.memref_slice %arg6[%sub3A_297, %dma_wait3A_298, %dma_wait3A_299] : memref<40x2x64xi32, #tpu.memory_space<vmem>> -> memref<1x1x64xi32, #tpu.memory_space<vmem>>
        %dma_wait3A_301 = tpu.memref_squeeze %dma_wait3A_300 : memref<1x1x64xi32, #tpu.memory_space<vmem>> -> memref<64xi32, #tpu.memory_space<vmem>>
        %dma_wait3A_302 = arith.constant 0 : i32
        %dma_wait3A_303 = arith.constant 0 : i32
        %dma_wait3A_304 = tpu.memref_slice %arg11[%dma_wait3A_302, %dma_wait3A_303] : memref<10112x128xf32, #tpu.memory_space<vmem_shared>> -> memref<10112x128xf32, #tpu.memory_space<vmem_shared>>
        tpu.wait_indirect_dma semaphore(%arg17 : memref<!tpu.dma_semaphore, #tpu.memory_space<semaphore_mem>>) src(%arg8 : memref<64x128xf32, #tpu.memory_space<vmem>>) dst(%dma_wait3A_304 : memref<10112x128xf32, #tpu.memory_space<vmem_shared>>)
      } else {
      }
      %dma_start3A_186 = arith.constant 0 : i32
      %dma_start3A_187 = arith.constant 0 : i32
      %dma_start3A_188 = tpu.memref_slice %arg6[%add3A_180, %dma_start3A_186, %dma_start3A_187] : memref<40x2x64xi32, #tpu.memory_space<vmem>> -> memref<1x1x64xi32, #tpu.memory_space<vmem>>
      %dma_start3A_189 = tpu.memref_squeeze %dma_start3A_188 : memref<1x1x64xi32, #tpu.memory_space<vmem>> -> memref<64xi32, #tpu.memory_space<vmem>>
      %dma_start3A_190 = arith.constant 0 : i32
      %dma_start3A_191 = arith.constant 0 : i32
      %dma_start3A_192 = tpu.memref_slice %arg2[%dma_start3A_190, %dma_start3A_191] : memref<20000x128xf32, #tpu.memory_space<hbm>> -> memref<20000x128xf32, #tpu.memory_space<hbm>>
      tpu.enqueue_indirect_dma source(%dma_start3A_192 : memref<20000x128xf32, #tpu.memory_space<hbm>>) target(%arg8 : memref<64x128xf32, #tpu.memory_space<vmem>>) offsets(%dma_start3A_189 : memref<64xi32, #tpu.memory_space<vmem>>) semaphore(%arg13 : memref<!tpu.dma_semaphore, #tpu.memory_space<semaphore_mem>>)
      %mul3A_193 = arith.constant 4 : i32
      %mul3A_194 = arith.muli %scan3A_164, %mul3A_193 : i32
      %add3A_195 = arith.constant 2 : i32
      %add3A_196 = arith.addi %mul3A_194, %add3A_195 : i32
      %gt3A_197 = arith.constant 0 : i32
      %gt3A_198 = arith.cmpi sgt, %scan3A_164, %gt3A_197 : i32
      %convert_element_type3A_199 = arith.extui %gt3A_198 : i1 to i32
      %cond3A_200 = arith.constant 0 : i32
      %cond3A_201 = arith.cmpi ne, %convert_element_type3A_199, %cond3A_200 : i32
      scf.if %cond3A_201 {
        %sub3A = arith.constant 4 : i32
        %sub3A_297 = arith.subi %add3A_196, %sub3A : i32
        %dma_wait3A_298 = arith.constant 1 : i32
        %dma_wait3A_299 = arith.constant 0 : i32
        %dma_wait3A_300 = tpu.memref_slice %arg6[%sub3A_297, %dma_wait3A_298, %dma_wait3A_299] : memref<40x2x64xi32, #tpu.memory_space<vmem>> -> memref<1x1x64xi32, #tpu.memory_space<vmem>>
        %dma_wait3A_301 = tpu.memref_squeeze %dma_wait3A_300 : memref<1x1x64xi32, #tpu.memory_space<vmem>> -> memref<64xi32, #tpu.memory_space<vmem>>
        %dma_wait3A_302 = arith.constant 0 : i32
        %dma_wait3A_303 = arith.constant 0 : i32
        %dma_wait3A_304 = tpu.memref_slice %arg11[%dma_wait3A_302, %dma_wait3A_303] : memref<10112x128xf32, #tpu.memory_space<vmem_shared>> -> memref<10112x128xf32, #tpu.memory_space<vmem_shared>>
        tpu.wait_indirect_dma semaphore(%arg18 : memref<!tpu.dma_semaphore, #tpu.memory_space<semaphore_mem>>) src(%arg9 : memref<64x128xf32, #tpu.memory_space<vmem>>) dst(%dma_wait3A_304 : memref<10112x128xf32, #tpu.memory_space<vmem_shared>>)
      } else {
      }
      %dma_start3A_202 = arith.constant 0 : i32
      %dma_start3A_203 = arith.constant 0 : i32
      %dma_start3A_204 = tpu.memref_slice %arg6[%add3A_196, %dma_start3A_202, %dma_start3A_203] : memref<40x2x64xi32, #tpu.memory_space<vmem>> -> memref<1x1x64xi32, #tpu.memory_space<vmem>>
      %dma_start3A_205 = tpu.memref_squeeze %dma_start3A_204 : memref<1x1x64xi32, #tpu.memory_space<vmem>> -> memref<64xi32, #tpu.memory_space<vmem>>
      %dma_start3A_206 = arith.constant 0 : i32
      %dma_start3A_207 = arith.constant 0 : i32
      %dma_start3A_208 = tpu.memref_slice %arg2[%dma_start3A_206, %dma_start3A_207] : memref<20000x128xf32, #tpu.memory_space<hbm>> -> memref<20000x128xf32, #tpu.memory_space<hbm>>
      tpu.enqueue_indirect_dma source(%dma_start3A_208 : memref<20000x128xf32, #tpu.memory_space<hbm>>) target(%arg9 : memref<64x128xf32, #tpu.memory_space<vmem>>) offsets(%dma_start3A_205 : memref<64xi32, #tpu.memory_space<vmem>>) semaphore(%arg14 : memref<!tpu.dma_semaphore, #tpu.memory_space<semaphore_mem>>)
      %mul3A_209 = arith.constant 4 : i32
      %mul3A_210 = arith.muli %scan3A_164, %mul3A_209 : i32
      %add3A_211 = arith.constant 3 : i32
      %add3A_212 = arith.addi %mul3A_210, %add3A_211 : i32
      %gt3A_213 = arith.constant 0 : i32
      %gt3A_214 = arith.cmpi sgt, %scan3A_164, %gt3A_213 : i32
      %convert_element_type3A_215 = arith.extui %gt3A_214 : i1 to i32
      %cond3A_216 = arith.constant 0 : i32
      %cond3A_217 = arith.cmpi ne, %convert_element_type3A_215, %cond3A_216 : i32
      scf.if %cond3A_217 {
        %sub3A = arith.constant 4 : i32
        %sub3A_297 = arith.subi %add3A_212, %sub3A : i32
        %dma_wait3A_298 = arith.constant 1 : i32
        %dma_wait3A_299 = arith.constant 0 : i32
        %dma_wait3A_300 = tpu.memref_slice %arg6[%sub3A_297, %dma_wait3A_298, %dma_wait3A_299] : memref<40x2x64xi32, #tpu.memory_space<vmem>> -> memref<1x1x64xi32, #tpu.memory_space<vmem>>
        %dma_wait3A_301 = tpu.memref_squeeze %dma_wait3A_300 : memref<1x1x64xi32, #tpu.memory_space<vmem>> -> memref<64xi32, #tpu.memory_space<vmem>>
        %dma_wait3A_302 = arith.constant 0 : i32
        %dma_wait3A_303 = arith.constant 0 : i32
        %dma_wait3A_304 = tpu.memref_slice %arg11[%dma_wait3A_302, %dma_wait3A_303] : memref<10112x128xf32, #tpu.memory_space<vmem_shared>> -> memref<10112x128xf32, #tpu.memory_space<vmem_shared>>
        tpu.wait_indirect_dma semaphore(%arg19 : memref<!tpu.dma_semaphore, #tpu.memory_space<semaphore_mem>>) src(%arg10 : memref<64x128xf32, #tpu.memory_space<vmem>>) dst(%dma_wait3A_304 : memref<10112x128xf32, #tpu.memory_space<vmem_shared>>)
      } else {
      }
      %dma_start3A_218 = arith.constant 0 : i32
      %dma_start3A_219 = arith.constant 0 : i32
      %dma_start3A_220 = tpu.memref_slice %arg6[%add3A_212, %dma_start3A_218, %dma_start3A_219] : memref<40x2x64xi32, #tpu.memory_space<vmem>> -> memref<1x1x64xi32, #tpu.memory_space<vmem>>
      %dma_start3A_221 = tpu.memref_squeeze %dma_start3A_220 : memref<1x1x64xi32, #tpu.memory_space<vmem>> -> memref<64xi32, #tpu.memory_space<vmem>>
      %dma_start3A_222 = arith.constant 0 : i32
      %dma_start3A_223 = arith.constant 0 : i32
      %dma_start3A_224 = tpu.memref_slice %arg2[%dma_start3A_222, %dma_start3A_223] : memref<20000x128xf32, #tpu.memory_space<hbm>> -> memref<20000x128xf32, #tpu.memory_space<hbm>>
      tpu.enqueue_indirect_dma source(%dma_start3A_224 : memref<20000x128xf32, #tpu.memory_space<hbm>>) target(%arg10 : memref<64x128xf32, #tpu.memory_space<vmem>>) offsets(%dma_start3A_221 : memref<64xi32, #tpu.memory_space<vmem>>) semaphore(%arg15 : memref<!tpu.dma_semaphore, #tpu.memory_space<semaphore_mem>>)
      %mul3A_225 = arith.constant 4 : i32
      %mul3A_226 = arith.muli %scan3A_164, %mul3A_225 : i32
      %add3A_227 = arith.constant 0 : i32
      %add3A_228 = arith.addi %mul3A_226, %add3A_227 : i32
      %dma_wait3A_229 = arith.constant 0 : i32
      %dma_wait3A_230 = arith.constant 0 : i32
      %dma_wait3A_231 = tpu.memref_slice %arg6[%add3A_228, %dma_wait3A_229, %dma_wait3A_230] : memref<40x2x64xi32, #tpu.memory_space<vmem>> -> memref<1x1x64xi32, #tpu.memory_space<vmem>>
      %dma_wait3A_232 = tpu.memref_squeeze %dma_wait3A_231 : memref<1x1x64xi32, #tpu.memory_space<vmem>> -> memref<64xi32, #tpu.memory_space<vmem>>
      %dma_wait3A_233 = arith.constant 0 : i32
      %dma_wait3A_234 = arith.constant 0 : i32
      %dma_wait3A_235 = tpu.memref_slice %arg2[%dma_wait3A_233, %dma_wait3A_234] : memref<20000x128xf32, #tpu.memory_space<hbm>> -> memref<20000x128xf32, #tpu.memory_space<hbm>>
      tpu.wait_indirect_dma semaphore(%arg12 : memref<!tpu.dma_semaphore, #tpu.memory_space<semaphore_mem>>) src(%dma_wait3A_235 : memref<20000x128xf32, #tpu.memory_space<hbm>>) dst(%arg7 : memref<64x128xf32, #tpu.memory_space<vmem>>)
      %dma_start3A_236 = arith.constant 1 : i32
      %dma_start3A_237 = arith.constant 0 : i32
      %dma_start3A_238 = tpu.memref_slice %arg6[%add3A_228, %dma_start3A_236, %dma_start3A_237] : memref<40x2x64xi32, #tpu.memory_space<vmem>> -> memref<1x1x64xi32, #tpu.memory_space<vmem>>
      %dma_start3A_239 = tpu.memref_squeeze %dma_start3A_238 : memref<1x1x64xi32, #tpu.memory_space<vmem>> -> memref<64xi32, #tpu.memory_space<vmem>>
      %dma_start3A_240 = arith.constant 0 : i32
      %dma_start3A_241 = arith.constant 0 : i32
      %dma_start3A_242 = tpu.memref_slice %arg11[%dma_start3A_240, %dma_start3A_241] : memref<10112x128xf32, #tpu.memory_space<vmem_shared>> -> memref<10112x128xf32, #tpu.memory_space<vmem_shared>>
      tpu.enqueue_indirect_dma source(%arg7 : memref<64x128xf32, #tpu.memory_space<vmem>>) target(%dma_start3A_242 : memref<10112x128xf32, #tpu.memory_space<vmem_shared>>) offsets(%dma_start3A_239 : memref<64xi32, #tpu.memory_space<vmem>>) semaphore(%arg16 : memref<!tpu.dma_semaphore, #tpu.memory_space<semaphore_mem>>) {add = true}
      %mul3A_243 = arith.constant 4 : i32
      %mul3A_244 = arith.muli %scan3A_164, %mul3A_243 : i32
      %add3A_245 = arith.constant 1 : i32
      %add3A_246 = arith.addi %mul3A_244, %add3A_245 : i32
      %dma_wait3A_247 = arith.constant 0 : i32
      %dma_wait3A_248 = arith.constant 0 : i32
      %dma_wait3A_249 = tpu.memref_slice %arg6[%add3A_246, %dma_wait3A_247, %dma_wait3A_248] : memref<40x2x64xi32, #tpu.memory_space<vmem>> -> memref<1x1x64xi32, #tpu.memory_space<vmem>>
      %dma_wait3A_250 = tpu.memref_squeeze %dma_wait3A_249 : memref<1x1x64xi32, #tpu.memory_space<vmem>> -> memref<64xi32, #tpu.memory_space<vmem>>
      %dma_wait3A_251 = arith.constant 0 : i32
      %dma_wait3A_252 = arith.constant 0 : i32
      %dma_wait3A_253 = tpu.memref_slice %arg2[%dma_wait3A_251, %dma_wait3A_252] : memref<20000x128xf32, #tpu.memory_space<hbm>> -> memref<20000x128xf32, #tpu.memory_space<hbm>>
      tpu.wait_indirect_dma semaphore(%arg13 : memref<!tpu.dma_semaphore, #tpu.memory_space<semaphore_mem>>) src(%dma_wait3A_253 : memref<20000x128xf32, #tpu.memory_space<hbm>>) dst(%arg8 : memref<64x128xf32, #tpu.memory_space<vmem>>)
      %dma_start3A_254 = arith.constant 1 : i32
      %dma_start3A_255 = arith.constant 0 : i32
      %dma_start3A_256 = tpu.memref_slice %arg6[%add3A_246, %dma_start3A_254, %dma_start3A_255] : memref<40x2x64xi32, #tpu.memory_space<vmem>> -> memref<1x1x64xi32, #tpu.memory_space<vmem>>
      %dma_start3A_257 = tpu.memref_squeeze %dma_start3A_256 : memref<1x1x64xi32, #tpu.memory_space<vmem>> -> memref<64xi32, #tpu.memory_space<vmem>>
      %dma_start3A_258 = arith.constant 0 : i32
      %dma_start3A_259 = arith.constant 0 : i32
      %dma_start3A_260 = tpu.memref_slice %arg11[%dma_start3A_258, %dma_start3A_259] : memref<10112x128xf32, #tpu.memory_space<vmem_shared>> -> memref<10112x128xf32, #tpu.memory_space<vmem_shared>>
      tpu.enqueue_indirect_dma source(%arg8 : memref<64x128xf32, #tpu.memory_space<vmem>>) target(%dma_start3A_260 : memref<10112x128xf32, #tpu.memory_space<vmem_shared>>) offsets(%dma_start3A_257 : memref<64xi32, #tpu.memory_space<vmem>>) semaphore(%arg17 : memref<!tpu.dma_semaphore, #tpu.memory_space<semaphore_mem>>) {add = true}
      %mul3A_261 = arith.constant 4 : i32
      %mul3A_262 = arith.muli %scan3A_164, %mul3A_261 : i32
      %add3A_263 = arith.constant 2 : i32
      %add3A_264 = arith.addi %mul3A_262, %add3A_263 : i32
      %dma_wait3A_265 = arith.constant 0 : i32
      %dma_wait3A_266 = arith.constant 0 : i32
      %dma_wait3A_267 = tpu.memref_slice %arg6[%add3A_264, %dma_wait3A_265, %dma_wait3A_266] : memref<40x2x64xi32, #tpu.memory_space<vmem>> -> memref<1x1x64xi32, #tpu.memory_space<vmem>>
      %dma_wait3A_268 = tpu.memref_squeeze %dma_wait3A_267 : memref<1x1x64xi32, #tpu.memory_space<vmem>> -> memref<64xi32, #tpu.memory_space<vmem>>
      %dma_wait3A_269 = arith.constant 0 : i32
      %dma_wait3A_270 = arith.constant 0 : i32
      %dma_wait3A_271 = tpu.memref_slice %arg2[%dma_wait3A_269, %dma_wait3A_270] : memref<20000x128xf32, #tpu.memory_space<hbm>> -> memref<20000x128xf32, #tpu.memory_space<hbm>>
      tpu.wait_indirect_dma semaphore(%arg14 : memref<!tpu.dma_semaphore, #tpu.memory_space<semaphore_mem>>) src(%dma_wait3A_271 : memref<20000x128xf32, #tpu.memory_space<hbm>>) dst(%arg9 : memref<64x128xf32, #tpu.memory_space<vmem>>)
      %dma_start3A_272 = arith.constant 1 : i32
      %dma_start3A_273 = arith.constant 0 : i32
      %dma_start3A_274 = tpu.memref_slice %arg6[%add3A_264, %dma_start3A_272, %dma_start3A_273] : memref<40x2x64xi32, #tpu.memory_space<vmem>> -> memref<1x1x64xi32, #tpu.memory_space<vmem>>
      %dma_start3A_275 = tpu.memref_squeeze %dma_start3A_274 : memref<1x1x64xi32, #tpu.memory_space<vmem>> -> memref<64xi32, #tpu.memory_space<vmem>>
      %dma_start3A_276 = arith.constant 0 : i32
      %dma_start3A_277 = arith.constant 0 : i32
      %dma_start3A_278 = tpu.memref_slice %arg11[%dma_start3A_276, %dma_start3A_277] : memref<10112x128xf32, #tpu.memory_space<vmem_shared>> -> memref<10112x128xf32, #tpu.memory_space<vmem_shared>>
      tpu.enqueue_indirect_dma source(%arg9 : memref<64x128xf32, #tpu.memory_space<vmem>>) target(%dma_start3A_278 : memref<10112x128xf32, #tpu.memory_space<vmem_shared>>) offsets(%dma_start3A_275 : memref<64xi32, #tpu.memory_space<vmem>>) semaphore(%arg18 : memref<!tpu.dma_semaphore, #tpu.memory_space<semaphore_mem>>) {add = true}
      %mul3A_279 = arith.constant 4 : i32
      %mul3A_280 = arith.muli %scan3A_164, %mul3A_279 : i32
      %add3A_281 = arith.constant 3 : i32
      %add3A_282 = arith.addi %mul3A_280, %add3A_281 : i32
      %dma_wait3A_283 = arith.constant 0 : i32
      %dma_wait3A_284 = arith.constant 0 : i32
      %dma_wait3A_285 = tpu.memref_slice %arg6[%add3A_282, %dma_wait3A_283, %dma_wait3A_284] : memref<40x2x64xi32, #tpu.memory_space<vmem>> -> memref<1x1x64xi32, #tpu.memory_space<vmem>>
      %dma_wait3A_286 = tpu.memref_squeeze %dma_wait3A_285 : memref<1x1x64xi32, #tpu.memory_space<vmem>> -> memref<64xi32, #tpu.memory_space<vmem>>
      %dma_wait3A_287 = arith.constant 0 : i32
      %dma_wait3A_288 = arith.constant 0 : i32
      %dma_wait3A_289 = tpu.memref_slice %arg2[%dma_wait3A_287, %dma_wait3A_288] : memref<20000x128xf32, #tpu.memory_space<hbm>> -> memref<20000x128xf32, #tpu.memory_space<hbm>>
      tpu.wait_indirect_dma semaphore(%arg15 : memref<!tpu.dma_semaphore, #tpu.memory_space<semaphore_mem>>) src(%dma_wait3A_289 : memref<20000x128xf32, #tpu.memory_space<hbm>>) dst(%arg10 : memref<64x128xf32, #tpu.memory_space<vmem>>)
      %dma_start3A_290 = arith.constant 1 : i32
      %dma_start3A_291 = arith.constant 0 : i32
      %dma_start3A_292 = tpu.memref_slice %arg6[%add3A_282, %dma_start3A_290, %dma_start3A_291] : memref<40x2x64xi32, #tpu.memory_space<vmem>> -> memref<1x1x64xi32, #tpu.memory_space<vmem>>
      %dma_start3A_293 = tpu.memref_squeeze %dma_start3A_292 : memref<1x1x64xi32, #tpu.memory_space<vmem>> -> memref<64xi32, #tpu.memory_space<vmem>>
      %dma_start3A_294 = arith.constant 0 : i32
      %dma_start3A_295 = arith.constant 0 : i32
      %dma_start3A_296 = tpu.memref_slice %arg11[%dma_start3A_294, %dma_start3A_295] : memref<10112x128xf32, #tpu.memory_space<vmem_shared>> -> memref<10112x128xf32, #tpu.memory_space<vmem_shared>>
      tpu.enqueue_indirect_dma source(%arg10 : memref<64x128xf32, #tpu.memory_space<vmem>>) target(%dma_start3A_296 : memref<10112x128xf32, #tpu.memory_space<vmem_shared>>) offsets(%dma_start3A_293 : memref<64xi32, #tpu.memory_space<vmem>>) semaphore(%arg19 : memref<!tpu.dma_semaphore, #tpu.memory_space<semaphore_mem>>) {add = true}
    }
    %scan3A_130 = arith.constant 10 : i32
    %dma_wait3A_131 = arith.constant 36 : i32
    %dma_wait3A_132 = arith.constant 1 : i32
    %dma_wait3A_133 = arith.constant 0 : i32
    %dma_wait3A_134 = tpu.memref_slice %arg6[%dma_wait3A_131, %dma_wait3A_132, %dma_wait3A_133] : memref<40x2x64xi32, #tpu.memory_space<vmem>> -> memref<1x1x64xi32, #tpu.memory_space<vmem>>
    %dma_wait3A_135 = tpu.memref_squeeze %dma_wait3A_134 : memref<1x1x64xi32, #tpu.memory_space<vmem>> -> memref<64xi32, #tpu.memory_space<vmem>>
    %dma_wait3A_136 = arith.constant 0 : i32
    %dma_wait3A_137 = arith.constant 0 : i32
    %dma_wait3A_138 = tpu.memref_slice %arg11[%dma_wait3A_136, %dma_wait3A_137] : memref<10112x128xf32, #tpu.memory_space<vmem_shared>> -> memref<10112x128xf32, #tpu.memory_space<vmem_shared>>
    tpu.wait_indirect_dma semaphore(%arg16 : memref<!tpu.dma_semaphore, #tpu.memory_space<semaphore_mem>>) src(%arg7 : memref<64x128xf32, #tpu.memory_space<vmem>>) dst(%dma_wait3A_138 : memref<10112x128xf32, #tpu.memory_space<vmem_shared>>)
    %dma_wait3A_139 = arith.constant 37 : i32
    %dma_wait3A_140 = arith.constant 1 : i32
    %dma_wait3A_141 = arith.constant 0 : i32
    %dma_wait3A_142 = tpu.memref_slice %arg6[%dma_wait3A_139, %dma_wait3A_140, %dma_wait3A_141] : memref<40x2x64xi32, #tpu.memory_space<vmem>> -> memref<1x1x64xi32, #tpu.memory_space<vmem>>
    %dma_wait3A_143 = tpu.memref_squeeze %dma_wait3A_142 : memref<1x1x64xi32, #tpu.memory_space<vmem>> -> memref<64xi32, #tpu.memory_space<vmem>>
    %dma_wait3A_144 = arith.constant 0 : i32
    %dma_wait3A_145 = arith.constant 0 : i32
    %dma_wait3A_146 = tpu.memref_slice %arg11[%dma_wait3A_144, %dma_wait3A_145] : memref<10112x128xf32, #tpu.memory_space<vmem_shared>> -> memref<10112x128xf32, #tpu.memory_space<vmem_shared>>
    tpu.wait_indirect_dma semaphore(%arg17 : memref<!tpu.dma_semaphore, #tpu.memory_space<semaphore_mem>>) src(%arg8 : memref<64x128xf32, #tpu.memory_space<vmem>>) dst(%dma_wait3A_146 : memref<10112x128xf32, #tpu.memory_space<vmem_shared>>)
    %dma_wait3A_147 = arith.constant 38 : i32
    %dma_wait3A_148 = arith.constant 1 : i32
    %dma_wait3A_149 = arith.constant 0 : i32
    %dma_wait3A_150 = tpu.memref_slice %arg6[%dma_wait3A_147, %dma_wait3A_148, %dma_wait3A_149] : memref<40x2x64xi32, #tpu.memory_space<vmem>> -> memref<1x1x64xi32, #tpu.memory_space<vmem>>
    %dma_wait3A_151 = tpu.memref_squeeze %dma_wait3A_150 : memref<1x1x64xi32, #tpu.memory_space<vmem>> -> memref<64xi32, #tpu.memory_space<vmem>>
    %dma_wait3A_152 = arith.constant 0 : i32
    %dma_wait3A_153 = arith.constant 0 : i32
    %dma_wait3A_154 = tpu.memref_slice %arg11[%dma_wait3A_152, %dma_wait3A_153] : memref<10112x128xf32, #tpu.memory_space<vmem_shared>> -> memref<10112x128xf32, #tpu.memory_space<vmem_shared>>
    tpu.wait_indirect_dma semaphore(%arg18 : memref<!tpu.dma_semaphore, #tpu.memory_space<semaphore_mem>>) src(%arg9 : memref<64x128xf32, #tpu.memory_space<vmem>>) dst(%dma_wait3A_154 : memref<10112x128xf32, #tpu.memory_space<vmem_shared>>)
    %dma_wait3A_155 = arith.constant 39 : i32
    %dma_wait3A_156 = arith.constant 1 : i32
    %dma_wait3A_157 = arith.constant 0 : i32
    %dma_wait3A_158 = tpu.memref_slice %arg6[%dma_wait3A_155, %dma_wait3A_156, %dma_wait3A_157] : memref<40x2x64xi32, #tpu.memory_space<vmem>> -> memref<1x1x64xi32, #tpu.memory_space<vmem>>
    %dma_wait3A_159 = tpu.memref_squeeze %dma_wait3A_158 : memref<1x1x64xi32, #tpu.memory_space<vmem>> -> memref<64xi32, #tpu.memory_space<vmem>>
    %dma_wait3A_160 = arith.constant 0 : i32
    %dma_wait3A_161 = arith.constant 0 : i32
    %dma_wait3A_162 = tpu.memref_slice %arg11[%dma_wait3A_160, %dma_wait3A_161] : memref<10112x128xf32, #tpu.memory_space<vmem_shared>> -> memref<10112x128xf32, #tpu.memory_space<vmem_shared>>
    tpu.wait_indirect_dma semaphore(%arg19 : memref<!tpu.dma_semaphore, #tpu.memory_space<semaphore_mem>>) src(%arg10 : memref<64x128xf32, #tpu.memory_space<vmem>>) dst(%dma_wait3A_162 : memref<10112x128xf32, #tpu.memory_space<vmem_shared>>)
    %barrier3A_163 = arith.constant 0 : index
    tpu.barrier barrier_id(%barrier3A_163)
    "tpu.region"() ({
      %run_scoped3A = tpu.sem_alloc : memref<!tpu.dma_semaphore, #tpu.memory_space<semaphore_mem>>
      %dma_start3A = arith.constant 0 : i32
      %dma_start3A_164 = tpu.memref_slice %arg5[%arg0, %multiple_of3A, %dma_start3A] : memref<2x10112x128xf32, #tpu.memory_space<hbm>> -> memref<1x632x128xf32, #tpu.memory_space<hbm>>
      %dma_start3A_165 = tpu.memref_squeeze %dma_start3A_164 : memref<1x632x128xf32, #tpu.memory_space<hbm>> -> memref<632x128xf32, #tpu.memory_space<hbm>>
      %dma_start3A_166 = arith.constant 0 : i32
      %dma_start3A_167 = tpu.memref_slice %arg11[%multiple_of3A, %dma_start3A_166] : memref<10112x128xf32, #tpu.memory_space<vmem_shared>> -> memref<632x128xf32, #tpu.memory_space<vmem_shared>>
      tpu.enqueue_dma source(%dma_start3A_167 : memref<632x128xf32, #tpu.memory_space<vmem_shared>>) target(%dma_start3A_165 : memref<632x128xf32, #tpu.memory_space<hbm>>) target_semaphore(%run_scoped3A : memref<!tpu.dma_semaphore, #tpu.memory_space<semaphore_mem>>)
      %dma_wait3A_168 = arith.constant 0 : i32
      %dma_wait3A_169 = tpu.memref_slice %arg5[%arg0, %multiple_of3A, %dma_wait3A_168] : memref<2x10112x128xf32, #tpu.memory_space<hbm>> -> memref<1x632x128xf32, #tpu.memory_space<hbm>>
      %dma_wait3A_170 = tpu.memref_squeeze %dma_wait3A_169 : memref<1x632x128xf32, #tpu.memory_space<hbm>> -> memref<632x128xf32, #tpu.memory_space<hbm>>
      %dma_wait3A_171 = arith.constant 0 : i32
      %dma_wait3A_172 = tpu.memref_slice %arg11[%multiple_of3A, %dma_wait3A_171] : memref<10112x128xf32, #tpu.memory_space<vmem_shared>> -> memref<632x128xf32, #tpu.memory_space<vmem_shared>>
      tpu.wait_dma2 semaphore(%run_scoped3A : memref<!tpu.dma_semaphore, #tpu.memory_space<semaphore_mem>>) src(%dma_wait3A_172 : memref<632x128xf32, #tpu.memory_space<vmem_shared>>) dst(%dma_wait3A_170 : memref<632x128xf32, #tpu.memory_space<hbm>>)
      tpu.yield
    }) : () -> ()
    return
  }
}

module attributes {stable_mosaic.version = 14 : i64} {
  func.func @_tc1_body(%arg0: i32, %arg1: memref<400x256xf32, #tpu.memory_space<vmem>>, %arg2: memref<2x400x128xf32, #tpu.memory_space<vmem>>, %arg3: memref<256x256xf32, #tpu.memory_space<vmem>>, %arg4: memref<400x256xf32, #tpu.memory_space<vmem>>) attributes {dimension_semantics = [#tpu.dimension_semantics<arbitrary>], iteration_bounds = array<i64: 25>, scalar_prefetch = 0 : i64, scratch_operands = 0 : i64, tpu.core_type = #tpu.core_type<tc>, window_params = [{transform_indices = @transform_0, window_bounds = array<i64: 400, 256>}, {transform_indices = @transform_1, window_bounds = array<i64: 2, 400, 128>}, {pipeline_mode = #tpu.pipeline_mode<synchronous>, transform_indices = @transform_2, window_bounds = array<i64: 256, 256>}, {transform_indices = @transform_3, window_bounds = array<i64: 400, 256>}]} {
    %get3A = arith.constant 0 : index
    %get3A_0 = arith.constant 0 : index
    %get3A_1 = arith.constant 0 : index
    %get3A_2 = vector.load %arg2[%get3A, %get3A_0, %get3A_1] : memref<2x400x128xf32, #tpu.memory_space<vmem>>, vector<2x400x128xf32>
    %slice3A = vector.extract_strided_slice %get3A_2 {offsets = [0, 0, 0], sizes = [1, 400, 1], strides = [1, 1, 1]} : vector<2x400x128xf32> to vector<1x400x1xf32>
    %squeeze3A = vector.shape_cast %slice3A : vector<1x400x1xf32> to vector<400x1xf32>
    %slice3A_3 = vector.extract_strided_slice %get3A_2 {offsets = [1, 0, 0], sizes = [1, 400, 1], strides = [1, 1, 1]} : vector<2x400x128xf32> to vector<1x400x1xf32>
    %squeeze3A_4 = vector.shape_cast %slice3A_3 : vector<1x400x1xf32> to vector<400x1xf32>
    %add3A = arith.addf %squeeze3A, %squeeze3A_4 : vector<400x1xf32>
    %add3A_5 = arith.constant 1.000000e+00 : f32
    %add3A_6 = vector.broadcast %add3A_5 : f32 to vector<400x1xf32>
    %add3A_7 = arith.addf %add3A, %add3A_6 : vector<400x1xf32>
    %rsqrt3A = math.rsqrt %add3A_7 : vector<400x1xf32>
    %get3A_8 = arith.constant 0 : index
    %get3A_9 = arith.constant 0 : index
    %get3A_10 = vector.load %arg1[%get3A_8, %get3A_9] : memref<400x256xf32, #tpu.memory_space<vmem>>, vector<400x256xf32>
    %get3A_11 = arith.constant 0 : index
    %get3A_12 = arith.constant 0 : index
    %get3A_13 = vector.load %arg3[%get3A_11, %get3A_12] : memref<256x256xf32, #tpu.memory_space<vmem>>, vector<256x256xf32>
    %dot_general3A = arith.constant dense<0.000000e+00> : vector<400x256xf32>
    %dot_general3A_14 = tpu.matmul %get3A_10, %get3A_13, %dot_general3A {dimension_numbers = #tpu.dot_dimension_numbers<[1], [0], [0], [1], [0, 0, 1, 1], [], []>, transpose_lhs_hint = false} : vector<400x256xf32>, vector<256x256xf32>, vector<400x256xf32> -> vector<400x256xf32>
    %mul3A = vector.broadcast %rsqrt3A : vector<400x1xf32> to vector<400x256xf32>
    %mul3A_15 = arith.mulf %dot_general3A_14, %mul3A : vector<400x256xf32>
    %swap3A = arith.constant 0 : index
    %swap3A_16 = arith.constant 0 : index
    %swap3A_17 = vector.load %arg4[%swap3A, %swap3A_16] : memref<400x256xf32, #tpu.memory_space<vmem>>, vector<400x256xf32>
    tpu.vector_store %arg4[%swap3A, %swap3A_16], %mul3A_15 {strides = array<i32>} : memref<400x256xf32, #tpu.memory_space<vmem>>, vector<400x256xf32>,
    return
  }
  func.func @transform_0(%arg0: i32) -> (i32, i32) {
    %c0_i32 = arith.constant 0 : i32
    %c0_i32_0 = arith.constant 0 : i32
    return %arg0, %c0_i32 : i32, i32
  }
  func.func @transform_1(%arg0: i32) -> (i32, i32, i32) {
    %c0_i32 = arith.constant 0 : i32
    %c0_i32_0 = arith.constant 0 : i32
    %c0_i32_1 = arith.constant 0 : i32
    return %c0_i32, %arg0, %c0_i32_0 : i32, i32, i32
  }
  func.func @transform_2(%arg0: i32) -> (i32, i32) {
    %c0_i32 = arith.constant 0 : i32
    %c0_i32_0 = arith.constant 0 : i32
    %c0_i32_1 = arith.constant 0 : i32
    return %c0_i32, %c0_i32_0 : i32, i32
  }
  func.func @transform_3(%arg0: i32) -> (i32, i32) {
    %c0_i32 = arith.constant 0 : i32
    %c0_i32_0 = arith.constant 0 : i32
    return %arg0, %c0_i32 : i32, i32
  }
}

module attributes {stable_mosaic.version = 14 : i64} {
  func.func @_tc_mid_body(%arg0: i32, %arg1: memref<2x400x128xf32, #tpu.memory_space<vmem>>, %arg2: memref<400x256xf32, #tpu.memory_space<vmem>>, %arg3: memref<2x400x128xf32, #tpu.memory_space<vmem>>, %arg4: memref<1x256xf32, #tpu.memory_space<vmem>>, %arg5: memref<256x256xf32, #tpu.memory_space<vmem>>, %arg6: memref<400x256xf32, #tpu.memory_space<vmem>>) attributes {dimension_semantics = [#tpu.dimension_semantics<arbitrary>], iteration_bounds = array<i64: 25>, scalar_prefetch = 0 : i64, scratch_operands = 0 : i64, tpu.core_type = #tpu.core_type<tc>, window_params = [{transform_indices = @transform_0, window_bounds = array<i64: 2, 400, 128>}, {transform_indices = @transform_1, window_bounds = array<i64: 400, 256>}, {transform_indices = @transform_2, window_bounds = array<i64: 2, 400, 128>}, {pipeline_mode = #tpu.pipeline_mode<synchronous>, transform_indices = @transform_3, window_bounds = array<i64: 1, 256>}, {pipeline_mode = #tpu.pipeline_mode<synchronous>, transform_indices = @transform_4, window_bounds = array<i64: 256, 256>}, {transform_indices = @transform_5, window_bounds = array<i64: 400, 256>}]} {
    %get3A = arith.constant 0 : index
    %get3A_0 = arith.constant 0 : index
    %get3A_1 = arith.constant 0 : index
    %get3A_2 = vector.load %arg3[%get3A, %get3A_0, %get3A_1] : memref<2x400x128xf32, #tpu.memory_space<vmem>>, vector<2x400x128xf32>
    %slice3A = vector.extract_strided_slice %get3A_2 {offsets = [0, 0, 0], sizes = [1, 400, 1], strides = [1, 1, 1]} : vector<2x400x128xf32> to vector<1x400x1xf32>
    %squeeze3A = vector.shape_cast %slice3A : vector<1x400x1xf32> to vector<400x1xf32>
    %slice3A_3 = vector.extract_strided_slice %get3A_2 {offsets = [1, 0, 0], sizes = [1, 400, 1], strides = [1, 1, 1]} : vector<2x400x128xf32> to vector<1x400x1xf32>
    %squeeze3A_4 = vector.shape_cast %slice3A_3 : vector<1x400x1xf32> to vector<400x1xf32>
    %add3A = arith.addf %squeeze3A, %squeeze3A_4 : vector<400x1xf32>
    %add3A_5 = arith.constant 1.000000e+00 : f32
    %add3A_6 = vector.broadcast %add3A_5 : f32 to vector<400x1xf32>
    %add3A_7 = arith.addf %add3A, %add3A_6 : vector<400x1xf32>
    %rsqrt3A = math.rsqrt %add3A_7 : vector<400x1xf32>
    %get3A_8 = arith.constant 0 : index
    %get3A_9 = arith.constant 0 : index
    %get3A_10 = arith.constant 0 : index
    %get3A_11 = vector.load %arg1[%get3A_8, %get3A_9, %get3A_10] : memref<2x400x128xf32, #tpu.memory_space<vmem>>, vector<1x400x128xf32>
    %get3A_12 = vector.shape_cast %get3A_11 : vector<1x400x128xf32> to vector<400x128xf32>
    %get3A_13 = arith.constant 1 : index
    %get3A_14 = arith.constant 0 : index
    %get3A_15 = arith.constant 0 : index
    %get3A_16 = vector.load %arg1[%get3A_13, %get3A_14, %get3A_15] : memref<2x400x128xf32, #tpu.memory_space<vmem>>, vector<1x400x128xf32>
    %get3A_17 = vector.shape_cast %get3A_16 : vector<1x400x128xf32> to vector<400x128xf32>
    %concatenate3A = tpu.concatenate %get3A_12, %get3A_17 in 1 : vector<400x128xf32>, vector<400x128xf32> -> vector<400x256xf32>
    %get3A_18 = arith.constant 0 : index
    %get3A_19 = arith.constant 0 : index
    %get3A_20 = vector.load %arg2[%get3A_18, %get3A_19] : memref<400x256xf32, #tpu.memory_space<vmem>>, vector<400x256xf32>
    %add3A_21 = arith.addf %concatenate3A, %get3A_20 : vector<400x256xf32>
    %mul3A = vector.broadcast %rsqrt3A : vector<400x1xf32> to vector<400x256xf32>
    %mul3A_22 = arith.mulf %add3A_21, %mul3A : vector<400x256xf32>
    %get3A_23 = arith.constant 0 : index
    %get3A_24 = arith.constant 0 : index
    %get3A_25 = vector.load %arg4[%get3A_23, %get3A_24] : memref<1x256xf32, #tpu.memory_space<vmem>>, vector<1x256xf32>
    %add3A_26 = vector.broadcast %get3A_25 : vector<1x256xf32> to vector<400x256xf32>
    %add3A_27 = arith.addf %mul3A_22, %add3A_26 : vector<400x256xf32>
    %max3A = arith.constant 0.000000e+00 : f32
    %max3A_28 = vector.broadcast %max3A : f32 to vector<400x256xf32>
    %max3A_29 = arith.maximumf %add3A_27, %max3A_28 : vector<400x256xf32>
    %get3A_30 = arith.constant 0 : index
    %get3A_31 = arith.constant 0 : index
    %get3A_32 = vector.load %arg5[%get3A_30, %get3A_31] : memref<256x256xf32, #tpu.memory_space<vmem>>, vector<256x256xf32>
    %dot_general3A = arith.constant dense<0.000000e+00> : vector<400x256xf32>
    %dot_general3A_33 = tpu.matmul %max3A_29, %get3A_32, %dot_general3A {dimension_numbers = #tpu.dot_dimension_numbers<[1], [0], [0], [1], [0, 0, 1, 1], [], []>, transpose_lhs_hint = false} : vector<400x256xf32>, vector<256x256xf32>, vector<400x256xf32> -> vector<400x256xf32>
    %mul3A_34 = vector.broadcast %rsqrt3A : vector<400x1xf32> to vector<400x256xf32>
    %mul3A_35 = arith.mulf %dot_general3A_33, %mul3A_34 : vector<400x256xf32>
    %swap3A = arith.constant 0 : index
    %swap3A_36 = arith.constant 0 : index
    %swap3A_37 = vector.load %arg6[%swap3A, %swap3A_36] : memref<400x256xf32, #tpu.memory_space<vmem>>, vector<400x256xf32>
    tpu.vector_store %arg6[%swap3A, %swap3A_36], %mul3A_35 {strides = array<i32>} : memref<400x256xf32, #tpu.memory_space<vmem>>, vector<400x256xf32>,
    return
  }
  func.func @transform_0(%arg0: i32) -> (i32, i32, i32) {
    %c0_i32 = arith.constant 0 : i32
    %c0_i32_0 = arith.constant 0 : i32
    %c0_i32_1 = arith.constant 0 : i32
    return %c0_i32, %arg0, %c0_i32_0 : i32, i32, i32
  }
  func.func @transform_1(%arg0: i32) -> (i32, i32) {
    %c0_i32 = arith.constant 0 : i32
    %c0_i32_0 = arith.constant 0 : i32
    return %arg0, %c0_i32 : i32, i32
  }
  func.func @transform_2(%arg0: i32) -> (i32, i32, i32) {
    %c0_i32 = arith.constant 0 : i32
    %c0_i32_0 = arith.constant 0 : i32
    %c0_i32_1 = arith.constant 0 : i32
    return %c0_i32, %arg0, %c0_i32_0 : i32, i32, i32
  }
  func.func @transform_3(%arg0: i32) -> (i32, i32) {
    %c0_i32 = arith.constant 0 : i32
    %c0_i32_0 = arith.constant 0 : i32
    %c0_i32_1 = arith.constant 0 : i32
    return %c0_i32, %c0_i32_0 : i32, i32
  }
  func.func @transform_4(%arg0: i32) -> (i32, i32) {
    %c0_i32 = arith.constant 0 : i32
    %c0_i32_0 = arith.constant 0 : i32
    %c0_i32_1 = arith.constant 0 : i32
    return %c0_i32, %c0_i32_0 : i32, i32
  }
  func.func @transform_5(%arg0: i32) -> (i32, i32) {
    %c0_i32 = arith.constant 0 : i32
    %c0_i32_0 = arith.constant 0 : i32
    return %arg0, %c0_i32 : i32, i32
  }
}

module attributes {stable_mosaic.version = 14 : i64} {
  func.func @_tc_mid_body(%arg0: i32, %arg1: memref<2x400x128xf32, #tpu.memory_space<vmem>>, %arg2: memref<400x256xf32, #tpu.memory_space<vmem>>, %arg3: memref<2x400x128xf32, #tpu.memory_space<vmem>>, %arg4: memref<1x256xf32, #tpu.memory_space<vmem>>, %arg5: memref<256x128xf32, #tpu.memory_space<vmem>>, %arg6: memref<400x128xf32, #tpu.memory_space<vmem>>) attributes {dimension_semantics = [#tpu.dimension_semantics<arbitrary>], iteration_bounds = array<i64: 25>, scalar_prefetch = 0 : i64, scratch_operands = 0 : i64, tpu.core_type = #tpu.core_type<tc>, window_params = [{transform_indices = @transform_0, window_bounds = array<i64: 2, 400, 128>}, {transform_indices = @transform_1, window_bounds = array<i64: 400, 256>}, {transform_indices = @transform_2, window_bounds = array<i64: 2, 400, 128>}, {pipeline_mode = #tpu.pipeline_mode<synchronous>, transform_indices = @transform_3, window_bounds = array<i64: 1, 256>}, {pipeline_mode = #tpu.pipeline_mode<synchronous>, transform_indices = @transform_4, window_bounds = array<i64: 256, 128>}, {transform_indices = @transform_5, window_bounds = array<i64: 400, 128>}]} {
    %get3A = arith.constant 0 : index
    %get3A_0 = arith.constant 0 : index
    %get3A_1 = arith.constant 0 : index
    %get3A_2 = vector.load %arg3[%get3A, %get3A_0, %get3A_1] : memref<2x400x128xf32, #tpu.memory_space<vmem>>, vector<2x400x128xf32>
    %slice3A = vector.extract_strided_slice %get3A_2 {offsets = [0, 0, 0], sizes = [1, 400, 1], strides = [1, 1, 1]} : vector<2x400x128xf32> to vector<1x400x1xf32>
    %squeeze3A = vector.shape_cast %slice3A : vector<1x400x1xf32> to vector<400x1xf32>
    %slice3A_3 = vector.extract_strided_slice %get3A_2 {offsets = [1, 0, 0], sizes = [1, 400, 1], strides = [1, 1, 1]} : vector<2x400x128xf32> to vector<1x400x1xf32>
    %squeeze3A_4 = vector.shape_cast %slice3A_3 : vector<1x400x1xf32> to vector<400x1xf32>
    %add3A = arith.addf %squeeze3A, %squeeze3A_4 : vector<400x1xf32>
    %add3A_5 = arith.constant 1.000000e+00 : f32
    %add3A_6 = vector.broadcast %add3A_5 : f32 to vector<400x1xf32>
    %add3A_7 = arith.addf %add3A, %add3A_6 : vector<400x1xf32>
    %rsqrt3A = math.rsqrt %add3A_7 : vector<400x1xf32>
    %get3A_8 = arith.constant 0 : index
    %get3A_9 = arith.constant 0 : index
    %get3A_10 = arith.constant 0 : index
    %get3A_11 = vector.load %arg1[%get3A_8, %get3A_9, %get3A_10] : memref<2x400x128xf32, #tpu.memory_space<vmem>>, vector<1x400x128xf32>
    %get3A_12 = vector.shape_cast %get3A_11 : vector<1x400x128xf32> to vector<400x128xf32>
    %get3A_13 = arith.constant 1 : index
    %get3A_14 = arith.constant 0 : index
    %get3A_15 = arith.constant 0 : index
    %get3A_16 = vector.load %arg1[%get3A_13, %get3A_14, %get3A_15] : memref<2x400x128xf32, #tpu.memory_space<vmem>>, vector<1x400x128xf32>
    %get3A_17 = vector.shape_cast %get3A_16 : vector<1x400x128xf32> to vector<400x128xf32>
    %concatenate3A = tpu.concatenate %get3A_12, %get3A_17 in 1 : vector<400x128xf32>, vector<400x128xf32> -> vector<400x256xf32>
    %get3A_18 = arith.constant 0 : index
    %get3A_19 = arith.constant 0 : index
    %get3A_20 = vector.load %arg2[%get3A_18, %get3A_19] : memref<400x256xf32, #tpu.memory_space<vmem>>, vector<400x256xf32>
    %add3A_21 = arith.addf %concatenate3A, %get3A_20 : vector<400x256xf32>
    %mul3A = vector.broadcast %rsqrt3A : vector<400x1xf32> to vector<400x256xf32>
    %mul3A_22 = arith.mulf %add3A_21, %mul3A : vector<400x256xf32>
    %get3A_23 = arith.constant 0 : index
    %get3A_24 = arith.constant 0 : index
    %get3A_25 = vector.load %arg4[%get3A_23, %get3A_24] : memref<1x256xf32, #tpu.memory_space<vmem>>, vector<1x256xf32>
    %add3A_26 = vector.broadcast %get3A_25 : vector<1x256xf32> to vector<400x256xf32>
    %add3A_27 = arith.addf %mul3A_22, %add3A_26 : vector<400x256xf32>
    %max3A = arith.constant 0.000000e+00 : f32
    %max3A_28 = vector.broadcast %max3A : f32 to vector<400x256xf32>
    %max3A_29 = arith.maximumf %add3A_27, %max3A_28 : vector<400x256xf32>
    %get3A_30 = arith.constant 0 : index
    %get3A_31 = arith.constant 0 : index
    %get3A_32 = vector.load %arg5[%get3A_30, %get3A_31] : memref<256x128xf32, #tpu.memory_space<vmem>>, vector<256x128xf32>
    %dot_general3A = arith.constant dense<0.000000e+00> : vector<400x128xf32>
    %dot_general3A_33 = tpu.matmul %max3A_29, %get3A_32, %dot_general3A {dimension_numbers = #tpu.dot_dimension_numbers<[1], [0], [0], [1], [0, 0, 1, 1], [], []>, transpose_lhs_hint = false} : vector<400x256xf32>, vector<256x128xf32>, vector<400x128xf32> -> vector<400x128xf32>
    %mul3A_34 = vector.broadcast %rsqrt3A : vector<400x1xf32> to vector<400x128xf32>
    %mul3A_35 = arith.mulf %dot_general3A_33, %mul3A_34 : vector<400x128xf32>
    %swap3A = arith.constant 0 : index
    %swap3A_36 = arith.constant 0 : index
    %swap3A_37 = vector.load %arg6[%swap3A, %swap3A_36] : memref<400x128xf32, #tpu.memory_space<vmem>>, vector<400x128xf32>
    tpu.vector_store %arg6[%swap3A, %swap3A_36], %mul3A_35 {strides = array<i32>} : memref<400x128xf32, #tpu.memory_space<vmem>>, vector<400x128xf32>,
    return
  }
  func.func @transform_0(%arg0: i32) -> (i32, i32, i32) {
    %c0_i32 = arith.constant 0 : i32
    %c0_i32_0 = arith.constant 0 : i32
    %c0_i32_1 = arith.constant 0 : i32
    return %c0_i32, %arg0, %c0_i32_0 : i32, i32, i32
  }
  func.func @transform_1(%arg0: i32) -> (i32, i32) {
    %c0_i32 = arith.constant 0 : i32
    %c0_i32_0 = arith.constant 0 : i32
    return %arg0, %c0_i32 : i32, i32
  }
  func.func @transform_2(%arg0: i32) -> (i32, i32, i32) {
    %c0_i32 = arith.constant 0 : i32
    %c0_i32_0 = arith.constant 0 : i32
    %c0_i32_1 = arith.constant 0 : i32
    return %c0_i32, %arg0, %c0_i32_0 : i32, i32, i32
  }
  func.func @transform_3(%arg0: i32) -> (i32, i32) {
    %c0_i32 = arith.constant 0 : i32
    %c0_i32_0 = arith.constant 0 : i32
    %c0_i32_1 = arith.constant 0 : i32
    return %c0_i32, %c0_i32_0 : i32, i32
  }
  func.func @transform_4(%arg0: i32) -> (i32, i32) {
    %c0_i32 = arith.constant 0 : i32
    %c0_i32_0 = arith.constant 0 : i32
    %c0_i32_1 = arith.constant 0 : i32
    return %c0_i32, %c0_i32_0 : i32, i32
  }
  func.func @transform_5(%arg0: i32) -> (i32, i32) {
    %c0_i32 = arith.constant 0 : i32
    %c0_i32_0 = arith.constant 0 : i32
    return %arg0, %c0_i32 : i32, i32
  }
}

module attributes {stable_mosaic.version = 14 : i64} {
  func.func @_tc4_body(%arg0: i32, %arg1: memref<2x400x128xf32, #tpu.memory_space<vmem>>, %arg2: memref<400x128xf32, #tpu.memory_space<vmem>>, %arg3: memref<2x400x128xf32, #tpu.memory_space<vmem>>, %arg4: memref<1x32xf32, #tpu.memory_space<vmem>>, %arg5: memref<1x1x400xi32, #tpu.memory_space<vmem>>, %arg6: memref<32x16xf32, #tpu.memory_space<vmem>>, %arg7: memref<1x16xf32, #tpu.memory_space<vmem>>, %arg8: memref<16x1xf32, #tpu.memory_space<vmem>>, %arg9: memref<1x1xf32, #tpu.memory_space<vmem>>, %arg10: memref<64x1xf32, #tpu.memory_space<vmem>>, %arg11: memref<64x32xf32, #tpu.memory_space<vmem>>, %arg12: memref<64x128xf32, #tpu.memory_space<vmem>>) attributes {dimension_semantics = [#tpu.dimension_semantics<arbitrary>], iteration_bounds = array<i64: 25>, scalar_prefetch = 0 : i64, scratch_operands = 2 : i64, tpu.core_type = #tpu.core_type<tc>, window_params = [{transform_indices = @transform_0, window_bounds = array<i64: 2, 400, 128>}, {transform_indices = @transform_1, window_bounds = array<i64: 400, 128>}, {transform_indices = @transform_2, window_bounds = array<i64: 2, 400, 128>}, {pipeline_mode = #tpu.pipeline_mode<synchronous>, transform_indices = @transform_3, window_bounds = array<i64: 1, 32>}, {transform_indices = @transform_4, window_bounds = array<i64: 1, 1, 400>}, {pipeline_mode = #tpu.pipeline_mode<synchronous>, transform_indices = @transform_5, window_bounds = array<i64: 32, 16>}, {pipeline_mode = #tpu.pipeline_mode<synchronous>, transform_indices = @transform_6, window_bounds = array<i64: 1, 16>}, {pipeline_mode = #tpu.pipeline_mode<synchronous>, transform_indices = @transform_7, window_bounds = array<i64: 16, 1>}, {pipeline_mode = #tpu.pipeline_mode<synchronous>, transform_indices = @transform_8, window_bounds = array<i64: 1, 1>}, {pipeline_mode = #tpu.pipeline_mode<synchronous>, transform_indices = @transform_9, window_bounds = array<i64: 64, 1>}]} {
    %get3A = arith.constant 0 : index
    %get3A_0 = arith.constant 0 : index
    %get3A_1 = arith.constant 0 : index
    %get3A_2 = vector.load %arg3[%get3A, %get3A_0, %get3A_1] : memref<2x400x128xf32, #tpu.memory_space<vmem>>, vector<2x400x128xf32>
    %slice3A = vector.extract_strided_slice %get3A_2 {offsets = [0, 0, 0], sizes = [1, 400, 1], strides = [1, 1, 1]} : vector<2x400x128xf32> to vector<1x400x1xf32>
    %squeeze3A = vector.shape_cast %slice3A : vector<1x400x1xf32> to vector<400x1xf32>
    %slice3A_3 = vector.extract_strided_slice %get3A_2 {offsets = [1, 0, 0], sizes = [1, 400, 1], strides = [1, 1, 1]} : vector<2x400x128xf32> to vector<1x400x1xf32>
    %squeeze3A_4 = vector.shape_cast %slice3A_3 : vector<1x400x1xf32> to vector<400x1xf32>
    %add3A = arith.addf %squeeze3A, %squeeze3A_4 : vector<400x1xf32>
    %add3A_5 = arith.constant 1.000000e+00 : f32
    %add3A_6 = vector.broadcast %add3A_5 : f32 to vector<400x1xf32>
    %add3A_7 = arith.addf %add3A, %add3A_6 : vector<400x1xf32>
    %rsqrt3A = math.rsqrt %add3A_7 : vector<400x1xf32>
    %get3A_8 = arith.constant 0 : index
    %get3A_9 = arith.constant 0 : index
    %get3A_10 = arith.constant 0 : index
    %get3A_11 = vector.load %arg1[%get3A_8, %get3A_9, %get3A_10] : memref<2x400x128xf32, #tpu.memory_space<vmem>>, vector<1x400x128xf32>
    %get3A_12 = vector.shape_cast %get3A_11 : vector<1x400x128xf32> to vector<400x128xf32>
    %get3A_13 = arith.constant 1 : index
    %get3A_14 = arith.constant 0 : index
    %get3A_15 = arith.constant 0 : index
    %get3A_16 = vector.load %arg1[%get3A_13, %get3A_14, %get3A_15] : memref<2x400x128xf32, #tpu.memory_space<vmem>>, vector<1x400x128xf32>
    %get3A_17 = vector.shape_cast %get3A_16 : vector<1x400x128xf32> to vector<400x128xf32>
    %add3A_18 = arith.addf %get3A_12, %get3A_17 : vector<400x128xf32>
    %get3A_19 = arith.constant 0 : index
    %get3A_20 = arith.constant 0 : index
    %get3A_21 = vector.load %arg2[%get3A_19, %get3A_20] : memref<400x128xf32, #tpu.memory_space<vmem>>, vector<400x128xf32>
    %add3A_22 = arith.addf %add3A_18, %get3A_21 : vector<400x128xf32>
    %mul3A = vector.broadcast %rsqrt3A : vector<400x1xf32> to vector<400x128xf32>
    %mul3A_23 = arith.mulf %add3A_22, %mul3A : vector<400x128xf32>
    %slice3A_24 = vector.extract_strided_slice %mul3A_23 {offsets = [0, 0], sizes = [400, 32], strides = [1, 1]} : vector<400x128xf32> to vector<400x32xf32>
    %get3A_25 = arith.constant 0 : index
    %get3A_26 = arith.constant 0 : index
    %get3A_27 = vector.load %arg4[%get3A_25, %get3A_26] : memref<1x32xf32, #tpu.memory_space<vmem>>, vector<1x32xf32>
    %add3A_28 = vector.broadcast %get3A_27 : vector<1x32xf32> to vector<400x32xf32>
    %add3A_29 = arith.addf %slice3A_24, %add3A_28 : vector<400x32xf32>
    %max3A = arith.constant 0.000000e+00 : f32
    %max3A_30 = vector.broadcast %max3A : f32 to vector<400x32xf32>
    %max3A_31 = arith.maximumf %add3A_29, %max3A_30 : vector<400x32xf32>
    %get3A_32 = arith.constant 0 : index
    %get3A_33 = arith.constant 0 : index
    %get3A_34 = arith.constant 0 : index
    %get3A_35 = vector.load %arg5[%get3A_32, %get3A_33, %get3A_34] : memref<1x1x400xi32, #tpu.memory_space<vmem>>, vector<1x1x400xi32>
    %get3A_36 = vector.shape_cast %get3A_35 : vector<1x1x400xi32> to vector<1x400xi32>
    %iota3A = tpu.iota {dimensions = array<i32: 0>} : vector<64x400xi32>
    %eq3A = vector.broadcast %get3A_36 : vector<1x400xi32> to vector<64x400xi32>
    %eq3A_37 = arith.cmpi eq, %iota3A, %eq3A : vector<64x400xi32>
    %convert_element_type3A = arith.extui %eq3A_37 : vector<64x400xi1> to vector<64x400xi32>
    %convert_element_type3A_38 = arith.sitofp %convert_element_type3A : vector<64x400xi32> to vector<64x400xf32>
    %dot_general3A = arith.constant dense<0.000000e+00> : vector<64x32xf32>
    %dot_general3A_39 = tpu.matmul %convert_element_type3A_38, %max3A_31, %dot_general3A {dimension_numbers = #tpu.dot_dimension_numbers<[1], [0], [0], [1], [0, 0, 1, 1], [], []>, transpose_lhs_hint = false} : vector<64x400xf32>, vector<400x32xf32>, vector<64x32xf32> -> vector<64x32xf32>
    %reduce_sum3A = arith.constant dense<0.000000e+00> : vector<64xf32>
    %reduce_sum3A_40 = vector.multi_reduction <add>, %convert_element_type3A_38, %reduce_sum3A [1] : vector<64x400xf32> to vector<64xf32>
    %broadcast_in_dim3A = vector.shape_cast %reduce_sum3A_40 : vector<64xf32> to vector<64x1xf32>
    %broadcast_in_dim3A_41 = vector.shape_cast %broadcast_in_dim3A : vector<64x1xf32> to vector<64x1xf32>
    %broadcast_in_dim3A_42 = vector.broadcast %broadcast_in_dim3A_41 : vector<64x1xf32> to vector<64x128xf32>
    %eq3A_43 = arith.constant 0 : i32
    %eq3A_44 = arith.cmpi eq, %arg0, %eq3A_43 : i32
    %convert_element_type3A_45 = arith.extui %eq3A_44 : i1 to i32
    %cond3A = arith.constant 0 : i32
    %cond3A_46 = arith.cmpi ne, %convert_element_type3A_45, %cond3A : i32
    scf.if %cond3A_46 {
      %swap3A = arith.constant 0 : index
      %swap3A_56 = arith.constant 0 : index
      %swap3A_57 = vector.load %arg11[%swap3A, %swap3A_56] : memref<64x32xf32, #tpu.memory_space<vmem>>, vector<64x32xf32>
      tpu.vector_store %arg11[%swap3A, %swap3A_56], %dot_general3A_39 {strides = array<i32>} : memref<64x32xf32, #tpu.memory_space<vmem>>, vector<64x32xf32>,
      %swap3A_58 = arith.constant 0 : index
      %swap3A_59 = arith.constant 0 : index
      %swap3A_60 = vector.load %arg12[%swap3A_58, %swap3A_59] : memref<64x128xf32, #tpu.memory_space<vmem>>, vector<64x128xf32>
      tpu.vector_store %arg12[%swap3A_58, %swap3A_59], %broadcast_in_dim3A_42 {strides = array<i32>} : memref<64x128xf32, #tpu.memory_space<vmem>>, vector<64x128xf32>,
    } else {
    }
    %gt3A = arith.constant 0 : i32
    %gt3A_47 = arith.cmpi sgt, %arg0, %gt3A : i32
    %convert_element_type3A_48 = arith.extui %gt3A_47 : i1 to i32
    %cond3A_49 = arith.constant 0 : i32
    %cond3A_50 = arith.cmpi ne, %convert_element_type3A_48, %cond3A_49 : i32
    scf.if %cond3A_50 {
      %get3A_56 = arith.constant 0 : index
      %get3A_57 = arith.constant 0 : index
      %get3A_58 = vector.load %arg11[%get3A_56, %get3A_57] : memref<64x32xf32, #tpu.memory_space<vmem>>, vector<64x32xf32>
      %add3A_59 = arith.addf %get3A_58, %dot_general3A_39 : vector<64x32xf32>
      %swap3A = arith.constant 0 : index
      %swap3A_60 = arith.constant 0 : index
      %swap3A_61 = vector.load %arg11[%swap3A, %swap3A_60] : memref<64x32xf32, #tpu.memory_space<vmem>>, vector<64x32xf32>
      tpu.vector_store %arg11[%swap3A, %swap3A_60], %add3A_59 {strides = array<i32>} : memref<64x32xf32, #tpu.memory_space<vmem>>, vector<64x32xf32>,
      %get3A_62 = arith.constant 0 : index
      %get3A_63 = arith.constant 0 : index
      %get3A_64 = vector.load %arg12[%get3A_62, %get3A_63] : memref<64x128xf32, #tpu.memory_space<vmem>>, vector<64x128xf32>
      %add3A_65 = arith.addf %get3A_64, %broadcast_in_dim3A_42 : vector<64x128xf32>
      %swap3A_66 = arith.constant 0 : index
      %swap3A_67 = arith.constant 0 : index
      %swap3A_68 = vector.load %arg12[%swap3A_66, %swap3A_67] : memref<64x128xf32, #tpu.memory_space<vmem>>, vector<64x128xf32>
      tpu.vector_store %arg12[%swap3A_66, %swap3A_67], %add3A_65 {strides = array<i32>} : memref<64x128xf32, #tpu.memory_space<vmem>>, vector<64x128xf32>,
    } else {
    }
    %eq3A_51 = arith.constant 24 : i32
    %eq3A_52 = arith.cmpi eq, %arg0, %eq3A_51 : i32
    %convert_element_type3A_53 = arith.extui %eq3A_52 : i1 to i32
    %cond3A_54 = arith.constant 0 : i32
    %cond3A_55 = arith.cmpi ne, %convert_element_type3A_53, %cond3A_54 : i32
    scf.if %cond3A_55 {
      %get3A_56 = arith.constant 0 : index
      %get3A_57 = arith.constant 0 : index
      %get3A_58 = vector.load %arg11[%get3A_56, %get3A_57] : memref<64x32xf32, #tpu.memory_space<vmem>>, vector<64x32xf32>
      %get3A_59 = arith.constant 0 : index
      %get3A_60 = arith.constant 0 : index
      %get3A_61 = vector.load %arg12[%get3A_59, %get3A_60] : memref<64x128xf32, #tpu.memory_space<vmem>>, vector<64x128xf32>
      %slice3A_62 = vector.extract_strided_slice %get3A_61 {offsets = [0, 0], sizes = [64, 1], strides = [1, 1]} : vector<64x128xf32> to vector<64x1xf32>
      %max3A_63 = arith.constant 1.000000e+00 : f32
      %max3A_64 = vector.broadcast %max3A_63 : f32 to vector<64x1xf32>
      %max3A_65 = arith.maximumf %slice3A_62, %max3A_64 : vector<64x1xf32>
      %div3A = vector.broadcast %max3A_65 : vector<64x1xf32> to vector<64x32xf32>
      %div3A_66 = arith.divf %get3A_58, %div3A : vector<64x32xf32>
      %get3A_67 = arith.constant 0 : index
      %get3A_68 = arith.constant 0 : index
      %get3A_69 = vector.load %arg6[%get3A_67, %get3A_68] : memref<32x16xf32, #tpu.memory_space<vmem>>, vector<32x16xf32>
      %dot_general3A_70 = arith.constant dense<0.000000e+00> : vector<64x16xf32>
      %dot_general3A_71 = tpu.matmul %div3A_66, %get3A_69, %dot_general3A_70 {dimension_numbers = #tpu.dot_dimension_numbers<[1], [0], [0], [1], [0, 0, 1, 1], [], []>, transpose_lhs_hint = false} : vector<64x32xf32>, vector<32x16xf32>, vector<64x16xf32> -> vector<64x16xf32>
      %get3A_72 = arith.constant 0 : index
      %get3A_73 = arith.constant 0 : index
      %get3A_74 = vector.load %arg7[%get3A_72, %get3A_73] : memref<1x16xf32, #tpu.memory_space<vmem>>, vector<1x16xf32>
      %add3A_75 = vector.broadcast %get3A_74 : vector<1x16xf32> to vector<64x16xf32>
      %add3A_76 = arith.addf %dot_general3A_71, %add3A_75 : vector<64x16xf32>
      %max3A_77 = arith.constant 0.000000e+00 : f32
      %max3A_78 = vector.broadcast %max3A_77 : f32 to vector<64x16xf32>
      %max3A_79 = arith.maximumf %add3A_76, %max3A_78 : vector<64x16xf32>
      %get3A_80 = arith.constant 0 : index
      %get3A_81 = arith.constant 0 : index
      %get3A_82 = vector.load %arg8[%get3A_80, %get3A_81] : memref<16x1xf32, #tpu.memory_space<vmem>>, vector<16x1xf32>
      %dot_general3A_83 = arith.constant dense<0.000000e+00> : vector<64x1xf32>
      %dot_general3A_84 = tpu.matmul %max3A_79, %get3A_82, %dot_general3A_83 {dimension_numbers = #tpu.dot_dimension_numbers<[1], [0], [0], [1], [0, 0, 1, 1], [], []>, transpose_lhs_hint = false} : vector<64x16xf32>, vector<16x1xf32>, vector<64x1xf32> -> vector<64x1xf32>
      %get3A_85 = arith.constant 0 : index
      %get3A_86 = arith.constant 0 : index
      %get3A_87 = vector.load %arg9[%get3A_85, %get3A_86] : memref<1x1xf32, #tpu.memory_space<vmem>>, vector<1x1xf32>
      %add3A_88 = vector.broadcast %get3A_87 : vector<1x1xf32> to vector<64x1xf32>
      %add3A_89 = arith.addf %dot_general3A_84, %add3A_88 : vector<64x1xf32>
      %neg3A = arith.constant 0.000000e+00 : f32
      %neg3A_90 = vector.broadcast %neg3A : f32 to vector<64x1xf32>
      %neg3A_91 = arith.subf %neg3A_90, %add3A_89 : vector<64x1xf32>
      %exp3A = math.exp %neg3A_91 : vector<64x1xf32>
      %add3A_92 = arith.constant 1.000000e+00 : f32
      %add3A_93 = vector.broadcast %add3A_92 : f32 to vector<64x1xf32>
      %add3A_94 = arith.addf %add3A_93, %exp3A : vector<64x1xf32>
      %div3A_95 = arith.constant 1.000000e+00 : f32
      %div3A_96 = vector.broadcast %div3A_95 : f32 to vector<64x1xf32>
      %div3A_97 = arith.divf %div3A_96, %add3A_94 : vector<64x1xf32>
      %swap3A = arith.constant 0 : index
      %swap3A_98 = arith.constant 0 : index
      %swap3A_99 = vector.load %arg10[%swap3A, %swap3A_98] : memref<64x1xf32, #tpu.memory_space<vmem>>, vector<64x1xf32>
      tpu.vector_store %arg10[%swap3A, %swap3A_98], %div3A_97 {strides = array<i32>} : memref<64x1xf32, #tpu.memory_space<vmem>>, vector<64x1xf32>,
    } else {
    }
    return
  }
  func.func @transform_0(%arg0: i32) -> (i32, i32, i32) {
    %c0_i32 = arith.constant 0 : i32
    %c0_i32_0 = arith.constant 0 : i32
    %c0_i32_1 = arith.constant 0 : i32
    return %c0_i32, %arg0, %c0_i32_0 : i32, i32, i32
  }
  func.func @transform_1(%arg0: i32) -> (i32, i32) {
    %c0_i32 = arith.constant 0 : i32
    %c0_i32_0 = arith.constant 0 : i32
    return %arg0, %c0_i32 : i32, i32
  }
  func.func @transform_2(%arg0: i32) -> (i32, i32, i32) {
    %c0_i32 = arith.constant 0 : i32
    %c0_i32_0 = arith.constant 0 : i32
    %c0_i32_1 = arith.constant 0 : i32
    return %c0_i32, %arg0, %c0_i32_0 : i32, i32, i32
  }
  func.func @transform_3(%arg0: i32) -> (i32, i32) {
    %c0_i32 = arith.constant 0 : i32
    %c0_i32_0 = arith.constant 0 : i32
    %c0_i32_1 = arith.constant 0 : i32
    return %c0_i32, %c0_i32_0 : i32, i32
  }
  func.func @transform_4(%arg0: i32) -> (i32, i32, i32) {
    %c0_i32 = arith.constant 0 : i32
    %c0_i32_0 = arith.constant 0 : i32
    %c0_i32_1 = arith.constant 0 : i32
    return %arg0, %c0_i32, %c0_i32_0 : i32, i32, i32
  }
  func.func @transform_5(%arg0: i32) -> (i32, i32) {
    %c0_i32 = arith.constant 0 : i32
    %c0_i32_0 = arith.constant 0 : i32
    %c0_i32_1 = arith.constant 0 : i32
    return %c0_i32, %c0_i32_0 : i32, i32
  }
  func.func @transform_6(%arg0: i32) -> (i32, i32) {
    %c0_i32 = arith.constant 0 : i32
    %c0_i32_0 = arith.constant 0 : i32
    %c0_i32_1 = arith.constant 0 : i32
    return %c0_i32, %c0_i32_0 : i32, i32
  }
  func.func @transform_7(%arg0: i32) -> (i32, i32) {
    %c0_i32 = arith.constant 0 : i32
    %c0_i32_0 = arith.constant 0 : i32
    %c0_i32_1 = arith.constant 0 : i32
    return %c0_i32, %c0_i32_0 : i32, i32
  }
  func.func @transform_8(%arg0: i32) -> (i32, i32) {
    %c0_i32 = arith.constant 0 : i32
    %c0_i32_0 = arith.constant 0 : i32
    %c0_i32_1 = arith.constant 0 : i32
    return %c0_i32, %c0_i32_0 : i32, i32
  }
  func.func @transform_9(%arg0: i32) -> (i32, i32) {
    %c0_i32 = arith.constant 0 : i32
    %c0_i32_0 = arith.constant 0 : i32
    %c0_i32_1 = arith.constant 0 : i32
    return %c0_i32, %c0_i32_0 : i32, i32
  }
}

</mosaic_0001>

<sc_bundles>
// kernel: kernel.10.cloned.1.call-start
scs
__scs_entry_jumppad:
0x0: {  	(pc) =	sbr.rel $0x88, $3  }
0x1: {  	(tag) =	ssettag $0x0;
	lr =	simm.s32 $0x1  }
0x2: {  	[smem:$0x3F94] =	sst lr;
	_ =	strace $0xD0000000  }
0x3: {  	_ = 	snop  }
0x4: {  	_ = 	snop  }
0x5: {  	_ = 	snop  }
0x6: {  	_ = 	snop  }
0x7: {  	_ = 	snop  }
__scs_overlays_trampoline_lowered:
0x8: {  	[smem:$0x3FA3] =	sst s0  }
0x9: {  	[smem:$0x3FA4] =	sst s1  }
0xa: {  	[smem:$0x3FA5] =	sst s2  }
0xb: {  	[smem:$0x3FA6] =	sst s3  }
0xc: {  	[smem:$0x3FA7] =	sst s4  }
0xd: {  	[smem:$0x3FA8] =	sst s5  }
0xe: {  	[smem:$0x3FA9] =	sst s6  }
0xf: {  	[smem:$0x3FAA] =	sst s7  }
0x10: {  	[smem:$0x3FAB] =	sst s8  }
0x11: {  	[smem:$0x3FAC] =	sst s9;
	s0 =	simm.s32 @!p0 $0x0  }
0x12: {  	s1 =	sld [smem:$0x3F92];
	s0 =	simm.s32 @p0 $0x1  }
0x13: {  	[smem:$0x3FAD] =	sst s0;
	s0 =	simm.s32 @!p1 $0x0  }
0x14: {  	s2 =	sld [smem:$0x3F91];
	s0 =	simm.s32 @p1 $0x1  }
0x15: {  	[smem:$0x3FAE] =	sst s0;
	s0 =	simm.s32 @!p2 $0x0  }
0x16: {  	s3 =	sld [smem:$0x3FDB];
	s0 =	simm.s32 @p2 $0x1  }
0x17: {  	s4 =	simm.s32 $0x1BF5;
	[smem:$0x3FB0] =	sst s0  }
0x18: {  	s0 =	sld [smem:$0x3F93];
	_ =	swait.ge [sflag:s4], $0x0  }
0x19: {  	s7 =	sld [smem:$0x3F94]  }
0x1a: {  	s8 =	sadd.s32 $0xFFFFE003, lr  }
0x1b: {  	s9 =	sadd.s32 $0xFFFFFEF7, lr;
	s5 =	simm.s32 $0xFFFFFFFF;
	p2 =	slt.u32 s8, $0xFFFFF086  }
0x1c: {  	p1 =	slt.u32 s9, $0xF7A;
	s5 =	simm.s32 @!p2 $0x0  }
0x1d: {  	s5 =	simm.s32 @p1 $0x1;
	p0 =	seq.s32 s7, s2  }
0x1e: {  	s7 =	smul.u32 @!p0 $0xF7A, s2;
	p2 =	seq.s32 @!p0 s5, $0x0  }
0x1f: {  	s9 =	smul.u32 $0xF7A, s1;
	s8 =	simm.s32 @!p0 $0x1BF5;
	p2 =	por !p2, p0  }
0x20: {  	[sflag:s8] =	ssyncset.s32 @!p0 $0xFFFFF086;
	s6 =	sadd.s32 @!p0 s3, s7;
	s7 =	simm.s32 @!p0 $0x108  }
0x21: {  	s3 =	sadd.s32 s3, s9;
	s6 =	sadd.s32 @!p0 $0x88, s6;
	s7 =	simm.s32 @p2 $0x1082  }
0x22: {  	[simem:s7], [sflag:s8] =	dma.local @!p0 [hbm:s6], $0xF7A  }
0x23: {  	s9 =	sor.u32 $0xD0000000, s2;
	s6 =	simm.s32 $0x108;
	_ =	swait.ge @!p0 [sflag:s8], $0x0  }
0x24: {  	s3 =	sadd.s32 $0x88, s3;
	s6 =	simm.s32 @!p1 $0x1082;
	[sflag:s4] =	ssyncset.s32 $0xFFFFF086  }
0x25: {  	[simem:s6], [sflag:s4] =	dma.local [hbm:s3], $0xF7A  }
0x26: {  	[smem:$0x3F94] =	sst s1;
	(tag) =	ssettag s2;
	_ =	strace s9  }
0x27: {  	s1 =	sld [smem:$0x3FA4]  }
0x28: {  	s2 =	sld [smem:$0x3FA5]  }
0x29: {  	s4 =	sld [smem:$0x3FA7]  }
0x2a: {  	p0 =	seq.s32 s5, $0x0;
	s5 =	sld [smem:$0x3FA8]  }
0x2b: {  	s6 =	sld [smem:$0x3FA9]  }
0x2c: {  	s7 =	sld [smem:$0x3FAA]  }
0x2d: {  	s3 =	simm.s32 $0x108;
	s8 =	sld [smem:$0x3FAB]  }
0x2e: {  	s3 =	simm.s32 @!p0 $0x1082;
	s9 =	sld [smem:$0x3FAC]  }
0x2f: {  	lr =	sadd.s32 s0, s3;
	s0 =	sld [smem:$0x3FA3]  }
0x30: {  	s3 =	sld [smem:$0x3FA6]  }
0x31: {  	[smem:$0x3FAF] =	sst s10  }
0x32: {  	s10 =	sld [smem:$0x3FAD];
	_ =	sdelay $0x3  }
0x33: {  	p0 =	seq.s32 s10, $0x1;
	s10 =	sld [smem:$0x3FAF];
	_ =	sdelay $0x3  }
0x34: {  	[smem:$0x3FAF] =	sst s10  }
0x35: {  	s10 =	sld [smem:$0x3FAE];
	_ =	sdelay $0x3  }
0x36: {  	p1 =	seq.s32 s10, $0x1;
	s10 =	sld [smem:$0x3FAF];
	_ =	sdelay $0x3  }
0x37: {  	[smem:$0x3FAF] =	sst s10  }
0x38: {  	s10 =	sld [smem:$0x3FB0]  }
0x39: {  	_ = 	snop;
	(pc) =	sbr.ind lr, $3  }
0x3a: {  	_ = 	snop  }
0x3b: {  	_ = 	snop  }
0x3c: {  	p2 =	seq.s32 s10, $0x1;
	s10 =	sld [smem:$0x3FAF]  }
0x3d: {  	_ =	shalt  }
0x3e: {  	_ =	shalt  }
0x3f: {  	_ =	shalt  }
0x40: {  	_ =	shalt  }
0x41: {  	_ =	shalt  }
0x42: {  	_ =	shalt  }
0x43: {  	_ =	shalt  }
0x44: {  	_ =	shalt  }
0x45: {  	_ =	shalt  }
0x46: {  	_ =	shalt  }
0x47: {  	_ =	shalt  }
0x48: {  	_ =	shalt  }
0x49: {  	_ =	shalt  }
0x4a: {  	_ =	shalt  }
0x4b: {  	_ =	shalt  }
0x4c: {  	_ =	shalt  }
0x4d: {  	_ =	shalt  }
0x4e: {  	_ =	shalt  }
0x4f: {  	_ =	shalt  }
0x50: {  	_ =	shalt  }
0x51: {  	_ =	shalt  }
0x52: {  	_ =	shalt  }
0x53: {  	_ =	shalt  }
0x54: {  	_ =	shalt  }
0x55: {  	_ =	shalt  }
0x56: {  	_ =	shalt  }
0x57: {  	_ =	shalt  }
0x58: {  	_ =	shalt  }
0x59: {  	_ =	shalt  }
0x5a: {  	_ =	shalt  }
0x5b: {  	_ =	shalt  }
0x5c: {  	_ =	shalt  }
0x5d: {  	_ =	shalt  }
0x5e: {  	_ =	shalt  }
0x5f: {  	_ =	shalt  }
0x60: {  	_ =	shalt  }
0x61: {  	_ =	shalt  }
0x62: {  	_ =	shalt  }
0x63: {  	_ =	shalt  }
0x64: {  	_ =	shalt  }
0x65: {  	_ =	shalt  }
0x66: {  	_ =	shalt  }
0x67: {  	_ =	shalt  }
0x68: {  	_ =	shalt  }
0x69: {  	_ =	shalt  }
0x6a: {  	_ =	shalt  }
0x6b: {  	_ =	shalt  }
0x6c: {  	_ =	shalt  }
0x6d: {  	_ =	shalt  }
0x6e: {  	_ =	shalt  }
0x6f: {  	_ =	shalt  }
0x70: {  	_ =	shalt  }
0x71: {  	_ =	shalt  }
0x72: {  	_ =	shalt  }
0x73: {  	_ =	shalt  }
0x74: {  	_ =	shalt  }
0x75: {  	_ =	shalt  }
0x76: {  	_ =	shalt  }
0x77: {  	_ =	shalt  }
0x78: {  	_ =	shalt  }
0x79: {  	_ =	shalt  }
0x7a: {  	_ =	shalt  }
0x7b: {  	_ =	shalt  }
0x7c: {  	_ =	shalt  }
0x7d: {  	_ =	shalt  }
0x7e: {  	_ =	shalt  }
0x7f: {  	_ =	shalt  }
0x80: {  	_ =	shalt  }
0x81: {  	_ =	shalt  }
0x82: {  	_ =	shalt  }
0x83: {  	_ =	shalt  }
0x84: {  	_ =	shalt  }
0x85: {  	_ =	shalt  }
0x86: {  	_ =	shalt  }
0x87: {  	_ =	shalt  }
.Lfunc_end0:
.L_simem_size_0:
called_computation_lowered:
.L_overlay_start_0:
0x88: {  	s2 =	sld [smem:$0x3FD9]  }
0x89: {  	s3 =	sld [smem:$0x3FFE];
	_ =	sdelay $0x1  }
0x8a: {  	s1 =	srdreg.scid  }
0x8b: {  	s0 =	sand.u32 $0x1, s1  }
0x8c: {  	s16 =	sshll.u32 s0, $0xA;
	s2 =	sadd.s32 s3, s2  }
0x8d: {  	s2 =	sadd.s32 s2, s16  }
0x8e: {  	[smem:$0x3FBB] =	sst s2  }
0x8f: {  	_ = 	snop  }
0x90: {  	(tm) =	ssettm $0x1  }
0x91: {  	s17 =	sld [smem:$0x3FFB];
	_ =	sdelay $0x3  }
0x92: {  	_ =	strace s17  }
0x93: {  	s2 =	sld [smem:$0x3FFC];
	_ =	sdelay $0x3  }
0x94: {  	_ =	strace s2  }
0x95: {  	s2 =	sld [smem:$0x3FFD];
	_ =	sdelay $0x3  }
0x96: {  	_ =	strace s2  }
0x97: {  	_ =	strace $0x8FFFFFFF  }
0x98: {  	s18 =	sld [smem:$0x3FDB];
	_ =	sdelay $0x1  }
0x99: {  	s19 =	simm.s32 $_scs_section_size  }
0x9a: {  	s4 =	simm.s32 $_size__tile_overlayer_lowered;
	s5 =	simm.s32 $_tile_overlayer_lowered  }
0x9b: {  	s22 =	simm.s32 $0x1BFF;
	s21 =	sshll.u32 s5, $0x1;
	s2 =	sadd.s32 s19, s18  }
0x9c: {  	s6 =	simm.s32 $0x0;
	s20 =	sshll.u32 s4, $0x1;
	s4 =	sadd.s32 s21, s2  }
0x9d: {  	[timem:s6], [sflag:s22] =	dma.local [hbm:s4], s20  }
0x9e: {  	_ =	swait.ge [sflag:s22], s20  }
0x9f: {  	s3 =	ssub.s32 $0x0, s20;
	[sflag:s22] =	ssyncset.done $0x0  }
0xa0: {  	[sflag:s22] =	ssyncadd.s32 s3;
	_ =	sdelay $0x1  }
0xa1: {  	s23 =	simm.s32 $0x1B8B  }
0xa2: {  	_ =	swait.ge [sflag:s23], $0x1  }
0xa3: {  	[sflag:s23] =	ssyncset.done $0x0  }
0xa4: {  	s25 =	simm.s32 $0x1B8E;
	s24 =	sld [smem:$0x3FFE];
	[sflag:s23] =	ssyncadd.s32 $0xFFFFFFFF  }
0xa5: {  	s26 =	simm.s32 $execute0_lowered;
	[smem:$0x3FD2] =	sst s25  }
0xa6: {  	s4 =	sshll.u32 s26, $0x1;
	_ =	strace $0x80000046;
	[dreg:$0x1] =	wrdreg $0xFFFFFFFF  }
0xa7: {  	s28 =	simm.s32 $_size_execute0_lowered;
	s2 =	sadd.s32 s2, s4;
	[dreg:$0x0] =	wrdreg $0x0  }
0xa8: {  	s4 =	sshll.u32 s28, $0x1;
	[dreg:$0x2] =	wrdreg s2  }
0xa9: {  	[dreg:$0x3] =	wrdreg s4  }
0xaa: {  	[dreg:$0x4] =	wrdreg $0xC0  }
0xab: {  	_ =	task [dreg:s6], $0x5FFFF  }
0xac: {  	[dreg:$0x1] =	wrdreg $0xFFFFFFFF  }
0xad: {  	[dreg:$0x0] =	wrdreg $0x60  }
0xae: {  	[dreg:$0x2] =	wrdreg s24  }
0xaf: {  	[dreg:$0x3] =	wrdreg $0x48000  }
0xb0: {  	[dreg:$0x4] =	wrdreg $0x9  }
0xb1: {  	_ =	task.clear_ibuf [dreg:s6], $0x5FFFF;
	_ =	strace $0x90000046  }
0xb2: {  	s29 =	simm.s32 $0x9;
	_ =	strace $0x80000048  }
0xb3: {  	_ =	swait.ge [sflag:s29], $0x1  }
0xb4: {  	[sflag:s29] =	ssyncadd.s32 $0xFFFFFFFF  }
0xb5: {  	_ =	strace $0x90000048  }
0xb6: {  	_ =	sfence  }
0xb7: {  	s30 =	sld [smem:$0x0];
	_ =	sdelay $0x2  }
0xb8: {  	s31 =	sshll.u32 s1, $0xD;
	s1 =	sshrl.u32 s1, $0x2  }
0xb9: {  	s3 =	sand.u32 $0x4000, s31;
	s1 =	sadd.s32 s1, s30  }
0xba: {  	s0 =	sor.u32 s3, s0;
	s1 =	sshll.u32 s1, $0x11  }
0xbb: {  	s0 =	sor.u32 s1, s0  }
0xbc: {  	s0 =	sadd.s32 $0x8F2B, s0  }
0xbd: {  	[sflag:s0] =	ssyncadd.remote.s32 $0x1  }
0xbe: {  	_ =	sfence.sel $0xFFFF  }
0xbf: {  	[dreg:$0x0] =	wrdreg $0xFFFFFFFF;
	(pc) =	sbr.abs _section_cstart, $3  }
0xc0: {  	[dreg:$0x1] =	wrdreg $0xFFFFFFFF  }
0xc1: {  	_ =	task.clear_ibuf [dreg:s6], $0x2FFFF;
	_ =	strace $0x9FFFFFFF  }
0xc2: {  	(tm) =	ssettm $0x7FFFFFFF  }
0xc3: {  	_ =	shalt  }
tec
execute0_lowered:
.L_overlay_start_1:
0x0: {  	(tag) =	ssettag $0x1  }
0x1: {  	s6 =	rddreg [dreg:$0x0]  }
0x2: {  	s0 =	srdreg.scid;
	s2 =	rddreg [dreg:$0x1];
	s3 =	simm.s32 $0x0  }
0x3: {  	s13 =	simm.s32 $0x40;
	s14 =	simm.s32 $0x80;
	s15 =	simm.s32 $0x100  }
0x4: {  	s16 =	simm.s32 $0x180;
	s17 =	simm.s32 $0x1;
	s18 =	simm.s32 $0x2  }
0x5: {  	s19 =	simm.s32 $0x3;
	s20 =	simm.s32 $0x4;
	s5 =	sand.u32 $0x1, s0  }
0x6: {  	s21 =	simm.s32 $0x0;
	s0 =	stileid.u32;
	s7 =	smul.u32 $0x13C000, s5  }
0x7: {  	[smem:$0x7FF] =	sst s3;
	s1 =	sshll.u32 s5, $0x4;
	s8 =	smul.u32 $0x13C00, s0  }
0x8: {  	s30 =	ssub.s32 $0x2, s5;
	s10 =	smul.u32 $0x4F000, s0;
	s5 =	sadd.s32 $0xD800, s6  }
0x9: {  	s31 =	sshll.u32 s0, $0x6;
	s1 =	sor.u32 s0, s1;
	s11 =	sshrl.u32 s30, $0x1  }
0xa: {  	s4 =	smul.u32 $0x500, s1;
	s1 =	rddreg [dreg:$0x2];
	_ =	strace $0x80000047  }
0xb: {  	s7 =	sadd.s32 s8, s7;
	s8 =	ssub.s32 s30, s11;
	s10 =	sshrl.u32 s10, $0x2  }
0xc: {  	s11 =	sor.u32 $0x1C05, s31;
	s7 =	sshrl.u32 s7, $0x3;
	s12 =	sadd.s32 s10, s2  }
0xd: {  	s8 =	smax.u32 s8, $0x1;
	s10 =	simm.s32 $0x2800;
	s9 =	sadd.s32 s4, s6  }
0xe: {  	s4 =	sadd.s32 $0xD400, s6;
	s7 =	sadd.s32 s7, s6;
	s12 =	sshrl.u32 s12, $0x3  }
0xf: {  	s6 =	sadd.s32 $0x3400, s9;
	s7 =	sadd.s32 $0x10000, s7;
	s9 =	simm.s32 $0x5  }
.LBB2_1:
0x10: {  	[tilespmem:s3], [sflag:$0x5] =	stream.linear.gather [hbm4b:s6+s3], $0x2800, $0x38;
	[tilespmem:$0x18400] =	vst v63  }
0x11: {  	_ =	swait.ge [sflag:s9], $0x2800  }
0x12: {  	[sflag:s9] =	ssyncset.done $0x0  }
0x13: {  	[sflag:s9] =	ssyncadd.s32 $0xFFFFD800  }
0x14: {  	[tilespmem:s10], [sflag:$0x5] =	stream.linear.gather [hbm4b:s4+s3], $0x2000, $0x38;
	[tilespmem:$0x18400] =	vst v63  }
0x15: {  	_ =	swait.ge [sflag:s9], $0x2000  }
0x16: {  	[sflag:s9] =	ssyncset.done $0x0  }
0x17: {  	[sflag:s9] =	ssyncadd.s32 $0xFFFFE000  }
0x18: {  	[spmem:s12], [sflag:s11] =	dma.local [hbm:s5], $0x2780  }
0x19: {  	_ =	swait.ge [sflag:s9], $0x2780  }
0x1a: {  	[sflag:s9] =	ssyncset.done $0x0  }
0x1b: {  	[sflag:s9] =	ssyncadd.s32 $0xFFFFD880  }
0x1c: {  	[bflag:$0x0] =	sbarrier.arrive $0xFFFF  }
0x1d: {  	[spmem:s2] =	stream.indirect.scatter.add.f32 [tilespmem:s10], [sflag:$0x1], $0x80, s3, s13, $0xb8;
	[tilespmem:$0x18400] =	vst v63  }
0x1e: {  	_ = 	snop  }
0x1f: {  	[spmem:s2] =	stream.indirect.scatter.add.f32 [tilespmem:s10], [sflag:$0x2], $0x80, s14, s13, $0xb8;
	[tilespmem:$0x18400] =	vst v63  }
0x20: {  	_ = 	snop  }
0x21: {  	[spmem:s2] =	stream.indirect.scatter.add.f32 [tilespmem:s10], [sflag:$0x3], $0x80, s15, s13, $0xb8;
	[tilespmem:$0x18400] =	vst v63  }
0x22: {  	_ = 	snop  }
0x23: {  	[spmem:s2] =	stream.indirect.scatter.add.f32 [tilespmem:s10], [sflag:$0x4], $0x80, s16, s13, $0xb8;
	[tilespmem:$0x18400] =	vst v63  }
0x24: {  	_ =	swait.ge [sflag:s17], $0x2000  }
0x25: {  	[sflag:s17] =	ssyncset.done $0x0  }
0x26: {  	s22 =	simm.s32 $0x200;
	[sflag:s17] =	ssyncadd.s32 $0xFFFFE000  }
0x27: {  	[spmem:s2] =	stream.indirect.scatter.add.f32 [tilespmem:s10], [sflag:$0x1], $0x80, s22, s13, $0xb8;
	[tilespmem:$0x18400] =	vst v63  }
0x28: {  	_ =	swait.ge [sflag:s18], $0x2000  }
0x29: {  	[sflag:s18] =	ssyncset.done $0x0  }
0x2a: {  	s30 =	simm.s32 $0x280;
	[sflag:s18] =	ssyncadd.s32 $0xFFFFE000  }
0x2b: {  	[spmem:s2] =	stream.indirect.scatter.add.f32 [tilespmem:s10], [sflag:$0x2], $0x80, s30, s13, $0xb8;
	[tilespmem:$0x18400] =	vst v63  }
0x2c: {  	_ =	swait.ge [sflag:s19], $0x2000  }
0x2d: {  	[sflag:s19] =	ssyncset.done $0x0  }
0x2e: {  	s31 =	simm.s32 $0x300;
	[sflag:s19] =	ssyncadd.s32 $0xFFFFE000  }
0x2f: {  	[spmem:s2] =	stream.indirect.scatter.add.f32 [tilespmem:s10], [sflag:$0x3], $0x80, s31, s13, $0xb8;
	[tilespmem:$0x18400] =	vst v63  }
0x30: {  	_ =	swait.ge [sflag:s20], $0x2000  }
0x31: {  	[sflag:s20] =	ssyncset.done $0x0  }
0x32: {  	s23 =	simm.s32 $0x380;
	s22 =	simm.s32 $0xFFFF7000;
	[sflag:s20] =	ssyncadd.s32 $0xFFFFE000  }
.LBB2_2:
0x33: {  	[spmem:s2] =	stream.indirect.scatter.add.f32 [tilespmem:s10], [sflag:$0x4], $0x80, s23, s13, $0xb8;
	[tilespmem:$0x18400] =	vst v63  }
0x34: {  	s23 =	smov.u32 s22  }
0x35: {  	p0 =	sne.s32 s22, $0xFFFFF800;
	s22 =	sadd.s32 $0x800, s22;
	_ =	swait.ge [sflag:s17], $0x2000  }
0x36: {  	s23 =	sshra.s32 s23, $0x2;
	[sflag:s17] =	ssyncset.done $0x0  }
0x37: {  	s24 =	sadd.s32 $0x2800, s23;
	[sflag:s17] =	ssyncadd.s32 $0xFFFFE000  }
0x38: {  	[spmem:s2] =	stream.indirect.scatter.add.f32 [tilespmem:s10], [sflag:$0x1], $0x80, s24, s13, $0xb8;
	[tilespmem:$0x18400] =	vst v63  }
0x39: {  	_ =	swait.ge [sflag:s18], $0x2000  }
0x3a: {  	[sflag:s18] =	ssyncset.done $0x0  }
0x3b: {  	s24 =	sadd.s32 $0x2880, s23;
	[sflag:s18] =	ssyncadd.s32 $0xFFFFE000  }
0x3c: {  	[spmem:s2] =	stream.indirect.scatter.add.f32 [tilespmem:s10], [sflag:$0x2], $0x80, s24, s13, $0xb8;
	[tilespmem:$0x18400] =	vst v63  }
0x3d: {  	_ =	swait.ge [sflag:s19], $0x2000  }
0x3e: {  	[sflag:s19] =	ssyncset.done $0x0  }
.Ltmp0:
0x3f: {  	s24 =	sadd.s32 $0x2900, s23;
	[sflag:s19] =	ssyncadd.s32 $0xFFFFE000;
	(pc) =	sbr.rel @p0 .LBB2_2-.Ltmp0, $4  }
0x40: {  	[spmem:s2] =	stream.indirect.scatter.add.f32 [tilespmem:s10], [sflag:$0x3], $0x80, s24, s13, $0xb8;
	[tilespmem:$0x18400] =	vst v63  }
0x41: {  	_ =	swait.ge [sflag:s20], $0x2000  }
0x42: {  	[sflag:s20] =	ssyncset.done $0x0  }
0x43: {  	s23 =	sadd.s32 $0x2980, s23;
	[sflag:s20] =	ssyncadd.s32 $0xFFFFE000  }
0x44: {  	[spmem:s2] =	stream.indirect.scatter.add.f32 [tilespmem:s10], [sflag:$0x4], $0x80, s23, s13, $0xb8;
	[tilespmem:$0x18400] =	vst v63  }
0x45: {  	_ =	swait.ge [sflag:s17], $0x2000  }
0x46: {  	[sflag:s17] =	ssyncset.done $0x0  }
0x47: {  	[sflag:s17] =	ssyncadd.s32 $0xFFFFE000  }
0x48: {  	_ =	swait.ge [sflag:s18], $0x2000  }
0x49: {  	[sflag:s18] =	ssyncset.done $0x0  }
0x4a: {  	[sflag:s18] =	ssyncadd.s32 $0xFFFFE000  }
0x4b: {  	_ =	swait.ge [sflag:s19], $0x2000  }
0x4c: {  	[sflag:s19] =	ssyncset.done $0x0  }
0x4d: {  	[sflag:s19] =	ssyncadd.s32 $0xFFFFE000  }
0x4e: {  	_ =	swait.ge [sflag:s20], $0x2000  }
0x4f: {  	s21 =	sadd.s32 $0x1, s21;
	[sflag:s20] =	ssyncset.done $0x0  }
0x50: {  	p0 =	sne.s32 s21, s8;
	[sflag:s20] =	ssyncadd.s32 $0xFFFFE000  }
.Ltmp1:
0x51: {  	[bflag:$0x0] =	sbarrier.arrive $0xFFFF;
	(pc) =	sbr.rel @p0 .LBB2_1-.Ltmp1, $4  }
0x52: {  	[hbm:s7], [sflag:s11] =	dma.local [spmem:s12], $0x2780  }
0x53: {  	_ =	swait.ge [sflag:s9], $0x2780  }
0x54: {  	[sflag:s9] =	ssyncset.done $0x0  }
0x55: {  	[sflag:s9] =	ssyncadd.s32 $0xFFFFD880  }
0x56: {  	_ =	sfence.sel $0x180000  }
0x57: {  	[bflag:$0x0] =	sbarrier.arrive $0xFFFF  }
0x58: {  	p0 =	sne.s32 s0, $0x0;
	_ =	strace $0x90000047  }
0x59: {  	s0 =	sadd.s32 @!p0 $0x100000, s1;
	[bflag:$0x2] =	sbarrier.arrive $0xFFFF  }
0x5a: {  	[sflag:s0] =	ssyncadd.tile.s32 @!p0 $0x1;
	_ =	shalt  }
.Lfunc_end2:
_tile_overlayer_lowered:
.L_overlay_start_2:
0x5b: {  	(tag) =	ssettag $0x2  }
0x5c: {  	s0 =	rddreg [dreg:$0x0];
	s2 =	stileid.u32  }
0x5d: {  	s1 =	rddreg [dreg:$0x1];
	p0 =	sne.s32 s2, $0x0  }
0x5e: {  	s3 =	rddreg [dreg:$0x2];
	[bflag:$0x3] =	sbarrier.arrive $0xFFFF;
	s2 =	simm.s32 @!p0 $0x1C05  }
0x5f: {  	[timem:s3], [sflag:s2] =	dma.local @!p0 [hbm:s0], s1  }
0x60: {  	s0 =	simm.s32 @!p0 $0x5  }
0x61: {  	_ =	swait.ge @!p0 [sflag:s0], s1  }
0x62: {  	s1 =	ssub.s32 @!p0 $0x0, s1;
	[sflag:s0] =	ssyncset.done @!p0 $0x0  }
0x63: {  	[sflag:s0] =	ssyncadd.s32 @!p0 s1  }
0x64: {  	[bflag:$0x3] =	sbarrier.arrive $0xFFFF  }
0x65: {  	_ =	shalt  }

// kernel: kernel.13.cloned.1.call-start
scs
__scs_entry_jumppad:
0x0: {  	(pc) =	sbr.rel $0x88, $3  }
0x1: {  	(tag) =	ssettag $0x0;
	lr =	simm.s32 $0x1  }
0x2: {  	[smem:$0x3F94] =	sst lr;
	_ =	strace $0xD0000000  }
0x3: {  	_ = 	snop  }
0x4: {  	_ = 	snop  }
0x5: {  	_ = 	snop  }
0x6: {  	_ = 	snop  }
0x7: {  	_ = 	snop  }
__scs_overlays_trampoline_lowered:
0x8: {  	[smem:$0x3FA3] =	sst s0  }
0x9: {  	[smem:$0x3FA4] =	sst s1  }
0xa: {  	[smem:$0x3FA5] =	sst s2  }
0xb: {  	[smem:$0x3FA6] =	sst s3  }
0xc: {  	[smem:$0x3FA7] =	sst s4  }
0xd: {  	[smem:$0x3FA8] =	sst s5  }
0xe: {  	[smem:$0x3FA9] =	sst s6  }
0xf: {  	[smem:$0x3FAA] =	sst s7  }
0x10: {  	[smem:$0x3FAB] =	sst s8  }
0x11: {  	[smem:$0x3FAC] =	sst s9;
	s0 =	simm.s32 @!p0 $0x0  }
0x12: {  	s1 =	sld [smem:$0x3F92];
	s0 =	simm.s32 @p0 $0x1  }
0x13: {  	[smem:$0x3FAD] =	sst s0;
	s0 =	simm.s32 @!p1 $0x0  }
0x14: {  	s2 =	sld [smem:$0x3F91];
	s0 =	simm.s32 @p1 $0x1  }
0x15: {  	[smem:$0x3FAE] =	sst s0;
	s0 =	simm.s32 @!p2 $0x0  }
0x16: {  	s3 =	sld [smem:$0x3FDB];
	s0 =	simm.s32 @p2 $0x1  }
0x17: {  	s4 =	simm.s32 $0x1BF5;
	[smem:$0x3FB0] =	sst s0  }
0x18: {  	s0 =	sld [smem:$0x3F93];
	_ =	swait.ge [sflag:s4], $0x0  }
0x19: {  	s7 =	sld [smem:$0x3F94]  }
0x1a: {  	s8 =	sadd.s32 $0xFFFFE003, lr  }
0x1b: {  	s9 =	sadd.s32 $0xFFFFFEF7, lr;
	s5 =	simm.s32 $0xFFFFFFFF;
	p2 =	slt.u32 s8, $0xFFFFF086  }
0x1c: {  	p1 =	slt.u32 s9, $0xF7A;
	s5 =	simm.s32 @!p2 $0x0  }
0x1d: {  	s5 =	simm.s32 @p1 $0x1;
	p0 =	seq.s32 s7, s2  }
0x1e: {  	s7 =	smul.u32 @!p0 $0xF7A, s2;
	p2 =	seq.s32 @!p0 s5, $0x0  }
0x1f: {  	s9 =	smul.u32 $0xF7A, s1;
	s8 =	simm.s32 @!p0 $0x1BF5;
	p2 =	por !p2, p0  }
0x20: {  	[sflag:s8] =	ssyncset.s32 @!p0 $0xFFFFF086;
	s6 =	sadd.s32 @!p0 s3, s7;
	s7 =	simm.s32 @!p0 $0x108  }
0x21: {  	s3 =	sadd.s32 s3, s9;
	s6 =	sadd.s32 @!p0 $0x88, s6;
	s7 =	simm.s32 @p2 $0x1082  }
0x22: {  	[simem:s7], [sflag:s8] =	dma.local @!p0 [hbm:s6], $0xF7A  }
0x23: {  	s9 =	sor.u32 $0xD0000000, s2;
	s6 =	simm.s32 $0x108;
	_ =	swait.ge @!p0 [sflag:s8], $0x0  }
0x24: {  	s3 =	sadd.s32 $0x88, s3;
	s6 =	simm.s32 @!p1 $0x1082;
	[sflag:s4] =	ssyncset.s32 $0xFFFFF086  }
0x25: {  	[simem:s6], [sflag:s4] =	dma.local [hbm:s3], $0xF7A  }
0x26: {  	[smem:$0x3F94] =	sst s1;
	(tag) =	ssettag s2;
	_ =	strace s9  }
0x27: {  	s1 =	sld [smem:$0x3FA4]  }
0x28: {  	s2 =	sld [smem:$0x3FA5]  }
0x29: {  	s4 =	sld [smem:$0x3FA7]  }
0x2a: {  	p0 =	seq.s32 s5, $0x0;
	s5 =	sld [smem:$0x3FA8]  }
0x2b: {  	s6 =	sld [smem:$0x3FA9]  }
0x2c: {  	s7 =	sld [smem:$0x3FAA]  }
0x2d: {  	s3 =	simm.s32 $0x108;
	s8 =	sld [smem:$0x3FAB]  }
0x2e: {  	s3 =	simm.s32 @!p0 $0x1082;
	s9 =	sld [smem:$0x3FAC]  }
0x2f: {  	lr =	sadd.s32 s0, s3;
	s0 =	sld [smem:$0x3FA3]  }
0x30: {  	s3 =	sld [smem:$0x3FA6]  }
0x31: {  	[smem:$0x3FAF] =	sst s10  }
0x32: {  	s10 =	sld [smem:$0x3FAD];
	_ =	sdelay $0x3  }
0x33: {  	p0 =	seq.s32 s10, $0x1;
	s10 =	sld [smem:$0x3FAF];
	_ =	sdelay $0x3  }
0x34: {  	[smem:$0x3FAF] =	sst s10  }
0x35: {  	s10 =	sld [smem:$0x3FAE];
	_ =	sdelay $0x3  }
0x36: {  	p1 =	seq.s32 s10, $0x1;
	s10 =	sld [smem:$0x3FAF];
	_ =	sdelay $0x3  }
0x37: {  	[smem:$0x3FAF] =	sst s10  }
0x38: {  	s10 =	sld [smem:$0x3FB0]  }
0x39: {  	_ = 	snop;
	(pc) =	sbr.ind lr, $3  }
0x3a: {  	_ = 	snop  }
0x3b: {  	_ = 	snop  }
0x3c: {  	p2 =	seq.s32 s10, $0x1;
	s10 =	sld [smem:$0x3FAF]  }
0x3d: {  	_ =	shalt  }
0x3e: {  	_ =	shalt  }
0x3f: {  	_ =	shalt  }
0x40: {  	_ =	shalt  }
0x41: {  	_ =	shalt  }
0x42: {  	_ =	shalt  }
0x43: {  	_ =	shalt  }
0x44: {  	_ =	shalt  }
0x45: {  	_ =	shalt  }
0x46: {  	_ =	shalt  }
0x47: {  	_ =	shalt  }
0x48: {  	_ =	shalt  }
0x49: {  	_ =	shalt  }
0x4a: {  	_ =	shalt  }
0x4b: {  	_ =	shalt  }
0x4c: {  	_ =	shalt  }
0x4d: {  	_ =	shalt  }
0x4e: {  	_ =	shalt  }
0x4f: {  	_ =	shalt  }
0x50: {  	_ =	shalt  }
0x51: {  	_ =	shalt  }
0x52: {  	_ =	shalt  }
0x53: {  	_ =	shalt  }
0x54: {  	_ =	shalt  }
0x55: {  	_ =	shalt  }
0x56: {  	_ =	shalt  }
0x57: {  	_ =	shalt  }
0x58: {  	_ =	shalt  }
0x59: {  	_ =	shalt  }
0x5a: {  	_ =	shalt  }
0x5b: {  	_ =	shalt  }
0x5c: {  	_ =	shalt  }
0x5d: {  	_ =	shalt  }
0x5e: {  	_ =	shalt  }
0x5f: {  	_ =	shalt  }
0x60: {  	_ =	shalt  }
0x61: {  	_ =	shalt  }
0x62: {  	_ =	shalt  }
0x63: {  	_ =	shalt  }
0x64: {  	_ =	shalt  }
0x65: {  	_ =	shalt  }
0x66: {  	_ =	shalt  }
0x67: {  	_ =	shalt  }
0x68: {  	_ =	shalt  }
0x69: {  	_ =	shalt  }
0x6a: {  	_ =	shalt  }
0x6b: {  	_ =	shalt  }
0x6c: {  	_ =	shalt  }
0x6d: {  	_ =	shalt  }
0x6e: {  	_ =	shalt  }
0x6f: {  	_ =	shalt  }
0x70: {  	_ =	shalt  }
0x71: {  	_ =	shalt  }
0x72: {  	_ =	shalt  }
0x73: {  	_ =	shalt  }
0x74: {  	_ =	shalt  }
0x75: {  	_ =	shalt  }
0x76: {  	_ =	shalt  }
0x77: {  	_ =	shalt  }
0x78: {  	_ =	shalt  }
0x79: {  	_ =	shalt  }
0x7a: {  	_ =	shalt  }
0x7b: {  	_ =	shalt  }
0x7c: {  	_ =	shalt  }
0x7d: {  	_ =	shalt  }
0x7e: {  	_ =	shalt  }
0x7f: {  	_ =	shalt  }
0x80: {  	_ =	shalt  }
0x81: {  	_ =	shalt  }
0x82: {  	_ =	shalt  }
0x83: {  	_ =	shalt  }
0x84: {  	_ =	shalt  }
0x85: {  	_ =	shalt  }
0x86: {  	_ =	shalt  }
0x87: {  	_ =	shalt  }
.Lfunc_end0:
.L_simem_size_0:
called_computation.1_lowered:
.L_overlay_start_0:
0x88: {  	s2 =	sld [smem:$0x3FD9]  }
0x89: {  	s3 =	sld [smem:$0x3FFE];
	_ =	sdelay $0x1  }
0x8a: {  	s1 =	srdreg.scid  }
0x8b: {  	s0 =	sand.u32 $0x1, s1  }
0x8c: {  	s16 =	sshll.u32 s0, $0xA;
	s2 =	sadd.s32 s3, s2  }
0x8d: {  	s2 =	sadd.s32 s2, s16  }
0x8e: {  	[smem:$0x3FBB] =	sst s2  }
0x8f: {  	_ = 	snop  }
0x90: {  	(tm) =	ssettm $0x1  }
0x91: {  	s17 =	sld [smem:$0x3FFB];
	_ =	sdelay $0x3  }
0x92: {  	_ =	strace s17  }
0x93: {  	s2 =	sld [smem:$0x3FFC];
	_ =	sdelay $0x3  }
0x94: {  	_ =	strace s2  }
0x95: {  	s2 =	sld [smem:$0x3FFD];
	_ =	sdelay $0x3  }
0x96: {  	_ =	strace s2  }
0x97: {  	_ =	strace $0x8FFFFFFF  }
0x98: {  	s18 =	sld [smem:$0x3FDB];
	_ =	sdelay $0x1  }
0x99: {  	s19 =	simm.s32 $_scs_section_size  }
0x9a: {  	s4 =	simm.s32 $_size__tile_overlayer_lowered;
	s5 =	simm.s32 $_tile_overlayer_lowered  }
0x9b: {  	s22 =	simm.s32 $0x1BFF;
	s21 =	sshll.u32 s5, $0x1;
	s2 =	sadd.s32 s19, s18  }
0x9c: {  	s6 =	simm.s32 $0x0;
	s20 =	sshll.u32 s4, $0x1;
	s4 =	sadd.s32 s21, s2  }
0x9d: {  	[timem:s6], [sflag:s22] =	dma.local [hbm:s4], s20  }
0x9e: {  	_ =	swait.ge [sflag:s22], s20  }
0x9f: {  	s3 =	ssub.s32 $0x0, s20;
	[sflag:s22] =	ssyncset.done $0x0  }
0xa0: {  	[sflag:s22] =	ssyncadd.s32 s3;
	_ =	sdelay $0x1  }
0xa1: {  	s23 =	simm.s32 $0x1B8B  }
0xa2: {  	_ =	swait.ge [sflag:s23], $0x1  }
0xa3: {  	[sflag:s23] =	ssyncset.done $0x0  }
0xa4: {  	s25 =	simm.s32 $0x1B8E;
	s24 =	sld [smem:$0x3FFE];
	[sflag:s23] =	ssyncadd.s32 $0xFFFFFFFF  }
0xa5: {  	s26 =	simm.s32 $execute0_lowered;
	[smem:$0x3FD2] =	sst s25  }
0xa6: {  	s4 =	sshll.u32 s26, $0x1;
	_ =	strace $0x80000049;
	[dreg:$0x1] =	wrdreg $0xFFFFFFFF  }
0xa7: {  	s28 =	simm.s32 $_size_execute0_lowered;
	s2 =	sadd.s32 s2, s4;
	[dreg:$0x0] =	wrdreg $0x0  }
0xa8: {  	s4 =	sshll.u32 s28, $0x1;
	[dreg:$0x2] =	wrdreg s2  }
0xa9: {  	[dreg:$0x3] =	wrdreg s4  }
0xaa: {  	[dreg:$0x4] =	wrdreg $0xC0  }
0xab: {  	_ =	task [dreg:s6], $0x5FFFF  }
0xac: {  	[dreg:$0x1] =	wrdreg $0xFFFFFFFF  }
0xad: {  	[dreg:$0x0] =	wrdreg $0x60  }
0xae: {  	[dreg:$0x2] =	wrdreg s24  }
0xaf: {  	[dreg:$0x3] =	wrdreg $0xA8000  }
0xb0: {  	[dreg:$0x4] =	wrdreg $0x9  }
0xb1: {  	_ =	task.clear_ibuf [dreg:s6], $0x5FFFF;
	_ =	strace $0x90000049  }
0xb2: {  	s29 =	simm.s32 $0x9;
	_ =	strace $0x8000004B  }
0xb3: {  	_ =	swait.ge [sflag:s29], $0x1  }
0xb4: {  	[sflag:s29] =	ssyncadd.s32 $0xFFFFFFFF  }
0xb5: {  	_ =	strace $0x9000004B  }
0xb6: {  	_ =	sfence  }
0xb7: {  	s30 =	sld [smem:$0x0];
	_ =	sdelay $0x2  }
0xb8: {  	s31 =	sshll.u32 s1, $0xD;
	s1 =	sshrl.u32 s1, $0x2  }
0xb9: {  	s3 =	sand.u32 $0x4000, s31;
	s1 =	sadd.s32 s1, s30  }
0xba: {  	s0 =	sor.u32 s3, s0;
	s1 =	sshll.u32 s1, $0x11  }
0xbb: {  	s0 =	sor.u32 s1, s0  }
0xbc: {  	s0 =	sadd.s32 $0x8F2B, s0  }
0xbd: {  	[sflag:s0] =	ssyncadd.remote.s32 $0x1  }
0xbe: {  	_ =	sfence.sel $0xFFFF  }
0xbf: {  	[dreg:$0x0] =	wrdreg $0xFFFFFFFF;
	(pc) =	sbr.abs _section_cstart, $3  }
0xc0: {  	[dreg:$0x1] =	wrdreg $0xFFFFFFFF  }
0xc1: {  	_ =	task.clear_ibuf [dreg:s6], $0x2FFFF;
	_ =	strace $0x9FFFFFFF  }
0xc2: {  	(tm) =	ssettm $0x7FFFFFFF  }
0xc3: {  	_ =	shalt  }
tec
execute0_lowered:
.L_overlay_start_1:
0x0: {  	(tag) =	ssettag $0x1  }
0x1: {  	s0 =	srdreg.scid;
	s1 =	rddreg [dreg:$0x0]  }
0x2: {  	s7 =	stileid.u32;
	s2 =	rddreg [dreg:$0x1];
	s6 =	simm.s32 $0x0  }
0x3: {  	s14 =	simm.s32 $0x9;
	s15 =	simm.s32 $0x40;
	s16 =	simm.s32 $0x2800  }
0x4: {  	s17 =	simm.s32 $0x100;
	s18 =	simm.s32 $0x4800;
	s28 =	simm.s32 $0x3  }
0x5: {  	s29 =	simm.s32 $0x280;
	s30 =	simm.s32 $0x4;
	s4 =	smul.u32 $0xA0, s7  }
0x6: {  	s31 =	simm.s32 $0x380;
	s0 =	sand.u32 $0x1, s0;
	s19 =	smul.u32 $0x13C00, s7  }
0x7: {  	[smem:$0x7FF] =	sst s6;
	s20 =	smul.u32 $0x4F000, s7;
	s8 =	sadd.s32 $0xD800, s1  }
0x8: {  	s23 =	sshll.u32 s7, $0x6;
	s7 =	simm.s32 $0x0;
	s3 =	smul.u32 $0xA00, s0  }
0x9: {  	s5 =	smul.u32 $0x13C000, s0;
	_ =	strace $0x8000004A;
	s0 =	ssub.s32 $0x2, s0  }
0xa: {  	[dreg:$0x3] =	wrdreg s8;
	s21 =	sshrl.u32 s0, $0x1;
	s6 =	sshrl.u32 s20, $0x2  }
0xb: {  	s20 =	simm.s32 $0x6800;
	s3 =	sadd.s32 s4, s3;
	s4 =	sadd.s32 $0x87000, s1  }
0xc: {  	s5 =	sadd.s32 s19, s5;
	s0 =	ssub.s32 s0, s21;
	s22 =	sadd.s32 s6, s2  }
0xd: {  	s6 =	sor.u32 $0x1C09, s23;
	s19 =	simm.s32 $0x200;
	s21 =	simm.s32 $0x300  }
0xe: {  	s23 =	simm.s32 $0x1;
	s3 =	sshll.u32 s3, $0x5;
	s5 =	sshrl.u32 s5, $0x3  }
0xf: {  	s12 =	smax.u32 s0, $0x1;
	s13 =	sshrl.u32 s22, $0x3;
	s3 =	sadd.s32 s3, s1  }
0x10: {  	s22 =	simm.s32 $0x8800;
	s0 =	simm.s32 $0x6;
	s24 =	sadd.s32 $0x5F000, s3  }
0x11: {  	s1 =	sadd.s32 s5, s1;
	s25 =	sadd.s32 $0x5F500, s3;
	[dreg:$0x4] =	wrdreg s24  }
0x12: {  	s5 =	simm.s32 $0x8;
	s26 =	sadd.s32 $0x5FA00, s3;
	[dreg:$0x5] =	wrdreg s25  }
0x13: {  	s3 =	sadd.s32 $0x5FF00, s3;
	s11 =	sadd.s32 $0xD5200, s1;
	[dreg:$0x6] =	wrdreg s26  }
0x14: {  	s1 =	simm.s32 $0x5;
	[dreg:$0x7] =	wrdreg s3;
	s24 =	simm.s32 $0x80  }
0x15: {  	s25 =	simm.s32 $0x2;
	s26 =	simm.s32 $0x180;
	s3 =	simm.s32 $0x7  }
.LBB2_1:
0x16: {  	s8 =	rddreg [dreg:$0x3]  }
0x17: {  	[spmem:s13], [sflag:s6] =	dma.local [hbm:s8], $0x2780  }
0x18: {  	_ =	swait.ge [sflag:s14], $0x2780  }
0x19: {  	[sflag:s14] =	ssyncset.done $0x0  }
0x1a: {  	[sflag:s14] =	ssyncadd.s32 $0xFFFFD880  }
0x1b: {  	[bflag:$0x0] =	sbarrier.arrive $0xFFFF  }
0x1c: {  	s10 =	simm.s32 $0x0;
	s9 =	rddreg [dreg:$0x4]  }
0x1d: {  	[tilespmem:s10], [sflag:$0x9] =	stream.linear.gather [hbm4b:s9+s10], $0x2800, $0x38;
	[tilespmem:$0x1E400] =	vst v63  }
0x1e: {  	_ =	swait.ge [sflag:s14], $0x2800  }
0x1f: {  	[sflag:s14] =	ssyncset.done $0x0  }
0x20: {  	[sflag:s14] =	ssyncadd.s32 $0xFFFFD800  }
0x21: {  	[tilespmem:s16], [sflag:$0x1] =	stream.indirect.gather [hbm4b:s4+s15], $0x80, s10, s15, $0xb8;
	[tilespmem:$0x1E400] =	vst v63  }
0x22: {  	_ = 	snop  }
0x23: {  	[tilespmem:s18], [sflag:$0x2] =	stream.indirect.gather [hbm4b:s4+s15], $0x80, s17, s15, $0xb8;
	[tilespmem:$0x1E400] =	vst v63  }
0x24: {  	_ = 	snop  }
0x25: {  	[tilespmem:s20], [sflag:$0x3] =	stream.indirect.gather [hbm4b:s4+s15], $0x80, s19, s15, $0xb8;
	[tilespmem:$0x1E400] =	vst v63  }
0x26: {  	_ = 	snop  }
0x27: {  	[tilespmem:s22], [sflag:$0x4] =	stream.indirect.gather [hbm4b:s4+s15], $0x80, s21, s15, $0xb8;
	[tilespmem:$0x1E400] =	vst v63  }
0x28: {  	_ =	swait.ge [sflag:s23], $0x2000  }
0x29: {  	[sflag:s23] =	ssyncset.done $0x0  }
0x2a: {  	[sflag:s23] =	ssyncadd.s32 $0xFFFFE000  }
0x2b: {  	[spmem:s2] =	stream.indirect.scatter.add.f32 [tilespmem:s16], [sflag:$0x5], $0x80, s24, s15, $0xb8;
	[tilespmem:$0x1E400] =	vst v63  }
0x2c: {  	_ =	swait.ge [sflag:s25], $0x2000  }
0x2d: {  	[sflag:s25] =	ssyncset.done $0x0  }
0x2e: {  	[sflag:s25] =	ssyncadd.s32 $0xFFFFE000  }
0x2f: {  	[spmem:s2] =	stream.indirect.scatter.add.f32 [tilespmem:s18], [sflag:$0x6], $0x80, s26, s15, $0xb8;
	[tilespmem:$0x1E400] =	vst v63  }
0x30: {  	_ =	swait.ge [sflag:s28], $0x2000  }
0x31: {  	[sflag:s28] =	ssyncset.done $0x0  }
0x32: {  	[sflag:s28] =	ssyncadd.s32 $0xFFFFE000  }
0x33: {  	[spmem:s2] =	stream.indirect.scatter.add.f32 [tilespmem:s20], [sflag:$0x7], $0x80, s29, s15, $0xb8;
	[tilespmem:$0x1E400] =	vst v63  }
0x34: {  	_ =	swait.ge [sflag:s30], $0x2000  }
0x35: {  	[sflag:s30] =	ssyncset.done $0x0  }
0x36: {  	[sflag:s30] =	ssyncadd.s32 $0xFFFFE000  }
0x37: {  	[spmem:s2] =	stream.indirect.scatter.add.f32 [tilespmem:s22], [sflag:$0x8], $0x80, s31, s15, $0xb8;
	[tilespmem:$0x1E400] =	vst v63  }
0x38: {  	_ =	swait.ge [sflag:s1], $0x2000  }
0x39: {  	[sflag:s1] =	ssyncset.done $0x0  }
0x3a: {  	s10 =	simm.s32 $0x400;
	[sflag:s1] =	ssyncadd.s32 $0xFFFFE000  }
0x3b: {  	[tilespmem:s16], [sflag:$0x1] =	stream.indirect.gather [hbm4b:s4+s15], $0x80, s10, s15, $0xb8;
	[tilespmem:$0x1E400] =	vst v63  }
0x3c: {  	_ =	swait.ge [sflag:s0], $0x2000  }
0x3d: {  	[sflag:s0] =	ssyncset.done $0x0  }
0x3e: {  	s9 =	simm.s32 $0x500;
	[sflag:s0] =	ssyncadd.s32 $0xFFFFE000  }
0x3f: {  	[tilespmem:s18], [sflag:$0x2] =	stream.indirect.gather [hbm4b:s4+s15], $0x80, s9, s15, $0xb8;
	[tilespmem:$0x1E400] =	vst v63  }
0x40: {  	_ =	swait.ge [sflag:s3], $0x2000  }
0x41: {  	[sflag:s3] =	ssyncset.done $0x0  }
0x42: {  	s10 =	simm.s32 $0x600;
	[sflag:s3] =	ssyncadd.s32 $0xFFFFE000  }
0x43: {  	[tilespmem:s20], [sflag:$0x3] =	stream.indirect.gather [hbm4b:s4+s15], $0x80, s10, s15, $0xb8;
	[tilespmem:$0x1E400] =	vst v63  }
0x44: {  	_ =	swait.ge [sflag:s5], $0x2000  }
0x45: {  	[sflag:s5] =	ssyncset.done $0x0  }
0x46: {  	s9 =	simm.s32 $0x700;
	[sflag:s5] =	ssyncadd.s32 $0xFFFFE000  }
0x47: {  	[tilespmem:s22], [sflag:$0x4] =	stream.indirect.gather [hbm4b:s4+s15], $0x80, s9, s15, $0xb8;
	[tilespmem:$0x1E400] =	vst v63  }
0x48: {  	_ =	swait.ge [sflag:s23], $0x2000  }
0x49: {  	[sflag:s23] =	ssyncset.done $0x0  }
0x4a: {  	s10 =	simm.s32 $0x480;
	[sflag:s23] =	ssyncadd.s32 $0xFFFFE000  }
0x4b: {  	[spmem:s2] =	stream.indirect.scatter.add.f32 [tilespmem:s16], [sflag:$0x5], $0x80, s10, s15, $0xb8;
	[tilespmem:$0x1E400] =	vst v63  }
0x4c: {  	_ =	swait.ge [sflag:s25], $0x2000  }
0x4d: {  	[sflag:s25] =	ssyncset.done $0x0  }
0x4e: {  	s9 =	simm.s32 $0x580;
	[sflag:s25] =	ssyncadd.s32 $0xFFFFE000  }
0x4f: {  	[spmem:s2] =	stream.indirect.scatter.add.f32 [tilespmem:s18], [sflag:$0x6], $0x80, s9, s15, $0xb8;
	[tilespmem:$0x1E400] =	vst v63  }
0x50: {  	_ =	swait.ge [sflag:s28], $0x2000  }
0x51: {  	[sflag:s28] =	ssyncset.done $0x0  }
0x52: {  	s10 =	simm.s32 $0x680;
	[sflag:s28] =	ssyncadd.s32 $0xFFFFE000  }
0x53: {  	[spmem:s2] =	stream.indirect.scatter.add.f32 [tilespmem:s20], [sflag:$0x7], $0x80, s10, s15, $0xb8;
	[tilespmem:$0x1E400] =	vst v63  }
0x54: {  	_ =	swait.ge [sflag:s30], $0x2000  }
0x55: {  	[sflag:s30] =	ssyncset.done $0x0  }
0x56: {  	s8 =	simm.s32 $0x1000;
	s9 =	simm.s32 $0x780;
	[sflag:s30] =	ssyncadd.s32 $0xFFFFE000  }
.LBB2_2:
0x57: {  	[spmem:s2] =	stream.indirect.scatter.add.f32 [tilespmem:s22], [sflag:$0x8], $0x80, s9, s15, $0xb8;
	[tilespmem:$0x1E400] =	vst v63  }
0x58: {  	s9 =	smov.u32 s8  }
0x59: {  	p0 =	sne.s32 s8, $0x8000;
	s8 =	sadd.s32 $0x1000, s8;
	_ =	swait.ge [sflag:s1], $0x2000  }
0x5a: {  	s9 =	sshra.s32 s9, $0x2;
	[sflag:s1] =	ssyncset.done $0x0  }
0x5b: {  	s10 =	sadd.s32 $0x400, s9;
	[sflag:s1] =	ssyncadd.s32 $0xFFFFE000  }
0x5c: {  	[tilespmem:s16], [sflag:$0x1] =	stream.indirect.gather [hbm4b:s4+s15], $0x80, s10, s15, $0xb8;
	[tilespmem:$0x1E400] =	vst v63  }
0x5d: {  	_ =	swait.ge [sflag:s0], $0x2000  }
0x5e: {  	[sflag:s0] =	ssyncset.done $0x0  }
0x5f: {  	s10 =	sadd.s32 $0x500, s9;
	[sflag:s0] =	ssyncadd.s32 $0xFFFFE000  }
0x60: {  	[tilespmem:s18], [sflag:$0x2] =	stream.indirect.gather [hbm4b:s4+s15], $0x80, s10, s15, $0xb8;
	[tilespmem:$0x1E400] =	vst v63  }
0x61: {  	_ =	swait.ge [sflag:s3], $0x2000  }
0x62: {  	[sflag:s3] =	ssyncset.done $0x0  }
0x63: {  	s10 =	sadd.s32 $0x600, s9;
	[sflag:s3] =	ssyncadd.s32 $0xFFFFE000  }
0x64: {  	[tilespmem:s20], [sflag:$0x3] =	stream.indirect.gather [hbm4b:s4+s15], $0x80, s10, s15, $0xb8;
	[tilespmem:$0x1E400] =	vst v63  }
0x65: {  	_ =	swait.ge [sflag:s5], $0x2000  }
0x66: {  	[sflag:s5] =	ssyncset.done $0x0  }
0x67: {  	s10 =	sadd.s32 $0x700, s9;
	[sflag:s5] =	ssyncadd.s32 $0xFFFFE000  }
0x68: {  	[tilespmem:s22], [sflag:$0x4] =	stream.indirect.gather [hbm4b:s4+s15], $0x80, s10, s15, $0xb8;
	[tilespmem:$0x1E400] =	vst v63  }
0x69: {  	_ =	swait.ge [sflag:s23], $0x2000  }
0x6a: {  	[sflag:s23] =	ssyncset.done $0x0  }
0x6b: {  	s10 =	sadd.s32 $0x480, s9;
	[sflag:s23] =	ssyncadd.s32 $0xFFFFE000  }
0x6c: {  	[spmem:s2] =	stream.indirect.scatter.add.f32 [tilespmem:s16], [sflag:$0x5], $0x80, s10, s15, $0xb8;
	[tilespmem:$0x1E400] =	vst v63  }
0x6d: {  	_ =	swait.ge [sflag:s25], $0x2000  }
0x6e: {  	[sflag:s25] =	ssyncset.done $0x0  }
0x6f: {  	s10 =	sadd.s32 $0x580, s9;
	[sflag:s25] =	ssyncadd.s32 $0xFFFFE000  }
0x70: {  	[spmem:s2] =	stream.indirect.scatter.add.f32 [tilespmem:s18], [sflag:$0x6], $0x80, s10, s15, $0xb8;
	[tilespmem:$0x1E400] =	vst v63  }
0x71: {  	_ =	swait.ge [sflag:s28], $0x2000  }
0x72: {  	[sflag:s28] =	ssyncset.done $0x0  }
.Ltmp0:
0x73: {  	s10 =	sadd.s32 $0x680, s9;
	[sflag:s28] =	ssyncadd.s32 $0xFFFFE000;
	(pc) =	sbr.rel @p0 .LBB2_2-.Ltmp0, $4  }
0x74: {  	[spmem:s2] =	stream.indirect.scatter.add.f32 [tilespmem:s20], [sflag:$0x7], $0x80, s10, s15, $0xb8;
	[tilespmem:$0x1E400] =	vst v63  }
0x75: {  	_ =	swait.ge [sflag:s30], $0x2000  }
0x76: {  	[sflag:s30] =	ssyncset.done $0x0  }
0x77: {  	s9 =	sadd.s32 $0x780, s9;
	[sflag:s30] =	ssyncadd.s32 $0xFFFFE000  }
0x78: {  	[spmem:s2] =	stream.indirect.scatter.add.f32 [tilespmem:s22], [sflag:$0x8], $0x80, s9, s15, $0xb8;
	[tilespmem:$0x1E400] =	vst v63  }
0x79: {  	_ =	swait.ge [sflag:s1], $0x2000  }
0x7a: {  	[sflag:s1] =	ssyncset.done $0x0  }
0x7b: {  	[sflag:s1] =	ssyncadd.s32 $0xFFFFE000  }
0x7c: {  	_ =	swait.ge [sflag:s0], $0x2000  }
0x7d: {  	[sflag:s0] =	ssyncset.done $0x0  }
0x7e: {  	[sflag:s0] =	ssyncadd.s32 $0xFFFFE000  }
0x7f: {  	_ =	swait.ge [sflag:s3], $0x2000  }
0x80: {  	[sflag:s3] =	ssyncset.done $0x0  }
0x81: {  	[sflag:s3] =	ssyncadd.s32 $0xFFFFE000  }
0x82: {  	_ =	swait.ge [sflag:s5], $0x2000  }
0x83: {  	[sflag:s5] =	ssyncset.done $0x0  }
0x84: {  	s8 =	simm.s32 $0x0;
	s10 =	rddreg [dreg:$0x5];
	[sflag:s5] =	ssyncadd.s32 $0xFFFFE000  }
0x85: {  	[tilespmem:s8], [sflag:$0x9] =	stream.linear.gather [hbm4b:s10+s8], $0x2800, $0x38;
	[tilespmem:$0x1E400] =	vst v63  }
0x86: {  	_ =	swait.ge [sflag:s14], $0x2800  }
0x87: {  	[sflag:s14] =	ssyncset.done $0x0  }
0x88: {  	[sflag:s14] =	ssyncadd.s32 $0xFFFFD800  }
0x89: {  	[tilespmem:s16], [sflag:$0x1] =	stream.indirect.gather [hbm4b:s4+s15], $0x80, s8, s15, $0xb8;
	[tilespmem:$0x1E400] =	vst v63  }
0x8a: {  	_ = 	snop  }
0x8b: {  	[tilespmem:s18], [sflag:$0x2] =	stream.indirect.gather [hbm4b:s4+s15], $0x80, s17, s15, $0xb8;
	[tilespmem:$0x1E400] =	vst v63  }
0x8c: {  	_ = 	snop  }
0x8d: {  	[tilespmem:s20], [sflag:$0x3] =	stream.indirect.gather [hbm4b:s4+s15], $0x80, s19, s15, $0xb8;
	[tilespmem:$0x1E400] =	vst v63  }
0x8e: {  	_ = 	snop  }
0x8f: {  	[tilespmem:s22], [sflag:$0x4] =	stream.indirect.gather [hbm4b:s4+s15], $0x80, s21, s15, $0xb8;
	[tilespmem:$0x1E400] =	vst v63  }
0x90: {  	_ =	swait.ge [sflag:s23], $0x2000  }
0x91: {  	[sflag:s23] =	ssyncset.done $0x0  }
0x92: {  	[sflag:s23] =	ssyncadd.s32 $0xFFFFE000  }
0x93: {  	[spmem:s2] =	stream.indirect.scatter.add.f32 [tilespmem:s16], [sflag:$0x5], $0x80, s24, s15, $0xb8;
	[tilespmem:$0x1E400] =	vst v63  }
0x94: {  	_ =	swait.ge [sflag:s25], $0x2000  }
0x95: {  	[sflag:s25] =	ssyncset.done $0x0  }
0x96: {  	[sflag:s25] =	ssyncadd.s32 $0xFFFFE000  }
0x97: {  	[spmem:s2] =	stream.indirect.scatter.add.f32 [tilespmem:s18], [sflag:$0x6], $0x80, s26, s15, $0xb8;
	[tilespmem:$0x1E400] =	vst v63  }
0x98: {  	_ =	swait.ge [sflag:s28], $0x2000  }
0x99: {  	[sflag:s28] =	ssyncset.done $0x0  }
0x9a: {  	[sflag:s28] =	ssyncadd.s32 $0xFFFFE000  }
0x9b: {  	[spmem:s2] =	stream.indirect.scatter.add.f32 [tilespmem:s20], [sflag:$0x7], $0x80, s29, s15, $0xb8;
	[tilespmem:$0x1E400] =	vst v63  }
0x9c: {  	_ =	swait.ge [sflag:s30], $0x2000  }
0x9d: {  	[sflag:s30] =	ssyncset.done $0x0  }
0x9e: {  	[sflag:s30] =	ssyncadd.s32 $0xFFFFE000  }
0x9f: {  	[spmem:s2] =	stream.indirect.scatter.add.f32 [tilespmem:s22], [sflag:$0x8], $0x80, s31, s15, $0xb8;
	[tilespmem:$0x1E400] =	vst v63  }
0xa0: {  	_ =	swait.ge [sflag:s1], $0x2000  }
0xa1: {  	[sflag:s1] =	ssyncset.done $0x0  }
0xa2: {  	s10 =	simm.s32 $0x400;
	[sflag:s1] =	ssyncadd.s32 $0xFFFFE000  }
0xa3: {  	[tilespmem:s16], [sflag:$0x1] =	stream.indirect.gather [hbm4b:s4+s15], $0x80, s10, s15, $0xb8;
	[tilespmem:$0x1E400] =	vst v63  }
0xa4: {  	_ =	swait.ge [sflag:s0], $0x2000  }
0xa5: {  	[sflag:s0] =	ssyncset.done $0x0  }
0xa6: {  	s9 =	simm.s32 $0x500;
	[sflag:s0] =	ssyncadd.s32 $0xFFFFE000  }
0xa7: {  	[tilespmem:s18], [sflag:$0x2] =	stream.indirect.gather [hbm4b:s4+s15], $0x80, s9, s15, $0xb8;
	[tilespmem:$0x1E400] =	vst v63  }
0xa8: {  	_ =	swait.ge [sflag:s3], $0x2000  }
0xa9: {  	[sflag:s3] =	ssyncset.done $0x0  }
0xaa: {  	s10 =	simm.s32 $0x600;
	[sflag:s3] =	ssyncadd.s32 $0xFFFFE000  }
0xab: {  	[tilespmem:s20], [sflag:$0x3] =	stream.indirect.gather [hbm4b:s4+s15], $0x80, s10, s15, $0xb8;
	[tilespmem:$0x1E400] =	vst v63  }
0xac: {  	_ =	swait.ge [sflag:s5], $0x2000  }
0xad: {  	[sflag:s5] =	ssyncset.done $0x0  }
0xae: {  	s9 =	simm.s32 $0x700;
	[sflag:s5] =	ssyncadd.s32 $0xFFFFE000  }
0xaf: {  	[tilespmem:s22], [sflag:$0x4] =	stream.indirect.gather [hbm4b:s4+s15], $0x80, s9, s15, $0xb8;
	[tilespmem:$0x1E400] =	vst v63  }
0xb0: {  	_ =	swait.ge [sflag:s23], $0x2000  }
0xb1: {  	[sflag:s23] =	ssyncset.done $0x0  }
0xb2: {  	s10 =	simm.s32 $0x480;
	[sflag:s23] =	ssyncadd.s32 $0xFFFFE000  }
0xb3: {  	[spmem:s2] =	stream.indirect.scatter.add.f32 [tilespmem:s16], [sflag:$0x5], $0x80, s10, s15, $0xb8;
	[tilespmem:$0x1E400] =	vst v63  }
0xb4: {  	_ =	swait.ge [sflag:s25], $0x2000  }
0xb5: {  	[sflag:s25] =	ssyncset.done $0x0  }
0xb6: {  	s9 =	simm.s32 $0x580;
	[sflag:s25] =	ssyncadd.s32 $0xFFFFE000  }
0xb7: {  	[spmem:s2] =	stream.indirect.scatter.add.f32 [tilespmem:s18], [sflag:$0x6], $0x80, s9, s15, $0xb8;
	[tilespmem:$0x1E400] =	vst v63  }
0xb8: {  	_ =	swait.ge [sflag:s28], $0x2000  }
0xb9: {  	[sflag:s28] =	ssyncset.done $0x0  }
0xba: {  	s10 =	simm.s32 $0x680;
	[sflag:s28] =	ssyncadd.s32 $0xFFFFE000  }
0xbb: {  	[spmem:s2] =	stream.indirect.scatter.add.f32 [tilespmem:s20], [sflag:$0x7], $0x80, s10, s15, $0xb8;
	[tilespmem:$0x1E400] =	vst v63  }
0xbc: {  	_ =	swait.ge [sflag:s30], $0x2000  }
0xbd: {  	[sflag:s30] =	ssyncset.done $0x0  }
0xbe: {  	s8 =	simm.s32 $0x1000;
	s9 =	simm.s32 $0x780;
	[sflag:s30] =	ssyncadd.s32 $0xFFFFE000  }
.LBB2_4:
0xbf: {  	[spmem:s2] =	stream.indirect.scatter.add.f32 [tilespmem:s22], [sflag:$0x8], $0x80, s9, s15, $0xb8;
	[tilespmem:$0x1E400] =	vst v63  }
0xc0: {  	s9 =	smov.u32 s8  }
0xc1: {  	p0 =	sne.s32 s8, $0x8000;
	s8 =	sadd.s32 $0x1000, s8;
	_ =	swait.ge [sflag:s1], $0x2000  }
0xc2: {  	s9 =	sshra.s32 s9, $0x2;
	[sflag:s1] =	ssyncset.done $0x0  }
0xc3: {  	s10 =	sadd.s32 $0x400, s9;
	[sflag:s1] =	ssyncadd.s32 $0xFFFFE000  }
0xc4: {  	[tilespmem:s16], [sflag:$0x1] =	stream.indirect.gather [hbm4b:s4+s15], $0x80, s10, s15, $0xb8;
	[tilespmem:$0x1E400] =	vst v63  }
0xc5: {  	_ =	swait.ge [sflag:s0], $0x2000  }
0xc6: {  	[sflag:s0] =	ssyncset.done $0x0  }
0xc7: {  	s10 =	sadd.s32 $0x500, s9;
	[sflag:s0] =	ssyncadd.s32 $0xFFFFE000  }
0xc8: {  	[tilespmem:s18], [sflag:$0x2] =	stream.indirect.gather [hbm4b:s4+s15], $0x80, s10, s15, $0xb8;
	[tilespmem:$0x1E400] =	vst v63  }
0xc9: {  	_ =	swait.ge [sflag:s3], $0x2000  }
0xca: {  	[sflag:s3] =	ssyncset.done $0x0  }
0xcb: {  	s10 =	sadd.s32 $0x600, s9;
	[sflag:s3] =	ssyncadd.s32 $0xFFFFE000  }
0xcc: {  	[tilespmem:s20], [sflag:$0x3] =	stream.indirect.gather [hbm4b:s4+s15], $0x80, s10, s15, $0xb8;
	[tilespmem:$0x1E400] =	vst v63  }
0xcd: {  	_ =	swait.ge [sflag:s5], $0x2000  }
0xce: {  	[sflag:s5] =	ssyncset.done $0x0  }
0xcf: {  	s10 =	sadd.s32 $0x700, s9;
	[sflag:s5] =	ssyncadd.s32 $0xFFFFE000  }
0xd0: {  	[tilespmem:s22], [sflag:$0x4] =	stream.indirect.gather [hbm4b:s4+s15], $0x80, s10, s15, $0xb8;
	[tilespmem:$0x1E400] =	vst v63  }
0xd1: {  	_ =	swait.ge [sflag:s23], $0x2000  }
0xd2: {  	[sflag:s23] =	ssyncset.done $0x0  }
0xd3: {  	s10 =	sadd.s32 $0x480, s9;
	[sflag:s23] =	ssyncadd.s32 $0xFFFFE000  }
0xd4: {  	[spmem:s2] =	stream.indirect.scatter.add.f32 [tilespmem:s16], [sflag:$0x5], $0x80, s10, s15, $0xb8;
	[tilespmem:$0x1E400] =	vst v63  }
0xd5: {  	_ =	swait.ge [sflag:s25], $0x2000  }
0xd6: {  	[sflag:s25] =	ssyncset.done $0x0  }
0xd7: {  	s10 =	sadd.s32 $0x580, s9;
	[sflag:s25] =	ssyncadd.s32 $0xFFFFE000  }
0xd8: {  	[spmem:s2] =	stream.indirect.scatter.add.f32 [tilespmem:s18], [sflag:$0x6], $0x80, s10, s15, $0xb8;
	[tilespmem:$0x1E400] =	vst v63  }
0xd9: {  	_ =	swait.ge [sflag:s28], $0x2000  }
0xda: {  	[sflag:s28] =	ssyncset.done $0x0  }
.Ltmp1:
0xdb: {  	s10 =	sadd.s32 $0x680, s9;
	[sflag:s28] =	ssyncadd.s32 $0xFFFFE000;
	(pc) =	sbr.rel @p0 .LBB2_4-.Ltmp1, $4  }
0xdc: {  	[spmem:s2] =	stream.indirect.scatter.add.f32 [tilespmem:s20], [sflag:$0x7], $0x80, s10, s15, $0xb8;
	[tilespmem:$0x1E400] =	vst v63  }
0xdd: {  	_ =	swait.ge [sflag:s30], $0x2000  }
0xde: {  	[sflag:s30] =	ssyncset.done $0x0  }
0xdf: {  	s9 =	sadd.s32 $0x780, s9;
	[sflag:s30] =	ssyncadd.s32 $0xFFFFE000  }
0xe0: {  	[spmem:s2] =	stream.indirect.scatter.add.f32 [tilespmem:s22], [sflag:$0x8], $0x80, s9, s15, $0xb8;
	[tilespmem:$0x1E400] =	vst v63  }
0xe1: {  	_ =	swait.ge [sflag:s1], $0x2000  }
0xe2: {  	[sflag:s1] =	ssyncset.done $0x0  }
0xe3: {  	[sflag:s1] =	ssyncadd.s32 $0xFFFFE000  }
0xe4: {  	_ =	swait.ge [sflag:s0], $0x2000  }
0xe5: {  	[sflag:s0] =	ssyncset.done $0x0  }
0xe6: {  	[sflag:s0] =	ssyncadd.s32 $0xFFFFE000  }
0xe7: {  	_ =	swait.ge [sflag:s3], $0x2000  }
0xe8: {  	[sflag:s3] =	ssyncset.done $0x0  }
0xe9: {  	[sflag:s3] =	ssyncadd.s32 $0xFFFFE000  }
0xea: {  	_ =	swait.ge [sflag:s5], $0x2000  }
0xeb: {  	[sflag:s5] =	ssyncset.done $0x0  }
0xec: {  	s8 =	simm.s32 $0x0;
	s10 =	rddreg [dreg:$0x6];
	[sflag:s5] =	ssyncadd.s32 $0xFFFFE000  }
0xed: {  	[tilespmem:s8], [sflag:$0x9] =	stream.linear.gather [hbm4b:s10+s8], $0x2800, $0x38;
	[tilespmem:$0x1E400] =	vst v63  }
0xee: {  	_ =	swait.ge [sflag:s14], $0x2800  }
0xef: {  	[sflag:s14] =	ssyncset.done $0x0  }
0xf0: {  	[sflag:s14] =	ssyncadd.s32 $0xFFFFD800  }
0xf1: {  	[tilespmem:s16], [sflag:$0x1] =	stream.indirect.gather [hbm4b:s4+s15], $0x80, s8, s15, $0xb8;
	[tilespmem:$0x1E400] =	vst v63  }
0xf2: {  	_ = 	snop  }
0xf3: {  	[tilespmem:s18], [sflag:$0x2] =	stream.indirect.gather [hbm4b:s4+s15], $0x80, s17, s15, $0xb8;
	[tilespmem:$0x1E400] =	vst v63  }
0xf4: {  	_ = 	snop  }
0xf5: {  	[tilespmem:s20], [sflag:$0x3] =	stream.indirect.gather [hbm4b:s4+s15], $0x80, s19, s15, $0xb8;
	[tilespmem:$0x1E400] =	vst v63  }
0xf6: {  	_ = 	snop  }
0xf7: {  	[tilespmem:s22], [sflag:$0x4] =	stream.indirect.gather [hbm4b:s4+s15], $0x80, s21, s15, $0xb8;
	[tilespmem:$0x1E400] =	vst v63  }
0xf8: {  	_ =	swait.ge [sflag:s23], $0x2000  }
0xf9: {  	[sflag:s23] =	ssyncset.done $0x0  }
0xfa: {  	[sflag:s23] =	ssyncadd.s32 $0xFFFFE000  }
0xfb: {  	[spmem:s2] =	stream.indirect.scatter.add.f32 [tilespmem:s16], [sflag:$0x5], $0x80, s24, s15, $0xb8;
	[tilespmem:$0x1E400] =	vst v63  }
0xfc: {  	_ =	swait.ge [sflag:s25], $0x2000  }
0xfd: {  	[sflag:s25] =	ssyncset.done $0x0  }
0xfe: {  	[sflag:s25] =	ssyncadd.s32 $0xFFFFE000  }
0xff: {  	[spmem:s2] =	stream.indirect.scatter.add.f32 [tilespmem:s18], [sflag:$0x6], $0x80, s26, s15, $0xb8;
	[tilespmem:$0x1E400] =	vst v63  }
0x100: {  	_ =	swait.ge [sflag:s28], $0x2000  }
0x101: {  	[sflag:s28] =	ssyncset.done $0x0  }
0x102: {  	[sflag:s28] =	ssyncadd.s32 $0xFFFFE000  }
0x103: {  	[spmem:s2] =	stream.indirect.scatter.add.f32 [tilespmem:s20], [sflag:$0x7], $0x80, s29, s15, $0xb8;
	[tilespmem:$0x1E400] =	vst v63  }
0x104: {  	_ =	swait.ge [sflag:s30], $0x2000  }
0x105: {  	[sflag:s30] =	ssyncset.done $0x0  }
0x106: {  	[sflag:s30] =	ssyncadd.s32 $0xFFFFE000  }
0x107: {  	[spmem:s2] =	stream.indirect.scatter.add.f32 [tilespmem:s22], [sflag:$0x8], $0x80, s31, s15, $0xb8;
	[tilespmem:$0x1E400] =	vst v63  }
0x108: {  	_ =	swait.ge [sflag:s1], $0x2000  }
0x109: {  	[sflag:s1] =	ssyncset.done $0x0  }
0x10a: {  	s10 =	simm.s32 $0x400;
	[sflag:s1] =	ssyncadd.s32 $0xFFFFE000  }
0x10b: {  	[tilespmem:s16], [sflag:$0x1] =	stream.indirect.gather [hbm4b:s4+s15], $0x80, s10, s15, $0xb8;
	[tilespmem:$0x1E400] =	vst v63  }
0x10c: {  	_ =	swait.ge [sflag:s0], $0x2000  }
0x10d: {  	[sflag:s0] =	ssyncset.done $0x0  }
0x10e: {  	s9 =	simm.s32 $0x500;
	[sflag:s0] =	ssyncadd.s32 $0xFFFFE000  }
0x10f: {  	[tilespmem:s18], [sflag:$0x2] =	stream.indirect.gather [hbm4b:s4+s15], $0x80, s9, s15, $0xb8;
	[tilespmem:$0x1E400] =	vst v63  }
0x110: {  	_ =	swait.ge [sflag:s3], $0x2000  }
0x111: {  	[sflag:s3] =	ssyncset.done $0x0  }
0x112: {  	s10 =	simm.s32 $0x600;
	[sflag:s3] =	ssyncadd.s32 $0xFFFFE000  }
0x113: {  	[tilespmem:s20], [sflag:$0x3] =	stream.indirect.gather [hbm4b:s4+s15], $0x80, s10, s15, $0xb8;
	[tilespmem:$0x1E400] =	vst v63  }
0x114: {  	_ =	swait.ge [sflag:s5], $0x2000  }
0x115: {  	[sflag:s5] =	ssyncset.done $0x0  }
0x116: {  	s9 =	simm.s32 $0x700;
	[sflag:s5] =	ssyncadd.s32 $0xFFFFE000  }
0x117: {  	[tilespmem:s22], [sflag:$0x4] =	stream.indirect.gather [hbm4b:s4+s15], $0x80, s9, s15, $0xb8;
	[tilespmem:$0x1E400] =	vst v63  }
0x118: {  	_ =	swait.ge [sflag:s23], $0x2000  }
0x119: {  	[sflag:s23] =	ssyncset.done $0x0  }
0x11a: {  	s10 =	simm.s32 $0x480;
	[sflag:s23] =	ssyncadd.s32 $0xFFFFE000  }
0x11b: {  	[spmem:s2] =	stream.indirect.scatter.add.f32 [tilespmem:s16], [sflag:$0x5], $0x80, s10, s15, $0xb8;
	[tilespmem:$0x1E400] =	vst v63  }
0x11c: {  	_ =	swait.ge [sflag:s25], $0x2000  }
0x11d: {  	[sflag:s25] =	ssyncset.done $0x0  }
0x11e: {  	s9 =	simm.s32 $0x580;
	[sflag:s25] =	ssyncadd.s32 $0xFFFFE000  }
0x11f: {  	[spmem:s2] =	stream.indirect.scatter.add.f32 [tilespmem:s18], [sflag:$0x6], $0x80, s9, s15, $0xb8;
	[tilespmem:$0x1E400] =	vst v63  }
0x120: {  	_ =	swait.ge [sflag:s28], $0x2000  }
0x121: {  	[sflag:s28] =	ssyncset.done $0x0  }
0x122: {  	s10 =	simm.s32 $0x680;
	[sflag:s28] =	ssyncadd.s32 $0xFFFFE000  }
0x123: {  	[spmem:s2] =	stream.indirect.scatter.add.f32 [tilespmem:s20], [sflag:$0x7], $0x80, s10, s15, $0xb8;
	[tilespmem:$0x1E400] =	vst v63  }
0x124: {  	_ =	swait.ge [sflag:s30], $0x2000  }
0x125: {  	[sflag:s30] =	ssyncset.done $0x0  }
0x126: {  	s8 =	simm.s32 $0x1000;
	s9 =	simm.s32 $0x780;
	[sflag:s30] =	ssyncadd.s32 $0xFFFFE000  }
.LBB2_6:
0x127: {  	[spmem:s2] =	stream.indirect.scatter.add.f32 [tilespmem:s22], [sflag:$0x8], $0x80, s9, s15, $0xb8;
	[tilespmem:$0x1E400] =	vst v63  }
0x128: {  	s9 =	smov.u32 s8  }
0x129: {  	p0 =	sne.s32 s8, $0x8000;
	s8 =	sadd.s32 $0x1000, s8;
	_ =	swait.ge [sflag:s1], $0x2000  }
0x12a: {  	s9 =	sshra.s32 s9, $0x2;
	[sflag:s1] =	ssyncset.done $0x0  }
0x12b: {  	s10 =	sadd.s32 $0x400, s9;
	[sflag:s1] =	ssyncadd.s32 $0xFFFFE000  }
0x12c: {  	[tilespmem:s16], [sflag:$0x1] =	stream.indirect.gather [hbm4b:s4+s15], $0x80, s10, s15, $0xb8;
	[tilespmem:$0x1E400] =	vst v63  }
0x12d: {  	_ =	swait.ge [sflag:s0], $0x2000  }
0x12e: {  	[sflag:s0] =	ssyncset.done $0x0  }
0x12f: {  	s10 =	sadd.s32 $0x500, s9;
	[sflag:s0] =	ssyncadd.s32 $0xFFFFE000  }
0x130: {  	[tilespmem:s18], [sflag:$0x2] =	stream.indirect.gather [hbm4b:s4+s15], $0x80, s10, s15, $0xb8;
	[tilespmem:$0x1E400] =	vst v63  }
0x131: {  	_ =	swait.ge [sflag:s3], $0x2000  }
0x132: {  	[sflag:s3] =	ssyncset.done $0x0  }
0x133: {  	s10 =	sadd.s32 $0x600, s9;
	[sflag:s3] =	ssyncadd.s32 $0xFFFFE000  }
0x134: {  	[tilespmem:s20], [sflag:$0x3] =	stream.indirect.gather [hbm4b:s4+s15], $0x80, s10, s15, $0xb8;
	[tilespmem:$0x1E400] =	vst v63  }
0x135: {  	_ =	swait.ge [sflag:s5], $0x2000  }
0x136: {  	[sflag:s5] =	ssyncset.done $0x0  }
0x137: {  	s10 =	sadd.s32 $0x700, s9;
	[sflag:s5] =	ssyncadd.s32 $0xFFFFE000  }
0x138: {  	[tilespmem:s22], [sflag:$0x4] =	stream.indirect.gather [hbm4b:s4+s15], $0x80, s10, s15, $0xb8;
	[tilespmem:$0x1E400] =	vst v63  }
0x139: {  	_ =	swait.ge [sflag:s23], $0x2000  }
0x13a: {  	[sflag:s23] =	ssyncset.done $0x0  }
0x13b: {  	s10 =	sadd.s32 $0x480, s9;
	[sflag:s23] =	ssyncadd.s32 $0xFFFFE000  }
0x13c: {  	[spmem:s2] =	stream.indirect.scatter.add.f32 [tilespmem:s16], [sflag:$0x5], $0x80, s10, s15, $0xb8;
	[tilespmem:$0x1E400] =	vst v63  }
0x13d: {  	_ =	swait.ge [sflag:s25], $0x2000  }
0x13e: {  	[sflag:s25] =	ssyncset.done $0x0  }
0x13f: {  	s10 =	sadd.s32 $0x580, s9;
	[sflag:s25] =	ssyncadd.s32 $0xFFFFE000  }
0x140: {  	[spmem:s2] =	stream.indirect.scatter.add.f32 [tilespmem:s18], [sflag:$0x6], $0x80, s10, s15, $0xb8;
	[tilespmem:$0x1E400] =	vst v63  }
0x141: {  	_ =	swait.ge [sflag:s28], $0x2000  }
0x142: {  	[sflag:s28] =	ssyncset.done $0x0  }
.Ltmp2:
0x143: {  	s10 =	sadd.s32 $0x680, s9;
	[sflag:s28] =	ssyncadd.s32 $0xFFFFE000;
	(pc) =	sbr.rel @p0 .LBB2_6-.Ltmp2, $4  }
0x144: {  	[spmem:s2] =	stream.indirect.scatter.add.f32 [tilespmem:s20], [sflag:$0x7], $0x80, s10, s15, $0xb8;
	[tilespmem:$0x1E400] =	vst v63  }
0x145: {  	_ =	swait.ge [sflag:s30], $0x2000  }
0x146: {  	[sflag:s30] =	ssyncset.done $0x0  }
0x147: {  	s9 =	sadd.s32 $0x780, s9;
	[sflag:s30] =	ssyncadd.s32 $0xFFFFE000  }
0x148: {  	[spmem:s2] =	stream.indirect.scatter.add.f32 [tilespmem:s22], [sflag:$0x8], $0x80, s9, s15, $0xb8;
	[tilespmem:$0x1E400] =	vst v63  }
0x149: {  	_ =	swait.ge [sflag:s1], $0x2000  }
0x14a: {  	[sflag:s1] =	ssyncset.done $0x0  }
0x14b: {  	[sflag:s1] =	ssyncadd.s32 $0xFFFFE000  }
0x14c: {  	_ =	swait.ge [sflag:s0], $0x2000  }
0x14d: {  	[sflag:s0] =	ssyncset.done $0x0  }
0x14e: {  	[sflag:s0] =	ssyncadd.s32 $0xFFFFE000  }
0x14f: {  	_ =	swait.ge [sflag:s3], $0x2000  }
0x150: {  	[sflag:s3] =	ssyncset.done $0x0  }
0x151: {  	[sflag:s3] =	ssyncadd.s32 $0xFFFFE000  }
0x152: {  	_ =	swait.ge [sflag:s5], $0x2000  }
0x153: {  	[sflag:s5] =	ssyncset.done $0x0  }
0x154: {  	s8 =	simm.s32 $0x0;
	s10 =	rddreg [dreg:$0x7];
	[sflag:s5] =	ssyncadd.s32 $0xFFFFE000  }
0x155: {  	[tilespmem:s8], [sflag:$0x9] =	stream.linear.gather [hbm4b:s10+s8], $0x2800, $0x38;
	[tilespmem:$0x1E400] =	vst v63  }
0x156: {  	_ =	swait.ge [sflag:s14], $0x2800  }
0x157: {  	[sflag:s14] =	ssyncset.done $0x0  }
0x158: {  	[sflag:s14] =	ssyncadd.s32 $0xFFFFD800  }
0x159: {  	[tilespmem:s16], [sflag:$0x1] =	stream.indirect.gather [hbm4b:s4+s15], $0x80, s8, s15, $0xb8;
	[tilespmem:$0x1E400] =	vst v63  }
0x15a: {  	_ = 	snop  }
0x15b: {  	[tilespmem:s18], [sflag:$0x2] =	stream.indirect.gather [hbm4b:s4+s15], $0x80, s17, s15, $0xb8;
	[tilespmem:$0x1E400] =	vst v63  }
0x15c: {  	_ = 	snop  }
0x15d: {  	[tilespmem:s20], [sflag:$0x3] =	stream.indirect.gather [hbm4b:s4+s15], $0x80, s19, s15, $0xb8;
	[tilespmem:$0x1E400] =	vst v63  }
0x15e: {  	_ = 	snop  }
0x15f: {  	[tilespmem:s22], [sflag:$0x4] =	stream.indirect.gather [hbm4b:s4+s15], $0x80, s21, s15, $0xb8;
	[tilespmem:$0x1E400] =	vst v63  }
0x160: {  	_ =	swait.ge [sflag:s23], $0x2000  }
0x161: {  	[sflag:s23] =	ssyncset.done $0x0  }
0x162: {  	[sflag:s23] =	ssyncadd.s32 $0xFFFFE000  }
0x163: {  	[spmem:s2] =	stream.indirect.scatter.add.f32 [tilespmem:s16], [sflag:$0x5], $0x80, s24, s15, $0xb8;
	[tilespmem:$0x1E400] =	vst v63  }
0x164: {  	_ =	swait.ge [sflag:s25], $0x2000  }
0x165: {  	[sflag:s25] =	ssyncset.done $0x0  }
0x166: {  	[sflag:s25] =	ssyncadd.s32 $0xFFFFE000  }
0x167: {  	[spmem:s2] =	stream.indirect.scatter.add.f32 [tilespmem:s18], [sflag:$0x6], $0x80, s26, s15, $0xb8;
	[tilespmem:$0x1E400] =	vst v63  }
0x168: {  	_ =	swait.ge [sflag:s28], $0x2000  }
0x169: {  	[sflag:s28] =	ssyncset.done $0x0  }
0x16a: {  	[sflag:s28] =	ssyncadd.s32 $0xFFFFE000  }
0x16b: {  	[spmem:s2] =	stream.indirect.scatter.add.f32 [tilespmem:s20], [sflag:$0x7], $0x80, s29, s15, $0xb8;
	[tilespmem:$0x1E400] =	vst v63  }
0x16c: {  	_ =	swait.ge [sflag:s30], $0x2000  }
0x16d: {  	[sflag:s30] =	ssyncset.done $0x0  }
0x16e: {  	[sflag:s30] =	ssyncadd.s32 $0xFFFFE000  }
0x16f: {  	[spmem:s2] =	stream.indirect.scatter.add.f32 [tilespmem:s22], [sflag:$0x8], $0x80, s31, s15, $0xb8;
	[tilespmem:$0x1E400] =	vst v63  }
0x170: {  	_ =	swait.ge [sflag:s1], $0x2000  }
0x171: {  	[sflag:s1] =	ssyncset.done $0x0  }
0x172: {  	s10 =	simm.s32 $0x400;
	[sflag:s1] =	ssyncadd.s32 $0xFFFFE000  }
0x173: {  	[tilespmem:s16], [sflag:$0x1] =	stream.indirect.gather [hbm4b:s4+s15], $0x80, s10, s15, $0xb8;
	[tilespmem:$0x1E400] =	vst v63  }
0x174: {  	_ =	swait.ge [sflag:s0], $0x2000  }
0x175: {  	[sflag:s0] =	ssyncset.done $0x0  }
0x176: {  	s9 =	simm.s32 $0x500;
	[sflag:s0] =	ssyncadd.s32 $0xFFFFE000  }
0x177: {  	[tilespmem:s18], [sflag:$0x2] =	stream.indirect.gather [hbm4b:s4+s15], $0x80, s9, s15, $0xb8;
	[tilespmem:$0x1E400] =	vst v63  }
0x178: {  	_ =	swait.ge [sflag:s3], $0x2000  }
0x179: {  	[sflag:s3] =	ssyncset.done $0x0  }
0x17a: {  	s10 =	simm.s32 $0x600;
	[sflag:s3] =	ssyncadd.s32 $0xFFFFE000  }
0x17b: {  	[tilespmem:s20], [sflag:$0x3] =	stream.indirect.gather [hbm4b:s4+s15], $0x80, s10, s15, $0xb8;
	[tilespmem:$0x1E400] =	vst v63  }
0x17c: {  	_ =	swait.ge [sflag:s5], $0x2000  }
0x17d: {  	[sflag:s5] =	ssyncset.done $0x0  }
0x17e: {  	s9 =	simm.s32 $0x700;
	[sflag:s5] =	ssyncadd.s32 $0xFFFFE000  }
0x17f: {  	[tilespmem:s22], [sflag:$0x4] =	stream.indirect.gather [hbm4b:s4+s15], $0x80, s9, s15, $0xb8;
	[tilespmem:$0x1E400] =	vst v63  }
0x180: {  	_ =	swait.ge [sflag:s23], $0x2000  }
0x181: {  	[sflag:s23] =	ssyncset.done $0x0  }
0x182: {  	s10 =	simm.s32 $0x480;
	[sflag:s23] =	ssyncadd.s32 $0xFFFFE000  }
0x183: {  	[spmem:s2] =	stream.indirect.scatter.add.f32 [tilespmem:s16], [sflag:$0x5], $0x80, s10, s15, $0xb8;
	[tilespmem:$0x1E400] =	vst v63  }
0x184: {  	_ =	swait.ge [sflag:s25], $0x2000  }
0x185: {  	[sflag:s25] =	ssyncset.done $0x0  }
0x186: {  	s9 =	simm.s32 $0x580;
	[sflag:s25] =	ssyncadd.s32 $0xFFFFE000  }
0x187: {  	[spmem:s2] =	stream.indirect.scatter.add.f32 [tilespmem:s18], [sflag:$0x6], $0x80, s9, s15, $0xb8;
	[tilespmem:$0x1E400] =	vst v63  }
0x188: {  	_ =	swait.ge [sflag:s28], $0x2000  }
0x189: {  	[sflag:s28] =	ssyncset.done $0x0  }
0x18a: {  	s10 =	simm.s32 $0x680;
	[sflag:s28] =	ssyncadd.s32 $0xFFFFE000  }
0x18b: {  	[spmem:s2] =	stream.indirect.scatter.add.f32 [tilespmem:s20], [sflag:$0x7], $0x80, s10, s15, $0xb8;
	[tilespmem:$0x1E400] =	vst v63  }
0x18c: {  	_ =	swait.ge [sflag:s30], $0x2000  }
0x18d: {  	[sflag:s30] =	ssyncset.done $0x0  }
0x18e: {  	s8 =	simm.s32 $0x1000;
	s9 =	simm.s32 $0x780;
	[sflag:s30] =	ssyncadd.s32 $0xFFFFE000  }
.LBB2_8:
0x18f: {  	[spmem:s2] =	stream.indirect.scatter.add.f32 [tilespmem:s22], [sflag:$0x8], $0x80, s9, s15, $0xb8;
	[tilespmem:$0x1E400] =	vst v63  }
0x190: {  	s9 =	smov.u32 s8  }
0x191: {  	p0 =	sne.s32 s8, $0x8000;
	s8 =	sadd.s32 $0x1000, s8;
	_ =	swait.ge [sflag:s1], $0x2000  }
0x192: {  	s9 =	sshra.s32 s9, $0x2;
	[sflag:s1] =	ssyncset.done $0x0  }
0x193: {  	s10 =	sadd.s32 $0x400, s9;
	[sflag:s1] =	ssyncadd.s32 $0xFFFFE000  }
0x194: {  	[tilespmem:s16], [sflag:$0x1] =	stream.indirect.gather [hbm4b:s4+s15], $0x80, s10, s15, $0xb8;
	[tilespmem:$0x1E400] =	vst v63  }
0x195: {  	_ =	swait.ge [sflag:s0], $0x2000  }
0x196: {  	[sflag:s0] =	ssyncset.done $0x0  }
0x197: {  	s10 =	sadd.s32 $0x500, s9;
	[sflag:s0] =	ssyncadd.s32 $0xFFFFE000  }
0x198: {  	[tilespmem:s18], [sflag:$0x2] =	stream.indirect.gather [hbm4b:s4+s15], $0x80, s10, s15, $0xb8;
	[tilespmem:$0x1E400] =	vst v63  }
0x199: {  	_ =	swait.ge [sflag:s3], $0x2000  }
0x19a: {  	[sflag:s3] =	ssyncset.done $0x0  }
0x19b: {  	s10 =	sadd.s32 $0x600, s9;
	[sflag:s3] =	ssyncadd.s32 $0xFFFFE000  }
0x19c: {  	[tilespmem:s20], [sflag:$0x3] =	stream.indirect.gather [hbm4b:s4+s15], $0x80, s10, s15, $0xb8;
	[tilespmem:$0x1E400] =	vst v63  }
0x19d: {  	_ =	swait.ge [sflag:s5], $0x2000  }
0x19e: {  	[sflag:s5] =	ssyncset.done $0x0  }
0x19f: {  	s10 =	sadd.s32 $0x700, s9;
	[sflag:s5] =	ssyncadd.s32 $0xFFFFE000  }
0x1a0: {  	[tilespmem:s22], [sflag:$0x4] =	stream.indirect.gather [hbm4b:s4+s15], $0x80, s10, s15, $0xb8;
	[tilespmem:$0x1E400] =	vst v63  }
0x1a1: {  	_ =	swait.ge [sflag:s23], $0x2000  }
0x1a2: {  	[sflag:s23] =	ssyncset.done $0x0  }
0x1a3: {  	s10 =	sadd.s32 $0x480, s9;
	[sflag:s23] =	ssyncadd.s32 $0xFFFFE000  }
0x1a4: {  	[spmem:s2] =	stream.indirect.scatter.add.f32 [tilespmem:s16], [sflag:$0x5], $0x80, s10, s15, $0xb8;
	[tilespmem:$0x1E400] =	vst v63  }
0x1a5: {  	_ =	swait.ge [sflag:s25], $0x2000  }
0x1a6: {  	[sflag:s25] =	ssyncset.done $0x0  }
0x1a7: {  	s10 =	sadd.s32 $0x580, s9;
	[sflag:s25] =	ssyncadd.s32 $0xFFFFE000  }
0x1a8: {  	[spmem:s2] =	stream.indirect.scatter.add.f32 [tilespmem:s18], [sflag:$0x6], $0x80, s10, s15, $0xb8;
	[tilespmem:$0x1E400] =	vst v63  }
0x1a9: {  	_ =	swait.ge [sflag:s28], $0x2000  }
0x1aa: {  	[sflag:s28] =	ssyncset.done $0x0  }
.Ltmp3:
0x1ab: {  	s10 =	sadd.s32 $0x680, s9;
	[sflag:s28] =	ssyncadd.s32 $0xFFFFE000;
	(pc) =	sbr.rel @p0 .LBB2_8-.Ltmp3, $4  }
0x1ac: {  	[spmem:s2] =	stream.indirect.scatter.add.f32 [tilespmem:s20], [sflag:$0x7], $0x80, s10, s15, $0xb8;
	[tilespmem:$0x1E400] =	vst v63  }
0x1ad: {  	_ =	swait.ge [sflag:s30], $0x2000  }
0x1ae: {  	[sflag:s30] =	ssyncset.done $0x0  }
0x1af: {  	s9 =	sadd.s32 $0x780, s9;
	[sflag:s30] =	ssyncadd.s32 $0xFFFFE000  }
0x1b0: {  	[spmem:s2] =	stream.indirect.scatter.add.f32 [tilespmem:s22], [sflag:$0x8], $0x80, s9, s15, $0xb8;
	[tilespmem:$0x1E400] =	vst v63  }
0x1b1: {  	_ =	swait.ge [sflag:s1], $0x2000  }
0x1b2: {  	[sflag:s1] =	ssyncset.done $0x0  }
0x1b3: {  	[sflag:s1] =	ssyncadd.s32 $0xFFFFE000  }
0x1b4: {  	_ =	swait.ge [sflag:s0], $0x2000  }
0x1b5: {  	[sflag:s0] =	ssyncset.done $0x0  }
0x1b6: {  	[sflag:s0] =	ssyncadd.s32 $0xFFFFE000  }
0x1b7: {  	_ =	swait.ge [sflag:s3], $0x2000  }
0x1b8: {  	[sflag:s3] =	ssyncset.done $0x0  }
0x1b9: {  	[sflag:s3] =	ssyncadd.s32 $0xFFFFE000  }
0x1ba: {  	_ =	swait.ge [sflag:s5], $0x2000  }
0x1bb: {  	s7 =	sadd.s32 $0x1, s7;
	[sflag:s5] =	ssyncset.done $0x0  }
0x1bc: {  	p0 =	sne.s32 s7, s12;
	[sflag:s5] =	ssyncadd.s32 $0xFFFFE000  }
.Ltmp4:
0x1bd: {  	[bflag:$0x0] =	sbarrier.arrive $0xFFFF;
	(pc) =	sbr.rel @p0 .LBB2_1-.Ltmp4, $4  }
0x1be: {  	[hbm:s11], [sflag:s6] =	dma.local [spmem:s13], $0x2780  }
0x1bf: {  	_ =	swait.ge [sflag:s14], $0x2780  }
0x1c0: {  	[sflag:s14] =	ssyncset.done $0x0  }
0x1c1: {  	[sflag:s14] =	ssyncadd.s32 $0xFFFFD880  }
0x1c2: {  	_ =	sfence.sel $0x180000  }
0x1c3: {  	[bflag:$0x0] =	sbarrier.arrive $0xFFFF  }
0x1c4: {  	_ =	strace $0x9000004A  }
0x1c5: {  	s0 =	stileid.u32;
	[bflag:$0x2] =	sbarrier.arrive $0xFFFF  }
0x1c6: {  	p0 =	sne.s32 s0, $0x0;
	s0 =	rddreg [dreg:$0x2]  }
0x1c7: {  	s0 =	sadd.s32 @!p0 $0x100000, s0  }
0x1c8: {  	[sflag:s0] =	ssyncadd.tile.s32 @!p0 $0x1;
	_ =	shalt  }
.Lfunc_end2:
_tile_overlayer_lowered:
.L_overlay_start_2:
0x1c9: {  	(tag) =	ssettag $0x2  }
0x1ca: {  	s0 =	rddreg [dreg:$0x0];
	s2 =	stileid.u32  }
0x1cb: {  	s1 =	rddreg [dreg:$0x1];
	p0 =	sne.s32 s2, $0x0  }
0x1cc: {  	s3 =	rddreg [dreg:$0x2];
	[bflag:$0x3] =	sbarrier.arrive $0xFFFF;
	s2 =	simm.s32 @!p0 $0x1C09  }
0x1cd: {  	[timem:s3], [sflag:s2] =	dma.local @!p0 [hbm:s0], s1  }
0x1ce: {  	s0 =	simm.s32 @!p0 $0x9  }
0x1cf: {  	_ =	swait.ge @!p0 [sflag:s0], s1  }
0x1d0: {  	s1 =	ssub.s32 @!p0 $0x0, s1;
	[sflag:s0] =	ssyncset.done @!p0 $0x0  }
0x1d1: {  	[sflag:s0] =	ssyncadd.s32 @!p0 s1  }
0x1d2: {  	[bflag:$0x3] =	sbarrier.arrive $0xFFFF  }
0x1d3: {  	_ =	shalt  }

// kernel: kernel.16.cloned.1.call-start
scs
__scs_entry_jumppad:
0x0: {  	(pc) =	sbr.rel $0x88, $3  }
0x1: {  	(tag) =	ssettag $0x0;
	lr =	simm.s32 $0x1  }
0x2: {  	[smem:$0x3F94] =	sst lr;
	_ =	strace $0xD0000000  }
0x3: {  	_ = 	snop  }
0x4: {  	_ = 	snop  }
0x5: {  	_ = 	snop  }
0x6: {  	_ = 	snop  }
0x7: {  	_ = 	snop  }
__scs_overlays_trampoline_lowered:
0x8: {  	[smem:$0x3FA3] =	sst s0  }
0x9: {  	[smem:$0x3FA4] =	sst s1  }
0xa: {  	[smem:$0x3FA5] =	sst s2  }
0xb: {  	[smem:$0x3FA6] =	sst s3  }
0xc: {  	[smem:$0x3FA7] =	sst s4  }
0xd: {  	[smem:$0x3FA8] =	sst s5  }
0xe: {  	[smem:$0x3FA9] =	sst s6  }
0xf: {  	[smem:$0x3FAA] =	sst s7  }
0x10: {  	[smem:$0x3FAB] =	sst s8  }
0x11: {  	[smem:$0x3FAC] =	sst s9;
	s0 =	simm.s32 @!p0 $0x0  }
0x12: {  	s1 =	sld [smem:$0x3F92];
	s0 =	simm.s32 @p0 $0x1  }
0x13: {  	[smem:$0x3FAD] =	sst s0;
	s0 =	simm.s32 @!p1 $0x0  }
0x14: {  	s2 =	sld [smem:$0x3F91];
	s0 =	simm.s32 @p1 $0x1  }
0x15: {  	[smem:$0x3FAE] =	sst s0;
	s0 =	simm.s32 @!p2 $0x0  }
0x16: {  	s3 =	sld [smem:$0x3FDB];
	s0 =	simm.s32 @p2 $0x1  }
0x17: {  	s4 =	simm.s32 $0x1BF5;
	[smem:$0x3FB0] =	sst s0  }
0x18: {  	s0 =	sld [smem:$0x3F93];
	_ =	swait.ge [sflag:s4], $0x0  }
0x19: {  	s7 =	sld [smem:$0x3F94]  }
0x1a: {  	s8 =	sadd.s32 $0xFFFFE003, lr  }
0x1b: {  	s9 =	sadd.s32 $0xFFFFFEF7, lr;
	s5 =	simm.s32 $0xFFFFFFFF;
	p2 =	slt.u32 s8, $0xFFFFF086  }
0x1c: {  	p1 =	slt.u32 s9, $0xF7A;
	s5 =	simm.s32 @!p2 $0x0  }
0x1d: {  	s5 =	simm.s32 @p1 $0x1;
	p0 =	seq.s32 s7, s2  }
0x1e: {  	s7 =	smul.u32 @!p0 $0xF7A, s2;
	p2 =	seq.s32 @!p0 s5, $0x0  }
0x1f: {  	s9 =	smul.u32 $0xF7A, s1;
	s8 =	simm.s32 @!p0 $0x1BF5;
	p2 =	por !p2, p0  }
0x20: {  	[sflag:s8] =	ssyncset.s32 @!p0 $0xFFFFF086;
	s6 =	sadd.s32 @!p0 s3, s7;
	s7 =	simm.s32 @!p0 $0x108  }
0x21: {  	s3 =	sadd.s32 s3, s9;
	s6 =	sadd.s32 @!p0 $0x88, s6;
	s7 =	simm.s32 @p2 $0x1082  }
0x22: {  	[simem:s7], [sflag:s8] =	dma.local @!p0 [hbm:s6], $0xF7A  }
0x23: {  	s9 =	sor.u32 $0xD0000000, s2;
	s6 =	simm.s32 $0x108;
	_ =	swait.ge @!p0 [sflag:s8], $0x0  }
0x24: {  	s3 =	sadd.s32 $0x88, s3;
	s6 =	simm.s32 @!p1 $0x1082;
	[sflag:s4] =	ssyncset.s32 $0xFFFFF086  }
0x25: {  	[simem:s6], [sflag:s4] =	dma.local [hbm:s3], $0xF7A  }
0x26: {  	[smem:$0x3F94] =	sst s1;
	(tag) =	ssettag s2;
	_ =	strace s9  }
0x27: {  	s1 =	sld [smem:$0x3FA4]  }
0x28: {  	s2 =	sld [smem:$0x3FA5]  }
0x29: {  	s4 =	sld [smem:$0x3FA7]  }
0x2a: {  	p0 =	seq.s32 s5, $0x0;
	s5 =	sld [smem:$0x3FA8]  }
0x2b: {  	s6 =	sld [smem:$0x3FA9]  }
0x2c: {  	s7 =	sld [smem:$0x3FAA]  }
0x2d: {  	s3 =	simm.s32 $0x108;
	s8 =	sld [smem:$0x3FAB]  }
0x2e: {  	s3 =	simm.s32 @!p0 $0x1082;
	s9 =	sld [smem:$0x3FAC]  }
0x2f: {  	lr =	sadd.s32 s0, s3;
	s0 =	sld [smem:$0x3FA3]  }
0x30: {  	s3 =	sld [smem:$0x3FA6]  }
0x31: {  	[smem:$0x3FAF] =	sst s10  }
0x32: {  	s10 =	sld [smem:$0x3FAD];
	_ =	sdelay $0x3  }
0x33: {  	p0 =	seq.s32 s10, $0x1;
	s10 =	sld [smem:$0x3FAF];
	_ =	sdelay $0x3  }
0x34: {  	[smem:$0x3FAF] =	sst s10  }
0x35: {  	s10 =	sld [smem:$0x3FAE];
	_ =	sdelay $0x3  }
0x36: {  	p1 =	seq.s32 s10, $0x1;
	s10 =	sld [smem:$0x3FAF];
	_ =	sdelay $0x3  }
0x37: {  	[smem:$0x3FAF] =	sst s10  }
0x38: {  	s10 =	sld [smem:$0x3FB0]  }
0x39: {  	_ = 	snop;
	(pc) =	sbr.ind lr, $3  }
0x3a: {  	_ = 	snop  }
0x3b: {  	_ = 	snop  }
0x3c: {  	p2 =	seq.s32 s10, $0x1;
	s10 =	sld [smem:$0x3FAF]  }
0x3d: {  	_ =	shalt  }
0x3e: {  	_ =	shalt  }
0x3f: {  	_ =	shalt  }
0x40: {  	_ =	shalt  }
0x41: {  	_ =	shalt  }
0x42: {  	_ =	shalt  }
0x43: {  	_ =	shalt  }
0x44: {  	_ =	shalt  }
0x45: {  	_ =	shalt  }
0x46: {  	_ =	shalt  }
0x47: {  	_ =	shalt  }
0x48: {  	_ =	shalt  }
0x49: {  	_ =	shalt  }
0x4a: {  	_ =	shalt  }
0x4b: {  	_ =	shalt  }
0x4c: {  	_ =	shalt  }
0x4d: {  	_ =	shalt  }
0x4e: {  	_ =	shalt  }
0x4f: {  	_ =	shalt  }
0x50: {  	_ =	shalt  }
0x51: {  	_ =	shalt  }
0x52: {  	_ =	shalt  }
0x53: {  	_ =	shalt  }
0x54: {  	_ =	shalt  }
0x55: {  	_ =	shalt  }
0x56: {  	_ =	shalt  }
0x57: {  	_ =	shalt  }
0x58: {  	_ =	shalt  }
0x59: {  	_ =	shalt  }
0x5a: {  	_ =	shalt  }
0x5b: {  	_ =	shalt  }
0x5c: {  	_ =	shalt  }
0x5d: {  	_ =	shalt  }
0x5e: {  	_ =	shalt  }
0x5f: {  	_ =	shalt  }
0x60: {  	_ =	shalt  }
0x61: {  	_ =	shalt  }
0x62: {  	_ =	shalt  }
0x63: {  	_ =	shalt  }
0x64: {  	_ =	shalt  }
0x65: {  	_ =	shalt  }
0x66: {  	_ =	shalt  }
0x67: {  	_ =	shalt  }
0x68: {  	_ =	shalt  }
0x69: {  	_ =	shalt  }
0x6a: {  	_ =	shalt  }
0x6b: {  	_ =	shalt  }
0x6c: {  	_ =	shalt  }
0x6d: {  	_ =	shalt  }
0x6e: {  	_ =	shalt  }
0x6f: {  	_ =	shalt  }
0x70: {  	_ =	shalt  }
0x71: {  	_ =	shalt  }
0x72: {  	_ =	shalt  }
0x73: {  	_ =	shalt  }
0x74: {  	_ =	shalt  }
0x75: {  	_ =	shalt  }
0x76: {  	_ =	shalt  }
0x77: {  	_ =	shalt  }
0x78: {  	_ =	shalt  }
0x79: {  	_ =	shalt  }
0x7a: {  	_ =	shalt  }
0x7b: {  	_ =	shalt  }
0x7c: {  	_ =	shalt  }
0x7d: {  	_ =	shalt  }
0x7e: {  	_ =	shalt  }
0x7f: {  	_ =	shalt  }
0x80: {  	_ =	shalt  }
0x81: {  	_ =	shalt  }
0x82: {  	_ =	shalt  }
0x83: {  	_ =	shalt  }
0x84: {  	_ =	shalt  }
0x85: {  	_ =	shalt  }
0x86: {  	_ =	shalt  }
0x87: {  	_ =	shalt  }
.Lfunc_end0:
.L_simem_size_0:
called_computation.2_lowered:
.L_overlay_start_0:
0x88: {  	s2 =	sld [smem:$0x3FD9]  }
0x89: {  	s3 =	sld [smem:$0x3FFE];
	_ =	sdelay $0x1  }
0x8a: {  	s1 =	srdreg.scid  }
0x8b: {  	s0 =	sand.u32 $0x1, s1  }
0x8c: {  	s16 =	sshll.u32 s0, $0xA;
	s2 =	sadd.s32 s3, s2  }
0x8d: {  	s2 =	sadd.s32 s2, s16  }
0x8e: {  	[smem:$0x3FBB] =	sst s2  }
0x8f: {  	_ = 	snop  }
0x90: {  	(tm) =	ssettm $0x1  }
0x91: {  	s17 =	sld [smem:$0x3FFB];
	_ =	sdelay $0x3  }
0x92: {  	_ =	strace s17  }
0x93: {  	s2 =	sld [smem:$0x3FFC];
	_ =	sdelay $0x3  }
0x94: {  	_ =	strace s2  }
0x95: {  	s2 =	sld [smem:$0x3FFD];
	_ =	sdelay $0x3  }
0x96: {  	_ =	strace s2  }
0x97: {  	_ =	strace $0x8FFFFFFF  }
0x98: {  	s18 =	sld [smem:$0x3FDB];
	_ =	sdelay $0x1  }
0x99: {  	s19 =	simm.s32 $_scs_section_size  }
0x9a: {  	s4 =	simm.s32 $_size__tile_overlayer_lowered;
	s5 =	simm.s32 $_tile_overlayer_lowered  }
0x9b: {  	s22 =	simm.s32 $0x1BFF;
	s21 =	sshll.u32 s5, $0x1;
	s2 =	sadd.s32 s19, s18  }
0x9c: {  	s6 =	simm.s32 $0x0;
	s20 =	sshll.u32 s4, $0x1;
	s4 =	sadd.s32 s21, s2  }
0x9d: {  	[timem:s6], [sflag:s22] =	dma.local [hbm:s4], s20  }
0x9e: {  	_ =	swait.ge [sflag:s22], s20  }
0x9f: {  	s3 =	ssub.s32 $0x0, s20;
	[sflag:s22] =	ssyncset.done $0x0  }
0xa0: {  	[sflag:s22] =	ssyncadd.s32 s3;
	_ =	sdelay $0x1  }
0xa1: {  	s23 =	simm.s32 $0x1B8B  }
0xa2: {  	_ =	swait.ge [sflag:s23], $0x1  }
0xa3: {  	[sflag:s23] =	ssyncset.done $0x0  }
0xa4: {  	s25 =	simm.s32 $0x1B8E;
	s24 =	sld [smem:$0x3FFE];
	[sflag:s23] =	ssyncadd.s32 $0xFFFFFFFF  }
0xa5: {  	s26 =	simm.s32 $execute0_lowered;
	[smem:$0x3FD2] =	sst s25  }
0xa6: {  	s4 =	sshll.u32 s26, $0x1;
	_ =	strace $0x8000004C;
	[dreg:$0x1] =	wrdreg $0xFFFFFFFF  }
0xa7: {  	s28 =	simm.s32 $_size_execute0_lowered;
	s2 =	sadd.s32 s2, s4;
	[dreg:$0x0] =	wrdreg $0x0  }
0xa8: {  	s4 =	sshll.u32 s28, $0x1;
	[dreg:$0x2] =	wrdreg s2  }
0xa9: {  	[dreg:$0x3] =	wrdreg s4  }
0xaa: {  	[dreg:$0x4] =	wrdreg $0xC0  }
0xab: {  	_ =	task [dreg:s6], $0x5FFFF  }
0xac: {  	[dreg:$0x1] =	wrdreg $0xFFFFFFFF  }
0xad: {  	[dreg:$0x0] =	wrdreg $0x60  }
0xae: {  	[dreg:$0x2] =	wrdreg s24  }
0xaf: {  	[dreg:$0x3] =	wrdreg $0xA8000  }
0xb0: {  	[dreg:$0x4] =	wrdreg $0x9  }
0xb1: {  	_ =	task.clear_ibuf [dreg:s6], $0x5FFFF;
	_ =	strace $0x9000004C  }
0xb2: {  	s29 =	simm.s32 $0x9;
	_ =	strace $0x8000004E  }
0xb3: {  	_ =	swait.ge [sflag:s29], $0x1  }
0xb4: {  	[sflag:s29] =	ssyncadd.s32 $0xFFFFFFFF  }
0xb5: {  	_ =	strace $0x9000004E  }
0xb6: {  	_ =	sfence  }
0xb7: {  	s30 =	sld [smem:$0x0];
	_ =	sdelay $0x2  }
0xb8: {  	s31 =	sshll.u32 s1, $0xD;
	s1 =	sshrl.u32 s1, $0x2  }
0xb9: {  	s3 =	sand.u32 $0x4000, s31;
	s1 =	sadd.s32 s1, s30  }
0xba: {  	s0 =	sor.u32 s3, s0;
	s1 =	sshll.u32 s1, $0x11  }
0xbb: {  	s0 =	sor.u32 s1, s0  }
0xbc: {  	s0 =	sadd.s32 $0x8F2B, s0  }
0xbd: {  	[sflag:s0] =	ssyncadd.remote.s32 $0x1  }
0xbe: {  	_ =	sfence.sel $0xFFFF  }
0xbf: {  	[dreg:$0x0] =	wrdreg $0xFFFFFFFF;
	(pc) =	sbr.abs _section_cstart, $3  }
0xc0: {  	[dreg:$0x1] =	wrdreg $0xFFFFFFFF  }
0xc1: {  	_ =	task.clear_ibuf [dreg:s6], $0x2FFFF;
	_ =	strace $0x9FFFFFFF  }
0xc2: {  	(tm) =	ssettm $0x7FFFFFFF  }
0xc3: {  	_ =	shalt  }
tec
execute0_lowered:
.L_overlay_start_1:
0x0: {  	(tag) =	ssettag $0x1  }
0x1: {  	s0 =	srdreg.scid;
	s1 =	rddreg [dreg:$0x0]  }
0x2: {  	s7 =	stileid.u32;
	s2 =	rddreg [dreg:$0x1];
	s6 =	simm.s32 $0x0  }
0x3: {  	s14 =	simm.s32 $0x9;
	s15 =	simm.s32 $0x40;
	s16 =	simm.s32 $0x2800  }
0x4: {  	s17 =	simm.s32 $0x100;
	s18 =	simm.s32 $0x4800;
	s28 =	simm.s32 $0x3  }
0x5: {  	s29 =	simm.s32 $0x280;
	s30 =	simm.s32 $0x4;
	s4 =	smul.u32 $0xA0, s7  }
0x6: {  	s31 =	simm.s32 $0x380;
	s0 =	sand.u32 $0x1, s0;
	s19 =	smul.u32 $0x13C00, s7  }
0x7: {  	[smem:$0x7FF] =	sst s6;
	s20 =	smul.u32 $0x4F000, s7;
	s8 =	sadd.s32 $0xD800, s1  }
0x8: {  	s23 =	sshll.u32 s7, $0x6;
	s7 =	simm.s32 $0x0;
	s3 =	smul.u32 $0xA00, s0  }
0x9: {  	s5 =	smul.u32 $0x13C000, s0;
	_ =	strace $0x8000004D;
	s0 =	ssub.s32 $0x2, s0  }
0xa: {  	[dreg:$0x3] =	wrdreg s8;
	s21 =	sshrl.u32 s0, $0x1;
	s6 =	sshrl.u32 s20, $0x2  }
0xb: {  	s20 =	simm.s32 $0x6800;
	s3 =	sadd.s32 s4, s3;
	s4 =	sadd.s32 $0xD5200, s1  }
0xc: {  	s5 =	sadd.s32 s19, s5;
	s0 =	ssub.s32 s0, s21;
	s22 =	sadd.s32 s6, s2  }
0xd: {  	s6 =	sor.u32 $0x1C09, s23;
	s19 =	simm.s32 $0x200;
	s21 =	simm.s32 $0x300  }
0xe: {  	s23 =	simm.s32 $0x1;
	s3 =	sshll.u32 s3, $0x5;
	s5 =	sshrl.u32 s5, $0x3  }
0xf: {  	s12 =	smax.u32 s0, $0x1;
	s13 =	sshrl.u32 s22, $0x3;
	s3 =	sadd.s32 s3, s1  }
0x10: {  	s22 =	simm.s32 $0x8800;
	s0 =	simm.s32 $0x6;
	s24 =	sadd.s32 $0x5F000, s3  }
0x11: {  	s1 =	sadd.s32 s5, s1;
	s25 =	sadd.s32 $0x5F500, s3;
	[dreg:$0x4] =	wrdreg s24  }
0x12: {  	s5 =	simm.s32 $0x8;
	s26 =	sadd.s32 $0x5FA00, s3;
	[dreg:$0x5] =	wrdreg s25  }
0x13: {  	s3 =	sadd.s32 $0x5FF00, s3;
	s11 =	sadd.s32 $0x123400, s1;
	[dreg:$0x6] =	wrdreg s26  }
0x14: {  	s1 =	simm.s32 $0x5;
	[dreg:$0x7] =	wrdreg s3;
	s24 =	simm.s32 $0x80  }
0x15: {  	s25 =	simm.s32 $0x2;
	s26 =	simm.s32 $0x180;
	s3 =	simm.s32 $0x7  }
.LBB2_1:
0x16: {  	s8 =	rddreg [dreg:$0x3]  }
0x17: {  	[spmem:s13], [sflag:s6] =	dma.local [hbm:s8], $0x2780  }
0x18: {  	_ =	swait.ge [sflag:s14], $0x2780  }
0x19: {  	[sflag:s14] =	ssyncset.done $0x0  }
0x1a: {  	[sflag:s14] =	ssyncadd.s32 $0xFFFFD880  }
0x1b: {  	[bflag:$0x0] =	sbarrier.arrive $0xFFFF  }
0x1c: {  	s10 =	simm.s32 $0x0;
	s9 =	rddreg [dreg:$0x4]  }
0x1d: {  	[tilespmem:s10], [sflag:$0x9] =	stream.linear.gather [hbm4b:s9+s10], $0x2800, $0x38;
	[tilespmem:$0x1E400] =	vst v63  }
0x1e: {  	_ =	swait.ge [sflag:s14], $0x2800  }
0x1f: {  	[sflag:s14] =	ssyncset.done $0x0  }
0x20: {  	[sflag:s14] =	ssyncadd.s32 $0xFFFFD800  }
0x21: {  	[tilespmem:s16], [sflag:$0x1] =	stream.indirect.gather [hbm4b:s4+s15], $0x80, s10, s15, $0xb8;
	[tilespmem:$0x1E400] =	vst v63  }
0x22: {  	_ = 	snop  }
0x23: {  	[tilespmem:s18], [sflag:$0x2] =	stream.indirect.gather [hbm4b:s4+s15], $0x80, s17, s15, $0xb8;
	[tilespmem:$0x1E400] =	vst v63  }
0x24: {  	_ = 	snop  }
0x25: {  	[tilespmem:s20], [sflag:$0x3] =	stream.indirect.gather [hbm4b:s4+s15], $0x80, s19, s15, $0xb8;
	[tilespmem:$0x1E400] =	vst v63  }
0x26: {  	_ = 	snop  }
0x27: {  	[tilespmem:s22], [sflag:$0x4] =	stream.indirect.gather [hbm4b:s4+s15], $0x80, s21, s15, $0xb8;
	[tilespmem:$0x1E400] =	vst v63  }
0x28: {  	_ =	swait.ge [sflag:s23], $0x2000  }
0x29: {  	[sflag:s23] =	ssyncset.done $0x0  }
0x2a: {  	[sflag:s23] =	ssyncadd.s32 $0xFFFFE000  }
0x2b: {  	[spmem:s2] =	stream.indirect.scatter.add.f32 [tilespmem:s16], [sflag:$0x5], $0x80, s24, s15, $0xb8;
	[tilespmem:$0x1E400] =	vst v63  }
0x2c: {  	_ =	swait.ge [sflag:s25], $0x2000  }
0x2d: {  	[sflag:s25] =	ssyncset.done $0x0  }
0x2e: {  	[sflag:s25] =	ssyncadd.s32 $0xFFFFE000  }
0x2f: {  	[spmem:s2] =	stream.indirect.scatter.add.f32 [tilespmem:s18], [sflag:$0x6], $0x80, s26, s15, $0xb8;
	[tilespmem:$0x1E400] =	vst v63  }
0x30: {  	_ =	swait.ge [sflag:s28], $0x2000  }
0x31: {  	[sflag:s28] =	ssyncset.done $0x0  }
0x32: {  	[sflag:s28] =	ssyncadd.s32 $0xFFFFE000  }
0x33: {  	[spmem:s2] =	stream.indirect.scatter.add.f32 [tilespmem:s20], [sflag:$0x7], $0x80, s29, s15, $0xb8;
	[tilespmem:$0x1E400] =	vst v63  }
0x34: {  	_ =	swait.ge [sflag:s30], $0x2000  }
0x35: {  	[sflag:s30] =	ssyncset.done $0x0  }
0x36: {  	[sflag:s30] =	ssyncadd.s32 $0xFFFFE000  }
0x37: {  	[spmem:s2] =	stream.indirect.scatter.add.f32 [tilespmem:s22], [sflag:$0x8], $0x80, s31, s15, $0xb8;
	[tilespmem:$0x1E400] =	vst v63  }
0x38: {  	_ =	swait.ge [sflag:s1], $0x2000  }
0x39: {  	[sflag:s1] =	ssyncset.done $0x0  }
0x3a: {  	s10 =	simm.s32 $0x400;
	[sflag:s1] =	ssyncadd.s32 $0xFFFFE000  }
0x3b: {  	[tilespmem:s16], [sflag:$0x1] =	stream.indirect.gather [hbm4b:s4+s15], $0x80, s10, s15, $0xb8;
	[tilespmem:$0x1E400] =	vst v63  }
0x3c: {  	_ =	swait.ge [sflag:s0], $0x2000  }
0x3d: {  	[sflag:s0] =	ssyncset.done $0x0  }
0x3e: {  	s9 =	simm.s32 $0x500;
	[sflag:s0] =	ssyncadd.s32 $0xFFFFE000  }
0x3f: {  	[tilespmem:s18], [sflag:$0x2] =	stream.indirect.gather [hbm4b:s4+s15], $0x80, s9, s15, $0xb8;
	[tilespmem:$0x1E400] =	vst v63  }
0x40: {  	_ =	swait.ge [sflag:s3], $0x2000  }
0x41: {  	[sflag:s3] =	ssyncset.done $0x0  }
0x42: {  	s10 =	simm.s32 $0x600;
	[sflag:s3] =	ssyncadd.s32 $0xFFFFE000  }
0x43: {  	[tilespmem:s20], [sflag:$0x3] =	stream.indirect.gather [hbm4b:s4+s15], $0x80, s10, s15, $0xb8;
	[tilespmem:$0x1E400] =	vst v63  }
0x44: {  	_ =	swait.ge [sflag:s5], $0x2000  }
0x45: {  	[sflag:s5] =	ssyncset.done $0x0  }
0x46: {  	s9 =	simm.s32 $0x700;
	[sflag:s5] =	ssyncadd.s32 $0xFFFFE000  }
0x47: {  	[tilespmem:s22], [sflag:$0x4] =	stream.indirect.gather [hbm4b:s4+s15], $0x80, s9, s15, $0xb8;
	[tilespmem:$0x1E400] =	vst v63  }
0x48: {  	_ =	swait.ge [sflag:s23], $0x2000  }
0x49: {  	[sflag:s23] =	ssyncset.done $0x0  }
0x4a: {  	s10 =	simm.s32 $0x480;
	[sflag:s23] =	ssyncadd.s32 $0xFFFFE000  }
0x4b: {  	[spmem:s2] =	stream.indirect.scatter.add.f32 [tilespmem:s16], [sflag:$0x5], $0x80, s10, s15, $0xb8;
	[tilespmem:$0x1E400] =	vst v63  }
0x4c: {  	_ =	swait.ge [sflag:s25], $0x2000  }
0x4d: {  	[sflag:s25] =	ssyncset.done $0x0  }
0x4e: {  	s9 =	simm.s32 $0x580;
	[sflag:s25] =	ssyncadd.s32 $0xFFFFE000  }
0x4f: {  	[spmem:s2] =	stream.indirect.scatter.add.f32 [tilespmem:s18], [sflag:$0x6], $0x80, s9, s15, $0xb8;
	[tilespmem:$0x1E400] =	vst v63  }
0x50: {  	_ =	swait.ge [sflag:s28], $0x2000  }
0x51: {  	[sflag:s28] =	ssyncset.done $0x0  }
0x52: {  	s10 =	simm.s32 $0x680;
	[sflag:s28] =	ssyncadd.s32 $0xFFFFE000  }
0x53: {  	[spmem:s2] =	stream.indirect.scatter.add.f32 [tilespmem:s20], [sflag:$0x7], $0x80, s10, s15, $0xb8;
	[tilespmem:$0x1E400] =	vst v63  }
0x54: {  	_ =	swait.ge [sflag:s30], $0x2000  }
0x55: {  	[sflag:s30] =	ssyncset.done $0x0  }
0x56: {  	s8 =	simm.s32 $0x1000;
	s9 =	simm.s32 $0x780;
	[sflag:s30] =	ssyncadd.s32 $0xFFFFE000  }
.LBB2_2:
0x57: {  	[spmem:s2] =	stream.indirect.scatter.add.f32 [tilespmem:s22], [sflag:$0x8], $0x80, s9, s15, $0xb8;
	[tilespmem:$0x1E400] =	vst v63  }
0x58: {  	s9 =	smov.u32 s8  }
0x59: {  	p0 =	sne.s32 s8, $0x8000;
	s8 =	sadd.s32 $0x1000, s8;
	_ =	swait.ge [sflag:s1], $0x2000  }
0x5a: {  	s9 =	sshra.s32 s9, $0x2;
	[sflag:s1] =	ssyncset.done $0x0  }
0x5b: {  	s10 =	sadd.s32 $0x400, s9;
	[sflag:s1] =	ssyncadd.s32 $0xFFFFE000  }
0x5c: {  	[tilespmem:s16], [sflag:$0x1] =	stream.indirect.gather [hbm4b:s4+s15], $0x80, s10, s15, $0xb8;
	[tilespmem:$0x1E400] =	vst v63  }
0x5d: {  	_ =	swait.ge [sflag:s0], $0x2000  }
0x5e: {  	[sflag:s0] =	ssyncset.done $0x0  }
0x5f: {  	s10 =	sadd.s32 $0x500, s9;
	[sflag:s0] =	ssyncadd.s32 $0xFFFFE000  }
0x60: {  	[tilespmem:s18], [sflag:$0x2] =	stream.indirect.gather [hbm4b:s4+s15], $0x80, s10, s15, $0xb8;
	[tilespmem:$0x1E400] =	vst v63  }
0x61: {  	_ =	swait.ge [sflag:s3], $0x2000  }
0x62: {  	[sflag:s3] =	ssyncset.done $0x0  }
0x63: {  	s10 =	sadd.s32 $0x600, s9;
	[sflag:s3] =	ssyncadd.s32 $0xFFFFE000  }
0x64: {  	[tilespmem:s20], [sflag:$0x3] =	stream.indirect.gather [hbm4b:s4+s15], $0x80, s10, s15, $0xb8;
	[tilespmem:$0x1E400] =	vst v63  }
0x65: {  	_ =	swait.ge [sflag:s5], $0x2000  }
0x66: {  	[sflag:s5] =	ssyncset.done $0x0  }
0x67: {  	s10 =	sadd.s32 $0x700, s9;
	[sflag:s5] =	ssyncadd.s32 $0xFFFFE000  }
0x68: {  	[tilespmem:s22], [sflag:$0x4] =	stream.indirect.gather [hbm4b:s4+s15], $0x80, s10, s15, $0xb8;
	[tilespmem:$0x1E400] =	vst v63  }
0x69: {  	_ =	swait.ge [sflag:s23], $0x2000  }
0x6a: {  	[sflag:s23] =	ssyncset.done $0x0  }
0x6b: {  	s10 =	sadd.s32 $0x480, s9;
	[sflag:s23] =	ssyncadd.s32 $0xFFFFE000  }
0x6c: {  	[spmem:s2] =	stream.indirect.scatter.add.f32 [tilespmem:s16], [sflag:$0x5], $0x80, s10, s15, $0xb8;
	[tilespmem:$0x1E400] =	vst v63  }
0x6d: {  	_ =	swait.ge [sflag:s25], $0x2000  }
0x6e: {  	[sflag:s25] =	ssyncset.done $0x0  }
0x6f: {  	s10 =	sadd.s32 $0x580, s9;
	[sflag:s25] =	ssyncadd.s32 $0xFFFFE000  }
0x70: {  	[spmem:s2] =	stream.indirect.scatter.add.f32 [tilespmem:s18], [sflag:$0x6], $0x80, s10, s15, $0xb8;
	[tilespmem:$0x1E400] =	vst v63  }
0x71: {  	_ =	swait.ge [sflag:s28], $0x2000  }
0x72: {  	[sflag:s28] =	ssyncset.done $0x0  }
.Ltmp0:
0x73: {  	s10 =	sadd.s32 $0x680, s9;
	[sflag:s28] =	ssyncadd.s32 $0xFFFFE000;
	(pc) =	sbr.rel @p0 .LBB2_2-.Ltmp0, $4  }
0x74: {  	[spmem:s2] =	stream.indirect.scatter.add.f32 [tilespmem:s20], [sflag:$0x7], $0x80, s10, s15, $0xb8;
	[tilespmem:$0x1E400] =	vst v63  }
0x75: {  	_ =	swait.ge [sflag:s30], $0x2000  }
0x76: {  	[sflag:s30] =	ssyncset.done $0x0  }
0x77: {  	s9 =	sadd.s32 $0x780, s9;
	[sflag:s30] =	ssyncadd.s32 $0xFFFFE000  }
0x78: {  	[spmem:s2] =	stream.indirect.scatter.add.f32 [tilespmem:s22], [sflag:$0x8], $0x80, s9, s15, $0xb8;
	[tilespmem:$0x1E400] =	vst v63  }
0x79: {  	_ =	swait.ge [sflag:s1], $0x2000  }
0x7a: {  	[sflag:s1] =	ssyncset.done $0x0  }
0x7b: {  	[sflag:s1] =	ssyncadd.s32 $0xFFFFE000  }
0x7c: {  	_ =	swait.ge [sflag:s0], $0x2000  }
0x7d: {  	[sflag:s0] =	ssyncset.done $0x0  }
0x7e: {  	[sflag:s0] =	ssyncadd.s32 $0xFFFFE000  }
0x7f: {  	_ =	swait.ge [sflag:s3], $0x2000  }
0x80: {  	[sflag:s3] =	ssyncset.done $0x0  }
0x81: {  	[sflag:s3] =	ssyncadd.s32 $0xFFFFE000  }
0x82: {  	_ =	swait.ge [sflag:s5], $0x2000  }
0x83: {  	[sflag:s5] =	ssyncset.done $0x0  }
0x84: {  	s8 =	simm.s32 $0x0;
	s10 =	rddreg [dreg:$0x5];
	[sflag:s5] =	ssyncadd.s32 $0xFFFFE000  }
0x85: {  	[tilespmem:s8], [sflag:$0x9] =	stream.linear.gather [hbm4b:s10+s8], $0x2800, $0x38;
	[tilespmem:$0x1E400] =	vst v63  }
0x86: {  	_ =	swait.ge [sflag:s14], $0x2800  }
0x87: {  	[sflag:s14] =	ssyncset.done $0x0  }
0x88: {  	[sflag:s14] =	ssyncadd.s32 $0xFFFFD800  }
0x89: {  	[tilespmem:s16], [sflag:$0x1] =	stream.indirect.gather [hbm4b:s4+s15], $0x80, s8, s15, $0xb8;
	[tilespmem:$0x1E400] =	vst v63  }
0x8a: {  	_ = 	snop  }
0x8b: {  	[tilespmem:s18], [sflag:$0x2] =	stream.indirect.gather [hbm4b:s4+s15], $0x80, s17, s15, $0xb8;
	[tilespmem:$0x1E400] =	vst v63  }
0x8c: {  	_ = 	snop  }
0x8d: {  	[tilespmem:s20], [sflag:$0x3] =	stream.indirect.gather [hbm4b:s4+s15], $0x80, s19, s15, $0xb8;
	[tilespmem:$0x1E400] =	vst v63  }
0x8e: {  	_ = 	snop  }
0x8f: {  	[tilespmem:s22], [sflag:$0x4] =	stream.indirect.gather [hbm4b:s4+s15], $0x80, s21, s15, $0xb8;
	[tilespmem:$0x1E400] =	vst v63  }
0x90: {  	_ =	swait.ge [sflag:s23], $0x2000  }
0x91: {  	[sflag:s23] =	ssyncset.done $0x0  }
0x92: {  	[sflag:s23] =	ssyncadd.s32 $0xFFFFE000  }
0x93: {  	[spmem:s2] =	stream.indirect.scatter.add.f32 [tilespmem:s16], [sflag:$0x5], $0x80, s24, s15, $0xb8;
	[tilespmem:$0x1E400] =	vst v63  }
0x94: {  	_ =	swait.ge [sflag:s25], $0x2000  }
0x95: {  	[sflag:s25] =	ssyncset.done $0x0  }
0x96: {  	[sflag:s25] =	ssyncadd.s32 $0xFFFFE000  }
0x97: {  	[spmem:s2] =	stream.indirect.scatter.add.f32 [tilespmem:s18], [sflag:$0x6], $0x80, s26, s15, $0xb8;
	[tilespmem:$0x1E400] =	vst v63  }
0x98: {  	_ =	swait.ge [sflag:s28], $0x2000  }
0x99: {  	[sflag:s28] =	ssyncset.done $0x0  }
0x9a: {  	[sflag:s28] =	ssyncadd.s32 $0xFFFFE000  }
0x9b: {  	[spmem:s2] =	stream.indirect.scatter.add.f32 [tilespmem:s20], [sflag:$0x7], $0x80, s29, s15, $0xb8;
	[tilespmem:$0x1E400] =	vst v63  }
0x9c: {  	_ =	swait.ge [sflag:s30], $0x2000  }
0x9d: {  	[sflag:s30] =	ssyncset.done $0x0  }
0x9e: {  	[sflag:s30] =	ssyncadd.s32 $0xFFFFE000  }
0x9f: {  	[spmem:s2] =	stream.indirect.scatter.add.f32 [tilespmem:s22], [sflag:$0x8], $0x80, s31, s15, $0xb8;
	[tilespmem:$0x1E400] =	vst v63  }
0xa0: {  	_ =	swait.ge [sflag:s1], $0x2000  }
0xa1: {  	[sflag:s1] =	ssyncset.done $0x0  }
0xa2: {  	s10 =	simm.s32 $0x400;
	[sflag:s1] =	ssyncadd.s32 $0xFFFFE000  }
0xa3: {  	[tilespmem:s16], [sflag:$0x1] =	stream.indirect.gather [hbm4b:s4+s15], $0x80, s10, s15, $0xb8;
	[tilespmem:$0x1E400] =	vst v63  }
0xa4: {  	_ =	swait.ge [sflag:s0], $0x2000  }
0xa5: {  	[sflag:s0] =	ssyncset.done $0x0  }
0xa6: {  	s9 =	simm.s32 $0x500;
	[sflag:s0] =	ssyncadd.s32 $0xFFFFE000  }
0xa7: {  	[tilespmem:s18], [sflag:$0x2] =	stream.indirect.gather [hbm4b:s4+s15], $0x80, s9, s15, $0xb8;
	[tilespmem:$0x1E400] =	vst v63  }
0xa8: {  	_ =	swait.ge [sflag:s3], $0x2000  }
0xa9: {  	[sflag:s3] =	ssyncset.done $0x0  }
0xaa: {  	s10 =	simm.s32 $0x600;
	[sflag:s3] =	ssyncadd.s32 $0xFFFFE000  }
0xab: {  	[tilespmem:s20], [sflag:$0x3] =	stream.indirect.gather [hbm4b:s4+s15], $0x80, s10, s15, $0xb8;
	[tilespmem:$0x1E400] =	vst v63  }
0xac: {  	_ =	swait.ge [sflag:s5], $0x2000  }
0xad: {  	[sflag:s5] =	ssyncset.done $0x0  }
0xae: {  	s9 =	simm.s32 $0x700;
	[sflag:s5] =	ssyncadd.s32 $0xFFFFE000  }
0xaf: {  	[tilespmem:s22], [sflag:$0x4] =	stream.indirect.gather [hbm4b:s4+s15], $0x80, s9, s15, $0xb8;
	[tilespmem:$0x1E400] =	vst v63  }
0xb0: {  	_ =	swait.ge [sflag:s23], $0x2000  }
0xb1: {  	[sflag:s23] =	ssyncset.done $0x0  }
0xb2: {  	s10 =	simm.s32 $0x480;
	[sflag:s23] =	ssyncadd.s32 $0xFFFFE000  }
0xb3: {  	[spmem:s2] =	stream.indirect.scatter.add.f32 [tilespmem:s16], [sflag:$0x5], $0x80, s10, s15, $0xb8;
	[tilespmem:$0x1E400] =	vst v63  }
0xb4: {  	_ =	swait.ge [sflag:s25], $0x2000  }
0xb5: {  	[sflag:s25] =	ssyncset.done $0x0  }
0xb6: {  	s9 =	simm.s32 $0x580;
	[sflag:s25] =	ssyncadd.s32 $0xFFFFE000  }
0xb7: {  	[spmem:s2] =	stream.indirect.scatter.add.f32 [tilespmem:s18], [sflag:$0x6], $0x80, s9, s15, $0xb8;
	[tilespmem:$0x1E400] =	vst v63  }
0xb8: {  	_ =	swait.ge [sflag:s28], $0x2000  }
0xb9: {  	[sflag:s28] =	ssyncset.done $0x0  }
0xba: {  	s10 =	simm.s32 $0x680;
	[sflag:s28] =	ssyncadd.s32 $0xFFFFE000  }
0xbb: {  	[spmem:s2] =	stream.indirect.scatter.add.f32 [tilespmem:s20], [sflag:$0x7], $0x80, s10, s15, $0xb8;
	[tilespmem:$0x1E400] =	vst v63  }
0xbc: {  	_ =	swait.ge [sflag:s30], $0x2000  }
0xbd: {  	[sflag:s30] =	ssyncset.done $0x0  }
0xbe: {  	s8 =	simm.s32 $0x1000;
	s9 =	simm.s32 $0x780;
	[sflag:s30] =	ssyncadd.s32 $0xFFFFE000  }
.LBB2_4:
0xbf: {  	[spmem:s2] =	stream.indirect.scatter.add.f32 [tilespmem:s22], [sflag:$0x8], $0x80, s9, s15, $0xb8;
	[tilespmem:$0x1E400] =	vst v63  }
0xc0: {  	s9 =	smov.u32 s8  }
0xc1: {  	p0 =	sne.s32 s8, $0x8000;
	s8 =	sadd.s32 $0x1000, s8;
	_ =	swait.ge [sflag:s1], $0x2000  }
0xc2: {  	s9 =	sshra.s32 s9, $0x2;
	[sflag:s1] =	ssyncset.done $0x0  }
0xc3: {  	s10 =	sadd.s32 $0x400, s9;
	[sflag:s1] =	ssyncadd.s32 $0xFFFFE000  }
0xc4: {  	[tilespmem:s16], [sflag:$0x1] =	stream.indirect.gather [hbm4b:s4+s15], $0x80, s10, s15, $0xb8;
	[tilespmem:$0x1E400] =	vst v63  }
0xc5: {  	_ =	swait.ge [sflag:s0], $0x2000  }
0xc6: {  	[sflag:s0] =	ssyncset.done $0x0  }
0xc7: {  	s10 =	sadd.s32 $0x500, s9;
	[sflag:s0] =	ssyncadd.s32 $0xFFFFE000  }
0xc8: {  	[tilespmem:s18], [sflag:$0x2] =	stream.indirect.gather [hbm4b:s4+s15], $0x80, s10, s15, $0xb8;
	[tilespmem:$0x1E400] =	vst v63  }
0xc9: {  	_ =	swait.ge [sflag:s3], $0x2000  }
0xca: {  	[sflag:s3] =	ssyncset.done $0x0  }
0xcb: {  	s10 =	sadd.s32 $0x600, s9;
	[sflag:s3] =	ssyncadd.s32 $0xFFFFE000  }
0xcc: {  	[tilespmem:s20], [sflag:$0x3] =	stream.indirect.gather [hbm4b:s4+s15], $0x80, s10, s15, $0xb8;
	[tilespmem:$0x1E400] =	vst v63  }
0xcd: {  	_ =	swait.ge [sflag:s5], $0x2000  }
0xce: {  	[sflag:s5] =	ssyncset.done $0x0  }
0xcf: {  	s10 =	sadd.s32 $0x700, s9;
	[sflag:s5] =	ssyncadd.s32 $0xFFFFE000  }
0xd0: {  	[tilespmem:s22], [sflag:$0x4] =	stream.indirect.gather [hbm4b:s4+s15], $0x80, s10, s15, $0xb8;
	[tilespmem:$0x1E400] =	vst v63  }
0xd1: {  	_ =	swait.ge [sflag:s23], $0x2000  }
0xd2: {  	[sflag:s23] =	ssyncset.done $0x0  }
0xd3: {  	s10 =	sadd.s32 $0x480, s9;
	[sflag:s23] =	ssyncadd.s32 $0xFFFFE000  }
0xd4: {  	[spmem:s2] =	stream.indirect.scatter.add.f32 [tilespmem:s16], [sflag:$0x5], $0x80, s10, s15, $0xb8;
	[tilespmem:$0x1E400] =	vst v63  }
0xd5: {  	_ =	swait.ge [sflag:s25], $0x2000  }
0xd6: {  	[sflag:s25] =	ssyncset.done $0x0  }
0xd7: {  	s10 =	sadd.s32 $0x580, s9;
	[sflag:s25] =	ssyncadd.s32 $0xFFFFE000  }
0xd8: {  	[spmem:s2] =	stream.indirect.scatter.add.f32 [tilespmem:s18], [sflag:$0x6], $0x80, s10, s15, $0xb8;
	[tilespmem:$0x1E400] =	vst v63  }
0xd9: {  	_ =	swait.ge [sflag:s28], $0x2000  }
0xda: {  	[sflag:s28] =	ssyncset.done $0x0  }
.Ltmp1:
0xdb: {  	s10 =	sadd.s32 $0x680, s9;
	[sflag:s28] =	ssyncadd.s32 $0xFFFFE000;
	(pc) =	sbr.rel @p0 .LBB2_4-.Ltmp1, $4  }
0xdc: {  	[spmem:s2] =	stream.indirect.scatter.add.f32 [tilespmem:s20], [sflag:$0x7], $0x80, s10, s15, $0xb8;
	[tilespmem:$0x1E400] =	vst v63  }
0xdd: {  	_ =	swait.ge [sflag:s30], $0x2000  }
0xde: {  	[sflag:s30] =	ssyncset.done $0x0  }
0xdf: {  	s9 =	sadd.s32 $0x780, s9;
	[sflag:s30] =	ssyncadd.s32 $0xFFFFE000  }
0xe0: {  	[spmem:s2] =	stream.indirect.scatter.add.f32 [tilespmem:s22], [sflag:$0x8], $0x80, s9, s15, $0xb8;
	[tilespmem:$0x1E400] =	vst v63  }
0xe1: {  	_ =	swait.ge [sflag:s1], $0x2000  }
0xe2: {  	[sflag:s1] =	ssyncset.done $0x0  }
0xe3: {  	[sflag:s1] =	ssyncadd.s32 $0xFFFFE000  }
0xe4: {  	_ =	swait.ge [sflag:s0], $0x2000  }
0xe5: {  	[sflag:s0] =	ssyncset.done $0x0  }
0xe6: {  	[sflag:s0] =	ssyncadd.s32 $0xFFFFE000  }
0xe7: {  	_ =	swait.ge [sflag:s3], $0x2000  }
0xe8: {  	[sflag:s3] =	ssyncset.done $0x0  }
0xe9: {  	[sflag:s3] =	ssyncadd.s32 $0xFFFFE000  }
0xea: {  	_ =	swait.ge [sflag:s5], $0x2000  }
0xeb: {  	[sflag:s5] =	ssyncset.done $0x0  }
0xec: {  	s8 =	simm.s32 $0x0;
	s10 =	rddreg [dreg:$0x6];
	[sflag:s5] =	ssyncadd.s32 $0xFFFFE000  }
0xed: {  	[tilespmem:s8], [sflag:$0x9] =	stream.linear.gather [hbm4b:s10+s8], $0x2800, $0x38;
	[tilespmem:$0x1E400] =	vst v63  }
0xee: {  	_ =	swait.ge [sflag:s14], $0x2800  }
0xef: {  	[sflag:s14] =	ssyncset.done $0x0  }
0xf0: {  	[sflag:s14] =	ssyncadd.s32 $0xFFFFD800  }
0xf1: {  	[tilespmem:s16], [sflag:$0x1] =	stream.indirect.gather [hbm4b:s4+s15], $0x80, s8, s15, $0xb8;
	[tilespmem:$0x1E400] =	vst v63  }
0xf2: {  	_ = 	snop  }
0xf3: {  	[tilespmem:s18], [sflag:$0x2] =	stream.indirect.gather [hbm4b:s4+s15], $0x80, s17, s15, $0xb8;
	[tilespmem:$0x1E400] =	vst v63  }
0xf4: {  	_ = 	snop  }
0xf5: {  	[tilespmem:s20], [sflag:$0x3] =	stream.indirect.gather [hbm4b:s4+s15], $0x80, s19, s15, $0xb8;
	[tilespmem:$0x1E400] =	vst v63  }
0xf6: {  	_ = 	snop  }
0xf7: {  	[tilespmem:s22], [sflag:$0x4] =	stream.indirect.gather [hbm4b:s4+s15], $0x80, s21, s15, $0xb8;
	[tilespmem:$0x1E400] =	vst v63  }
0xf8: {  	_ =	swait.ge [sflag:s23], $0x2000  }
0xf9: {  	[sflag:s23] =	ssyncset.done $0x0  }
0xfa: {  	[sflag:s23] =	ssyncadd.s32 $0xFFFFE000  }
0xfb: {  	[spmem:s2] =	stream.indirect.scatter.add.f32 [tilespmem:s16], [sflag:$0x5], $0x80, s24, s15, $0xb8;
	[tilespmem:$0x1E400] =	vst v63  }
0xfc: {  	_ =	swait.ge [sflag:s25], $0x2000  }
0xfd: {  	[sflag:s25] =	ssyncset.done $0x0  }
0xfe: {  	[sflag:s25] =	ssyncadd.s32 $0xFFFFE000  }
0xff: {  	[spmem:s2] =	stream.indirect.scatter.add.f32 [tilespmem:s18], [sflag:$0x6], $0x80, s26, s15, $0xb8;
	[tilespmem:$0x1E400] =	vst v63  }
0x100: {  	_ =	swait.ge [sflag:s28], $0x2000  }
0x101: {  	[sflag:s28] =	ssyncset.done $0x0  }
0x102: {  	[sflag:s28] =	ssyncadd.s32 $0xFFFFE000  }
0x103: {  	[spmem:s2] =	stream.indirect.scatter.add.f32 [tilespmem:s20], [sflag:$0x7], $0x80, s29, s15, $0xb8;
	[tilespmem:$0x1E400] =	vst v63  }
0x104: {  	_ =	swait.ge [sflag:s30], $0x2000  }
0x105: {  	[sflag:s30] =	ssyncset.done $0x0  }
0x106: {  	[sflag:s30] =	ssyncadd.s32 $0xFFFFE000  }
0x107: {  	[spmem:s2] =	stream.indirect.scatter.add.f32 [tilespmem:s22], [sflag:$0x8], $0x80, s31, s15, $0xb8;
	[tilespmem:$0x1E400] =	vst v63  }
0x108: {  	_ =	swait.ge [sflag:s1], $0x2000  }
0x109: {  	[sflag:s1] =	ssyncset.done $0x0  }
0x10a: {  	s10 =	simm.s32 $0x400;
	[sflag:s1] =	ssyncadd.s32 $0xFFFFE000  }
0x10b: {  	[tilespmem:s16], [sflag:$0x1] =	stream.indirect.gather [hbm4b:s4+s15], $0x80, s10, s15, $0xb8;
	[tilespmem:$0x1E400] =	vst v63  }
0x10c: {  	_ =	swait.ge [sflag:s0], $0x2000  }
0x10d: {  	[sflag:s0] =	ssyncset.done $0x0  }
0x10e: {  	s9 =	simm.s32 $0x500;
	[sflag:s0] =	ssyncadd.s32 $0xFFFFE000  }
0x10f: {  	[tilespmem:s18], [sflag:$0x2] =	stream.indirect.gather [hbm4b:s4+s15], $0x80, s9, s15, $0xb8;
	[tilespmem:$0x1E400] =	vst v63  }
0x110: {  	_ =	swait.ge [sflag:s3], $0x2000  }
0x111: {  	[sflag:s3] =	ssyncset.done $0x0  }
0x112: {  	s10 =	simm.s32 $0x600;
	[sflag:s3] =	ssyncadd.s32 $0xFFFFE000  }
0x113: {  	[tilespmem:s20], [sflag:$0x3] =	stream.indirect.gather [hbm4b:s4+s15], $0x80, s10, s15, $0xb8;
	[tilespmem:$0x1E400] =	vst v63  }
0x114: {  	_ =	swait.ge [sflag:s5], $0x2000  }
0x115: {  	[sflag:s5] =	ssyncset.done $0x0  }
0x116: {  	s9 =	simm.s32 $0x700;
	[sflag:s5] =	ssyncadd.s32 $0xFFFFE000  }
0x117: {  	[tilespmem:s22], [sflag:$0x4] =	stream.indirect.gather [hbm4b:s4+s15], $0x80, s9, s15, $0xb8;
	[tilespmem:$0x1E400] =	vst v63  }
0x118: {  	_ =	swait.ge [sflag:s23], $0x2000  }
0x119: {  	[sflag:s23] =	ssyncset.done $0x0  }
0x11a: {  	s10 =	simm.s32 $0x480;
	[sflag:s23] =	ssyncadd.s32 $0xFFFFE000  }
0x11b: {  	[spmem:s2] =	stream.indirect.scatter.add.f32 [tilespmem:s16], [sflag:$0x5], $0x80, s10, s15, $0xb8;
	[tilespmem:$0x1E400] =	vst v63  }
0x11c: {  	_ =	swait.ge [sflag:s25], $0x2000  }
0x11d: {  	[sflag:s25] =	ssyncset.done $0x0  }
0x11e: {  	s9 =	simm.s32 $0x580;
	[sflag:s25] =	ssyncadd.s32 $0xFFFFE000  }
0x11f: {  	[spmem:s2] =	stream.indirect.scatter.add.f32 [tilespmem:s18], [sflag:$0x6], $0x80, s9, s15, $0xb8;
	[tilespmem:$0x1E400] =	vst v63  }
0x120: {  	_ =	swait.ge [sflag:s28], $0x2000  }
0x121: {  	[sflag:s28] =	ssyncset.done $0x0  }
0x122: {  	s10 =	simm.s32 $0x680;
	[sflag:s28] =	ssyncadd.s32 $0xFFFFE000  }
0x123: {  	[spmem:s2] =	stream.indirect.scatter.add.f32 [tilespmem:s20], [sflag:$0x7], $0x80, s10, s15, $0xb8;
	[tilespmem:$0x1E400] =	vst v63  }
0x124: {  	_ =	swait.ge [sflag:s30], $0x2000  }
0x125: {  	[sflag:s30] =	ssyncset.done $0x0  }
0x126: {  	s8 =	simm.s32 $0x1000;
	s9 =	simm.s32 $0x780;
	[sflag:s30] =	ssyncadd.s32 $0xFFFFE000  }
.LBB2_6:
0x127: {  	[spmem:s2] =	stream.indirect.scatter.add.f32 [tilespmem:s22], [sflag:$0x8], $0x80, s9, s15, $0xb8;
	[tilespmem:$0x1E400] =	vst v63  }
0x128: {  	s9 =	smov.u32 s8  }
0x129: {  	p0 =	sne.s32 s8, $0x8000;
	s8 =	sadd.s32 $0x1000, s8;
	_ =	swait.ge [sflag:s1], $0x2000  }
0x12a: {  	s9 =	sshra.s32 s9, $0x2;
	[sflag:s1] =	ssyncset.done $0x0  }
0x12b: {  	s10 =	sadd.s32 $0x400, s9;
	[sflag:s1] =	ssyncadd.s32 $0xFFFFE000  }
0x12c: {  	[tilespmem:s16], [sflag:$0x1] =	stream.indirect.gather [hbm4b:s4+s15], $0x80, s10, s15, $0xb8;
	[tilespmem:$0x1E400] =	vst v63  }
0x12d: {  	_ =	swait.ge [sflag:s0], $0x2000  }
0x12e: {  	[sflag:s0] =	ssyncset.done $0x0  }
0x12f: {  	s10 =	sadd.s32 $0x500, s9;
	[sflag:s0] =	ssyncadd.s32 $0xFFFFE000  }
0x130: {  	[tilespmem:s18], [sflag:$0x2] =	stream.indirect.gather [hbm4b:s4+s15], $0x80, s10, s15, $0xb8;
	[tilespmem:$0x1E400] =	vst v63  }
0x131: {  	_ =	swait.ge [sflag:s3], $0x2000  }
0x132: {  	[sflag:s3] =	ssyncset.done $0x0  }
0x133: {  	s10 =	sadd.s32 $0x600, s9;
	[sflag:s3] =	ssyncadd.s32 $0xFFFFE000  }
0x134: {  	[tilespmem:s20], [sflag:$0x3] =	stream.indirect.gather [hbm4b:s4+s15], $0x80, s10, s15, $0xb8;
	[tilespmem:$0x1E400] =	vst v63  }
0x135: {  	_ =	swait.ge [sflag:s5], $0x2000  }
0x136: {  	[sflag:s5] =	ssyncset.done $0x0  }
0x137: {  	s10 =	sadd.s32 $0x700, s9;
	[sflag:s5] =	ssyncadd.s32 $0xFFFFE000  }
0x138: {  	[tilespmem:s22], [sflag:$0x4] =	stream.indirect.gather [hbm4b:s4+s15], $0x80, s10, s15, $0xb8;
	[tilespmem:$0x1E400] =	vst v63  }
0x139: {  	_ =	swait.ge [sflag:s23], $0x2000  }
0x13a: {  	[sflag:s23] =	ssyncset.done $0x0  }
0x13b: {  	s10 =	sadd.s32 $0x480, s9;
	[sflag:s23] =	ssyncadd.s32 $0xFFFFE000  }
0x13c: {  	[spmem:s2] =	stream.indirect.scatter.add.f32 [tilespmem:s16], [sflag:$0x5], $0x80, s10, s15, $0xb8;
	[tilespmem:$0x1E400] =	vst v63  }
0x13d: {  	_ =	swait.ge [sflag:s25], $0x2000  }
0x13e: {  	[sflag:s25] =	ssyncset.done $0x0  }
0x13f: {  	s10 =	sadd.s32 $0x580, s9;
	[sflag:s25] =	ssyncadd.s32 $0xFFFFE000  }
0x140: {  	[spmem:s2] =	stream.indirect.scatter.add.f32 [tilespmem:s18], [sflag:$0x6], $0x80, s10, s15, $0xb8;
	[tilespmem:$0x1E400] =	vst v63  }
0x141: {  	_ =	swait.ge [sflag:s28], $0x2000  }
0x142: {  	[sflag:s28] =	ssyncset.done $0x0  }
.Ltmp2:
0x143: {  	s10 =	sadd.s32 $0x680, s9;
	[sflag:s28] =	ssyncadd.s32 $0xFFFFE000;
	(pc) =	sbr.rel @p0 .LBB2_6-.Ltmp2, $4  }
0x144: {  	[spmem:s2] =	stream.indirect.scatter.add.f32 [tilespmem:s20], [sflag:$0x7], $0x80, s10, s15, $0xb8;
	[tilespmem:$0x1E400] =	vst v63  }
0x145: {  	_ =	swait.ge [sflag:s30], $0x2000  }
0x146: {  	[sflag:s30] =	ssyncset.done $0x0  }
0x147: {  	s9 =	sadd.s32 $0x780, s9;
	[sflag:s30] =	ssyncadd.s32 $0xFFFFE000  }
0x148: {  	[spmem:s2] =	stream.indirect.scatter.add.f32 [tilespmem:s22], [sflag:$0x8], $0x80, s9, s15, $0xb8;
	[tilespmem:$0x1E400] =	vst v63  }
0x149: {  	_ =	swait.ge [sflag:s1], $0x2000  }
0x14a: {  	[sflag:s1] =	ssyncset.done $0x0  }
0x14b: {  	[sflag:s1] =	ssyncadd.s32 $0xFFFFE000  }
0x14c: {  	_ =	swait.ge [sflag:s0], $0x2000  }
0x14d: {  	[sflag:s0] =	ssyncset.done $0x0  }
0x14e: {  	[sflag:s0] =	ssyncadd.s32 $0xFFFFE000  }
0x14f: {  	_ =	swait.ge [sflag:s3], $0x2000  }
0x150: {  	[sflag:s3] =	ssyncset.done $0x0  }
0x151: {  	[sflag:s3] =	ssyncadd.s32 $0xFFFFE000  }
0x152: {  	_ =	swait.ge [sflag:s5], $0x2000  }
0x153: {  	[sflag:s5] =	ssyncset.done $0x0  }
0x154: {  	s8 =	simm.s32 $0x0;
	s10 =	rddreg [dreg:$0x7];
	[sflag:s5] =	ssyncadd.s32 $0xFFFFE000  }
0x155: {  	[tilespmem:s8], [sflag:$0x9] =	stream.linear.gather [hbm4b:s10+s8], $0x2800, $0x38;
	[tilespmem:$0x1E400] =	vst v63  }
0x156: {  	_ =	swait.ge [sflag:s14], $0x2800  }
0x157: {  	[sflag:s14] =	ssyncset.done $0x0  }
0x158: {  	[sflag:s14] =	ssyncadd.s32 $0xFFFFD800  }
0x159: {  	[tilespmem:s16], [sflag:$0x1] =	stream.indirect.gather [hbm4b:s4+s15], $0x80, s8, s15, $0xb8;
	[tilespmem:$0x1E400] =	vst v63  }
0x15a: {  	_ = 	snop  }
0x15b: {  	[tilespmem:s18], [sflag:$0x2] =	stream.indirect.gather [hbm4b:s4+s15], $0x80, s17, s15, $0xb8;
	[tilespmem:$0x1E400] =	vst v63  }
0x15c: {  	_ = 	snop  }
0x15d: {  	[tilespmem:s20], [sflag:$0x3] =	stream.indirect.gather [hbm4b:s4+s15], $0x80, s19, s15, $0xb8;
	[tilespmem:$0x1E400] =	vst v63  }
0x15e: {  	_ = 	snop  }
0x15f: {  	[tilespmem:s22], [sflag:$0x4] =	stream.indirect.gather [hbm4b:s4+s15], $0x80, s21, s15, $0xb8;
	[tilespmem:$0x1E400] =	vst v63  }
0x160: {  	_ =	swait.ge [sflag:s23], $0x2000  }
0x161: {  	[sflag:s23] =	ssyncset.done $0x0  }
0x162: {  	[sflag:s23] =	ssyncadd.s32 $0xFFFFE000  }
0x163: {  	[spmem:s2] =	stream.indirect.scatter.add.f32 [tilespmem:s16], [sflag:$0x5], $0x80, s24, s15, $0xb8;
	[tilespmem:$0x1E400] =	vst v63  }
0x164: {  	_ =	swait.ge [sflag:s25], $0x2000  }
0x165: {  	[sflag:s25] =	ssyncset.done $0x0  }
0x166: {  	[sflag:s25] =	ssyncadd.s32 $0xFFFFE000  }
0x167: {  	[spmem:s2] =	stream.indirect.scatter.add.f32 [tilespmem:s18], [sflag:$0x6], $0x80, s26, s15, $0xb8;
	[tilespmem:$0x1E400] =	vst v63  }
0x168: {  	_ =	swait.ge [sflag:s28], $0x2000  }
0x169: {  	[sflag:s28] =	ssyncset.done $0x0  }
0x16a: {  	[sflag:s28] =	ssyncadd.s32 $0xFFFFE000  }
0x16b: {  	[spmem:s2] =	stream.indirect.scatter.add.f32 [tilespmem:s20], [sflag:$0x7], $0x80, s29, s15, $0xb8;
	[tilespmem:$0x1E400] =	vst v63  }
0x16c: {  	_ =	swait.ge [sflag:s30], $0x2000  }
0x16d: {  	[sflag:s30] =	ssyncset.done $0x0  }
0x16e: {  	[sflag:s30] =	ssyncadd.s32 $0xFFFFE000  }
0x16f: {  	[spmem:s2] =	stream.indirect.scatter.add.f32 [tilespmem:s22], [sflag:$0x8], $0x80, s31, s15, $0xb8;
	[tilespmem:$0x1E400] =	vst v63  }
0x170: {  	_ =	swait.ge [sflag:s1], $0x2000  }
0x171: {  	[sflag:s1] =	ssyncset.done $0x0  }
0x172: {  	s10 =	simm.s32 $0x400;
	[sflag:s1] =	ssyncadd.s32 $0xFFFFE000  }
0x173: {  	[tilespmem:s16], [sflag:$0x1] =	stream.indirect.gather [hbm4b:s4+s15], $0x80, s10, s15, $0xb8;
	[tilespmem:$0x1E400] =	vst v63  }
0x174: {  	_ =	swait.ge [sflag:s0], $0x2000  }
0x175: {  	[sflag:s0] =	ssyncset.done $0x0  }
0x176: {  	s9 =	simm.s32 $0x500;
	[sflag:s0] =	ssyncadd.s32 $0xFFFFE000  }
0x177: {  	[tilespmem:s18], [sflag:$0x2] =	stream.indirect.gather [hbm4b:s4+s15], $0x80, s9, s15, $0xb8;
	[tilespmem:$0x1E400] =	vst v63  }
0x178: {  	_ =	swait.ge [sflag:s3], $0x2000  }
0x179: {  	[sflag:s3] =	ssyncset.done $0x0  }
0x17a: {  	s10 =	simm.s32 $0x600;
	[sflag:s3] =	ssyncadd.s32 $0xFFFFE000  }
0x17b: {  	[tilespmem:s20], [sflag:$0x3] =	stream.indirect.gather [hbm4b:s4+s15], $0x80, s10, s15, $0xb8;
	[tilespmem:$0x1E400] =	vst v63  }
0x17c: {  	_ =	swait.ge [sflag:s5], $0x2000  }
0x17d: {  	[sflag:s5] =	ssyncset.done $0x0  }
0x17e: {  	s9 =	simm.s32 $0x700;
	[sflag:s5] =	ssyncadd.s32 $0xFFFFE000  }
0x17f: {  	[tilespmem:s22], [sflag:$0x4] =	stream.indirect.gather [hbm4b:s4+s15], $0x80, s9, s15, $0xb8;
	[tilespmem:$0x1E400] =	vst v63  }
0x180: {  	_ =	swait.ge [sflag:s23], $0x2000  }
0x181: {  	[sflag:s23] =	ssyncset.done $0x0  }
0x182: {  	s10 =	simm.s32 $0x480;
	[sflag:s23] =	ssyncadd.s32 $0xFFFFE000  }
0x183: {  	[spmem:s2] =	stream.indirect.scatter.add.f32 [tilespmem:s16], [sflag:$0x5], $0x80, s10, s15, $0xb8;
	[tilespmem:$0x1E400] =	vst v63  }
0x184: {  	_ =	swait.ge [sflag:s25], $0x2000  }
0x185: {  	[sflag:s25] =	ssyncset.done $0x0  }
0x186: {  	s9 =	simm.s32 $0x580;
	[sflag:s25] =	ssyncadd.s32 $0xFFFFE000  }
0x187: {  	[spmem:s2] =	stream.indirect.scatter.add.f32 [tilespmem:s18], [sflag:$0x6], $0x80, s9, s15, $0xb8;
	[tilespmem:$0x1E400] =	vst v63  }
0x188: {  	_ =	swait.ge [sflag:s28], $0x2000  }
0x189: {  	[sflag:s28] =	ssyncset.done $0x0  }
0x18a: {  	s10 =	simm.s32 $0x680;
	[sflag:s28] =	ssyncadd.s32 $0xFFFFE000  }
0x18b: {  	[spmem:s2] =	stream.indirect.scatter.add.f32 [tilespmem:s20], [sflag:$0x7], $0x80, s10, s15, $0xb8;
	[tilespmem:$0x1E400] =	vst v63  }
0x18c: {  	_ =	swait.ge [sflag:s30], $0x2000  }
0x18d: {  	[sflag:s30] =	ssyncset.done $0x0  }
0x18e: {  	s8 =	simm.s32 $0x1000;
	s9 =	simm.s32 $0x780;
	[sflag:s30] =	ssyncadd.s32 $0xFFFFE000  }
.LBB2_8:
0x18f: {  	[spmem:s2] =	stream.indirect.scatter.add.f32 [tilespmem:s22], [sflag:$0x8], $0x80, s9, s15, $0xb8;
	[tilespmem:$0x1E400] =	vst v63  }
0x190: {  	s9 =	smov.u32 s8  }
0x191: {  	p0 =	sne.s32 s8, $0x8000;
	s8 =	sadd.s32 $0x1000, s8;
	_ =	swait.ge [sflag:s1], $0x2000  }
0x192: {  	s9 =	sshra.s32 s9, $0x2;
	[sflag:s1] =	ssyncset.done $0x0  }
0x193: {  	s10 =	sadd.s32 $0x400, s9;
	[sflag:s1] =	ssyncadd.s32 $0xFFFFE000  }
0x194: {  	[tilespmem:s16], [sflag:$0x1] =	stream.indirect.gather [hbm4b:s4+s15], $0x80, s10, s15, $0xb8;
	[tilespmem:$0x1E400] =	vst v63  }
0x195: {  	_ =	swait.ge [sflag:s0], $0x2000  }
0x196: {  	[sflag:s0] =	ssyncset.done $0x0  }
0x197: {  	s10 =	sadd.s32 $0x500, s9;
	[sflag:s0] =	ssyncadd.s32 $0xFFFFE000  }
0x198: {  	[tilespmem:s18], [sflag:$0x2] =	stream.indirect.gather [hbm4b:s4+s15], $0x80, s10, s15, $0xb8;
	[tilespmem:$0x1E400] =	vst v63  }
0x199: {  	_ =	swait.ge [sflag:s3], $0x2000  }
0x19a: {  	[sflag:s3] =	ssyncset.done $0x0  }
0x19b: {  	s10 =	sadd.s32 $0x600, s9;
	[sflag:s3] =	ssyncadd.s32 $0xFFFFE000  }
0x19c: {  	[tilespmem:s20], [sflag:$0x3] =	stream.indirect.gather [hbm4b:s4+s15], $0x80, s10, s15, $0xb8;
	[tilespmem:$0x1E400] =	vst v63  }
0x19d: {  	_ =	swait.ge [sflag:s5], $0x2000  }
0x19e: {  	[sflag:s5] =	ssyncset.done $0x0  }
0x19f: {  	s10 =	sadd.s32 $0x700, s9;
	[sflag:s5] =	ssyncadd.s32 $0xFFFFE000  }
0x1a0: {  	[tilespmem:s22], [sflag:$0x4] =	stream.indirect.gather [hbm4b:s4+s15], $0x80, s10, s15, $0xb8;
	[tilespmem:$0x1E400] =	vst v63  }
0x1a1: {  	_ =	swait.ge [sflag:s23], $0x2000  }
0x1a2: {  	[sflag:s23] =	ssyncset.done $0x0  }
0x1a3: {  	s10 =	sadd.s32 $0x480, s9;
	[sflag:s23] =	ssyncadd.s32 $0xFFFFE000  }
0x1a4: {  	[spmem:s2] =	stream.indirect.scatter.add.f32 [tilespmem:s16], [sflag:$0x5], $0x80, s10, s15, $0xb8;
	[tilespmem:$0x1E400] =	vst v63  }
0x1a5: {  	_ =	swait.ge [sflag:s25], $0x2000  }
0x1a6: {  	[sflag:s25] =	ssyncset.done $0x0  }
0x1a7: {  	s10 =	sadd.s32 $0x580, s9;
	[sflag:s25] =	ssyncadd.s32 $0xFFFFE000  }
0x1a8: {  	[spmem:s2] =	stream.indirect.scatter.add.f32 [tilespmem:s18], [sflag:$0x6], $0x80, s10, s15, $0xb8;
	[tilespmem:$0x1E400] =	vst v63  }
0x1a9: {  	_ =	swait.ge [sflag:s28], $0x2000  }
0x1aa: {  	[sflag:s28] =	ssyncset.done $0x0  }
.Ltmp3:
0x1ab: {  	s10 =	sadd.s32 $0x680, s9;
	[sflag:s28] =	ssyncadd.s32 $0xFFFFE000;
	(pc) =	sbr.rel @p0 .LBB2_8-.Ltmp3, $4  }
0x1ac: {  	[spmem:s2] =	stream.indirect.scatter.add.f32 [tilespmem:s20], [sflag:$0x7], $0x80, s10, s15, $0xb8;
	[tilespmem:$0x1E400] =	vst v63  }
0x1ad: {  	_ =	swait.ge [sflag:s30], $0x2000  }
0x1ae: {  	[sflag:s30] =	ssyncset.done $0x0  }
0x1af: {  	s9 =	sadd.s32 $0x780, s9;
	[sflag:s30] =	ssyncadd.s32 $0xFFFFE000  }
0x1b0: {  	[spmem:s2] =	stream.indirect.scatter.add.f32 [tilespmem:s22], [sflag:$0x8], $0x80, s9, s15, $0xb8;
	[tilespmem:$0x1E400] =	vst v63  }
0x1b1: {  	_ =	swait.ge [sflag:s1], $0x2000  }
0x1b2: {  	[sflag:s1] =	ssyncset.done $0x0  }
0x1b3: {  	[sflag:s1] =	ssyncadd.s32 $0xFFFFE000  }
0x1b4: {  	_ =	swait.ge [sflag:s0], $0x2000  }
0x1b5: {  	[sflag:s0] =	ssyncset.done $0x0  }
0x1b6: {  	[sflag:s0] =	ssyncadd.s32 $0xFFFFE000  }
0x1b7: {  	_ =	swait.ge [sflag:s3], $0x2000  }
0x1b8: {  	[sflag:s3] =	ssyncset.done $0x0  }
0x1b9: {  	[sflag:s3] =	ssyncadd.s32 $0xFFFFE000  }
0x1ba: {  	_ =	swait.ge [sflag:s5], $0x2000  }
0x1bb: {  	s7 =	sadd.s32 $0x1, s7;
	[sflag:s5] =	ssyncset.done $0x0  }
0x1bc: {  	p0 =	sne.s32 s7, s12;
	[sflag:s5] =	ssyncadd.s32 $0xFFFFE000  }
.Ltmp4:
0x1bd: {  	[bflag:$0x0] =	sbarrier.arrive $0xFFFF;
	(pc) =	sbr.rel @p0 .LBB2_1-.Ltmp4, $4  }
0x1be: {  	[hbm:s11], [sflag:s6] =	dma.local [spmem:s13], $0x2780  }
0x1bf: {  	_ =	swait.ge [sflag:s14], $0x2780  }
0x1c0: {  	[sflag:s14] =	ssyncset.done $0x0  }
0x1c1: {  	[sflag:s14] =	ssyncadd.s32 $0xFFFFD880  }
0x1c2: {  	_ =	sfence.sel $0x180000  }
0x1c3: {  	[bflag:$0x0] =	sbarrier.arrive $0xFFFF  }
0x1c4: {  	_ =	strace $0x9000004D  }
0x1c5: {  	s0 =	stileid.u32;
	[bflag:$0x2] =	sbarrier.arrive $0xFFFF  }
0x1c6: {  	p0 =	sne.s32 s0, $0x0;
	s0 =	rddreg [dreg:$0x2]  }
0x1c7: {  	s0 =	sadd.s32 @!p0 $0x100000, s0  }
0x1c8: {  	[sflag:s0] =	ssyncadd.tile.s32 @!p0 $0x1;
	_ =	shalt  }
.Lfunc_end2:
_tile_overlayer_lowered:
.L_overlay_start_2:
0x1c9: {  	(tag) =	ssettag $0x2  }
0x1ca: {  	s0 =	rddreg [dreg:$0x0];
	s2 =	stileid.u32  }
0x1cb: {  	s1 =	rddreg [dreg:$0x1];
	p0 =	sne.s32 s2, $0x0  }
0x1cc: {  	s3 =	rddreg [dreg:$0x2];
	[bflag:$0x3] =	sbarrier.arrive $0xFFFF;
	s2 =	simm.s32 @!p0 $0x1C09  }
0x1cd: {  	[timem:s3], [sflag:s2] =	dma.local @!p0 [hbm:s0], s1  }
0x1ce: {  	s0 =	simm.s32 @!p0 $0x9  }
0x1cf: {  	_ =	swait.ge @!p0 [sflag:s0], s1  }
0x1d0: {  	s1 =	ssub.s32 @!p0 $0x0, s1;
	[sflag:s0] =	ssyncset.done @!p0 $0x0  }
0x1d1: {  	[sflag:s0] =	ssyncadd.s32 @!p0 s1  }
0x1d2: {  	[bflag:$0x3] =	sbarrier.arrive $0xFFFF  }
0x1d3: {  	_ =	shalt  }

// kernel: kernel.19.cloned.1.call-start
scs
__scs_entry_jumppad:
0x0: {  	(pc) =	sbr.rel $0x88, $3  }
0x1: {  	(tag) =	ssettag $0x0;
	lr =	simm.s32 $0x1  }
0x2: {  	[smem:$0x3F94] =	sst lr;
	_ =	strace $0xD0000000  }
0x3: {  	_ = 	snop  }
0x4: {  	_ = 	snop  }
0x5: {  	_ = 	snop  }
0x6: {  	_ = 	snop  }
0x7: {  	_ = 	snop  }
__scs_overlays_trampoline_lowered:
0x8: {  	[smem:$0x3FA3] =	sst s0  }
0x9: {  	[smem:$0x3FA4] =	sst s1  }
0xa: {  	[smem:$0x3FA5] =	sst s2  }
0xb: {  	[smem:$0x3FA6] =	sst s3  }
0xc: {  	[smem:$0x3FA7] =	sst s4  }
0xd: {  	[smem:$0x3FA8] =	sst s5  }
0xe: {  	[smem:$0x3FA9] =	sst s6  }
0xf: {  	[smem:$0x3FAA] =	sst s7  }
0x10: {  	[smem:$0x3FAB] =	sst s8  }
0x11: {  	[smem:$0x3FAC] =	sst s9;
	s0 =	simm.s32 @!p0 $0x0  }
0x12: {  	s1 =	sld [smem:$0x3F92];
	s0 =	simm.s32 @p0 $0x1  }
0x13: {  	[smem:$0x3FAD] =	sst s0;
	s0 =	simm.s32 @!p1 $0x0  }
0x14: {  	s2 =	sld [smem:$0x3F91];
	s0 =	simm.s32 @p1 $0x1  }
0x15: {  	[smem:$0x3FAE] =	sst s0;
	s0 =	simm.s32 @!p2 $0x0  }
0x16: {  	s3 =	sld [smem:$0x3FDB];
	s0 =	simm.s32 @p2 $0x1  }
0x17: {  	s4 =	simm.s32 $0x1BF5;
	[smem:$0x3FB0] =	sst s0  }
0x18: {  	s0 =	sld [smem:$0x3F93];
	_ =	swait.ge [sflag:s4], $0x0  }
0x19: {  	s7 =	sld [smem:$0x3F94]  }
0x1a: {  	s8 =	sadd.s32 $0xFFFFE003, lr  }
0x1b: {  	s9 =	sadd.s32 $0xFFFFFEF7, lr;
	s5 =	simm.s32 $0xFFFFFFFF;
	p2 =	slt.u32 s8, $0xFFFFF086  }
0x1c: {  	p1 =	slt.u32 s9, $0xF7A;
	s5 =	simm.s32 @!p2 $0x0  }
0x1d: {  	s5 =	simm.s32 @p1 $0x1;
	p0 =	seq.s32 s7, s2  }
0x1e: {  	s7 =	smul.u32 @!p0 $0xF7A, s2;
	p2 =	seq.s32 @!p0 s5, $0x0  }
0x1f: {  	s9 =	smul.u32 $0xF7A, s1;
	s8 =	simm.s32 @!p0 $0x1BF5;
	p2 =	por !p2, p0  }
0x20: {  	[sflag:s8] =	ssyncset.s32 @!p0 $0xFFFFF086;
	s6 =	sadd.s32 @!p0 s3, s7;
	s7 =	simm.s32 @!p0 $0x108  }
0x21: {  	s3 =	sadd.s32 s3, s9;
	s6 =	sadd.s32 @!p0 $0x88, s6;
	s7 =	simm.s32 @p2 $0x1082  }
0x22: {  	[simem:s7], [sflag:s8] =	dma.local @!p0 [hbm:s6], $0xF7A  }
0x23: {  	s9 =	sor.u32 $0xD0000000, s2;
	s6 =	simm.s32 $0x108;
	_ =	swait.ge @!p0 [sflag:s8], $0x0  }
0x24: {  	s3 =	sadd.s32 $0x88, s3;
	s6 =	simm.s32 @!p1 $0x1082;
	[sflag:s4] =	ssyncset.s32 $0xFFFFF086  }
0x25: {  	[simem:s6], [sflag:s4] =	dma.local [hbm:s3], $0xF7A  }
0x26: {  	[smem:$0x3F94] =	sst s1;
	(tag) =	ssettag s2;
	_ =	strace s9  }
0x27: {  	s1 =	sld [smem:$0x3FA4]  }
0x28: {  	s2 =	sld [smem:$0x3FA5]  }
0x29: {  	s4 =	sld [smem:$0x3FA7]  }
0x2a: {  	p0 =	seq.s32 s5, $0x0;
	s5 =	sld [smem:$0x3FA8]  }
0x2b: {  	s6 =	sld [smem:$0x3FA9]  }
0x2c: {  	s7 =	sld [smem:$0x3FAA]  }
0x2d: {  	s3 =	simm.s32 $0x108;
	s8 =	sld [smem:$0x3FAB]  }
0x2e: {  	s3 =	simm.s32 @!p0 $0x1082;
	s9 =	sld [smem:$0x3FAC]  }
0x2f: {  	lr =	sadd.s32 s0, s3;
	s0 =	sld [smem:$0x3FA3]  }
0x30: {  	s3 =	sld [smem:$0x3FA6]  }
0x31: {  	[smem:$0x3FAF] =	sst s10  }
0x32: {  	s10 =	sld [smem:$0x3FAD];
	_ =	sdelay $0x3  }
0x33: {  	p0 =	seq.s32 s10, $0x1;
	s10 =	sld [smem:$0x3FAF];
	_ =	sdelay $0x3  }
0x34: {  	[smem:$0x3FAF] =	sst s10  }
0x35: {  	s10 =	sld [smem:$0x3FAE];
	_ =	sdelay $0x3  }
0x36: {  	p1 =	seq.s32 s10, $0x1;
	s10 =	sld [smem:$0x3FAF];
	_ =	sdelay $0x3  }
0x37: {  	[smem:$0x3FAF] =	sst s10  }
0x38: {  	s10 =	sld [smem:$0x3FB0]  }
0x39: {  	_ = 	snop;
	(pc) =	sbr.ind lr, $3  }
0x3a: {  	_ = 	snop  }
0x3b: {  	_ = 	snop  }
0x3c: {  	p2 =	seq.s32 s10, $0x1;
	s10 =	sld [smem:$0x3FAF]  }
0x3d: {  	_ =	shalt  }
0x3e: {  	_ =	shalt  }
0x3f: {  	_ =	shalt  }
0x40: {  	_ =	shalt  }
0x41: {  	_ =	shalt  }
0x42: {  	_ =	shalt  }
0x43: {  	_ =	shalt  }
0x44: {  	_ =	shalt  }
0x45: {  	_ =	shalt  }
0x46: {  	_ =	shalt  }
0x47: {  	_ =	shalt  }
0x48: {  	_ =	shalt  }
0x49: {  	_ =	shalt  }
0x4a: {  	_ =	shalt  }
0x4b: {  	_ =	shalt  }
0x4c: {  	_ =	shalt  }
0x4d: {  	_ =	shalt  }
0x4e: {  	_ =	shalt  }
0x4f: {  	_ =	shalt  }
0x50: {  	_ =	shalt  }
0x51: {  	_ =	shalt  }
0x52: {  	_ =	shalt  }
0x53: {  	_ =	shalt  }
0x54: {  	_ =	shalt  }
0x55: {  	_ =	shalt  }
0x56: {  	_ =	shalt  }
0x57: {  	_ =	shalt  }
0x58: {  	_ =	shalt  }
0x59: {  	_ =	shalt  }
0x5a: {  	_ =	shalt  }
0x5b: {  	_ =	shalt  }
0x5c: {  	_ =	shalt  }
0x5d: {  	_ =	shalt  }
0x5e: {  	_ =	shalt  }
0x5f: {  	_ =	shalt  }
0x60: {  	_ =	shalt  }
0x61: {  	_ =	shalt  }
0x62: {  	_ =	shalt  }
0x63: {  	_ =	shalt  }
0x64: {  	_ =	shalt  }
0x65: {  	_ =	shalt  }
0x66: {  	_ =	shalt  }
0x67: {  	_ =	shalt  }
0x68: {  	_ =	shalt  }
0x69: {  	_ =	shalt  }
0x6a: {  	_ =	shalt  }
0x6b: {  	_ =	shalt  }
0x6c: {  	_ =	shalt  }
0x6d: {  	_ =	shalt  }
0x6e: {  	_ =	shalt  }
0x6f: {  	_ =	shalt  }
0x70: {  	_ =	shalt  }
0x71: {  	_ =	shalt  }
0x72: {  	_ =	shalt  }
0x73: {  	_ =	shalt  }
0x74: {  	_ =	shalt  }
0x75: {  	_ =	shalt  }
0x76: {  	_ =	shalt  }
0x77: {  	_ =	shalt  }
0x78: {  	_ =	shalt  }
0x79: {  	_ =	shalt  }
0x7a: {  	_ =	shalt  }
0x7b: {  	_ =	shalt  }
0x7c: {  	_ =	shalt  }
0x7d: {  	_ =	shalt  }
0x7e: {  	_ =	shalt  }
0x7f: {  	_ =	shalt  }
0x80: {  	_ =	shalt  }
0x81: {  	_ =	shalt  }
0x82: {  	_ =	shalt  }
0x83: {  	_ =	shalt  }
0x84: {  	_ =	shalt  }
0x85: {  	_ =	shalt  }
0x86: {  	_ =	shalt  }
0x87: {  	_ =	shalt  }
.Lfunc_end0:
.L_simem_size_0:
called_computation.3_lowered:
.L_overlay_start_0:
0x88: {  	s2 =	sld [smem:$0x3FD9]  }
0x89: {  	s3 =	sld [smem:$0x3FFE];
	_ =	sdelay $0x1  }
0x8a: {  	s1 =	srdreg.scid  }
0x8b: {  	s0 =	sand.u32 $0x1, s1  }
0x8c: {  	s16 =	sshll.u32 s0, $0xA;
	s2 =	sadd.s32 s3, s2  }
0x8d: {  	s2 =	sadd.s32 s2, s16  }
0x8e: {  	[smem:$0x3FBB] =	sst s2  }
0x8f: {  	_ = 	snop  }
0x90: {  	(tm) =	ssettm $0x1  }
0x91: {  	s17 =	sld [smem:$0x3FFB];
	_ =	sdelay $0x3  }
0x92: {  	_ =	strace s17  }
0x93: {  	s2 =	sld [smem:$0x3FFC];
	_ =	sdelay $0x3  }
0x94: {  	_ =	strace s2  }
0x95: {  	s2 =	sld [smem:$0x3FFD];
	_ =	sdelay $0x3  }
0x96: {  	_ =	strace s2  }
0x97: {  	_ =	strace $0x8FFFFFFF  }
0x98: {  	s18 =	sld [smem:$0x3FDB];
	_ =	sdelay $0x1  }
0x99: {  	s19 =	simm.s32 $_scs_section_size  }
0x9a: {  	s4 =	simm.s32 $_size__tile_overlayer_lowered;
	s5 =	simm.s32 $_tile_overlayer_lowered  }
0x9b: {  	s22 =	simm.s32 $0x1BFF;
	s21 =	sshll.u32 s5, $0x1;
	s2 =	sadd.s32 s19, s18  }
0x9c: {  	s6 =	simm.s32 $0x0;
	s20 =	sshll.u32 s4, $0x1;
	s4 =	sadd.s32 s21, s2  }
0x9d: {  	[timem:s6], [sflag:s22] =	dma.local [hbm:s4], s20  }
0x9e: {  	_ =	swait.ge [sflag:s22], s20  }
0x9f: {  	s3 =	ssub.s32 $0x0, s20;
	[sflag:s22] =	ssyncset.done $0x0  }
0xa0: {  	[sflag:s22] =	ssyncadd.s32 s3;
	_ =	sdelay $0x1  }
0xa1: {  	s23 =	simm.s32 $0x1B8B  }
0xa2: {  	_ =	swait.ge [sflag:s23], $0x1  }
0xa3: {  	[sflag:s23] =	ssyncset.done $0x0  }
0xa4: {  	s25 =	simm.s32 $0x1B8E;
	s24 =	sld [smem:$0x3FFE];
	[sflag:s23] =	ssyncadd.s32 $0xFFFFFFFF  }
0xa5: {  	s26 =	simm.s32 $execute0_lowered;
	[smem:$0x3FD2] =	sst s25  }
0xa6: {  	s4 =	sshll.u32 s26, $0x1;
	_ =	strace $0x8000004F;
	[dreg:$0x1] =	wrdreg $0xFFFFFFFF  }
0xa7: {  	s28 =	simm.s32 $_size_execute0_lowered;
	s2 =	sadd.s32 s2, s4;
	[dreg:$0x0] =	wrdreg $0x0  }
0xa8: {  	s4 =	sshll.u32 s28, $0x1;
	[dreg:$0x2] =	wrdreg s2  }
0xa9: {  	[dreg:$0x3] =	wrdreg s4  }
0xaa: {  	[dreg:$0x4] =	wrdreg $0xC0  }
0xab: {  	_ =	task [dreg:s6], $0x5FFFF  }
0xac: {  	[dreg:$0x1] =	wrdreg $0xFFFFFFFF  }
0xad: {  	[dreg:$0x0] =	wrdreg $0x60  }
0xae: {  	[dreg:$0x2] =	wrdreg s24  }
0xaf: {  	[dreg:$0x3] =	wrdreg $0xA8000  }
0xb0: {  	[dreg:$0x4] =	wrdreg $0x9  }
0xb1: {  	_ =	task.clear_ibuf [dreg:s6], $0x5FFFF;
	_ =	strace $0x9000004F  }
0xb2: {  	s29 =	simm.s32 $0x9;
	_ =	strace $0x80000051  }
0xb3: {  	_ =	swait.ge [sflag:s29], $0x1  }
0xb4: {  	[sflag:s29] =	ssyncadd.s32 $0xFFFFFFFF  }
0xb5: {  	_ =	strace $0x90000051  }
0xb6: {  	_ =	sfence  }
0xb7: {  	s30 =	sld [smem:$0x0];
	_ =	sdelay $0x2  }
0xb8: {  	s31 =	sshll.u32 s1, $0xD;
	s1 =	sshrl.u32 s1, $0x2  }
0xb9: {  	s3 =	sand.u32 $0x4000, s31;
	s1 =	sadd.s32 s1, s30  }
0xba: {  	s0 =	sor.u32 s3, s0;
	s1 =	sshll.u32 s1, $0x11  }
0xbb: {  	s0 =	sor.u32 s1, s0  }
0xbc: {  	s0 =	sadd.s32 $0x8F2B, s0  }
0xbd: {  	[sflag:s0] =	ssyncadd.remote.s32 $0x1  }
0xbe: {  	_ =	sfence.sel $0xFFFF  }
0xbf: {  	[dreg:$0x0] =	wrdreg $0xFFFFFFFF;
	(pc) =	sbr.abs _section_cstart, $3  }
0xc0: {  	[dreg:$0x1] =	wrdreg $0xFFFFFFFF  }
0xc1: {  	_ =	task.clear_ibuf [dreg:s6], $0x2FFFF;
	_ =	strace $0x9FFFFFFF  }
0xc2: {  	(tm) =	ssettm $0x7FFFFFFF  }
0xc3: {  	_ =	shalt  }
tec
execute0_lowered:
.L_overlay_start_1:
0x0: {  	(tag) =	ssettag $0x1  }
0x1: {  	s0 =	rddreg [dreg:$0x0]  }
0x2: {  	s1 =	rddreg [dreg:$0x1];
	s3 =	simm.s32 $0x0  }
0x3: {  	s2 =	srdreg.scid;
	s10 =	stileid.u32;
	s12 =	simm.s32 $0x9  }
0x4: {  	s13 =	simm.s32 $0x40;
	s14 =	simm.s32 $0x2800;
	s15 =	simm.s32 $0x100  }
0x5: {  	s16 =	simm.s32 $0x4800;
	s17 =	simm.s32 $0x200;
	s18 =	simm.s32 $0x6800  }
0x6: {  	s19 =	simm.s32 $0x300;
	s28 =	simm.s32 $0x4;
	s29 =	simm.s32 $0x380  }
0x7: {  	s30 =	simm.s32 $0x5;
	s31 =	simm.s32 $0x6;
	[smem:$0x7FF] =	sst s3  }
0x8: {  	s2 =	sand.u32 $0x1, s2;
	s5 =	smul.u32 $0x13C00, s10;
	s4 =	sadd.s32 $0x5F000, s0  }
0x9: {  	s7 =	sadd.s32 $0x172400, s0;
	s6 =	sadd.s32 $0xD800, s0;
	s22 =	smul.u32 $0x4F000, s10  }
0xa: {  	s24 =	sshll.u32 s10, $0x6;
	s20 =	smul.u32 $0x13C000, s2;
	_ =	strace $0x80000050  }
0xb: {  	[dreg:$0x3] =	wrdreg s6;
	s21 =	sshll.u32 s2, $0x4;
	s2 =	ssub.s32 $0x2, s2  }
0xc: {  	s6 =	sor.u32 $0x1C09, s24;
	s24 =	simm.s32 $0x180;
	s8 =	sshrl.u32 s2, $0x1  }
0xd: {  	s23 =	sshrl.u32 s22, $0x2;
	s22 =	simm.s32 $0x80;
	s3 =	sadd.s32 s5, s20  }
0xe: {  	s5 =	sor.u32 s10, s21;
	s2 =	ssub.s32 s2, s8;
	s20 =	simm.s32 $0x8800  }
0xf: {  	s21 =	simm.s32 $0x1;
	s3 =	sshrl.u32 s3, $0x3;
	s9 =	smul.u32 $0x5000, s5  }
0x10: {  	s5 =	smul.u32 $0xA00, s5;
	s10 =	smax.u32 s2, $0x1;
	s2 =	simm.s32 $0x8  }
0x11: {  	s0 =	sadd.s32 s3, s0;
	s3 =	sadd.s32 s23, s1;
	s23 =	simm.s32 $0x2  }
0x12: {  	s25 =	sshrl.u32 s9, $0x3;
	s5 =	sadd.s32 s7, s5;
	s9 =	sadd.s32 $0x86200, s0  }
0x13: {  	s11 =	sshrl.u32 s3, $0x3;
	s0 =	simm.s32 $0x7;
	s8 =	sadd.s32 s7, s25  }
0x14: {  	s3 =	simm.s32 $0x0;
	[dreg:$0x4] =	wrdreg s5;
	s26 =	sadd.s32 $0x500, s8  }
0x15: {  	s25 =	simm.s32 $0x3;
	[dreg:$0x5] =	wrdreg s26;
	s26 =	simm.s32 $0x280  }
.LBB2_1:
0x16: {  	s5 =	rddreg [dreg:$0x3]  }
0x17: {  	[spmem:s11], [sflag:s6] =	dma.local [hbm:s5], $0x2780  }
0x18: {  	_ =	swait.ge [sflag:s12], $0x2780  }
0x19: {  	[sflag:s12] =	ssyncset.done $0x0  }
0x1a: {  	[sflag:s12] =	ssyncadd.s32 $0xFFFFD880  }
0x1b: {  	[bflag:$0x0] =	sbarrier.arrive $0xFFFF  }
0x1c: {  	s8 =	simm.s32 $0x0;
	s7 =	rddreg [dreg:$0x4]  }
0x1d: {  	[tilespmem:s8], [sflag:$0x9] =	stream.linear.gather [hbm4b:s7+s8], $0x2800, $0x38;
	[tilespmem:$0x1E400] =	vst v63  }
0x1e: {  	_ =	swait.ge [sflag:s12], $0x2800  }
0x1f: {  	[sflag:s12] =	ssyncset.done $0x0  }
0x20: {  	[sflag:s12] =	ssyncadd.s32 $0xFFFFD800  }
0x21: {  	[tilespmem:s14], [sflag:$0x1] =	stream.indirect.gather [hbm4b:s4+s13], $0x80, s8, s13, $0xb8;
	[tilespmem:$0x1E400] =	vst v63  }
0x22: {  	_ = 	snop  }
0x23: {  	[tilespmem:s16], [sflag:$0x2] =	stream.indirect.gather [hbm4b:s4+s13], $0x80, s15, s13, $0xb8;
	[tilespmem:$0x1E400] =	vst v63  }
0x24: {  	_ = 	snop  }
0x25: {  	[tilespmem:s18], [sflag:$0x3] =	stream.indirect.gather [hbm4b:s4+s13], $0x80, s17, s13, $0xb8;
	[tilespmem:$0x1E400] =	vst v63  }
0x26: {  	_ = 	snop  }
0x27: {  	[tilespmem:s20], [sflag:$0x4] =	stream.indirect.gather [hbm4b:s4+s13], $0x80, s19, s13, $0xb8;
	[tilespmem:$0x1E400] =	vst v63  }
0x28: {  	_ =	swait.ge [sflag:s21], $0x2000  }
0x29: {  	[sflag:s21] =	ssyncset.done $0x0  }
0x2a: {  	[sflag:s21] =	ssyncadd.s32 $0xFFFFE000  }
0x2b: {  	[spmem:s1] =	stream.indirect.scatter.add.f32 [tilespmem:s14], [sflag:$0x5], $0x80, s22, s13, $0xb8;
	[tilespmem:$0x1E400] =	vst v63  }
0x2c: {  	_ =	swait.ge [sflag:s23], $0x2000  }
0x2d: {  	[sflag:s23] =	ssyncset.done $0x0  }
0x2e: {  	[sflag:s23] =	ssyncadd.s32 $0xFFFFE000  }
0x2f: {  	[spmem:s1] =	stream.indirect.scatter.add.f32 [tilespmem:s16], [sflag:$0x6], $0x80, s24, s13, $0xb8;
	[tilespmem:$0x1E400] =	vst v63  }
0x30: {  	_ =	swait.ge [sflag:s25], $0x2000  }
0x31: {  	[sflag:s25] =	ssyncset.done $0x0  }
0x32: {  	[sflag:s25] =	ssyncadd.s32 $0xFFFFE000  }
0x33: {  	[spmem:s1] =	stream.indirect.scatter.add.f32 [tilespmem:s18], [sflag:$0x7], $0x80, s26, s13, $0xb8;
	[tilespmem:$0x1E400] =	vst v63  }
0x34: {  	_ =	swait.ge [sflag:s28], $0x2000  }
0x35: {  	[sflag:s28] =	ssyncset.done $0x0  }
0x36: {  	[sflag:s28] =	ssyncadd.s32 $0xFFFFE000  }
0x37: {  	[spmem:s1] =	stream.indirect.scatter.add.f32 [tilespmem:s20], [sflag:$0x8], $0x80, s29, s13, $0xb8;
	[tilespmem:$0x1E400] =	vst v63  }
0x38: {  	_ =	swait.ge [sflag:s30], $0x2000  }
0x39: {  	[sflag:s30] =	ssyncset.done $0x0  }
0x3a: {  	s8 =	simm.s32 $0x400;
	[sflag:s30] =	ssyncadd.s32 $0xFFFFE000  }
0x3b: {  	[tilespmem:s14], [sflag:$0x1] =	stream.indirect.gather [hbm4b:s4+s13], $0x80, s8, s13, $0xb8;
	[tilespmem:$0x1E400] =	vst v63  }
0x3c: {  	_ =	swait.ge [sflag:s31], $0x2000  }
0x3d: {  	[sflag:s31] =	ssyncset.done $0x0  }
0x3e: {  	s7 =	simm.s32 $0x500;
	[sflag:s31] =	ssyncadd.s32 $0xFFFFE000  }
0x3f: {  	[tilespmem:s16], [sflag:$0x2] =	stream.indirect.gather [hbm4b:s4+s13], $0x80, s7, s13, $0xb8;
	[tilespmem:$0x1E400] =	vst v63  }
0x40: {  	_ =	swait.ge [sflag:s0], $0x2000  }
0x41: {  	[sflag:s0] =	ssyncset.done $0x0  }
0x42: {  	s8 =	simm.s32 $0x600;
	[sflag:s0] =	ssyncadd.s32 $0xFFFFE000  }
0x43: {  	[tilespmem:s18], [sflag:$0x3] =	stream.indirect.gather [hbm4b:s4+s13], $0x80, s8, s13, $0xb8;
	[tilespmem:$0x1E400] =	vst v63  }
0x44: {  	_ =	swait.ge [sflag:s2], $0x2000  }
0x45: {  	[sflag:s2] =	ssyncset.done $0x0  }
0x46: {  	s7 =	simm.s32 $0x700;
	[sflag:s2] =	ssyncadd.s32 $0xFFFFE000  }
0x47: {  	[tilespmem:s20], [sflag:$0x4] =	stream.indirect.gather [hbm4b:s4+s13], $0x80, s7, s13, $0xb8;
	[tilespmem:$0x1E400] =	vst v63  }
0x48: {  	_ =	swait.ge [sflag:s21], $0x2000  }
0x49: {  	[sflag:s21] =	ssyncset.done $0x0  }
0x4a: {  	s8 =	simm.s32 $0x480;
	[sflag:s21] =	ssyncadd.s32 $0xFFFFE000  }
0x4b: {  	[spmem:s1] =	stream.indirect.scatter.add.f32 [tilespmem:s14], [sflag:$0x5], $0x80, s8, s13, $0xb8;
	[tilespmem:$0x1E400] =	vst v63  }
0x4c: {  	_ =	swait.ge [sflag:s23], $0x2000  }
0x4d: {  	[sflag:s23] =	ssyncset.done $0x0  }
0x4e: {  	s7 =	simm.s32 $0x580;
	[sflag:s23] =	ssyncadd.s32 $0xFFFFE000  }
0x4f: {  	[spmem:s1] =	stream.indirect.scatter.add.f32 [tilespmem:s16], [sflag:$0x6], $0x80, s7, s13, $0xb8;
	[tilespmem:$0x1E400] =	vst v63  }
0x50: {  	_ =	swait.ge [sflag:s25], $0x2000  }
0x51: {  	[sflag:s25] =	ssyncset.done $0x0  }
0x52: {  	s8 =	simm.s32 $0x680;
	[sflag:s25] =	ssyncadd.s32 $0xFFFFE000  }
0x53: {  	[spmem:s1] =	stream.indirect.scatter.add.f32 [tilespmem:s18], [sflag:$0x7], $0x80, s8, s13, $0xb8;
	[tilespmem:$0x1E400] =	vst v63  }
0x54: {  	_ =	swait.ge [sflag:s28], $0x2000  }
0x55: {  	[sflag:s28] =	ssyncset.done $0x0  }
0x56: {  	s5 =	simm.s32 $0x1000;
	s7 =	simm.s32 $0x780;
	[sflag:s28] =	ssyncadd.s32 $0xFFFFE000  }
.LBB2_2:
0x57: {  	[spmem:s1] =	stream.indirect.scatter.add.f32 [tilespmem:s20], [sflag:$0x8], $0x80, s7, s13, $0xb8;
	[tilespmem:$0x1E400] =	vst v63  }
0x58: {  	s7 =	smov.u32 s5  }
0x59: {  	p0 =	sne.s32 s5, $0x8000;
	s5 =	sadd.s32 $0x1000, s5;
	_ =	swait.ge [sflag:s30], $0x2000  }
0x5a: {  	s7 =	sshra.s32 s7, $0x2;
	[sflag:s30] =	ssyncset.done $0x0  }
0x5b: {  	s8 =	sadd.s32 $0x400, s7;
	[sflag:s30] =	ssyncadd.s32 $0xFFFFE000  }
0x5c: {  	[tilespmem:s14], [sflag:$0x1] =	stream.indirect.gather [hbm4b:s4+s13], $0x80, s8, s13, $0xb8;
	[tilespmem:$0x1E400] =	vst v63  }
0x5d: {  	_ =	swait.ge [sflag:s31], $0x2000  }
0x5e: {  	[sflag:s31] =	ssyncset.done $0x0  }
0x5f: {  	s8 =	sadd.s32 $0x500, s7;
	[sflag:s31] =	ssyncadd.s32 $0xFFFFE000  }
0x60: {  	[tilespmem:s16], [sflag:$0x2] =	stream.indirect.gather [hbm4b:s4+s13], $0x80, s8, s13, $0xb8;
	[tilespmem:$0x1E400] =	vst v63  }
0x61: {  	_ =	swait.ge [sflag:s0], $0x2000  }
0x62: {  	[sflag:s0] =	ssyncset.done $0x0  }
0x63: {  	s8 =	sadd.s32 $0x600, s7;
	[sflag:s0] =	ssyncadd.s32 $0xFFFFE000  }
0x64: {  	[tilespmem:s18], [sflag:$0x3] =	stream.indirect.gather [hbm4b:s4+s13], $0x80, s8, s13, $0xb8;
	[tilespmem:$0x1E400] =	vst v63  }
0x65: {  	_ =	swait.ge [sflag:s2], $0x2000  }
0x66: {  	[sflag:s2] =	ssyncset.done $0x0  }
0x67: {  	s8 =	sadd.s32 $0x700, s7;
	[sflag:s2] =	ssyncadd.s32 $0xFFFFE000  }
0x68: {  	[tilespmem:s20], [sflag:$0x4] =	stream.indirect.gather [hbm4b:s4+s13], $0x80, s8, s13, $0xb8;
	[tilespmem:$0x1E400] =	vst v63  }
0x69: {  	_ =	swait.ge [sflag:s21], $0x2000  }
0x6a: {  	[sflag:s21] =	ssyncset.done $0x0  }
0x6b: {  	s8 =	sadd.s32 $0x480, s7;
	[sflag:s21] =	ssyncadd.s32 $0xFFFFE000  }
0x6c: {  	[spmem:s1] =	stream.indirect.scatter.add.f32 [tilespmem:s14], [sflag:$0x5], $0x80, s8, s13, $0xb8;
	[tilespmem:$0x1E400] =	vst v63  }
0x6d: {  	_ =	swait.ge [sflag:s23], $0x2000  }
0x6e: {  	[sflag:s23] =	ssyncset.done $0x0  }
0x6f: {  	s8 =	sadd.s32 $0x580, s7;
	[sflag:s23] =	ssyncadd.s32 $0xFFFFE000  }
0x70: {  	[spmem:s1] =	stream.indirect.scatter.add.f32 [tilespmem:s16], [sflag:$0x6], $0x80, s8, s13, $0xb8;
	[tilespmem:$0x1E400] =	vst v63  }
0x71: {  	_ =	swait.ge [sflag:s25], $0x2000  }
0x72: {  	[sflag:s25] =	ssyncset.done $0x0  }
.Ltmp0:
0x73: {  	s8 =	sadd.s32 $0x680, s7;
	[sflag:s25] =	ssyncadd.s32 $0xFFFFE000;
	(pc) =	sbr.rel @p0 .LBB2_2-.Ltmp0, $4  }
0x74: {  	[spmem:s1] =	stream.indirect.scatter.add.f32 [tilespmem:s18], [sflag:$0x7], $0x80, s8, s13, $0xb8;
	[tilespmem:$0x1E400] =	vst v63  }
0x75: {  	_ =	swait.ge [sflag:s28], $0x2000  }
0x76: {  	[sflag:s28] =	ssyncset.done $0x0  }
0x77: {  	s7 =	sadd.s32 $0x780, s7;
	[sflag:s28] =	ssyncadd.s32 $0xFFFFE000  }
0x78: {  	[spmem:s1] =	stream.indirect.scatter.add.f32 [tilespmem:s20], [sflag:$0x8], $0x80, s7, s13, $0xb8;
	[tilespmem:$0x1E400] =	vst v63  }
0x79: {  	_ =	swait.ge [sflag:s30], $0x2000  }
0x7a: {  	[sflag:s30] =	ssyncset.done $0x0  }
0x7b: {  	[sflag:s30] =	ssyncadd.s32 $0xFFFFE000  }
0x7c: {  	_ =	swait.ge [sflag:s31], $0x2000  }
0x7d: {  	[sflag:s31] =	ssyncset.done $0x0  }
0x7e: {  	[sflag:s31] =	ssyncadd.s32 $0xFFFFE000  }
0x7f: {  	_ =	swait.ge [sflag:s0], $0x2000  }
0x80: {  	[sflag:s0] =	ssyncset.done $0x0  }
0x81: {  	[sflag:s0] =	ssyncadd.s32 $0xFFFFE000  }
0x82: {  	_ =	swait.ge [sflag:s2], $0x2000  }
0x83: {  	[sflag:s2] =	ssyncset.done $0x0  }
0x84: {  	s5 =	simm.s32 $0x0;
	s8 =	rddreg [dreg:$0x5];
	[sflag:s2] =	ssyncadd.s32 $0xFFFFE000  }
0x85: {  	[tilespmem:s5], [sflag:$0x9] =	stream.linear.gather [hbm4b:s8+s5], $0x2800, $0x38;
	[tilespmem:$0x1E400] =	vst v63  }
0x86: {  	_ =	swait.ge [sflag:s12], $0x2800  }
0x87: {  	[sflag:s12] =	ssyncset.done $0x0  }
0x88: {  	[sflag:s12] =	ssyncadd.s32 $0xFFFFD800  }
0x89: {  	[tilespmem:s14], [sflag:$0x1] =	stream.indirect.gather [hbm4b:s4+s13], $0x80, s5, s13, $0xb8;
	[tilespmem:$0x1E400] =	vst v63  }
0x8a: {  	_ = 	snop  }
0x8b: {  	[tilespmem:s16], [sflag:$0x2] =	stream.indirect.gather [hbm4b:s4+s13], $0x80, s15, s13, $0xb8;
	[tilespmem:$0x1E400] =	vst v63  }
0x8c: {  	_ = 	snop  }
0x8d: {  	[tilespmem:s18], [sflag:$0x3] =	stream.indirect.gather [hbm4b:s4+s13], $0x80, s17, s13, $0xb8;
	[tilespmem:$0x1E400] =	vst v63  }
0x8e: {  	_ = 	snop  }
0x8f: {  	[tilespmem:s20], [sflag:$0x4] =	stream.indirect.gather [hbm4b:s4+s13], $0x80, s19, s13, $0xb8;
	[tilespmem:$0x1E400] =	vst v63  }
0x90: {  	_ =	swait.ge [sflag:s21], $0x2000  }
0x91: {  	[sflag:s21] =	ssyncset.done $0x0  }
0x92: {  	[sflag:s21] =	ssyncadd.s32 $0xFFFFE000  }
0x93: {  	[spmem:s1] =	stream.indirect.scatter.add.f32 [tilespmem:s14], [sflag:$0x5], $0x80, s22, s13, $0xb8;
	[tilespmem:$0x1E400] =	vst v63  }
0x94: {  	_ =	swait.ge [sflag:s23], $0x2000  }
0x95: {  	[sflag:s23] =	ssyncset.done $0x0  }
0x96: {  	[sflag:s23] =	ssyncadd.s32 $0xFFFFE000  }
0x97: {  	[spmem:s1] =	stream.indirect.scatter.add.f32 [tilespmem:s16], [sflag:$0x6], $0x80, s24, s13, $0xb8;
	[tilespmem:$0x1E400] =	vst v63  }
0x98: {  	_ =	swait.ge [sflag:s25], $0x2000  }
0x99: {  	[sflag:s25] =	ssyncset.done $0x0  }
0x9a: {  	[sflag:s25] =	ssyncadd.s32 $0xFFFFE000  }
0x9b: {  	[spmem:s1] =	stream.indirect.scatter.add.f32 [tilespmem:s18], [sflag:$0x7], $0x80, s26, s13, $0xb8;
	[tilespmem:$0x1E400] =	vst v63  }
0x9c: {  	_ =	swait.ge [sflag:s28], $0x2000  }
0x9d: {  	[sflag:s28] =	ssyncset.done $0x0  }
0x9e: {  	[sflag:s28] =	ssyncadd.s32 $0xFFFFE000  }
0x9f: {  	[spmem:s1] =	stream.indirect.scatter.add.f32 [tilespmem:s20], [sflag:$0x8], $0x80, s29, s13, $0xb8;
	[tilespmem:$0x1E400] =	vst v63  }
0xa0: {  	_ =	swait.ge [sflag:s30], $0x2000  }
0xa1: {  	[sflag:s30] =	ssyncset.done $0x0  }
0xa2: {  	s8 =	simm.s32 $0x400;
	[sflag:s30] =	ssyncadd.s32 $0xFFFFE000  }
0xa3: {  	[tilespmem:s14], [sflag:$0x1] =	stream.indirect.gather [hbm4b:s4+s13], $0x80, s8, s13, $0xb8;
	[tilespmem:$0x1E400] =	vst v63  }
0xa4: {  	_ =	swait.ge [sflag:s31], $0x2000  }
0xa5: {  	[sflag:s31] =	ssyncset.done $0x0  }
0xa6: {  	s7 =	simm.s32 $0x500;
	[sflag:s31] =	ssyncadd.s32 $0xFFFFE000  }
0xa7: {  	[tilespmem:s16], [sflag:$0x2] =	stream.indirect.gather [hbm4b:s4+s13], $0x80, s7, s13, $0xb8;
	[tilespmem:$0x1E400] =	vst v63  }
0xa8: {  	_ =	swait.ge [sflag:s0], $0x2000  }
0xa9: {  	[sflag:s0] =	ssyncset.done $0x0  }
0xaa: {  	s8 =	simm.s32 $0x600;
	[sflag:s0] =	ssyncadd.s32 $0xFFFFE000  }
0xab: {  	[tilespmem:s18], [sflag:$0x3] =	stream.indirect.gather [hbm4b:s4+s13], $0x80, s8, s13, $0xb8;
	[tilespmem:$0x1E400] =	vst v63  }
0xac: {  	_ =	swait.ge [sflag:s2], $0x2000  }
0xad: {  	[sflag:s2] =	ssyncset.done $0x0  }
0xae: {  	s7 =	simm.s32 $0x700;
	[sflag:s2] =	ssyncadd.s32 $0xFFFFE000  }
0xaf: {  	[tilespmem:s20], [sflag:$0x4] =	stream.indirect.gather [hbm4b:s4+s13], $0x80, s7, s13, $0xb8;
	[tilespmem:$0x1E400] =	vst v63  }
0xb0: {  	_ =	swait.ge [sflag:s21], $0x2000  }
0xb1: {  	[sflag:s21] =	ssyncset.done $0x0  }
0xb2: {  	s8 =	simm.s32 $0x480;
	[sflag:s21] =	ssyncadd.s32 $0xFFFFE000  }
0xb3: {  	[spmem:s1] =	stream.indirect.scatter.add.f32 [tilespmem:s14], [sflag:$0x5], $0x80, s8, s13, $0xb8;
	[tilespmem:$0x1E400] =	vst v63  }
0xb4: {  	_ =	swait.ge [sflag:s23], $0x2000  }
0xb5: {  	[sflag:s23] =	ssyncset.done $0x0  }
0xb6: {  	s7 =	simm.s32 $0x580;
	[sflag:s23] =	ssyncadd.s32 $0xFFFFE000  }
0xb7: {  	[spmem:s1] =	stream.indirect.scatter.add.f32 [tilespmem:s16], [sflag:$0x6], $0x80, s7, s13, $0xb8;
	[tilespmem:$0x1E400] =	vst v63  }
0xb8: {  	_ =	swait.ge [sflag:s25], $0x2000  }
0xb9: {  	[sflag:s25] =	ssyncset.done $0x0  }
0xba: {  	s8 =	simm.s32 $0x680;
	[sflag:s25] =	ssyncadd.s32 $0xFFFFE000  }
0xbb: {  	[spmem:s1] =	stream.indirect.scatter.add.f32 [tilespmem:s18], [sflag:$0x7], $0x80, s8, s13, $0xb8;
	[tilespmem:$0x1E400] =	vst v63  }
0xbc: {  	_ =	swait.ge [sflag:s28], $0x2000  }
0xbd: {  	[sflag:s28] =	ssyncset.done $0x0  }
0xbe: {  	s5 =	simm.s32 $0x1000;
	s7 =	simm.s32 $0x780;
	[sflag:s28] =	ssyncadd.s32 $0xFFFFE000  }
.LBB2_4:
0xbf: {  	[spmem:s1] =	stream.indirect.scatter.add.f32 [tilespmem:s20], [sflag:$0x8], $0x80, s7, s13, $0xb8;
	[tilespmem:$0x1E400] =	vst v63  }
0xc0: {  	s7 =	smov.u32 s5  }
0xc1: {  	p0 =	sne.s32 s5, $0x8000;
	s5 =	sadd.s32 $0x1000, s5;
	_ =	swait.ge [sflag:s30], $0x2000  }
0xc2: {  	s7 =	sshra.s32 s7, $0x2;
	[sflag:s30] =	ssyncset.done $0x0  }
0xc3: {  	s8 =	sadd.s32 $0x400, s7;
	[sflag:s30] =	ssyncadd.s32 $0xFFFFE000  }
0xc4: {  	[tilespmem:s14], [sflag:$0x1] =	stream.indirect.gather [hbm4b:s4+s13], $0x80, s8, s13, $0xb8;
	[tilespmem:$0x1E400] =	vst v63  }
0xc5: {  	_ =	swait.ge [sflag:s31], $0x2000  }
0xc6: {  	[sflag:s31] =	ssyncset.done $0x0  }
0xc7: {  	s8 =	sadd.s32 $0x500, s7;
	[sflag:s31] =	ssyncadd.s32 $0xFFFFE000  }
0xc8: {  	[tilespmem:s16], [sflag:$0x2] =	stream.indirect.gather [hbm4b:s4+s13], $0x80, s8, s13, $0xb8;
	[tilespmem:$0x1E400] =	vst v63  }
0xc9: {  	_ =	swait.ge [sflag:s0], $0x2000  }
0xca: {  	[sflag:s0] =	ssyncset.done $0x0  }
0xcb: {  	s8 =	sadd.s32 $0x600, s7;
	[sflag:s0] =	ssyncadd.s32 $0xFFFFE000  }
0xcc: {  	[tilespmem:s18], [sflag:$0x3] =	stream.indirect.gather [hbm4b:s4+s13], $0x80, s8, s13, $0xb8;
	[tilespmem:$0x1E400] =	vst v63  }
0xcd: {  	_ =	swait.ge [sflag:s2], $0x2000  }
0xce: {  	[sflag:s2] =	ssyncset.done $0x0  }
0xcf: {  	s8 =	sadd.s32 $0x700, s7;
	[sflag:s2] =	ssyncadd.s32 $0xFFFFE000  }
0xd0: {  	[tilespmem:s20], [sflag:$0x4] =	stream.indirect.gather [hbm4b:s4+s13], $0x80, s8, s13, $0xb8;
	[tilespmem:$0x1E400] =	vst v63  }
0xd1: {  	_ =	swait.ge [sflag:s21], $0x2000  }
0xd2: {  	[sflag:s21] =	ssyncset.done $0x0  }
0xd3: {  	s8 =	sadd.s32 $0x480, s7;
	[sflag:s21] =	ssyncadd.s32 $0xFFFFE000  }
0xd4: {  	[spmem:s1] =	stream.indirect.scatter.add.f32 [tilespmem:s14], [sflag:$0x5], $0x80, s8, s13, $0xb8;
	[tilespmem:$0x1E400] =	vst v63  }
0xd5: {  	_ =	swait.ge [sflag:s23], $0x2000  }
0xd6: {  	[sflag:s23] =	ssyncset.done $0x0  }
0xd7: {  	s8 =	sadd.s32 $0x580, s7;
	[sflag:s23] =	ssyncadd.s32 $0xFFFFE000  }
0xd8: {  	[spmem:s1] =	stream.indirect.scatter.add.f32 [tilespmem:s16], [sflag:$0x6], $0x80, s8, s13, $0xb8;
	[tilespmem:$0x1E400] =	vst v63  }
0xd9: {  	_ =	swait.ge [sflag:s25], $0x2000  }
0xda: {  	[sflag:s25] =	ssyncset.done $0x0  }
.Ltmp1:
0xdb: {  	s8 =	sadd.s32 $0x680, s7;
	[sflag:s25] =	ssyncadd.s32 $0xFFFFE000;
	(pc) =	sbr.rel @p0 .LBB2_4-.Ltmp1, $4  }
0xdc: {  	[spmem:s1] =	stream.indirect.scatter.add.f32 [tilespmem:s18], [sflag:$0x7], $0x80, s8, s13, $0xb8;
	[tilespmem:$0x1E400] =	vst v63  }
0xdd: {  	_ =	swait.ge [sflag:s28], $0x2000  }
0xde: {  	[sflag:s28] =	ssyncset.done $0x0  }
0xdf: {  	s7 =	sadd.s32 $0x780, s7;
	[sflag:s28] =	ssyncadd.s32 $0xFFFFE000  }
0xe0: {  	[spmem:s1] =	stream.indirect.scatter.add.f32 [tilespmem:s20], [sflag:$0x8], $0x80, s7, s13, $0xb8;
	[tilespmem:$0x1E400] =	vst v63  }
0xe1: {  	_ =	swait.ge [sflag:s30], $0x2000  }
0xe2: {  	[sflag:s30] =	ssyncset.done $0x0  }
0xe3: {  	[sflag:s30] =	ssyncadd.s32 $0xFFFFE000  }
0xe4: {  	_ =	swait.ge [sflag:s31], $0x2000  }
0xe5: {  	[sflag:s31] =	ssyncset.done $0x0  }
0xe6: {  	[sflag:s31] =	ssyncadd.s32 $0xFFFFE000  }
0xe7: {  	_ =	swait.ge [sflag:s0], $0x2000  }
0xe8: {  	[sflag:s0] =	ssyncset.done $0x0  }
0xe9: {  	[sflag:s0] =	ssyncadd.s32 $0xFFFFE000  }
0xea: {  	_ =	swait.ge [sflag:s2], $0x2000  }
0xeb: {  	s3 =	sadd.s32 $0x1, s3;
	[sflag:s2] =	ssyncset.done $0x0  }
0xec: {  	p0 =	sne.s32 s3, s10;
	[sflag:s2] =	ssyncadd.s32 $0xFFFFE000  }
.Ltmp2:
0xed: {  	[bflag:$0x0] =	sbarrier.arrive $0xFFFF;
	(pc) =	sbr.rel @p0 .LBB2_1-.Ltmp2, $4  }
0xee: {  	[hbm:s9], [sflag:s6] =	dma.local [spmem:s11], $0x2780  }
0xef: {  	_ =	swait.ge [sflag:s12], $0x2780  }
0xf0: {  	[sflag:s12] =	ssyncset.done $0x0  }
0xf1: {  	[sflag:s12] =	ssyncadd.s32 $0xFFFFD880  }
0xf2: {  	_ =	sfence.sel $0x180000  }
0xf3: {  	[bflag:$0x0] =	sbarrier.arrive $0xFFFF  }
0xf4: {  	_ =	strace $0x90000050  }
0xf5: {  	s0 =	stileid.u32;
	[bflag:$0x2] =	sbarrier.arrive $0xFFFF  }
0xf6: {  	p0 =	sne.s32 s0, $0x0;
	s0 =	rddreg [dreg:$0x2]  }
0xf7: {  	s0 =	sadd.s32 @!p0 $0x100000, s0  }
0xf8: {  	[sflag:s0] =	ssyncadd.tile.s32 @!p0 $0x1;
	_ =	shalt  }
.Lfunc_end2:
_tile_overlayer_lowered:
.L_overlay_start_2:
0xf9: {  	(tag) =	ssettag $0x2  }
0xfa: {  	s0 =	rddreg [dreg:$0x0];
	s2 =	stileid.u32  }
0xfb: {  	s1 =	rddreg [dreg:$0x1];
	p0 =	sne.s32 s2, $0x0  }
0xfc: {  	s3 =	rddreg [dreg:$0x2];
	[bflag:$0x3] =	sbarrier.arrive $0xFFFF;
	s2 =	simm.s32 @!p0 $0x1C09  }
0xfd: {  	[timem:s3], [sflag:s2] =	dma.local @!p0 [hbm:s0], s1  }
0xfe: {  	s0 =	simm.s32 @!p0 $0x9  }
0xff: {  	_ =	swait.ge @!p0 [sflag:s0], s1  }
0x100: {  	s1 =	ssub.s32 @!p0 $0x0, s1;
	[sflag:s0] =	ssyncset.done @!p0 $0x0  }
0x101: {  	[sflag:s0] =	ssyncadd.s32 @!p0 s1  }
0x102: {  	[bflag:$0x3] =	sbarrier.arrive $0xFFFF  }
0x103: {  	_ =	shalt  }

</sc_bundles>
